<compile_context>
chip_gen: v7x
topology: tpu7x:2x2x1
jax: 0.10.2.dev20260603
libtpu: 0.0.44.dev20260713+nightly
codegen_flags: <defaults>
</compile_context>

<pallas_src>
import functools

import jax
import jax.numpy as jnp
from jax import lax
from jax.experimental import pallas as pl
from jax.experimental.pallas import tpu as pltpu
from jax.experimental.pallas import tpu_sc as plsc


def _router_tc(x_ref, gwt_ref, bias_ref, scores_ref, choice_ref):
    logits = jnp.dot(x_ref[...], gwt_ref[...], preferred_element_type=jnp.float32)
    scores = jax.nn.sigmoid(logits)
    scores_ref[...] = scores
    choice_ref[...] = scores + bias_ref[0:1, :]


def _make_router(t, h, n_exp):
    return pl.pallas_call(
        _router_tc,
        in_specs=[
            pl.BlockSpec((t, h), lambda: (0, 0)),
            pl.BlockSpec((h, n_exp), lambda: (0, 0)),
            pl.BlockSpec((8, n_exp), lambda: (0, 0)),
        ],
        out_specs=[
            pl.BlockSpec((t, n_exp), lambda: (0, 0)),
            pl.BlockSpec((t, n_exp), lambda: (0, 0)),
        ],
        out_shape=[
            jax.ShapeDtypeStruct((t, n_exp), jnp.float32),
            jax.ShapeDtypeStruct((t, n_exp), jnp.float32),
        ],
    )


def _topk_sc_body(scores_hbm, choice_hbm, zeros_hbm, w_hbm,
                  sc_v, ch_v, w_v, *, n_exp, top_k, n_groups):
    info = plsc.get_sparse_core_info()
    nc = info.num_cores
    wid = lax.axis_index("s") * nc + lax.axis_index("c")
    grp = 16 * n_exp

    @pl.when(wid < n_groups)
    def _work():
        base = wid * grp
        pltpu.sync_copy(scores_hbm.at[pl.ds(base, grp)], sc_v)
        pltpu.sync_copy(choice_hbm.at[pl.ds(base, grp)], ch_v)
        pltpu.sync_copy(zeros_hbm.at[pl.ds(base, grp)], w_v)

        rowoff = lax.iota(jnp.int32, 16) * n_exp
        neg_inf = jnp.full((16,), -jnp.inf, dtype=jnp.float32)
        zero_i = jnp.zeros((16,), dtype=jnp.int32)
        ms = [neg_inf] * top_k
        is_ = [zero_i] * top_k
        for e in range(n_exp):
            col = jnp.full((16,), e, dtype=jnp.int32)
            v = plsc.load_gather(ch_v, [rowoff + col])
            vi = col
            for j in range(top_k):
                gt = v > ms[j]
                nm = jnp.where(gt, v, ms[j])
                nv = jnp.where(gt, ms[j], v)
                ni = jnp.where(gt, vi, is_[j])
                nvi = jnp.where(gt, is_[j], vi)
                ms[j], v, is_[j], vi = nm, nv, ni, nvi
        svals = [plsc.load_gather(sc_v, [rowoff + is_[j]]) for j in range(top_k)]
        denom = svals[0]
        for j in range(1, top_k):
            denom = denom + svals[j]
        denom = denom + 1e-20
        for j in range(top_k):
            plsc.store_scatter(w_v, [rowoff + is_[j]], svals[j] / denom)
        pltpu.sync_copy(w_v, w_hbm.at[pl.ds(base, grp)])


def _make_topk_sc(t, n_exp, top_k):
    mesh = plsc.VectorSubcoreMesh(core_axis_name="c", subcore_axis_name="s")
    body = functools.partial(_topk_sc_body, n_exp=n_exp, top_k=top_k,
                             n_groups=t // 16)
    return functools.partial(
        pl.kernel, mesh=mesh,
        compiler_params=pltpu.CompilerParams(needs_layout_passes=False),
        out_type=jax.ShapeDtypeStruct((t * n_exp,), jnp.float32),
        scratch_types=[
            pltpu.VMEM((16 * n_exp,), jnp.float32),
            pltpu.VMEM((16 * n_exp,), jnp.float32),
            pltpu.VMEM((16 * n_exp,), jnp.float32),
        ],
    )(body)


def _moe_body(x_ref, w_ref, wg_ref, wu_ref, wd_ref,
              sg_ref, su_ref, sd_ref, out_ref, xbf_s):
    s = pl.program_id(0)
    t = x_ref.shape[0]

    @pl.when(s == 0)
    def _init():
        xbf_s[...] = x_ref[...].astype(jnp.bfloat16)
        out_ref[...] = jnp.zeros_like(out_ref)

    xbf = xbf_s[...]

    def wcol(idx):
        col = jax.lax.broadcasted_iota(jnp.int32, w_ref.shape, 1)
        return jnp.sum(jnp.where(col == idx, w_ref[...], 0.0), axis=1, keepdims=True)

    @pl.when(s == 0)
    def _shared():
        g = jnp.dot(xbf, sg_ref[...].astype(jnp.bfloat16), preferred_element_type=jnp.float32)
        u = jnp.dot(xbf, su_ref[...].astype(jnp.bfloat16), preferred_element_type=jnp.float32)
        h = g * jax.nn.sigmoid(g) * u
        out_ref[...] += jnp.dot(h.astype(jnp.bfloat16), sd_ref[...].astype(jnp.bfloat16),
                                preferred_element_type=jnp.float32)

    @pl.when(s >= 1)
    def _routed():
        e0 = (s - 1) * 4
        nb, _, fb = wg_ref.shape
        hs = []
        for j in range(nb):
            g = jnp.dot(xbf, wg_ref[j].astype(jnp.bfloat16),
                        preferred_element_type=jnp.float32)
            u = jnp.dot(xbf, wu_ref[j].astype(jnp.bfloat16),
                        preferred_element_type=jnp.float32)
            h = g * jax.nn.sigmoid(g) * u
            hs.append((wcol(e0 + j) * h).astype(jnp.bfloat16))
        h_cat = jnp.concatenate(hs, axis=1)
        wd_flat = wd_ref[...].reshape(nb * fb, wd_ref.shape[2])
        out_ref[...] += jnp.dot(h_cat, wd_flat.astype(jnp.bfloat16),
                                preferred_element_type=jnp.float32)


def kernel(hidden_states, positions, gate_w, corr_bias, w_gate, w_up, w_down, sg, su, sd):
    del positions
    t, h = hidden_states.shape
    n_exp, _, f = w_gate.shape
    sf = sg.shape[1]
    top_k = 8
    grid = (1 + n_exp // 4,)

    gwt = gate_w.T
    bias2d = jnp.broadcast_to(corr_bias[None, :], (8, n_exp))

    scores, choice = _make_router(t, h, n_exp)(hidden_states, gwt, bias2d)
    zeros = jnp.zeros((t * n_exp,), jnp.float32)
    w_flat = _make_topk_sc(t, n_exp, top_k)(
        scores.reshape(t * n_exp), choice.reshape(t * n_exp), zeros)
    w_comb = w_flat.reshape(t, n_exp)

    routed_idx = lambda s: (jnp.maximum(s - 1, 0), 0, 0)

    out = pl.pallas_call(
        _moe_body,
        grid=grid,
        in_specs=[
            pl.BlockSpec((t, h), lambda s: (0, 0)),
            pl.BlockSpec((t, n_exp), lambda s: (0, 0)),
            pl.BlockSpec((4, h, f), routed_idx),
            pl.BlockSpec((4, h, f), routed_idx),
            pl.BlockSpec((4, f, h), routed_idx),
            pl.BlockSpec((h, sf), lambda s: (0, 0)),
            pl.BlockSpec((h, sf), lambda s: (0, 0)),
            pl.BlockSpec((sf, h), lambda s: (0, 0)),
        ],
        out_specs=pl.BlockSpec((t, h), lambda s: (0, 0)),
        out_shape=jax.ShapeDtypeStruct((t, h), jnp.float32),
        scratch_shapes=[
            pltpu.VMEM((t, h), jnp.bfloat16),
        ],
        compiler_params=pltpu.CompilerParams(
            dimension_semantics=("arbitrary",),
        ),
    )(hidden_states, w_comb, w_gate, w_up, w_down, sg, su, sd)
    return out

# --- scband reference (transcript-rebuilt; emitter-appended) ---
"""Pipeline reference for scband-laguna-decoder-layer-36369783062551 (READ-ONLY COPY).

The authoritative reference and input builder live on the scoring server;
editing this copy changes nothing except your own understanding.
"""

import jax, jax.numpy as jnp
import numpy as np

NUM_TOKENS = 128
HIDDEN = 1024
NUM_EXPERTS = 64
TOP_K = 8
MOE_FFN = 256
SHARED_FFN = 1024
ROUTED_SCALE = 1.0


def setup_inputs(seed: int = 0) -> dict:
    key = jax.random.key(seed)
    ks = jax.random.split(key, 12)
    s = 0.02
    inp = {}
    inp['hidden_states'] = jax.random.normal(ks[0], (NUM_TOKENS, HIDDEN), dtype=jnp.float32)
    inp['positions'] = jnp.arange(NUM_TOKENS, dtype=jnp.int32)
    # LagunaMoEGate weight [num_experts, hidden] (fp32 router)
    inp['gate_w'] = s * jax.random.normal(ks[1], (NUM_EXPERTS, HIDDEN), dtype=jnp.float32)
    inp['corr_bias'] = jnp.zeros((NUM_EXPERTS,), dtype=jnp.float32)
    # routed expert weights (gate_up split into gate/up) + down
    inp['w_gate'] = s * jax.random.normal(ks[2], (NUM_EXPERTS, HIDDEN, MOE_FFN), dtype=jnp.float32)
    inp['w_up'] = s * jax.random.normal(ks[3], (NUM_EXPERTS, HIDDEN, MOE_FFN), dtype=jnp.float32)
    inp['w_down'] = s * jax.random.normal(ks[4], (NUM_EXPERTS, MOE_FFN, HIDDEN), dtype=jnp.float32)
    # shared expert (LagunaMLP, SiluAndMul)
    inp['sg'] = s * jax.random.normal(ks[5], (HIDDEN, SHARED_FFN), dtype=jnp.float32)
    inp['su'] = s * jax.random.normal(ks[6], (HIDDEN, SHARED_FFN), dtype=jnp.float32)
    inp['sd'] = s * jax.random.normal(ks[7], (SHARED_FFN, HIDDEN), dtype=jnp.float32)
    return inp


def _moe_forward(hidden_states, gate_w, corr_bias, w_gate, w_up, w_down, sg, su, sd):
    x = hidden_states
    # shared expert: SiluAndMul MLP
    shared = (jax.nn.silu(x @ sg) * (x @ su)) @ sd
    # router (fp32 linear, no bias)
    logits = x.astype(jnp.float32) @ gate_w.T
    # softcapping disabled (moe_router_logit_softcapping = 0.0)
    # TopK: scoring_func='sigmoid', correction bias added for expert CHOICE only,
    # gate weights taken from raw sigmoid scores, then renormalized.
    scores = jax.nn.sigmoid(logits)
    choice = scores + corr_bias[None, :]
    _, topk_ids = jax.lax.top_k(choice, TOP_K)
    topk_w = jnp.take_along_axis(scores, topk_ids, axis=1)
    topk_w = topk_w / (jnp.sum(topk_w, axis=1, keepdims=True) + 1e-20)
    topk_w = topk_w.astype(x.dtype)
    # routed experts: masked dense per-expert compute (math-equivalent to dispatch;
    # non-selected tokens get exactly zero combine weight)
    routed = jnp.zeros_like(x)
    for e in range(NUM_EXPERTS):
        we = jnp.sum(topk_w * (topk_ids == e).astype(x.dtype), axis=1)
        h = jax.nn.silu(x @ w_gate[e]) * (x @ w_up[e])
        routed = routed + we[:, None] * (h @ w_down[e])
    return routed * ROUTED_SCALE + shared


def reference(hidden_states, positions, gate_w, corr_bias, w_gate, w_up, w_down, sg, su, sd):
    # positions feed the attention sublayer (RadixAttention / rotary) which depends on
    # serving-runtime state (ForwardBatch); this reference covers the MoE sublayer.
    del positions
    return _moe_forward(hidden_states, gate_w, corr_bias, w_gate, w_up, w_down, sg, su, sd)

if __name__ == "__main__":
    import jax
    _d = setup_inputs()
    print(jax.jit(kernel)(*tuple(_d.values())))

</pallas_src>

<mosaic_0001>
#map = affine_map<(d0, d1) -> (0)>
module attributes {stable_mosaic.version = 14 : i64} {
  func.func @_topk_sc_body(%arg0: i32, %arg1: i32, %arg2: memref<8192xf32, #tpu.memory_space<hbm>>, %arg3: memref<8192xf32, #tpu.memory_space<hbm>>, %arg4: memref<8192xf32, #tpu.memory_space<hbm>>, %arg5: memref<8192xf32, #tpu.memory_space<hbm>>, %arg6: memref<1024xf32, #tpu.memory_space<vmem>>, %arg7: memref<1024xf32, #tpu.memory_space<vmem>>, %arg8: memref<1024xf32, #tpu.memory_space<vmem>>) attributes {dimension_semantics = [#tpu.dimension_semantics<core_parallel>, #tpu.dimension_semantics<subcore_parallel>], iteration_bounds = array<i64: 2, 16>, scalar_prefetch = 0 : i64, scratch_operands = 3 : i64, tpu.core_type = #tpu.core_type<sc_vector_subcore>, window_params = [{transform_indices = #map}, {transform_indices = #map}, {transform_indices = #map}, {transform_indices = #map}]} {
    %mul3A = arith.constant 2 : i32
    %mul3A_0 = arith.muli %arg1, %mul3A : i32
    %add3A = arith.addi %mul3A_0, %arg0 : i32
    %lt3A = arith.constant 8 : i32
    %lt3A_1 = arith.cmpi slt, %add3A, %lt3A : i32
    %convert_element_type3A = arith.extui %lt3A_1 : i1 to i32
    %cond3A = arith.constant 0 : i32
    %cond3A_2 = arith.cmpi ne, %convert_element_type3A, %cond3A : i32
    scf.if %cond3A_2 {
      %mul3A_3 = arith.constant 1024 : i32
      %mul3A_4 = arith.muli %add3A, %mul3A_3 : i32
      "tpu.region"() ({
        %run_scoped3A = tpu.sem_alloc : memref<!tpu.dma_semaphore, #tpu.memory_space<semaphore_mem>>
        %dma_start3A = tpu.memref_slice %arg2[%mul3A_4] : memref<8192xf32, #tpu.memory_space<hbm>> -> memref<1024xf32, #tpu.memory_space<hbm>>
        %dma_start3A_2865 = tpu.memref_slice %arg2[%mul3A_4] : memref<8192xf32, #tpu.memory_space<hbm>> -> memref<1024xf32, #tpu.memory_space<hbm>>
        tpu.enqueue_dma source(%dma_start3A_2865 : memref<1024xf32, #tpu.memory_space<hbm>>) target(%arg6 : memref<1024xf32, #tpu.memory_space<vmem>>) target_semaphore(%run_scoped3A : memref<!tpu.dma_semaphore, #tpu.memory_space<semaphore_mem>>)
        %dma_wait3A = tpu.memref_slice %arg2[%mul3A_4] : memref<8192xf32, #tpu.memory_space<hbm>> -> memref<1024xf32, #tpu.memory_space<hbm>>
        %dma_wait3A_2866 = tpu.memref_slice %arg2[%mul3A_4] : memref<8192xf32, #tpu.memory_space<hbm>> -> memref<1024xf32, #tpu.memory_space<hbm>>
        tpu.wait_dma2 semaphore(%run_scoped3A : memref<!tpu.dma_semaphore, #tpu.memory_space<semaphore_mem>>) src(%dma_wait3A_2866 : memref<1024xf32, #tpu.memory_space<hbm>>) dst(%arg6 : memref<1024xf32, #tpu.memory_space<vmem>>)
        tpu.yield
      }) : () -> ()
      "tpu.region"() ({
        %run_scoped3A = tpu.sem_alloc : memref<!tpu.dma_semaphore, #tpu.memory_space<semaphore_mem>>
        %dma_start3A = tpu.memref_slice %arg3[%mul3A_4] : memref<8192xf32, #tpu.memory_space<hbm>> -> memref<1024xf32, #tpu.memory_space<hbm>>
        %dma_start3A_2865 = tpu.memref_slice %arg3[%mul3A_4] : memref<8192xf32, #tpu.memory_space<hbm>> -> memref<1024xf32, #tpu.memory_space<hbm>>
        tpu.enqueue_dma source(%dma_start3A_2865 : memref<1024xf32, #tpu.memory_space<hbm>>) target(%arg7 : memref<1024xf32, #tpu.memory_space<vmem>>) target_semaphore(%run_scoped3A : memref<!tpu.dma_semaphore, #tpu.memory_space<semaphore_mem>>)
        %dma_wait3A = tpu.memref_slice %arg3[%mul3A_4] : memref<8192xf32, #tpu.memory_space<hbm>> -> memref<1024xf32, #tpu.memory_space<hbm>>
        %dma_wait3A_2866 = tpu.memref_slice %arg3[%mul3A_4] : memref<8192xf32, #tpu.memory_space<hbm>> -> memref<1024xf32, #tpu.memory_space<hbm>>
        tpu.wait_dma2 semaphore(%run_scoped3A : memref<!tpu.dma_semaphore, #tpu.memory_space<semaphore_mem>>) src(%dma_wait3A_2866 : memref<1024xf32, #tpu.memory_space<hbm>>) dst(%arg7 : memref<1024xf32, #tpu.memory_space<vmem>>)
        tpu.yield
      }) : () -> ()
      "tpu.region"() ({
        %run_scoped3A = tpu.sem_alloc : memref<!tpu.dma_semaphore, #tpu.memory_space<semaphore_mem>>
        %dma_start3A = tpu.memref_slice %arg4[%mul3A_4] : memref<8192xf32, #tpu.memory_space<hbm>> -> memref<1024xf32, #tpu.memory_space<hbm>>
        %dma_start3A_2865 = tpu.memref_slice %arg4[%mul3A_4] : memref<8192xf32, #tpu.memory_space<hbm>> -> memref<1024xf32, #tpu.memory_space<hbm>>
        tpu.enqueue_dma source(%dma_start3A_2865 : memref<1024xf32, #tpu.memory_space<hbm>>) target(%arg8 : memref<1024xf32, #tpu.memory_space<vmem>>) target_semaphore(%run_scoped3A : memref<!tpu.dma_semaphore, #tpu.memory_space<semaphore_mem>>)
        %dma_wait3A = tpu.memref_slice %arg4[%mul3A_4] : memref<8192xf32, #tpu.memory_space<hbm>> -> memref<1024xf32, #tpu.memory_space<hbm>>
        %dma_wait3A_2866 = tpu.memref_slice %arg4[%mul3A_4] : memref<8192xf32, #tpu.memory_space<hbm>> -> memref<1024xf32, #tpu.memory_space<hbm>>
        tpu.wait_dma2 semaphore(%run_scoped3A : memref<!tpu.dma_semaphore, #tpu.memory_space<semaphore_mem>>) src(%dma_wait3A_2866 : memref<1024xf32, #tpu.memory_space<hbm>>) dst(%arg8 : memref<1024xf32, #tpu.memory_space<vmem>>)
        tpu.yield
      }) : () -> ()
      %iota3A = tpu.iota {dimensions = array<i32: 0>} : vector<16xi32>
      %mul3A_5 = arith.constant 64 : i32
      %mul3A_6 = vector.broadcast %mul3A_5 : i32 to vector<16xi32>
      %mul3A_7 = arith.muli %iota3A, %mul3A_6 : vector<16xi32>
      %broadcast_in_dim3A = arith.constant 0xFF800000 : f32
      %broadcast_in_dim3A_8 = vector.broadcast %broadcast_in_dim3A : f32 to vector<16xf32>
      %broadcast_in_dim3A_9 = arith.constant 0 : i32
      %broadcast_in_dim3A_10 = vector.broadcast %broadcast_in_dim3A_9 : i32 to vector<16xi32>
      %broadcast_in_dim3A_11 = arith.constant 0 : i32
      %broadcast_in_dim3A_12 = vector.broadcast %broadcast_in_dim3A_11 : i32 to vector<16xi32>
      %add3A_13 = arith.addi %mul3A_7, %broadcast_in_dim3A_12 : vector<16xi32>
      %gather3A = tpu.vector_load_idx %arg7[%add3A_13] : memref<1024xf32, #tpu.memory_space<vmem>>[vector<16xi32>], vector<16xf32>,
      %gt3A = arith.cmpf ogt, %gather3A, %broadcast_in_dim3A_8 : vector<16xf32>
      %select_n3A = arith.select %gt3A, %gather3A, %broadcast_in_dim3A_8 : vector<16xi1>, vector<16xf32>
      %select_n3A_14 = arith.select %gt3A, %broadcast_in_dim3A_8, %gather3A : vector<16xi1>, vector<16xf32>
      %select_n3A_15 = arith.select %gt3A, %broadcast_in_dim3A_12, %broadcast_in_dim3A_10 : vector<16xi1>, vector<16xi32>
      %select_n3A_16 = arith.select %gt3A, %broadcast_in_dim3A_10, %broadcast_in_dim3A_12 : vector<16xi1>, vector<16xi32>
      %gt3A_17 = arith.cmpf ogt, %select_n3A_14, %broadcast_in_dim3A_8 : vector<16xf32>
      %select_n3A_18 = arith.select %gt3A_17, %select_n3A_14, %broadcast_in_dim3A_8 : vector<16xi1>, vector<16xf32>
      %select_n3A_19 = arith.select %gt3A_17, %broadcast_in_dim3A_8, %select_n3A_14 : vector<16xi1>, vector<16xf32>
      %select_n3A_20 = arith.select %gt3A_17, %select_n3A_16, %broadcast_in_dim3A_10 : vector<16xi1>, vector<16xi32>
      %select_n3A_21 = arith.select %gt3A_17, %broadcast_in_dim3A_10, %select_n3A_16 : vector<16xi1>, vector<16xi32>
      %gt3A_22 = arith.cmpf ogt, %select_n3A_19, %broadcast_in_dim3A_8 : vector<16xf32>
      %select_n3A_23 = arith.select %gt3A_22, %select_n3A_19, %broadcast_in_dim3A_8 : vector<16xi1>, vector<16xf32>
      %select_n3A_24 = arith.select %gt3A_22, %broadcast_in_dim3A_8, %select_n3A_19 : vector<16xi1>, vector<16xf32>
      %select_n3A_25 = arith.select %gt3A_22, %select_n3A_21, %broadcast_in_dim3A_10 : vector<16xi1>, vector<16xi32>
      %select_n3A_26 = arith.select %gt3A_22, %broadcast_in_dim3A_10, %select_n3A_21 : vector<16xi1>, vector<16xi32>
      %gt3A_27 = arith.cmpf ogt, %select_n3A_24, %broadcast_in_dim3A_8 : vector<16xf32>
      %select_n3A_28 = arith.select %gt3A_27, %select_n3A_24, %broadcast_in_dim3A_8 : vector<16xi1>, vector<16xf32>
      %select_n3A_29 = arith.select %gt3A_27, %broadcast_in_dim3A_8, %select_n3A_24 : vector<16xi1>, vector<16xf32>
      %select_n3A_30 = arith.select %gt3A_27, %select_n3A_26, %broadcast_in_dim3A_10 : vector<16xi1>, vector<16xi32>
      %select_n3A_31 = arith.select %gt3A_27, %broadcast_in_dim3A_10, %select_n3A_26 : vector<16xi1>, vector<16xi32>
      %gt3A_32 = arith.cmpf ogt, %select_n3A_29, %broadcast_in_dim3A_8 : vector<16xf32>
      %select_n3A_33 = arith.select %gt3A_32, %select_n3A_29, %broadcast_in_dim3A_8 : vector<16xi1>, vector<16xf32>
      %select_n3A_34 = arith.select %gt3A_32, %broadcast_in_dim3A_8, %select_n3A_29 : vector<16xi1>, vector<16xf32>
      %select_n3A_35 = arith.select %gt3A_32, %select_n3A_31, %broadcast_in_dim3A_10 : vector<16xi1>, vector<16xi32>
      %select_n3A_36 = arith.select %gt3A_32, %broadcast_in_dim3A_10, %select_n3A_31 : vector<16xi1>, vector<16xi32>
      %gt3A_37 = arith.cmpf ogt, %select_n3A_34, %broadcast_in_dim3A_8 : vector<16xf32>
      %select_n3A_38 = arith.select %gt3A_37, %select_n3A_34, %broadcast_in_dim3A_8 : vector<16xi1>, vector<16xf32>
      %select_n3A_39 = arith.select %gt3A_37, %broadcast_in_dim3A_8, %select_n3A_34 : vector<16xi1>, vector<16xf32>
      %select_n3A_40 = arith.select %gt3A_37, %select_n3A_36, %broadcast_in_dim3A_10 : vector<16xi1>, vector<16xi32>
      %select_n3A_41 = arith.select %gt3A_37, %broadcast_in_dim3A_10, %select_n3A_36 : vector<16xi1>, vector<16xi32>
      %gt3A_42 = arith.cmpf ogt, %select_n3A_39, %broadcast_in_dim3A_8 : vector<16xf32>
      %select_n3A_43 = arith.select %gt3A_42, %select_n3A_39, %broadcast_in_dim3A_8 : vector<16xi1>, vector<16xf32>
      %select_n3A_44 = arith.select %gt3A_42, %broadcast_in_dim3A_8, %select_n3A_39 : vector<16xi1>, vector<16xf32>
      %select_n3A_45 = arith.select %gt3A_42, %select_n3A_41, %broadcast_in_dim3A_10 : vector<16xi1>, vector<16xi32>
      %select_n3A_46 = arith.select %gt3A_42, %broadcast_in_dim3A_10, %select_n3A_41 : vector<16xi1>, vector<16xi32>
      %gt3A_47 = arith.cmpf ogt, %select_n3A_44, %broadcast_in_dim3A_8 : vector<16xf32>
      %select_n3A_48 = arith.select %gt3A_47, %select_n3A_44, %broadcast_in_dim3A_8 : vector<16xi1>, vector<16xf32>
      %select_n3A_49 = arith.select %gt3A_47, %broadcast_in_dim3A_8, %select_n3A_44 : vector<16xi1>, vector<16xf32>
      %select_n3A_50 = arith.select %gt3A_47, %select_n3A_46, %broadcast_in_dim3A_10 : vector<16xi1>, vector<16xi32>
      %select_n3A_51 = arith.select %gt3A_47, %broadcast_in_dim3A_10, %select_n3A_46 : vector<16xi1>, vector<16xi32>
      %broadcast_in_dim3A_52 = arith.constant 1 : i32
      %broadcast_in_dim3A_53 = vector.broadcast %broadcast_in_dim3A_52 : i32 to vector<16xi32>
      %add3A_54 = arith.addi %mul3A_7, %broadcast_in_dim3A_53 : vector<16xi32>
      %gather3A_55 = tpu.vector_load_idx %arg7[%add3A_54] : memref<1024xf32, #tpu.memory_space<vmem>>[vector<16xi32>], vector<16xf32>,
      %gt3A_56 = arith.cmpf ogt, %gather3A_55, %select_n3A : vector<16xf32>
      %select_n3A_57 = arith.select %gt3A_56, %gather3A_55, %select_n3A : vector<16xi1>, vector<16xf32>
      %select_n3A_58 = arith.select %gt3A_56, %select_n3A, %gather3A_55 : vector<16xi1>, vector<16xf32>
      %select_n3A_59 = arith.select %gt3A_56, %broadcast_in_dim3A_53, %select_n3A_15 : vector<16xi1>, vector<16xi32>
      %select_n3A_60 = arith.select %gt3A_56, %select_n3A_15, %broadcast_in_dim3A_53 : vector<16xi1>, vector<16xi32>
      %gt3A_61 = arith.cmpf ogt, %select_n3A_58, %select_n3A_18 : vector<16xf32>
      %select_n3A_62 = arith.select %gt3A_61, %select_n3A_58, %select_n3A_18 : vector<16xi1>, vector<16xf32>
      %select_n3A_63 = arith.select %gt3A_61, %select_n3A_18, %select_n3A_58 : vector<16xi1>, vector<16xf32>
      %select_n3A_64 = arith.select %gt3A_61, %select_n3A_60, %select_n3A_20 : vector<16xi1>, vector<16xi32>
      %select_n3A_65 = arith.select %gt3A_61, %select_n3A_20, %select_n3A_60 : vector<16xi1>, vector<16xi32>
      %gt3A_66 = arith.cmpf ogt, %select_n3A_63, %select_n3A_23 : vector<16xf32>
      %select_n3A_67 = arith.select %gt3A_66, %select_n3A_63, %select_n3A_23 : vector<16xi1>, vector<16xf32>
      %select_n3A_68 = arith.select %gt3A_66, %select_n3A_23, %select_n3A_63 : vector<16xi1>, vector<16xf32>
      %select_n3A_69 = arith.select %gt3A_66, %select_n3A_65, %select_n3A_25 : vector<16xi1>, vector<16xi32>
      %select_n3A_70 = arith.select %gt3A_66, %select_n3A_25, %select_n3A_65 : vector<16xi1>, vector<16xi32>
      %gt3A_71 = arith.cmpf ogt, %select_n3A_68, %select_n3A_28 : vector<16xf32>
      %select_n3A_72 = arith.select %gt3A_71, %select_n3A_68, %select_n3A_28 : vector<16xi1>, vector<16xf32>
      %select_n3A_73 = arith.select %gt3A_71, %select_n3A_28, %select_n3A_68 : vector<16xi1>, vector<16xf32>
      %select_n3A_74 = arith.select %gt3A_71, %select_n3A_70, %select_n3A_30 : vector<16xi1>, vector<16xi32>
      %select_n3A_75 = arith.select %gt3A_71, %select_n3A_30, %select_n3A_70 : vector<16xi1>, vector<16xi32>
      %gt3A_76 = arith.cmpf ogt, %select_n3A_73, %select_n3A_33 : vector<16xf32>
      %select_n3A_77 = arith.select %gt3A_76, %select_n3A_73, %select_n3A_33 : vector<16xi1>, vector<16xf32>
      %select_n3A_78 = arith.select %gt3A_76, %select_n3A_33, %select_n3A_73 : vector<16xi1>, vector<16xf32>
      %select_n3A_79 = arith.select %gt3A_76, %select_n3A_75, %select_n3A_35 : vector<16xi1>, vector<16xi32>
      %select_n3A_80 = arith.select %gt3A_76, %select_n3A_35, %select_n3A_75 : vector<16xi1>, vector<16xi32>
      %gt3A_81 = arith.cmpf ogt, %select_n3A_78, %select_n3A_38 : vector<16xf32>
      %select_n3A_82 = arith.select %gt3A_81, %select_n3A_78, %select_n3A_38 : vector<16xi1>, vector<16xf32>
      %select_n3A_83 = arith.select %gt3A_81, %select_n3A_38, %select_n3A_78 : vector<16xi1>, vector<16xf32>
      %select_n3A_84 = arith.select %gt3A_81, %select_n3A_80, %select_n3A_40 : vector<16xi1>, vector<16xi32>
      %select_n3A_85 = arith.select %gt3A_81, %select_n3A_40, %select_n3A_80 : vector<16xi1>, vector<16xi32>
      %gt3A_86 = arith.cmpf ogt, %select_n3A_83, %select_n3A_43 : vector<16xf32>
      %select_n3A_87 = arith.select %gt3A_86, %select_n3A_83, %select_n3A_43 : vector<16xi1>, vector<16xf32>
      %select_n3A_88 = arith.select %gt3A_86, %select_n3A_43, %select_n3A_83 : vector<16xi1>, vector<16xf32>
      %select_n3A_89 = arith.select %gt3A_86, %select_n3A_85, %select_n3A_45 : vector<16xi1>, vector<16xi32>
      %select_n3A_90 = arith.select %gt3A_86, %select_n3A_45, %select_n3A_85 : vector<16xi1>, vector<16xi32>
      %gt3A_91 = arith.cmpf ogt, %select_n3A_88, %select_n3A_48 : vector<16xf32>
      %select_n3A_92 = arith.select %gt3A_91, %select_n3A_88, %select_n3A_48 : vector<16xi1>, vector<16xf32>
      %select_n3A_93 = arith.select %gt3A_91, %select_n3A_48, %select_n3A_88 : vector<16xi1>, vector<16xf32>
      %select_n3A_94 = arith.select %gt3A_91, %select_n3A_90, %select_n3A_50 : vector<16xi1>, vector<16xi32>
      %select_n3A_95 = arith.select %gt3A_91, %select_n3A_50, %select_n3A_90 : vector<16xi1>, vector<16xi32>
      %broadcast_in_dim3A_96 = arith.constant 2 : i32
      %broadcast_in_dim3A_97 = vector.broadcast %broadcast_in_dim3A_96 : i32 to vector<16xi32>
      %add3A_98 = arith.addi %mul3A_7, %broadcast_in_dim3A_97 : vector<16xi32>
      %gather3A_99 = tpu.vector_load_idx %arg7[%add3A_98] : memref<1024xf32, #tpu.memory_space<vmem>>[vector<16xi32>], vector<16xf32>,
      %gt3A_100 = arith.cmpf ogt, %gather3A_99, %select_n3A_57 : vector<16xf32>
      %select_n3A_101 = arith.select %gt3A_100, %gather3A_99, %select_n3A_57 : vector<16xi1>, vector<16xf32>
      %select_n3A_102 = arith.select %gt3A_100, %select_n3A_57, %gather3A_99 : vector<16xi1>, vector<16xf32>
      %select_n3A_103 = arith.select %gt3A_100, %broadcast_in_dim3A_97, %select_n3A_59 : vector<16xi1>, vector<16xi32>
      %select_n3A_104 = arith.select %gt3A_100, %select_n3A_59, %broadcast_in_dim3A_97 : vector<16xi1>, vector<16xi32>
      %gt3A_105 = arith.cmpf ogt, %select_n3A_102, %select_n3A_62 : vector<16xf32>
      %select_n3A_106 = arith.select %gt3A_105, %select_n3A_102, %select_n3A_62 : vector<16xi1>, vector<16xf32>
      %select_n3A_107 = arith.select %gt3A_105, %select_n3A_62, %select_n3A_102 : vector<16xi1>, vector<16xf32>
      %select_n3A_108 = arith.select %gt3A_105, %select_n3A_104, %select_n3A_64 : vector<16xi1>, vector<16xi32>
      %select_n3A_109 = arith.select %gt3A_105, %select_n3A_64, %select_n3A_104 : vector<16xi1>, vector<16xi32>
      %gt3A_110 = arith.cmpf ogt, %select_n3A_107, %select_n3A_67 : vector<16xf32>
      %select_n3A_111 = arith.select %gt3A_110, %select_n3A_107, %select_n3A_67 : vector<16xi1>, vector<16xf32>
      %select_n3A_112 = arith.select %gt3A_110, %select_n3A_67, %select_n3A_107 : vector<16xi1>, vector<16xf32>
      %select_n3A_113 = arith.select %gt3A_110, %select_n3A_109, %select_n3A_69 : vector<16xi1>, vector<16xi32>
      %select_n3A_114 = arith.select %gt3A_110, %select_n3A_69, %select_n3A_109 : vector<16xi1>, vector<16xi32>
      %gt3A_115 = arith.cmpf ogt, %select_n3A_112, %select_n3A_72 : vector<16xf32>
      %select_n3A_116 = arith.select %gt3A_115, %select_n3A_112, %select_n3A_72 : vector<16xi1>, vector<16xf32>
      %select_n3A_117 = arith.select %gt3A_115, %select_n3A_72, %select_n3A_112 : vector<16xi1>, vector<16xf32>
      %select_n3A_118 = arith.select %gt3A_115, %select_n3A_114, %select_n3A_74 : vector<16xi1>, vector<16xi32>
      %select_n3A_119 = arith.select %gt3A_115, %select_n3A_74, %select_n3A_114 : vector<16xi1>, vector<16xi32>
      %gt3A_120 = arith.cmpf ogt, %select_n3A_117, %select_n3A_77 : vector<16xf32>
      %select_n3A_121 = arith.select %gt3A_120, %select_n3A_117, %select_n3A_77 : vector<16xi1>, vector<16xf32>
      %select_n3A_122 = arith.select %gt3A_120, %select_n3A_77, %select_n3A_117 : vector<16xi1>, vector<16xf32>
      %select_n3A_123 = arith.select %gt3A_120, %select_n3A_119, %select_n3A_79 : vector<16xi1>, vector<16xi32>
      %select_n3A_124 = arith.select %gt3A_120, %select_n3A_79, %select_n3A_119 : vector<16xi1>, vector<16xi32>
      %gt3A_125 = arith.cmpf ogt, %select_n3A_122, %select_n3A_82 : vector<16xf32>
      %select_n3A_126 = arith.select %gt3A_125, %select_n3A_122, %select_n3A_82 : vector<16xi1>, vector<16xf32>
      %select_n3A_127 = arith.select %gt3A_125, %select_n3A_82, %select_n3A_122 : vector<16xi1>, vector<16xf32>
      %select_n3A_128 = arith.select %gt3A_125, %select_n3A_124, %select_n3A_84 : vector<16xi1>, vector<16xi32>
      %select_n3A_129 = arith.select %gt3A_125, %select_n3A_84, %select_n3A_124 : vector<16xi1>, vector<16xi32>
      %gt3A_130 = arith.cmpf ogt, %select_n3A_127, %select_n3A_87 : vector<16xf32>
      %select_n3A_131 = arith.select %gt3A_130, %select_n3A_127, %select_n3A_87 : vector<16xi1>, vector<16xf32>
      %select_n3A_132 = arith.select %gt3A_130, %select_n3A_87, %select_n3A_127 : vector<16xi1>, vector<16xf32>
      %select_n3A_133 = arith.select %gt3A_130, %select_n3A_129, %select_n3A_89 : vector<16xi1>, vector<16xi32>
      %select_n3A_134 = arith.select %gt3A_130, %select_n3A_89, %select_n3A_129 : vector<16xi1>, vector<16xi32>
      %gt3A_135 = arith.cmpf ogt, %select_n3A_132, %select_n3A_92 : vector<16xf32>
      %select_n3A_136 = arith.select %gt3A_135, %select_n3A_132, %select_n3A_92 : vector<16xi1>, vector<16xf32>
      %select_n3A_137 = arith.select %gt3A_135, %select_n3A_92, %select_n3A_132 : vector<16xi1>, vector<16xf32>
      %select_n3A_138 = arith.select %gt3A_135, %select_n3A_134, %select_n3A_94 : vector<16xi1>, vector<16xi32>
      %select_n3A_139 = arith.select %gt3A_135, %select_n3A_94, %select_n3A_134 : vector<16xi1>, vector<16xi32>
      %broadcast_in_dim3A_140 = arith.constant 3 : i32
      %broadcast_in_dim3A_141 = vector.broadcast %broadcast_in_dim3A_140 : i32 to vector<16xi32>
      %add3A_142 = arith.addi %mul3A_7, %broadcast_in_dim3A_141 : vector<16xi32>
      %gather3A_143 = tpu.vector_load_idx %arg7[%add3A_142] : memref<1024xf32, #tpu.memory_space<vmem>>[vector<16xi32>], vector<16xf32>,
      %gt3A_144 = arith.cmpf ogt, %gather3A_143, %select_n3A_101 : vector<16xf32>
      %select_n3A_145 = arith.select %gt3A_144, %gather3A_143, %select_n3A_101 : vector<16xi1>, vector<16xf32>
      %select_n3A_146 = arith.select %gt3A_144, %select_n3A_101, %gather3A_143 : vector<16xi1>, vector<16xf32>
      %select_n3A_147 = arith.select %gt3A_144, %broadcast_in_dim3A_141, %select_n3A_103 : vector<16xi1>, vector<16xi32>
      %select_n3A_148 = arith.select %gt3A_144, %select_n3A_103, %broadcast_in_dim3A_141 : vector<16xi1>, vector<16xi32>
      %gt3A_149 = arith.cmpf ogt, %select_n3A_146, %select_n3A_106 : vector<16xf32>
      %select_n3A_150 = arith.select %gt3A_149, %select_n3A_146, %select_n3A_106 : vector<16xi1>, vector<16xf32>
      %select_n3A_151 = arith.select %gt3A_149, %select_n3A_106, %select_n3A_146 : vector<16xi1>, vector<16xf32>
      %select_n3A_152 = arith.select %gt3A_149, %select_n3A_148, %select_n3A_108 : vector<16xi1>, vector<16xi32>
      %select_n3A_153 = arith.select %gt3A_149, %select_n3A_108, %select_n3A_148 : vector<16xi1>, vector<16xi32>
      %gt3A_154 = arith.cmpf ogt, %select_n3A_151, %select_n3A_111 : vector<16xf32>
      %select_n3A_155 = arith.select %gt3A_154, %select_n3A_151, %select_n3A_111 : vector<16xi1>, vector<16xf32>
      %select_n3A_156 = arith.select %gt3A_154, %select_n3A_111, %select_n3A_151 : vector<16xi1>, vector<16xf32>
      %select_n3A_157 = arith.select %gt3A_154, %select_n3A_153, %select_n3A_113 : vector<16xi1>, vector<16xi32>
      %select_n3A_158 = arith.select %gt3A_154, %select_n3A_113, %select_n3A_153 : vector<16xi1>, vector<16xi32>
      %gt3A_159 = arith.cmpf ogt, %select_n3A_156, %select_n3A_116 : vector<16xf32>
      %select_n3A_160 = arith.select %gt3A_159, %select_n3A_156, %select_n3A_116 : vector<16xi1>, vector<16xf32>
      %select_n3A_161 = arith.select %gt3A_159, %select_n3A_116, %select_n3A_156 : vector<16xi1>, vector<16xf32>
      %select_n3A_162 = arith.select %gt3A_159, %select_n3A_158, %select_n3A_118 : vector<16xi1>, vector<16xi32>
      %select_n3A_163 = arith.select %gt3A_159, %select_n3A_118, %select_n3A_158 : vector<16xi1>, vector<16xi32>
      %gt3A_164 = arith.cmpf ogt, %select_n3A_161, %select_n3A_121 : vector<16xf32>
      %select_n3A_165 = arith.select %gt3A_164, %select_n3A_161, %select_n3A_121 : vector<16xi1>, vector<16xf32>
      %select_n3A_166 = arith.select %gt3A_164, %select_n3A_121, %select_n3A_161 : vector<16xi1>, vector<16xf32>
      %select_n3A_167 = arith.select %gt3A_164, %select_n3A_163, %select_n3A_123 : vector<16xi1>, vector<16xi32>
      %select_n3A_168 = arith.select %gt3A_164, %select_n3A_123, %select_n3A_163 : vector<16xi1>, vector<16xi32>
      %gt3A_169 = arith.cmpf ogt, %select_n3A_166, %select_n3A_126 : vector<16xf32>
      %select_n3A_170 = arith.select %gt3A_169, %select_n3A_166, %select_n3A_126 : vector<16xi1>, vector<16xf32>
      %select_n3A_171 = arith.select %gt3A_169, %select_n3A_126, %select_n3A_166 : vector<16xi1>, vector<16xf32>
      %select_n3A_172 = arith.select %gt3A_169, %select_n3A_168, %select_n3A_128 : vector<16xi1>, vector<16xi32>
      %select_n3A_173 = arith.select %gt3A_169, %select_n3A_128, %select_n3A_168 : vector<16xi1>, vector<16xi32>
      %gt3A_174 = arith.cmpf ogt, %select_n3A_171, %select_n3A_131 : vector<16xf32>
      %select_n3A_175 = arith.select %gt3A_174, %select_n3A_171, %select_n3A_131 : vector<16xi1>, vector<16xf32>
      %select_n3A_176 = arith.select %gt3A_174, %select_n3A_131, %select_n3A_171 : vector<16xi1>, vector<16xf32>
      %select_n3A_177 = arith.select %gt3A_174, %select_n3A_173, %select_n3A_133 : vector<16xi1>, vector<16xi32>
      %select_n3A_178 = arith.select %gt3A_174, %select_n3A_133, %select_n3A_173 : vector<16xi1>, vector<16xi32>
      %gt3A_179 = arith.cmpf ogt, %select_n3A_176, %select_n3A_136 : vector<16xf32>
      %select_n3A_180 = arith.select %gt3A_179, %select_n3A_176, %select_n3A_136 : vector<16xi1>, vector<16xf32>
      %select_n3A_181 = arith.select %gt3A_179, %select_n3A_136, %select_n3A_176 : vector<16xi1>, vector<16xf32>
      %select_n3A_182 = arith.select %gt3A_179, %select_n3A_178, %select_n3A_138 : vector<16xi1>, vector<16xi32>
      %select_n3A_183 = arith.select %gt3A_179, %select_n3A_138, %select_n3A_178 : vector<16xi1>, vector<16xi32>
      %broadcast_in_dim3A_184 = arith.constant 4 : i32
      %broadcast_in_dim3A_185 = vector.broadcast %broadcast_in_dim3A_184 : i32 to vector<16xi32>
      %add3A_186 = arith.addi %mul3A_7, %broadcast_in_dim3A_185 : vector<16xi32>
      %gather3A_187 = tpu.vector_load_idx %arg7[%add3A_186] : memref<1024xf32, #tpu.memory_space<vmem>>[vector<16xi32>], vector<16xf32>,
      %gt3A_188 = arith.cmpf ogt, %gather3A_187, %select_n3A_145 : vector<16xf32>
      %select_n3A_189 = arith.select %gt3A_188, %gather3A_187, %select_n3A_145 : vector<16xi1>, vector<16xf32>
      %select_n3A_190 = arith.select %gt3A_188, %select_n3A_145, %gather3A_187 : vector<16xi1>, vector<16xf32>
      %select_n3A_191 = arith.select %gt3A_188, %broadcast_in_dim3A_185, %select_n3A_147 : vector<16xi1>, vector<16xi32>
      %select_n3A_192 = arith.select %gt3A_188, %select_n3A_147, %broadcast_in_dim3A_185 : vector<16xi1>, vector<16xi32>
      %gt3A_193 = arith.cmpf ogt, %select_n3A_190, %select_n3A_150 : vector<16xf32>
      %select_n3A_194 = arith.select %gt3A_193, %select_n3A_190, %select_n3A_150 : vector<16xi1>, vector<16xf32>
      %select_n3A_195 = arith.select %gt3A_193, %select_n3A_150, %select_n3A_190 : vector<16xi1>, vector<16xf32>
      %select_n3A_196 = arith.select %gt3A_193, %select_n3A_192, %select_n3A_152 : vector<16xi1>, vector<16xi32>
      %select_n3A_197 = arith.select %gt3A_193, %select_n3A_152, %select_n3A_192 : vector<16xi1>, vector<16xi32>
      %gt3A_198 = arith.cmpf ogt, %select_n3A_195, %select_n3A_155 : vector<16xf32>
      %select_n3A_199 = arith.select %gt3A_198, %select_n3A_195, %select_n3A_155 : vector<16xi1>, vector<16xf32>
      %select_n3A_200 = arith.select %gt3A_198, %select_n3A_155, %select_n3A_195 : vector<16xi1>, vector<16xf32>
      %select_n3A_201 = arith.select %gt3A_198, %select_n3A_197, %select_n3A_157 : vector<16xi1>, vector<16xi32>
      %select_n3A_202 = arith.select %gt3A_198, %select_n3A_157, %select_n3A_197 : vector<16xi1>, vector<16xi32>
      %gt3A_203 = arith.cmpf ogt, %select_n3A_200, %select_n3A_160 : vector<16xf32>
      %select_n3A_204 = arith.select %gt3A_203, %select_n3A_200, %select_n3A_160 : vector<16xi1>, vector<16xf32>
      %select_n3A_205 = arith.select %gt3A_203, %select_n3A_160, %select_n3A_200 : vector<16xi1>, vector<16xf32>
      %select_n3A_206 = arith.select %gt3A_203, %select_n3A_202, %select_n3A_162 : vector<16xi1>, vector<16xi32>
      %select_n3A_207 = arith.select %gt3A_203, %select_n3A_162, %select_n3A_202 : vector<16xi1>, vector<16xi32>
      %gt3A_208 = arith.cmpf ogt, %select_n3A_205, %select_n3A_165 : vector<16xf32>
      %select_n3A_209 = arith.select %gt3A_208, %select_n3A_205, %select_n3A_165 : vector<16xi1>, vector<16xf32>
      %select_n3A_210 = arith.select %gt3A_208, %select_n3A_165, %select_n3A_205 : vector<16xi1>, vector<16xf32>
      %select_n3A_211 = arith.select %gt3A_208, %select_n3A_207, %select_n3A_167 : vector<16xi1>, vector<16xi32>
      %select_n3A_212 = arith.select %gt3A_208, %select_n3A_167, %select_n3A_207 : vector<16xi1>, vector<16xi32>
      %gt3A_213 = arith.cmpf ogt, %select_n3A_210, %select_n3A_170 : vector<16xf32>
      %select_n3A_214 = arith.select %gt3A_213, %select_n3A_210, %select_n3A_170 : vector<16xi1>, vector<16xf32>
      %select_n3A_215 = arith.select %gt3A_213, %select_n3A_170, %select_n3A_210 : vector<16xi1>, vector<16xf32>
      %select_n3A_216 = arith.select %gt3A_213, %select_n3A_212, %select_n3A_172 : vector<16xi1>, vector<16xi32>
      %select_n3A_217 = arith.select %gt3A_213, %select_n3A_172, %select_n3A_212 : vector<16xi1>, vector<16xi32>
      %gt3A_218 = arith.cmpf ogt, %select_n3A_215, %select_n3A_175 : vector<16xf32>
      %select_n3A_219 = arith.select %gt3A_218, %select_n3A_215, %select_n3A_175 : vector<16xi1>, vector<16xf32>
      %select_n3A_220 = arith.select %gt3A_218, %select_n3A_175, %select_n3A_215 : vector<16xi1>, vector<16xf32>
      %select_n3A_221 = arith.select %gt3A_218, %select_n3A_217, %select_n3A_177 : vector<16xi1>, vector<16xi32>
      %select_n3A_222 = arith.select %gt3A_218, %select_n3A_177, %select_n3A_217 : vector<16xi1>, vector<16xi32>
      %gt3A_223 = arith.cmpf ogt, %select_n3A_220, %select_n3A_180 : vector<16xf32>
      %select_n3A_224 = arith.select %gt3A_223, %select_n3A_220, %select_n3A_180 : vector<16xi1>, vector<16xf32>
      %select_n3A_225 = arith.select %gt3A_223, %select_n3A_180, %select_n3A_220 : vector<16xi1>, vector<16xf32>
      %select_n3A_226 = arith.select %gt3A_223, %select_n3A_222, %select_n3A_182 : vector<16xi1>, vector<16xi32>
      %select_n3A_227 = arith.select %gt3A_223, %select_n3A_182, %select_n3A_222 : vector<16xi1>, vector<16xi32>
      %broadcast_in_dim3A_228 = arith.constant 5 : i32
      %broadcast_in_dim3A_229 = vector.broadcast %broadcast_in_dim3A_228 : i32 to vector<16xi32>
      %add3A_230 = arith.addi %mul3A_7, %broadcast_in_dim3A_229 : vector<16xi32>
      %gather3A_231 = tpu.vector_load_idx %arg7[%add3A_230] : memref<1024xf32, #tpu.memory_space<vmem>>[vector<16xi32>], vector<16xf32>,
      %gt3A_232 = arith.cmpf ogt, %gather3A_231, %select_n3A_189 : vector<16xf32>
      %select_n3A_233 = arith.select %gt3A_232, %gather3A_231, %select_n3A_189 : vector<16xi1>, vector<16xf32>
      %select_n3A_234 = arith.select %gt3A_232, %select_n3A_189, %gather3A_231 : vector<16xi1>, vector<16xf32>
      %select_n3A_235 = arith.select %gt3A_232, %broadcast_in_dim3A_229, %select_n3A_191 : vector<16xi1>, vector<16xi32>
      %select_n3A_236 = arith.select %gt3A_232, %select_n3A_191, %broadcast_in_dim3A_229 : vector<16xi1>, vector<16xi32>
      %gt3A_237 = arith.cmpf ogt, %select_n3A_234, %select_n3A_194 : vector<16xf32>
      %select_n3A_238 = arith.select %gt3A_237, %select_n3A_234, %select_n3A_194 : vector<16xi1>, vector<16xf32>
      %select_n3A_239 = arith.select %gt3A_237, %select_n3A_194, %select_n3A_234 : vector<16xi1>, vector<16xf32>
      %select_n3A_240 = arith.select %gt3A_237, %select_n3A_236, %select_n3A_196 : vector<16xi1>, vector<16xi32>
      %select_n3A_241 = arith.select %gt3A_237, %select_n3A_196, %select_n3A_236 : vector<16xi1>, vector<16xi32>
      %gt3A_242 = arith.cmpf ogt, %select_n3A_239, %select_n3A_199 : vector<16xf32>
      %select_n3A_243 = arith.select %gt3A_242, %select_n3A_239, %select_n3A_199 : vector<16xi1>, vector<16xf32>
      %select_n3A_244 = arith.select %gt3A_242, %select_n3A_199, %select_n3A_239 : vector<16xi1>, vector<16xf32>
      %select_n3A_245 = arith.select %gt3A_242, %select_n3A_241, %select_n3A_201 : vector<16xi1>, vector<16xi32>
      %select_n3A_246 = arith.select %gt3A_242, %select_n3A_201, %select_n3A_241 : vector<16xi1>, vector<16xi32>
      %gt3A_247 = arith.cmpf ogt, %select_n3A_244, %select_n3A_204 : vector<16xf32>
      %select_n3A_248 = arith.select %gt3A_247, %select_n3A_244, %select_n3A_204 : vector<16xi1>, vector<16xf32>
      %select_n3A_249 = arith.select %gt3A_247, %select_n3A_204, %select_n3A_244 : vector<16xi1>, vector<16xf32>
      %select_n3A_250 = arith.select %gt3A_247, %select_n3A_246, %select_n3A_206 : vector<16xi1>, vector<16xi32>
      %select_n3A_251 = arith.select %gt3A_247, %select_n3A_206, %select_n3A_246 : vector<16xi1>, vector<16xi32>
      %gt3A_252 = arith.cmpf ogt, %select_n3A_249, %select_n3A_209 : vector<16xf32>
      %select_n3A_253 = arith.select %gt3A_252, %select_n3A_249, %select_n3A_209 : vector<16xi1>, vector<16xf32>
      %select_n3A_254 = arith.select %gt3A_252, %select_n3A_209, %select_n3A_249 : vector<16xi1>, vector<16xf32>
      %select_n3A_255 = arith.select %gt3A_252, %select_n3A_251, %select_n3A_211 : vector<16xi1>, vector<16xi32>
      %select_n3A_256 = arith.select %gt3A_252, %select_n3A_211, %select_n3A_251 : vector<16xi1>, vector<16xi32>
      %gt3A_257 = arith.cmpf ogt, %select_n3A_254, %select_n3A_214 : vector<16xf32>
      %select_n3A_258 = arith.select %gt3A_257, %select_n3A_254, %select_n3A_214 : vector<16xi1>, vector<16xf32>
      %select_n3A_259 = arith.select %gt3A_257, %select_n3A_214, %select_n3A_254 : vector<16xi1>, vector<16xf32>
      %select_n3A_260 = arith.select %gt3A_257, %select_n3A_256, %select_n3A_216 : vector<16xi1>, vector<16xi32>
      %select_n3A_261 = arith.select %gt3A_257, %select_n3A_216, %select_n3A_256 : vector<16xi1>, vector<16xi32>
      %gt3A_262 = arith.cmpf ogt, %select_n3A_259, %select_n3A_219 : vector<16xf32>
      %select_n3A_263 = arith.select %gt3A_262, %select_n3A_259, %select_n3A_219 : vector<16xi1>, vector<16xf32>
      %select_n3A_264 = arith.select %gt3A_262, %select_n3A_219, %select_n3A_259 : vector<16xi1>, vector<16xf32>
      %select_n3A_265 = arith.select %gt3A_262, %select_n3A_261, %select_n3A_221 : vector<16xi1>, vector<16xi32>
      %select_n3A_266 = arith.select %gt3A_262, %select_n3A_221, %select_n3A_261 : vector<16xi1>, vector<16xi32>
      %gt3A_267 = arith.cmpf ogt, %select_n3A_264, %select_n3A_224 : vector<16xf32>
      %select_n3A_268 = arith.select %gt3A_267, %select_n3A_264, %select_n3A_224 : vector<16xi1>, vector<16xf32>
      %select_n3A_269 = arith.select %gt3A_267, %select_n3A_224, %select_n3A_264 : vector<16xi1>, vector<16xf32>
      %select_n3A_270 = arith.select %gt3A_267, %select_n3A_266, %select_n3A_226 : vector<16xi1>, vector<16xi32>
      %select_n3A_271 = arith.select %gt3A_267, %select_n3A_226, %select_n3A_266 : vector<16xi1>, vector<16xi32>
      %broadcast_in_dim3A_272 = arith.constant 6 : i32
      %broadcast_in_dim3A_273 = vector.broadcast %broadcast_in_dim3A_272 : i32 to vector<16xi32>
      %add3A_274 = arith.addi %mul3A_7, %broadcast_in_dim3A_273 : vector<16xi32>
      %gather3A_275 = tpu.vector_load_idx %arg7[%add3A_274] : memref<1024xf32, #tpu.memory_space<vmem>>[vector<16xi32>], vector<16xf32>,
      %gt3A_276 = arith.cmpf ogt, %gather3A_275, %select_n3A_233 : vector<16xf32>
      %select_n3A_277 = arith.select %gt3A_276, %gather3A_275, %select_n3A_233 : vector<16xi1>, vector<16xf32>
      %select_n3A_278 = arith.select %gt3A_276, %select_n3A_233, %gather3A_275 : vector<16xi1>, vector<16xf32>
      %select_n3A_279 = arith.select %gt3A_276, %broadcast_in_dim3A_273, %select_n3A_235 : vector<16xi1>, vector<16xi32>
      %select_n3A_280 = arith.select %gt3A_276, %select_n3A_235, %broadcast_in_dim3A_273 : vector<16xi1>, vector<16xi32>
      %gt3A_281 = arith.cmpf ogt, %select_n3A_278, %select_n3A_238 : vector<16xf32>
      %select_n3A_282 = arith.select %gt3A_281, %select_n3A_278, %select_n3A_238 : vector<16xi1>, vector<16xf32>
      %select_n3A_283 = arith.select %gt3A_281, %select_n3A_238, %select_n3A_278 : vector<16xi1>, vector<16xf32>
      %select_n3A_284 = arith.select %gt3A_281, %select_n3A_280, %select_n3A_240 : vector<16xi1>, vector<16xi32>
      %select_n3A_285 = arith.select %gt3A_281, %select_n3A_240, %select_n3A_280 : vector<16xi1>, vector<16xi32>
      %gt3A_286 = arith.cmpf ogt, %select_n3A_283, %select_n3A_243 : vector<16xf32>
      %select_n3A_287 = arith.select %gt3A_286, %select_n3A_283, %select_n3A_243 : vector<16xi1>, vector<16xf32>
      %select_n3A_288 = arith.select %gt3A_286, %select_n3A_243, %select_n3A_283 : vector<16xi1>, vector<16xf32>
      %select_n3A_289 = arith.select %gt3A_286, %select_n3A_285, %select_n3A_245 : vector<16xi1>, vector<16xi32>
      %select_n3A_290 = arith.select %gt3A_286, %select_n3A_245, %select_n3A_285 : vector<16xi1>, vector<16xi32>
      %gt3A_291 = arith.cmpf ogt, %select_n3A_288, %select_n3A_248 : vector<16xf32>
      %select_n3A_292 = arith.select %gt3A_291, %select_n3A_288, %select_n3A_248 : vector<16xi1>, vector<16xf32>
      %select_n3A_293 = arith.select %gt3A_291, %select_n3A_248, %select_n3A_288 : vector<16xi1>, vector<16xf32>
      %select_n3A_294 = arith.select %gt3A_291, %select_n3A_290, %select_n3A_250 : vector<16xi1>, vector<16xi32>
      %select_n3A_295 = arith.select %gt3A_291, %select_n3A_250, %select_n3A_290 : vector<16xi1>, vector<16xi32>
      %gt3A_296 = arith.cmpf ogt, %select_n3A_293, %select_n3A_253 : vector<16xf32>
      %select_n3A_297 = arith.select %gt3A_296, %select_n3A_293, %select_n3A_253 : vector<16xi1>, vector<16xf32>
      %select_n3A_298 = arith.select %gt3A_296, %select_n3A_253, %select_n3A_293 : vector<16xi1>, vector<16xf32>
      %select_n3A_299 = arith.select %gt3A_296, %select_n3A_295, %select_n3A_255 : vector<16xi1>, vector<16xi32>
      %select_n3A_300 = arith.select %gt3A_296, %select_n3A_255, %select_n3A_295 : vector<16xi1>, vector<16xi32>
      %gt3A_301 = arith.cmpf ogt, %select_n3A_298, %select_n3A_258 : vector<16xf32>
      %select_n3A_302 = arith.select %gt3A_301, %select_n3A_298, %select_n3A_258 : vector<16xi1>, vector<16xf32>
      %select_n3A_303 = arith.select %gt3A_301, %select_n3A_258, %select_n3A_298 : vector<16xi1>, vector<16xf32>
      %select_n3A_304 = arith.select %gt3A_301, %select_n3A_300, %select_n3A_260 : vector<16xi1>, vector<16xi32>
      %select_n3A_305 = arith.select %gt3A_301, %select_n3A_260, %select_n3A_300 : vector<16xi1>, vector<16xi32>
      %gt3A_306 = arith.cmpf ogt, %select_n3A_303, %select_n3A_263 : vector<16xf32>
      %select_n3A_307 = arith.select %gt3A_306, %select_n3A_303, %select_n3A_263 : vector<16xi1>, vector<16xf32>
      %select_n3A_308 = arith.select %gt3A_306, %select_n3A_263, %select_n3A_303 : vector<16xi1>, vector<16xf32>
      %select_n3A_309 = arith.select %gt3A_306, %select_n3A_305, %select_n3A_265 : vector<16xi1>, vector<16xi32>
      %select_n3A_310 = arith.select %gt3A_306, %select_n3A_265, %select_n3A_305 : vector<16xi1>, vector<16xi32>
      %gt3A_311 = arith.cmpf ogt, %select_n3A_308, %select_n3A_268 : vector<16xf32>
      %select_n3A_312 = arith.select %gt3A_311, %select_n3A_308, %select_n3A_268 : vector<16xi1>, vector<16xf32>
      %select_n3A_313 = arith.select %gt3A_311, %select_n3A_268, %select_n3A_308 : vector<16xi1>, vector<16xf32>
      %select_n3A_314 = arith.select %gt3A_311, %select_n3A_310, %select_n3A_270 : vector<16xi1>, vector<16xi32>
      %select_n3A_315 = arith.select %gt3A_311, %select_n3A_270, %select_n3A_310 : vector<16xi1>, vector<16xi32>
      %broadcast_in_dim3A_316 = arith.constant 7 : i32
      %broadcast_in_dim3A_317 = vector.broadcast %broadcast_in_dim3A_316 : i32 to vector<16xi32>
      %add3A_318 = arith.addi %mul3A_7, %broadcast_in_dim3A_317 : vector<16xi32>
      %gather3A_319 = tpu.vector_load_idx %arg7[%add3A_318] : memref<1024xf32, #tpu.memory_space<vmem>>[vector<16xi32>], vector<16xf32>,
      %gt3A_320 = arith.cmpf ogt, %gather3A_319, %select_n3A_277 : vector<16xf32>
      %select_n3A_321 = arith.select %gt3A_320, %gather3A_319, %select_n3A_277 : vector<16xi1>, vector<16xf32>
      %select_n3A_322 = arith.select %gt3A_320, %select_n3A_277, %gather3A_319 : vector<16xi1>, vector<16xf32>
      %select_n3A_323 = arith.select %gt3A_320, %broadcast_in_dim3A_317, %select_n3A_279 : vector<16xi1>, vector<16xi32>
      %select_n3A_324 = arith.select %gt3A_320, %select_n3A_279, %broadcast_in_dim3A_317 : vector<16xi1>, vector<16xi32>
      %gt3A_325 = arith.cmpf ogt, %select_n3A_322, %select_n3A_282 : vector<16xf32>
      %select_n3A_326 = arith.select %gt3A_325, %select_n3A_322, %select_n3A_282 : vector<16xi1>, vector<16xf32>
      %select_n3A_327 = arith.select %gt3A_325, %select_n3A_282, %select_n3A_322 : vector<16xi1>, vector<16xf32>
      %select_n3A_328 = arith.select %gt3A_325, %select_n3A_324, %select_n3A_284 : vector<16xi1>, vector<16xi32>
      %select_n3A_329 = arith.select %gt3A_325, %select_n3A_284, %select_n3A_324 : vector<16xi1>, vector<16xi32>
      %gt3A_330 = arith.cmpf ogt, %select_n3A_327, %select_n3A_287 : vector<16xf32>
      %select_n3A_331 = arith.select %gt3A_330, %select_n3A_327, %select_n3A_287 : vector<16xi1>, vector<16xf32>
      %select_n3A_332 = arith.select %gt3A_330, %select_n3A_287, %select_n3A_327 : vector<16xi1>, vector<16xf32>
      %select_n3A_333 = arith.select %gt3A_330, %select_n3A_329, %select_n3A_289 : vector<16xi1>, vector<16xi32>
      %select_n3A_334 = arith.select %gt3A_330, %select_n3A_289, %select_n3A_329 : vector<16xi1>, vector<16xi32>
      %gt3A_335 = arith.cmpf ogt, %select_n3A_332, %select_n3A_292 : vector<16xf32>
      %select_n3A_336 = arith.select %gt3A_335, %select_n3A_332, %select_n3A_292 : vector<16xi1>, vector<16xf32>
      %select_n3A_337 = arith.select %gt3A_335, %select_n3A_292, %select_n3A_332 : vector<16xi1>, vector<16xf32>
      %select_n3A_338 = arith.select %gt3A_335, %select_n3A_334, %select_n3A_294 : vector<16xi1>, vector<16xi32>
      %select_n3A_339 = arith.select %gt3A_335, %select_n3A_294, %select_n3A_334 : vector<16xi1>, vector<16xi32>
      %gt3A_340 = arith.cmpf ogt, %select_n3A_337, %select_n3A_297 : vector<16xf32>
      %select_n3A_341 = arith.select %gt3A_340, %select_n3A_337, %select_n3A_297 : vector<16xi1>, vector<16xf32>
      %select_n3A_342 = arith.select %gt3A_340, %select_n3A_297, %select_n3A_337 : vector<16xi1>, vector<16xf32>
      %select_n3A_343 = arith.select %gt3A_340, %select_n3A_339, %select_n3A_299 : vector<16xi1>, vector<16xi32>
      %select_n3A_344 = arith.select %gt3A_340, %select_n3A_299, %select_n3A_339 : vector<16xi1>, vector<16xi32>
      %gt3A_345 = arith.cmpf ogt, %select_n3A_342, %select_n3A_302 : vector<16xf32>
      %select_n3A_346 = arith.select %gt3A_345, %select_n3A_342, %select_n3A_302 : vector<16xi1>, vector<16xf32>
      %select_n3A_347 = arith.select %gt3A_345, %select_n3A_302, %select_n3A_342 : vector<16xi1>, vector<16xf32>
      %select_n3A_348 = arith.select %gt3A_345, %select_n3A_344, %select_n3A_304 : vector<16xi1>, vector<16xi32>
      %select_n3A_349 = arith.select %gt3A_345, %select_n3A_304, %select_n3A_344 : vector<16xi1>, vector<16xi32>
      %gt3A_350 = arith.cmpf ogt, %select_n3A_347, %select_n3A_307 : vector<16xf32>
      %select_n3A_351 = arith.select %gt3A_350, %select_n3A_347, %select_n3A_307 : vector<16xi1>, vector<16xf32>
      %select_n3A_352 = arith.select %gt3A_350, %select_n3A_307, %select_n3A_347 : vector<16xi1>, vector<16xf32>
      %select_n3A_353 = arith.select %gt3A_350, %select_n3A_349, %select_n3A_309 : vector<16xi1>, vector<16xi32>
      %select_n3A_354 = arith.select %gt3A_350, %select_n3A_309, %select_n3A_349 : vector<16xi1>, vector<16xi32>
      %gt3A_355 = arith.cmpf ogt, %select_n3A_352, %select_n3A_312 : vector<16xf32>
      %select_n3A_356 = arith.select %gt3A_355, %select_n3A_352, %select_n3A_312 : vector<16xi1>, vector<16xf32>
      %select_n3A_357 = arith.select %gt3A_355, %select_n3A_312, %select_n3A_352 : vector<16xi1>, vector<16xf32>
      %select_n3A_358 = arith.select %gt3A_355, %select_n3A_354, %select_n3A_314 : vector<16xi1>, vector<16xi32>
      %select_n3A_359 = arith.select %gt3A_355, %select_n3A_314, %select_n3A_354 : vector<16xi1>, vector<16xi32>
      %broadcast_in_dim3A_360 = arith.constant 8 : i32
      %broadcast_in_dim3A_361 = vector.broadcast %broadcast_in_dim3A_360 : i32 to vector<16xi32>
      %add3A_362 = arith.addi %mul3A_7, %broadcast_in_dim3A_361 : vector<16xi32>
      %gather3A_363 = tpu.vector_load_idx %arg7[%add3A_362] : memref<1024xf32, #tpu.memory_space<vmem>>[vector<16xi32>], vector<16xf32>,
      %gt3A_364 = arith.cmpf ogt, %gather3A_363, %select_n3A_321 : vector<16xf32>
      %select_n3A_365 = arith.select %gt3A_364, %gather3A_363, %select_n3A_321 : vector<16xi1>, vector<16xf32>
      %select_n3A_366 = arith.select %gt3A_364, %select_n3A_321, %gather3A_363 : vector<16xi1>, vector<16xf32>
      %select_n3A_367 = arith.select %gt3A_364, %broadcast_in_dim3A_361, %select_n3A_323 : vector<16xi1>, vector<16xi32>
      %select_n3A_368 = arith.select %gt3A_364, %select_n3A_323, %broadcast_in_dim3A_361 : vector<16xi1>, vector<16xi32>
      %gt3A_369 = arith.cmpf ogt, %select_n3A_366, %select_n3A_326 : vector<16xf32>
      %select_n3A_370 = arith.select %gt3A_369, %select_n3A_366, %select_n3A_326 : vector<16xi1>, vector<16xf32>
      %select_n3A_371 = arith.select %gt3A_369, %select_n3A_326, %select_n3A_366 : vector<16xi1>, vector<16xf32>
      %select_n3A_372 = arith.select %gt3A_369, %select_n3A_368, %select_n3A_328 : vector<16xi1>, vector<16xi32>
      %select_n3A_373 = arith.select %gt3A_369, %select_n3A_328, %select_n3A_368 : vector<16xi1>, vector<16xi32>
      %gt3A_374 = arith.cmpf ogt, %select_n3A_371, %select_n3A_331 : vector<16xf32>
      %select_n3A_375 = arith.select %gt3A_374, %select_n3A_371, %select_n3A_331 : vector<16xi1>, vector<16xf32>
      %select_n3A_376 = arith.select %gt3A_374, %select_n3A_331, %select_n3A_371 : vector<16xi1>, vector<16xf32>
      %select_n3A_377 = arith.select %gt3A_374, %select_n3A_373, %select_n3A_333 : vector<16xi1>, vector<16xi32>
      %select_n3A_378 = arith.select %gt3A_374, %select_n3A_333, %select_n3A_373 : vector<16xi1>, vector<16xi32>
      %gt3A_379 = arith.cmpf ogt, %select_n3A_376, %select_n3A_336 : vector<16xf32>
      %select_n3A_380 = arith.select %gt3A_379, %select_n3A_376, %select_n3A_336 : vector<16xi1>, vector<16xf32>
      %select_n3A_381 = arith.select %gt3A_379, %select_n3A_336, %select_n3A_376 : vector<16xi1>, vector<16xf32>
      %select_n3A_382 = arith.select %gt3A_379, %select_n3A_378, %select_n3A_338 : vector<16xi1>, vector<16xi32>
      %select_n3A_383 = arith.select %gt3A_379, %select_n3A_338, %select_n3A_378 : vector<16xi1>, vector<16xi32>
      %gt3A_384 = arith.cmpf ogt, %select_n3A_381, %select_n3A_341 : vector<16xf32>
      %select_n3A_385 = arith.select %gt3A_384, %select_n3A_381, %select_n3A_341 : vector<16xi1>, vector<16xf32>
      %select_n3A_386 = arith.select %gt3A_384, %select_n3A_341, %select_n3A_381 : vector<16xi1>, vector<16xf32>
      %select_n3A_387 = arith.select %gt3A_384, %select_n3A_383, %select_n3A_343 : vector<16xi1>, vector<16xi32>
      %select_n3A_388 = arith.select %gt3A_384, %select_n3A_343, %select_n3A_383 : vector<16xi1>, vector<16xi32>
      %gt3A_389 = arith.cmpf ogt, %select_n3A_386, %select_n3A_346 : vector<16xf32>
      %select_n3A_390 = arith.select %gt3A_389, %select_n3A_386, %select_n3A_346 : vector<16xi1>, vector<16xf32>
      %select_n3A_391 = arith.select %gt3A_389, %select_n3A_346, %select_n3A_386 : vector<16xi1>, vector<16xf32>
      %select_n3A_392 = arith.select %gt3A_389, %select_n3A_388, %select_n3A_348 : vector<16xi1>, vector<16xi32>
      %select_n3A_393 = arith.select %gt3A_389, %select_n3A_348, %select_n3A_388 : vector<16xi1>, vector<16xi32>
      %gt3A_394 = arith.cmpf ogt, %select_n3A_391, %select_n3A_351 : vector<16xf32>
      %select_n3A_395 = arith.select %gt3A_394, %select_n3A_391, %select_n3A_351 : vector<16xi1>, vector<16xf32>
      %select_n3A_396 = arith.select %gt3A_394, %select_n3A_351, %select_n3A_391 : vector<16xi1>, vector<16xf32>
      %select_n3A_397 = arith.select %gt3A_394, %select_n3A_393, %select_n3A_353 : vector<16xi1>, vector<16xi32>
      %select_n3A_398 = arith.select %gt3A_394, %select_n3A_353, %select_n3A_393 : vector<16xi1>, vector<16xi32>
      %gt3A_399 = arith.cmpf ogt, %select_n3A_396, %select_n3A_356 : vector<16xf32>
      %select_n3A_400 = arith.select %gt3A_399, %select_n3A_396, %select_n3A_356 : vector<16xi1>, vector<16xf32>
      %select_n3A_401 = arith.select %gt3A_399, %select_n3A_356, %select_n3A_396 : vector<16xi1>, vector<16xf32>
      %select_n3A_402 = arith.select %gt3A_399, %select_n3A_398, %select_n3A_358 : vector<16xi1>, vector<16xi32>
      %select_n3A_403 = arith.select %gt3A_399, %select_n3A_358, %select_n3A_398 : vector<16xi1>, vector<16xi32>
      %broadcast_in_dim3A_404 = arith.constant 9 : i32
      %broadcast_in_dim3A_405 = vector.broadcast %broadcast_in_dim3A_404 : i32 to vector<16xi32>
      %add3A_406 = arith.addi %mul3A_7, %broadcast_in_dim3A_405 : vector<16xi32>
      %gather3A_407 = tpu.vector_load_idx %arg7[%add3A_406] : memref<1024xf32, #tpu.memory_space<vmem>>[vector<16xi32>], vector<16xf32>,
      %gt3A_408 = arith.cmpf ogt, %gather3A_407, %select_n3A_365 : vector<16xf32>
      %select_n3A_409 = arith.select %gt3A_408, %gather3A_407, %select_n3A_365 : vector<16xi1>, vector<16xf32>
      %select_n3A_410 = arith.select %gt3A_408, %select_n3A_365, %gather3A_407 : vector<16xi1>, vector<16xf32>
      %select_n3A_411 = arith.select %gt3A_408, %broadcast_in_dim3A_405, %select_n3A_367 : vector<16xi1>, vector<16xi32>
      %select_n3A_412 = arith.select %gt3A_408, %select_n3A_367, %broadcast_in_dim3A_405 : vector<16xi1>, vector<16xi32>
      %gt3A_413 = arith.cmpf ogt, %select_n3A_410, %select_n3A_370 : vector<16xf32>
      %select_n3A_414 = arith.select %gt3A_413, %select_n3A_410, %select_n3A_370 : vector<16xi1>, vector<16xf32>
      %select_n3A_415 = arith.select %gt3A_413, %select_n3A_370, %select_n3A_410 : vector<16xi1>, vector<16xf32>
      %select_n3A_416 = arith.select %gt3A_413, %select_n3A_412, %select_n3A_372 : vector<16xi1>, vector<16xi32>
      %select_n3A_417 = arith.select %gt3A_413, %select_n3A_372, %select_n3A_412 : vector<16xi1>, vector<16xi32>
      %gt3A_418 = arith.cmpf ogt, %select_n3A_415, %select_n3A_375 : vector<16xf32>
      %select_n3A_419 = arith.select %gt3A_418, %select_n3A_415, %select_n3A_375 : vector<16xi1>, vector<16xf32>
      %select_n3A_420 = arith.select %gt3A_418, %select_n3A_375, %select_n3A_415 : vector<16xi1>, vector<16xf32>
      %select_n3A_421 = arith.select %gt3A_418, %select_n3A_417, %select_n3A_377 : vector<16xi1>, vector<16xi32>
      %select_n3A_422 = arith.select %gt3A_418, %select_n3A_377, %select_n3A_417 : vector<16xi1>, vector<16xi32>
      %gt3A_423 = arith.cmpf ogt, %select_n3A_420, %select_n3A_380 : vector<16xf32>
      %select_n3A_424 = arith.select %gt3A_423, %select_n3A_420, %select_n3A_380 : vector<16xi1>, vector<16xf32>
      %select_n3A_425 = arith.select %gt3A_423, %select_n3A_380, %select_n3A_420 : vector<16xi1>, vector<16xf32>
      %select_n3A_426 = arith.select %gt3A_423, %select_n3A_422, %select_n3A_382 : vector<16xi1>, vector<16xi32>
      %select_n3A_427 = arith.select %gt3A_423, %select_n3A_382, %select_n3A_422 : vector<16xi1>, vector<16xi32>
      %gt3A_428 = arith.cmpf ogt, %select_n3A_425, %select_n3A_385 : vector<16xf32>
      %select_n3A_429 = arith.select %gt3A_428, %select_n3A_425, %select_n3A_385 : vector<16xi1>, vector<16xf32>
      %select_n3A_430 = arith.select %gt3A_428, %select_n3A_385, %select_n3A_425 : vector<16xi1>, vector<16xf32>
      %select_n3A_431 = arith.select %gt3A_428, %select_n3A_427, %select_n3A_387 : vector<16xi1>, vector<16xi32>
      %select_n3A_432 = arith.select %gt3A_428, %select_n3A_387, %select_n3A_427 : vector<16xi1>, vector<16xi32>
      %gt3A_433 = arith.cmpf ogt, %select_n3A_430, %select_n3A_390 : vector<16xf32>
      %select_n3A_434 = arith.select %gt3A_433, %select_n3A_430, %select_n3A_390 : vector<16xi1>, vector<16xf32>
      %select_n3A_435 = arith.select %gt3A_433, %select_n3A_390, %select_n3A_430 : vector<16xi1>, vector<16xf32>
      %select_n3A_436 = arith.select %gt3A_433, %select_n3A_432, %select_n3A_392 : vector<16xi1>, vector<16xi32>
      %select_n3A_437 = arith.select %gt3A_433, %select_n3A_392, %select_n3A_432 : vector<16xi1>, vector<16xi32>
      %gt3A_438 = arith.cmpf ogt, %select_n3A_435, %select_n3A_395 : vector<16xf32>
      %select_n3A_439 = arith.select %gt3A_438, %select_n3A_435, %select_n3A_395 : vector<16xi1>, vector<16xf32>
      %select_n3A_440 = arith.select %gt3A_438, %select_n3A_395, %select_n3A_435 : vector<16xi1>, vector<16xf32>
      %select_n3A_441 = arith.select %gt3A_438, %select_n3A_437, %select_n3A_397 : vector<16xi1>, vector<16xi32>
      %select_n3A_442 = arith.select %gt3A_438, %select_n3A_397, %select_n3A_437 : vector<16xi1>, vector<16xi32>
      %gt3A_443 = arith.cmpf ogt, %select_n3A_440, %select_n3A_400 : vector<16xf32>
      %select_n3A_444 = arith.select %gt3A_443, %select_n3A_440, %select_n3A_400 : vector<16xi1>, vector<16xf32>
      %select_n3A_445 = arith.select %gt3A_443, %select_n3A_400, %select_n3A_440 : vector<16xi1>, vector<16xf32>
      %select_n3A_446 = arith.select %gt3A_443, %select_n3A_442, %select_n3A_402 : vector<16xi1>, vector<16xi32>
      %select_n3A_447 = arith.select %gt3A_443, %select_n3A_402, %select_n3A_442 : vector<16xi1>, vector<16xi32>
      %broadcast_in_dim3A_448 = arith.constant 10 : i32
      %broadcast_in_dim3A_449 = vector.broadcast %broadcast_in_dim3A_448 : i32 to vector<16xi32>
      %add3A_450 = arith.addi %mul3A_7, %broadcast_in_dim3A_449 : vector<16xi32>
      %gather3A_451 = tpu.vector_load_idx %arg7[%add3A_450] : memref<1024xf32, #tpu.memory_space<vmem>>[vector<16xi32>], vector<16xf32>,
      %gt3A_452 = arith.cmpf ogt, %gather3A_451, %select_n3A_409 : vector<16xf32>
      %select_n3A_453 = arith.select %gt3A_452, %gather3A_451, %select_n3A_409 : vector<16xi1>, vector<16xf32>
      %select_n3A_454 = arith.select %gt3A_452, %select_n3A_409, %gather3A_451 : vector<16xi1>, vector<16xf32>
      %select_n3A_455 = arith.select %gt3A_452, %broadcast_in_dim3A_449, %select_n3A_411 : vector<16xi1>, vector<16xi32>
      %select_n3A_456 = arith.select %gt3A_452, %select_n3A_411, %broadcast_in_dim3A_449 : vector<16xi1>, vector<16xi32>
      %gt3A_457 = arith.cmpf ogt, %select_n3A_454, %select_n3A_414 : vector<16xf32>
      %select_n3A_458 = arith.select %gt3A_457, %select_n3A_454, %select_n3A_414 : vector<16xi1>, vector<16xf32>
      %select_n3A_459 = arith.select %gt3A_457, %select_n3A_414, %select_n3A_454 : vector<16xi1>, vector<16xf32>
      %select_n3A_460 = arith.select %gt3A_457, %select_n3A_456, %select_n3A_416 : vector<16xi1>, vector<16xi32>
      %select_n3A_461 = arith.select %gt3A_457, %select_n3A_416, %select_n3A_456 : vector<16xi1>, vector<16xi32>
      %gt3A_462 = arith.cmpf ogt, %select_n3A_459, %select_n3A_419 : vector<16xf32>
      %select_n3A_463 = arith.select %gt3A_462, %select_n3A_459, %select_n3A_419 : vector<16xi1>, vector<16xf32>
      %select_n3A_464 = arith.select %gt3A_462, %select_n3A_419, %select_n3A_459 : vector<16xi1>, vector<16xf32>
      %select_n3A_465 = arith.select %gt3A_462, %select_n3A_461, %select_n3A_421 : vector<16xi1>, vector<16xi32>
      %select_n3A_466 = arith.select %gt3A_462, %select_n3A_421, %select_n3A_461 : vector<16xi1>, vector<16xi32>
      %gt3A_467 = arith.cmpf ogt, %select_n3A_464, %select_n3A_424 : vector<16xf32>
      %select_n3A_468 = arith.select %gt3A_467, %select_n3A_464, %select_n3A_424 : vector<16xi1>, vector<16xf32>
      %select_n3A_469 = arith.select %gt3A_467, %select_n3A_424, %select_n3A_464 : vector<16xi1>, vector<16xf32>
      %select_n3A_470 = arith.select %gt3A_467, %select_n3A_466, %select_n3A_426 : vector<16xi1>, vector<16xi32>
      %select_n3A_471 = arith.select %gt3A_467, %select_n3A_426, %select_n3A_466 : vector<16xi1>, vector<16xi32>
      %gt3A_472 = arith.cmpf ogt, %select_n3A_469, %select_n3A_429 : vector<16xf32>
      %select_n3A_473 = arith.select %gt3A_472, %select_n3A_469, %select_n3A_429 : vector<16xi1>, vector<16xf32>
      %select_n3A_474 = arith.select %gt3A_472, %select_n3A_429, %select_n3A_469 : vector<16xi1>, vector<16xf32>
      %select_n3A_475 = arith.select %gt3A_472, %select_n3A_471, %select_n3A_431 : vector<16xi1>, vector<16xi32>
      %select_n3A_476 = arith.select %gt3A_472, %select_n3A_431, %select_n3A_471 : vector<16xi1>, vector<16xi32>
      %gt3A_477 = arith.cmpf ogt, %select_n3A_474, %select_n3A_434 : vector<16xf32>
      %select_n3A_478 = arith.select %gt3A_477, %select_n3A_474, %select_n3A_434 : vector<16xi1>, vector<16xf32>
      %select_n3A_479 = arith.select %gt3A_477, %select_n3A_434, %select_n3A_474 : vector<16xi1>, vector<16xf32>
      %select_n3A_480 = arith.select %gt3A_477, %select_n3A_476, %select_n3A_436 : vector<16xi1>, vector<16xi32>
      %select_n3A_481 = arith.select %gt3A_477, %select_n3A_436, %select_n3A_476 : vector<16xi1>, vector<16xi32>
      %gt3A_482 = arith.cmpf ogt, %select_n3A_479, %select_n3A_439 : vector<16xf32>
      %select_n3A_483 = arith.select %gt3A_482, %select_n3A_479, %select_n3A_439 : vector<16xi1>, vector<16xf32>
      %select_n3A_484 = arith.select %gt3A_482, %select_n3A_439, %select_n3A_479 : vector<16xi1>, vector<16xf32>
      %select_n3A_485 = arith.select %gt3A_482, %select_n3A_481, %select_n3A_441 : vector<16xi1>, vector<16xi32>
      %select_n3A_486 = arith.select %gt3A_482, %select_n3A_441, %select_n3A_481 : vector<16xi1>, vector<16xi32>
      %gt3A_487 = arith.cmpf ogt, %select_n3A_484, %select_n3A_444 : vector<16xf32>
      %select_n3A_488 = arith.select %gt3A_487, %select_n3A_484, %select_n3A_444 : vector<16xi1>, vector<16xf32>
      %select_n3A_489 = arith.select %gt3A_487, %select_n3A_444, %select_n3A_484 : vector<16xi1>, vector<16xf32>
      %select_n3A_490 = arith.select %gt3A_487, %select_n3A_486, %select_n3A_446 : vector<16xi1>, vector<16xi32>
      %select_n3A_491 = arith.select %gt3A_487, %select_n3A_446, %select_n3A_486 : vector<16xi1>, vector<16xi32>
      %broadcast_in_dim3A_492 = arith.constant 11 : i32
      %broadcast_in_dim3A_493 = vector.broadcast %broadcast_in_dim3A_492 : i32 to vector<16xi32>
      %add3A_494 = arith.addi %mul3A_7, %broadcast_in_dim3A_493 : vector<16xi32>
      %gather3A_495 = tpu.vector_load_idx %arg7[%add3A_494] : memref<1024xf32, #tpu.memory_space<vmem>>[vector<16xi32>], vector<16xf32>,
      %gt3A_496 = arith.cmpf ogt, %gather3A_495, %select_n3A_453 : vector<16xf32>
      %select_n3A_497 = arith.select %gt3A_496, %gather3A_495, %select_n3A_453 : vector<16xi1>, vector<16xf32>
      %select_n3A_498 = arith.select %gt3A_496, %select_n3A_453, %gather3A_495 : vector<16xi1>, vector<16xf32>
      %select_n3A_499 = arith.select %gt3A_496, %broadcast_in_dim3A_493, %select_n3A_455 : vector<16xi1>, vector<16xi32>
      %select_n3A_500 = arith.select %gt3A_496, %select_n3A_455, %broadcast_in_dim3A_493 : vector<16xi1>, vector<16xi32>
      %gt3A_501 = arith.cmpf ogt, %select_n3A_498, %select_n3A_458 : vector<16xf32>
      %select_n3A_502 = arith.select %gt3A_501, %select_n3A_498, %select_n3A_458 : vector<16xi1>, vector<16xf32>
      %select_n3A_503 = arith.select %gt3A_501, %select_n3A_458, %select_n3A_498 : vector<16xi1>, vector<16xf32>
      %select_n3A_504 = arith.select %gt3A_501, %select_n3A_500, %select_n3A_460 : vector<16xi1>, vector<16xi32>
      %select_n3A_505 = arith.select %gt3A_501, %select_n3A_460, %select_n3A_500 : vector<16xi1>, vector<16xi32>
      %gt3A_506 = arith.cmpf ogt, %select_n3A_503, %select_n3A_463 : vector<16xf32>
      %select_n3A_507 = arith.select %gt3A_506, %select_n3A_503, %select_n3A_463 : vector<16xi1>, vector<16xf32>
      %select_n3A_508 = arith.select %gt3A_506, %select_n3A_463, %select_n3A_503 : vector<16xi1>, vector<16xf32>
      %select_n3A_509 = arith.select %gt3A_506, %select_n3A_505, %select_n3A_465 : vector<16xi1>, vector<16xi32>
      %select_n3A_510 = arith.select %gt3A_506, %select_n3A_465, %select_n3A_505 : vector<16xi1>, vector<16xi32>
      %gt3A_511 = arith.cmpf ogt, %select_n3A_508, %select_n3A_468 : vector<16xf32>
      %select_n3A_512 = arith.select %gt3A_511, %select_n3A_508, %select_n3A_468 : vector<16xi1>, vector<16xf32>
      %select_n3A_513 = arith.select %gt3A_511, %select_n3A_468, %select_n3A_508 : vector<16xi1>, vector<16xf32>
      %select_n3A_514 = arith.select %gt3A_511, %select_n3A_510, %select_n3A_470 : vector<16xi1>, vector<16xi32>
      %select_n3A_515 = arith.select %gt3A_511, %select_n3A_470, %select_n3A_510 : vector<16xi1>, vector<16xi32>
      %gt3A_516 = arith.cmpf ogt, %select_n3A_513, %select_n3A_473 : vector<16xf32>
      %select_n3A_517 = arith.select %gt3A_516, %select_n3A_513, %select_n3A_473 : vector<16xi1>, vector<16xf32>
      %select_n3A_518 = arith.select %gt3A_516, %select_n3A_473, %select_n3A_513 : vector<16xi1>, vector<16xf32>
      %select_n3A_519 = arith.select %gt3A_516, %select_n3A_515, %select_n3A_475 : vector<16xi1>, vector<16xi32>
      %select_n3A_520 = arith.select %gt3A_516, %select_n3A_475, %select_n3A_515 : vector<16xi1>, vector<16xi32>
      %gt3A_521 = arith.cmpf ogt, %select_n3A_518, %select_n3A_478 : vector<16xf32>
      %select_n3A_522 = arith.select %gt3A_521, %select_n3A_518, %select_n3A_478 : vector<16xi1>, vector<16xf32>
      %select_n3A_523 = arith.select %gt3A_521, %select_n3A_478, %select_n3A_518 : vector<16xi1>, vector<16xf32>
      %select_n3A_524 = arith.select %gt3A_521, %select_n3A_520, %select_n3A_480 : vector<16xi1>, vector<16xi32>
      %select_n3A_525 = arith.select %gt3A_521, %select_n3A_480, %select_n3A_520 : vector<16xi1>, vector<16xi32>
      %gt3A_526 = arith.cmpf ogt, %select_n3A_523, %select_n3A_483 : vector<16xf32>
      %select_n3A_527 = arith.select %gt3A_526, %select_n3A_523, %select_n3A_483 : vector<16xi1>, vector<16xf32>
      %select_n3A_528 = arith.select %gt3A_526, %select_n3A_483, %select_n3A_523 : vector<16xi1>, vector<16xf32>
      %select_n3A_529 = arith.select %gt3A_526, %select_n3A_525, %select_n3A_485 : vector<16xi1>, vector<16xi32>
      %select_n3A_530 = arith.select %gt3A_526, %select_n3A_485, %select_n3A_525 : vector<16xi1>, vector<16xi32>
      %gt3A_531 = arith.cmpf ogt, %select_n3A_528, %select_n3A_488 : vector<16xf32>
      %select_n3A_532 = arith.select %gt3A_531, %select_n3A_528, %select_n3A_488 : vector<16xi1>, vector<16xf32>
      %select_n3A_533 = arith.select %gt3A_531, %select_n3A_488, %select_n3A_528 : vector<16xi1>, vector<16xf32>
      %select_n3A_534 = arith.select %gt3A_531, %select_n3A_530, %select_n3A_490 : vector<16xi1>, vector<16xi32>
      %select_n3A_535 = arith.select %gt3A_531, %select_n3A_490, %select_n3A_530 : vector<16xi1>, vector<16xi32>
      %broadcast_in_dim3A_536 = arith.constant 12 : i32
      %broadcast_in_dim3A_537 = vector.broadcast %broadcast_in_dim3A_536 : i32 to vector<16xi32>
      %add3A_538 = arith.addi %mul3A_7, %broadcast_in_dim3A_537 : vector<16xi32>
      %gather3A_539 = tpu.vector_load_idx %arg7[%add3A_538] : memref<1024xf32, #tpu.memory_space<vmem>>[vector<16xi32>], vector<16xf32>,
      %gt3A_540 = arith.cmpf ogt, %gather3A_539, %select_n3A_497 : vector<16xf32>
      %select_n3A_541 = arith.select %gt3A_540, %gather3A_539, %select_n3A_497 : vector<16xi1>, vector<16xf32>
      %select_n3A_542 = arith.select %gt3A_540, %select_n3A_497, %gather3A_539 : vector<16xi1>, vector<16xf32>
      %select_n3A_543 = arith.select %gt3A_540, %broadcast_in_dim3A_537, %select_n3A_499 : vector<16xi1>, vector<16xi32>
      %select_n3A_544 = arith.select %gt3A_540, %select_n3A_499, %broadcast_in_dim3A_537 : vector<16xi1>, vector<16xi32>
      %gt3A_545 = arith.cmpf ogt, %select_n3A_542, %select_n3A_502 : vector<16xf32>
      %select_n3A_546 = arith.select %gt3A_545, %select_n3A_542, %select_n3A_502 : vector<16xi1>, vector<16xf32>
      %select_n3A_547 = arith.select %gt3A_545, %select_n3A_502, %select_n3A_542 : vector<16xi1>, vector<16xf32>
      %select_n3A_548 = arith.select %gt3A_545, %select_n3A_544, %select_n3A_504 : vector<16xi1>, vector<16xi32>
      %select_n3A_549 = arith.select %gt3A_545, %select_n3A_504, %select_n3A_544 : vector<16xi1>, vector<16xi32>
      %gt3A_550 = arith.cmpf ogt, %select_n3A_547, %select_n3A_507 : vector<16xf32>
      %select_n3A_551 = arith.select %gt3A_550, %select_n3A_547, %select_n3A_507 : vector<16xi1>, vector<16xf32>
      %select_n3A_552 = arith.select %gt3A_550, %select_n3A_507, %select_n3A_547 : vector<16xi1>, vector<16xf32>
      %select_n3A_553 = arith.select %gt3A_550, %select_n3A_549, %select_n3A_509 : vector<16xi1>, vector<16xi32>
      %select_n3A_554 = arith.select %gt3A_550, %select_n3A_509, %select_n3A_549 : vector<16xi1>, vector<16xi32>
      %gt3A_555 = arith.cmpf ogt, %select_n3A_552, %select_n3A_512 : vector<16xf32>
      %select_n3A_556 = arith.select %gt3A_555, %select_n3A_552, %select_n3A_512 : vector<16xi1>, vector<16xf32>
      %select_n3A_557 = arith.select %gt3A_555, %select_n3A_512, %select_n3A_552 : vector<16xi1>, vector<16xf32>
      %select_n3A_558 = arith.select %gt3A_555, %select_n3A_554, %select_n3A_514 : vector<16xi1>, vector<16xi32>
      %select_n3A_559 = arith.select %gt3A_555, %select_n3A_514, %select_n3A_554 : vector<16xi1>, vector<16xi32>
      %gt3A_560 = arith.cmpf ogt, %select_n3A_557, %select_n3A_517 : vector<16xf32>
      %select_n3A_561 = arith.select %gt3A_560, %select_n3A_557, %select_n3A_517 : vector<16xi1>, vector<16xf32>
      %select_n3A_562 = arith.select %gt3A_560, %select_n3A_517, %select_n3A_557 : vector<16xi1>, vector<16xf32>
      %select_n3A_563 = arith.select %gt3A_560, %select_n3A_559, %select_n3A_519 : vector<16xi1>, vector<16xi32>
      %select_n3A_564 = arith.select %gt3A_560, %select_n3A_519, %select_n3A_559 : vector<16xi1>, vector<16xi32>
      %gt3A_565 = arith.cmpf ogt, %select_n3A_562, %select_n3A_522 : vector<16xf32>
      %select_n3A_566 = arith.select %gt3A_565, %select_n3A_562, %select_n3A_522 : vector<16xi1>, vector<16xf32>
      %select_n3A_567 = arith.select %gt3A_565, %select_n3A_522, %select_n3A_562 : vector<16xi1>, vector<16xf32>
      %select_n3A_568 = arith.select %gt3A_565, %select_n3A_564, %select_n3A_524 : vector<16xi1>, vector<16xi32>
      %select_n3A_569 = arith.select %gt3A_565, %select_n3A_524, %select_n3A_564 : vector<16xi1>, vector<16xi32>
      %gt3A_570 = arith.cmpf ogt, %select_n3A_567, %select_n3A_527 : vector<16xf32>
      %select_n3A_571 = arith.select %gt3A_570, %select_n3A_567, %select_n3A_527 : vector<16xi1>, vector<16xf32>
      %select_n3A_572 = arith.select %gt3A_570, %select_n3A_527, %select_n3A_567 : vector<16xi1>, vector<16xf32>
      %select_n3A_573 = arith.select %gt3A_570, %select_n3A_569, %select_n3A_529 : vector<16xi1>, vector<16xi32>
      %select_n3A_574 = arith.select %gt3A_570, %select_n3A_529, %select_n3A_569 : vector<16xi1>, vector<16xi32>
      %gt3A_575 = arith.cmpf ogt, %select_n3A_572, %select_n3A_532 : vector<16xf32>
      %select_n3A_576 = arith.select %gt3A_575, %select_n3A_572, %select_n3A_532 : vector<16xi1>, vector<16xf32>
      %select_n3A_577 = arith.select %gt3A_575, %select_n3A_532, %select_n3A_572 : vector<16xi1>, vector<16xf32>
      %select_n3A_578 = arith.select %gt3A_575, %select_n3A_574, %select_n3A_534 : vector<16xi1>, vector<16xi32>
      %select_n3A_579 = arith.select %gt3A_575, %select_n3A_534, %select_n3A_574 : vector<16xi1>, vector<16xi32>
      %broadcast_in_dim3A_580 = arith.constant 13 : i32
      %broadcast_in_dim3A_581 = vector.broadcast %broadcast_in_dim3A_580 : i32 to vector<16xi32>
      %add3A_582 = arith.addi %mul3A_7, %broadcast_in_dim3A_581 : vector<16xi32>
      %gather3A_583 = tpu.vector_load_idx %arg7[%add3A_582] : memref<1024xf32, #tpu.memory_space<vmem>>[vector<16xi32>], vector<16xf32>,
      %gt3A_584 = arith.cmpf ogt, %gather3A_583, %select_n3A_541 : vector<16xf32>
      %select_n3A_585 = arith.select %gt3A_584, %gather3A_583, %select_n3A_541 : vector<16xi1>, vector<16xf32>
      %select_n3A_586 = arith.select %gt3A_584, %select_n3A_541, %gather3A_583 : vector<16xi1>, vector<16xf32>
      %select_n3A_587 = arith.select %gt3A_584, %broadcast_in_dim3A_581, %select_n3A_543 : vector<16xi1>, vector<16xi32>
      %select_n3A_588 = arith.select %gt3A_584, %select_n3A_543, %broadcast_in_dim3A_581 : vector<16xi1>, vector<16xi32>
      %gt3A_589 = arith.cmpf ogt, %select_n3A_586, %select_n3A_546 : vector<16xf32>
      %select_n3A_590 = arith.select %gt3A_589, %select_n3A_586, %select_n3A_546 : vector<16xi1>, vector<16xf32>
      %select_n3A_591 = arith.select %gt3A_589, %select_n3A_546, %select_n3A_586 : vector<16xi1>, vector<16xf32>
      %select_n3A_592 = arith.select %gt3A_589, %select_n3A_588, %select_n3A_548 : vector<16xi1>, vector<16xi32>
      %select_n3A_593 = arith.select %gt3A_589, %select_n3A_548, %select_n3A_588 : vector<16xi1>, vector<16xi32>
      %gt3A_594 = arith.cmpf ogt, %select_n3A_591, %select_n3A_551 : vector<16xf32>
      %select_n3A_595 = arith.select %gt3A_594, %select_n3A_591, %select_n3A_551 : vector<16xi1>, vector<16xf32>
      %select_n3A_596 = arith.select %gt3A_594, %select_n3A_551, %select_n3A_591 : vector<16xi1>, vector<16xf32>
      %select_n3A_597 = arith.select %gt3A_594, %select_n3A_593, %select_n3A_553 : vector<16xi1>, vector<16xi32>
      %select_n3A_598 = arith.select %gt3A_594, %select_n3A_553, %select_n3A_593 : vector<16xi1>, vector<16xi32>
      %gt3A_599 = arith.cmpf ogt, %select_n3A_596, %select_n3A_556 : vector<16xf32>
      %select_n3A_600 = arith.select %gt3A_599, %select_n3A_596, %select_n3A_556 : vector<16xi1>, vector<16xf32>
      %select_n3A_601 = arith.select %gt3A_599, %select_n3A_556, %select_n3A_596 : vector<16xi1>, vector<16xf32>
      %select_n3A_602 = arith.select %gt3A_599, %select_n3A_598, %select_n3A_558 : vector<16xi1>, vector<16xi32>
      %select_n3A_603 = arith.select %gt3A_599, %select_n3A_558, %select_n3A_598 : vector<16xi1>, vector<16xi32>
      %gt3A_604 = arith.cmpf ogt, %select_n3A_601, %select_n3A_561 : vector<16xf32>
      %select_n3A_605 = arith.select %gt3A_604, %select_n3A_601, %select_n3A_561 : vector<16xi1>, vector<16xf32>
      %select_n3A_606 = arith.select %gt3A_604, %select_n3A_561, %select_n3A_601 : vector<16xi1>, vector<16xf32>
      %select_n3A_607 = arith.select %gt3A_604, %select_n3A_603, %select_n3A_563 : vector<16xi1>, vector<16xi32>
      %select_n3A_608 = arith.select %gt3A_604, %select_n3A_563, %select_n3A_603 : vector<16xi1>, vector<16xi32>
      %gt3A_609 = arith.cmpf ogt, %select_n3A_606, %select_n3A_566 : vector<16xf32>
      %select_n3A_610 = arith.select %gt3A_609, %select_n3A_606, %select_n3A_566 : vector<16xi1>, vector<16xf32>
      %select_n3A_611 = arith.select %gt3A_609, %select_n3A_566, %select_n3A_606 : vector<16xi1>, vector<16xf32>
      %select_n3A_612 = arith.select %gt3A_609, %select_n3A_608, %select_n3A_568 : vector<16xi1>, vector<16xi32>
      %select_n3A_613 = arith.select %gt3A_609, %select_n3A_568, %select_n3A_608 : vector<16xi1>, vector<16xi32>
      %gt3A_614 = arith.cmpf ogt, %select_n3A_611, %select_n3A_571 : vector<16xf32>
      %select_n3A_615 = arith.select %gt3A_614, %select_n3A_611, %select_n3A_571 : vector<16xi1>, vector<16xf32>
      %select_n3A_616 = arith.select %gt3A_614, %select_n3A_571, %select_n3A_611 : vector<16xi1>, vector<16xf32>
      %select_n3A_617 = arith.select %gt3A_614, %select_n3A_613, %select_n3A_573 : vector<16xi1>, vector<16xi32>
      %select_n3A_618 = arith.select %gt3A_614, %select_n3A_573, %select_n3A_613 : vector<16xi1>, vector<16xi32>
      %gt3A_619 = arith.cmpf ogt, %select_n3A_616, %select_n3A_576 : vector<16xf32>
      %select_n3A_620 = arith.select %gt3A_619, %select_n3A_616, %select_n3A_576 : vector<16xi1>, vector<16xf32>
      %select_n3A_621 = arith.select %gt3A_619, %select_n3A_576, %select_n3A_616 : vector<16xi1>, vector<16xf32>
      %select_n3A_622 = arith.select %gt3A_619, %select_n3A_618, %select_n3A_578 : vector<16xi1>, vector<16xi32>
      %select_n3A_623 = arith.select %gt3A_619, %select_n3A_578, %select_n3A_618 : vector<16xi1>, vector<16xi32>
      %broadcast_in_dim3A_624 = arith.constant 14 : i32
      %broadcast_in_dim3A_625 = vector.broadcast %broadcast_in_dim3A_624 : i32 to vector<16xi32>
      %add3A_626 = arith.addi %mul3A_7, %broadcast_in_dim3A_625 : vector<16xi32>
      %gather3A_627 = tpu.vector_load_idx %arg7[%add3A_626] : memref<1024xf32, #tpu.memory_space<vmem>>[vector<16xi32>], vector<16xf32>,
      %gt3A_628 = arith.cmpf ogt, %gather3A_627, %select_n3A_585 : vector<16xf32>
      %select_n3A_629 = arith.select %gt3A_628, %gather3A_627, %select_n3A_585 : vector<16xi1>, vector<16xf32>
      %select_n3A_630 = arith.select %gt3A_628, %select_n3A_585, %gather3A_627 : vector<16xi1>, vector<16xf32>
      %select_n3A_631 = arith.select %gt3A_628, %broadcast_in_dim3A_625, %select_n3A_587 : vector<16xi1>, vector<16xi32>
      %select_n3A_632 = arith.select %gt3A_628, %select_n3A_587, %broadcast_in_dim3A_625 : vector<16xi1>, vector<16xi32>
      %gt3A_633 = arith.cmpf ogt, %select_n3A_630, %select_n3A_590 : vector<16xf32>
      %select_n3A_634 = arith.select %gt3A_633, %select_n3A_630, %select_n3A_590 : vector<16xi1>, vector<16xf32>
      %select_n3A_635 = arith.select %gt3A_633, %select_n3A_590, %select_n3A_630 : vector<16xi1>, vector<16xf32>
      %select_n3A_636 = arith.select %gt3A_633, %select_n3A_632, %select_n3A_592 : vector<16xi1>, vector<16xi32>
      %select_n3A_637 = arith.select %gt3A_633, %select_n3A_592, %select_n3A_632 : vector<16xi1>, vector<16xi32>
      %gt3A_638 = arith.cmpf ogt, %select_n3A_635, %select_n3A_595 : vector<16xf32>
      %select_n3A_639 = arith.select %gt3A_638, %select_n3A_635, %select_n3A_595 : vector<16xi1>, vector<16xf32>
      %select_n3A_640 = arith.select %gt3A_638, %select_n3A_595, %select_n3A_635 : vector<16xi1>, vector<16xf32>
      %select_n3A_641 = arith.select %gt3A_638, %select_n3A_637, %select_n3A_597 : vector<16xi1>, vector<16xi32>
      %select_n3A_642 = arith.select %gt3A_638, %select_n3A_597, %select_n3A_637 : vector<16xi1>, vector<16xi32>
      %gt3A_643 = arith.cmpf ogt, %select_n3A_640, %select_n3A_600 : vector<16xf32>
      %select_n3A_644 = arith.select %gt3A_643, %select_n3A_640, %select_n3A_600 : vector<16xi1>, vector<16xf32>
      %select_n3A_645 = arith.select %gt3A_643, %select_n3A_600, %select_n3A_640 : vector<16xi1>, vector<16xf32>
      %select_n3A_646 = arith.select %gt3A_643, %select_n3A_642, %select_n3A_602 : vector<16xi1>, vector<16xi32>
      %select_n3A_647 = arith.select %gt3A_643, %select_n3A_602, %select_n3A_642 : vector<16xi1>, vector<16xi32>
      %gt3A_648 = arith.cmpf ogt, %select_n3A_645, %select_n3A_605 : vector<16xf32>
      %select_n3A_649 = arith.select %gt3A_648, %select_n3A_645, %select_n3A_605 : vector<16xi1>, vector<16xf32>
      %select_n3A_650 = arith.select %gt3A_648, %select_n3A_605, %select_n3A_645 : vector<16xi1>, vector<16xf32>
      %select_n3A_651 = arith.select %gt3A_648, %select_n3A_647, %select_n3A_607 : vector<16xi1>, vector<16xi32>
      %select_n3A_652 = arith.select %gt3A_648, %select_n3A_607, %select_n3A_647 : vector<16xi1>, vector<16xi32>
      %gt3A_653 = arith.cmpf ogt, %select_n3A_650, %select_n3A_610 : vector<16xf32>
      %select_n3A_654 = arith.select %gt3A_653, %select_n3A_650, %select_n3A_610 : vector<16xi1>, vector<16xf32>
      %select_n3A_655 = arith.select %gt3A_653, %select_n3A_610, %select_n3A_650 : vector<16xi1>, vector<16xf32>
      %select_n3A_656 = arith.select %gt3A_653, %select_n3A_652, %select_n3A_612 : vector<16xi1>, vector<16xi32>
      %select_n3A_657 = arith.select %gt3A_653, %select_n3A_612, %select_n3A_652 : vector<16xi1>, vector<16xi32>
      %gt3A_658 = arith.cmpf ogt, %select_n3A_655, %select_n3A_615 : vector<16xf32>
      %select_n3A_659 = arith.select %gt3A_658, %select_n3A_655, %select_n3A_615 : vector<16xi1>, vector<16xf32>
      %select_n3A_660 = arith.select %gt3A_658, %select_n3A_615, %select_n3A_655 : vector<16xi1>, vector<16xf32>
      %select_n3A_661 = arith.select %gt3A_658, %select_n3A_657, %select_n3A_617 : vector<16xi1>, vector<16xi32>
      %select_n3A_662 = arith.select %gt3A_658, %select_n3A_617, %select_n3A_657 : vector<16xi1>, vector<16xi32>
      %gt3A_663 = arith.cmpf ogt, %select_n3A_660, %select_n3A_620 : vector<16xf32>
      %select_n3A_664 = arith.select %gt3A_663, %select_n3A_660, %select_n3A_620 : vector<16xi1>, vector<16xf32>
      %select_n3A_665 = arith.select %gt3A_663, %select_n3A_620, %select_n3A_660 : vector<16xi1>, vector<16xf32>
      %select_n3A_666 = arith.select %gt3A_663, %select_n3A_662, %select_n3A_622 : vector<16xi1>, vector<16xi32>
      %select_n3A_667 = arith.select %gt3A_663, %select_n3A_622, %select_n3A_662 : vector<16xi1>, vector<16xi32>
      %broadcast_in_dim3A_668 = arith.constant 15 : i32
      %broadcast_in_dim3A_669 = vector.broadcast %broadcast_in_dim3A_668 : i32 to vector<16xi32>
      %add3A_670 = arith.addi %mul3A_7, %broadcast_in_dim3A_669 : vector<16xi32>
      %gather3A_671 = tpu.vector_load_idx %arg7[%add3A_670] : memref<1024xf32, #tpu.memory_space<vmem>>[vector<16xi32>], vector<16xf32>,
      %gt3A_672 = arith.cmpf ogt, %gather3A_671, %select_n3A_629 : vector<16xf32>
      %select_n3A_673 = arith.select %gt3A_672, %gather3A_671, %select_n3A_629 : vector<16xi1>, vector<16xf32>
      %select_n3A_674 = arith.select %gt3A_672, %select_n3A_629, %gather3A_671 : vector<16xi1>, vector<16xf32>
      %select_n3A_675 = arith.select %gt3A_672, %broadcast_in_dim3A_669, %select_n3A_631 : vector<16xi1>, vector<16xi32>
      %select_n3A_676 = arith.select %gt3A_672, %select_n3A_631, %broadcast_in_dim3A_669 : vector<16xi1>, vector<16xi32>
      %gt3A_677 = arith.cmpf ogt, %select_n3A_674, %select_n3A_634 : vector<16xf32>
      %select_n3A_678 = arith.select %gt3A_677, %select_n3A_674, %select_n3A_634 : vector<16xi1>, vector<16xf32>
      %select_n3A_679 = arith.select %gt3A_677, %select_n3A_634, %select_n3A_674 : vector<16xi1>, vector<16xf32>
      %select_n3A_680 = arith.select %gt3A_677, %select_n3A_676, %select_n3A_636 : vector<16xi1>, vector<16xi32>
      %select_n3A_681 = arith.select %gt3A_677, %select_n3A_636, %select_n3A_676 : vector<16xi1>, vector<16xi32>
      %gt3A_682 = arith.cmpf ogt, %select_n3A_679, %select_n3A_639 : vector<16xf32>
      %select_n3A_683 = arith.select %gt3A_682, %select_n3A_679, %select_n3A_639 : vector<16xi1>, vector<16xf32>
      %select_n3A_684 = arith.select %gt3A_682, %select_n3A_639, %select_n3A_679 : vector<16xi1>, vector<16xf32>
      %select_n3A_685 = arith.select %gt3A_682, %select_n3A_681, %select_n3A_641 : vector<16xi1>, vector<16xi32>
      %select_n3A_686 = arith.select %gt3A_682, %select_n3A_641, %select_n3A_681 : vector<16xi1>, vector<16xi32>
      %gt3A_687 = arith.cmpf ogt, %select_n3A_684, %select_n3A_644 : vector<16xf32>
      %select_n3A_688 = arith.select %gt3A_687, %select_n3A_684, %select_n3A_644 : vector<16xi1>, vector<16xf32>
      %select_n3A_689 = arith.select %gt3A_687, %select_n3A_644, %select_n3A_684 : vector<16xi1>, vector<16xf32>
      %select_n3A_690 = arith.select %gt3A_687, %select_n3A_686, %select_n3A_646 : vector<16xi1>, vector<16xi32>
      %select_n3A_691 = arith.select %gt3A_687, %select_n3A_646, %select_n3A_686 : vector<16xi1>, vector<16xi32>
      %gt3A_692 = arith.cmpf ogt, %select_n3A_689, %select_n3A_649 : vector<16xf32>
      %select_n3A_693 = arith.select %gt3A_692, %select_n3A_689, %select_n3A_649 : vector<16xi1>, vector<16xf32>
      %select_n3A_694 = arith.select %gt3A_692, %select_n3A_649, %select_n3A_689 : vector<16xi1>, vector<16xf32>
      %select_n3A_695 = arith.select %gt3A_692, %select_n3A_691, %select_n3A_651 : vector<16xi1>, vector<16xi32>
      %select_n3A_696 = arith.select %gt3A_692, %select_n3A_651, %select_n3A_691 : vector<16xi1>, vector<16xi32>
      %gt3A_697 = arith.cmpf ogt, %select_n3A_694, %select_n3A_654 : vector<16xf32>
      %select_n3A_698 = arith.select %gt3A_697, %select_n3A_694, %select_n3A_654 : vector<16xi1>, vector<16xf32>
      %select_n3A_699 = arith.select %gt3A_697, %select_n3A_654, %select_n3A_694 : vector<16xi1>, vector<16xf32>
      %select_n3A_700 = arith.select %gt3A_697, %select_n3A_696, %select_n3A_656 : vector<16xi1>, vector<16xi32>
      %select_n3A_701 = arith.select %gt3A_697, %select_n3A_656, %select_n3A_696 : vector<16xi1>, vector<16xi32>
      %gt3A_702 = arith.cmpf ogt, %select_n3A_699, %select_n3A_659 : vector<16xf32>
      %select_n3A_703 = arith.select %gt3A_702, %select_n3A_699, %select_n3A_659 : vector<16xi1>, vector<16xf32>
      %select_n3A_704 = arith.select %gt3A_702, %select_n3A_659, %select_n3A_699 : vector<16xi1>, vector<16xf32>
      %select_n3A_705 = arith.select %gt3A_702, %select_n3A_701, %select_n3A_661 : vector<16xi1>, vector<16xi32>
      %select_n3A_706 = arith.select %gt3A_702, %select_n3A_661, %select_n3A_701 : vector<16xi1>, vector<16xi32>
      %gt3A_707 = arith.cmpf ogt, %select_n3A_704, %select_n3A_664 : vector<16xf32>
      %select_n3A_708 = arith.select %gt3A_707, %select_n3A_704, %select_n3A_664 : vector<16xi1>, vector<16xf32>
      %select_n3A_709 = arith.select %gt3A_707, %select_n3A_664, %select_n3A_704 : vector<16xi1>, vector<16xf32>
      %select_n3A_710 = arith.select %gt3A_707, %select_n3A_706, %select_n3A_666 : vector<16xi1>, vector<16xi32>
      %select_n3A_711 = arith.select %gt3A_707, %select_n3A_666, %select_n3A_706 : vector<16xi1>, vector<16xi32>
      %broadcast_in_dim3A_712 = arith.constant 16 : i32
      %broadcast_in_dim3A_713 = vector.broadcast %broadcast_in_dim3A_712 : i32 to vector<16xi32>
      %add3A_714 = arith.addi %mul3A_7, %broadcast_in_dim3A_713 : vector<16xi32>
      %gather3A_715 = tpu.vector_load_idx %arg7[%add3A_714] : memref<1024xf32, #tpu.memory_space<vmem>>[vector<16xi32>], vector<16xf32>,
      %gt3A_716 = arith.cmpf ogt, %gather3A_715, %select_n3A_673 : vector<16xf32>
      %select_n3A_717 = arith.select %gt3A_716, %gather3A_715, %select_n3A_673 : vector<16xi1>, vector<16xf32>
      %select_n3A_718 = arith.select %gt3A_716, %select_n3A_673, %gather3A_715 : vector<16xi1>, vector<16xf32>
      %select_n3A_719 = arith.select %gt3A_716, %broadcast_in_dim3A_713, %select_n3A_675 : vector<16xi1>, vector<16xi32>
      %select_n3A_720 = arith.select %gt3A_716, %select_n3A_675, %broadcast_in_dim3A_713 : vector<16xi1>, vector<16xi32>
      %gt3A_721 = arith.cmpf ogt, %select_n3A_718, %select_n3A_678 : vector<16xf32>
      %select_n3A_722 = arith.select %gt3A_721, %select_n3A_718, %select_n3A_678 : vector<16xi1>, vector<16xf32>
      %select_n3A_723 = arith.select %gt3A_721, %select_n3A_678, %select_n3A_718 : vector<16xi1>, vector<16xf32>
      %select_n3A_724 = arith.select %gt3A_721, %select_n3A_720, %select_n3A_680 : vector<16xi1>, vector<16xi32>
      %select_n3A_725 = arith.select %gt3A_721, %select_n3A_680, %select_n3A_720 : vector<16xi1>, vector<16xi32>
      %gt3A_726 = arith.cmpf ogt, %select_n3A_723, %select_n3A_683 : vector<16xf32>
      %select_n3A_727 = arith.select %gt3A_726, %select_n3A_723, %select_n3A_683 : vector<16xi1>, vector<16xf32>
      %select_n3A_728 = arith.select %gt3A_726, %select_n3A_683, %select_n3A_723 : vector<16xi1>, vector<16xf32>
      %select_n3A_729 = arith.select %gt3A_726, %select_n3A_725, %select_n3A_685 : vector<16xi1>, vector<16xi32>
      %select_n3A_730 = arith.select %gt3A_726, %select_n3A_685, %select_n3A_725 : vector<16xi1>, vector<16xi32>
      %gt3A_731 = arith.cmpf ogt, %select_n3A_728, %select_n3A_688 : vector<16xf32>
      %select_n3A_732 = arith.select %gt3A_731, %select_n3A_728, %select_n3A_688 : vector<16xi1>, vector<16xf32>
      %select_n3A_733 = arith.select %gt3A_731, %select_n3A_688, %select_n3A_728 : vector<16xi1>, vector<16xf32>
      %select_n3A_734 = arith.select %gt3A_731, %select_n3A_730, %select_n3A_690 : vector<16xi1>, vector<16xi32>
      %select_n3A_735 = arith.select %gt3A_731, %select_n3A_690, %select_n3A_730 : vector<16xi1>, vector<16xi32>
      %gt3A_736 = arith.cmpf ogt, %select_n3A_733, %select_n3A_693 : vector<16xf32>
      %select_n3A_737 = arith.select %gt3A_736, %select_n3A_733, %select_n3A_693 : vector<16xi1>, vector<16xf32>
      %select_n3A_738 = arith.select %gt3A_736, %select_n3A_693, %select_n3A_733 : vector<16xi1>, vector<16xf32>
      %select_n3A_739 = arith.select %gt3A_736, %select_n3A_735, %select_n3A_695 : vector<16xi1>, vector<16xi32>
      %select_n3A_740 = arith.select %gt3A_736, %select_n3A_695, %select_n3A_735 : vector<16xi1>, vector<16xi32>
      %gt3A_741 = arith.cmpf ogt, %select_n3A_738, %select_n3A_698 : vector<16xf32>
      %select_n3A_742 = arith.select %gt3A_741, %select_n3A_738, %select_n3A_698 : vector<16xi1>, vector<16xf32>
      %select_n3A_743 = arith.select %gt3A_741, %select_n3A_698, %select_n3A_738 : vector<16xi1>, vector<16xf32>
      %select_n3A_744 = arith.select %gt3A_741, %select_n3A_740, %select_n3A_700 : vector<16xi1>, vector<16xi32>
      %select_n3A_745 = arith.select %gt3A_741, %select_n3A_700, %select_n3A_740 : vector<16xi1>, vector<16xi32>
      %gt3A_746 = arith.cmpf ogt, %select_n3A_743, %select_n3A_703 : vector<16xf32>
      %select_n3A_747 = arith.select %gt3A_746, %select_n3A_743, %select_n3A_703 : vector<16xi1>, vector<16xf32>
      %select_n3A_748 = arith.select %gt3A_746, %select_n3A_703, %select_n3A_743 : vector<16xi1>, vector<16xf32>
      %select_n3A_749 = arith.select %gt3A_746, %select_n3A_745, %select_n3A_705 : vector<16xi1>, vector<16xi32>
      %select_n3A_750 = arith.select %gt3A_746, %select_n3A_705, %select_n3A_745 : vector<16xi1>, vector<16xi32>
      %gt3A_751 = arith.cmpf ogt, %select_n3A_748, %select_n3A_708 : vector<16xf32>
      %select_n3A_752 = arith.select %gt3A_751, %select_n3A_748, %select_n3A_708 : vector<16xi1>, vector<16xf32>
      %select_n3A_753 = arith.select %gt3A_751, %select_n3A_708, %select_n3A_748 : vector<16xi1>, vector<16xf32>
      %select_n3A_754 = arith.select %gt3A_751, %select_n3A_750, %select_n3A_710 : vector<16xi1>, vector<16xi32>
      %select_n3A_755 = arith.select %gt3A_751, %select_n3A_710, %select_n3A_750 : vector<16xi1>, vector<16xi32>
      %broadcast_in_dim3A_756 = arith.constant 17 : i32
      %broadcast_in_dim3A_757 = vector.broadcast %broadcast_in_dim3A_756 : i32 to vector<16xi32>
      %add3A_758 = arith.addi %mul3A_7, %broadcast_in_dim3A_757 : vector<16xi32>
      %gather3A_759 = tpu.vector_load_idx %arg7[%add3A_758] : memref<1024xf32, #tpu.memory_space<vmem>>[vector<16xi32>], vector<16xf32>,
      %gt3A_760 = arith.cmpf ogt, %gather3A_759, %select_n3A_717 : vector<16xf32>
      %select_n3A_761 = arith.select %gt3A_760, %gather3A_759, %select_n3A_717 : vector<16xi1>, vector<16xf32>
      %select_n3A_762 = arith.select %gt3A_760, %select_n3A_717, %gather3A_759 : vector<16xi1>, vector<16xf32>
      %select_n3A_763 = arith.select %gt3A_760, %broadcast_in_dim3A_757, %select_n3A_719 : vector<16xi1>, vector<16xi32>
      %select_n3A_764 = arith.select %gt3A_760, %select_n3A_719, %broadcast_in_dim3A_757 : vector<16xi1>, vector<16xi32>
      %gt3A_765 = arith.cmpf ogt, %select_n3A_762, %select_n3A_722 : vector<16xf32>
      %select_n3A_766 = arith.select %gt3A_765, %select_n3A_762, %select_n3A_722 : vector<16xi1>, vector<16xf32>
      %select_n3A_767 = arith.select %gt3A_765, %select_n3A_722, %select_n3A_762 : vector<16xi1>, vector<16xf32>
      %select_n3A_768 = arith.select %gt3A_765, %select_n3A_764, %select_n3A_724 : vector<16xi1>, vector<16xi32>
      %select_n3A_769 = arith.select %gt3A_765, %select_n3A_724, %select_n3A_764 : vector<16xi1>, vector<16xi32>
      %gt3A_770 = arith.cmpf ogt, %select_n3A_767, %select_n3A_727 : vector<16xf32>
      %select_n3A_771 = arith.select %gt3A_770, %select_n3A_767, %select_n3A_727 : vector<16xi1>, vector<16xf32>
      %select_n3A_772 = arith.select %gt3A_770, %select_n3A_727, %select_n3A_767 : vector<16xi1>, vector<16xf32>
      %select_n3A_773 = arith.select %gt3A_770, %select_n3A_769, %select_n3A_729 : vector<16xi1>, vector<16xi32>
      %select_n3A_774 = arith.select %gt3A_770, %select_n3A_729, %select_n3A_769 : vector<16xi1>, vector<16xi32>
      %gt3A_775 = arith.cmpf ogt, %select_n3A_772, %select_n3A_732 : vector<16xf32>
      %select_n3A_776 = arith.select %gt3A_775, %select_n3A_772, %select_n3A_732 : vector<16xi1>, vector<16xf32>
      %select_n3A_777 = arith.select %gt3A_775, %select_n3A_732, %select_n3A_772 : vector<16xi1>, vector<16xf32>
      %select_n3A_778 = arith.select %gt3A_775, %select_n3A_774, %select_n3A_734 : vector<16xi1>, vector<16xi32>
      %select_n3A_779 = arith.select %gt3A_775, %select_n3A_734, %select_n3A_774 : vector<16xi1>, vector<16xi32>
      %gt3A_780 = arith.cmpf ogt, %select_n3A_777, %select_n3A_737 : vector<16xf32>
      %select_n3A_781 = arith.select %gt3A_780, %select_n3A_777, %select_n3A_737 : vector<16xi1>, vector<16xf32>
      %select_n3A_782 = arith.select %gt3A_780, %select_n3A_737, %select_n3A_777 : vector<16xi1>, vector<16xf32>
      %select_n3A_783 = arith.select %gt3A_780, %select_n3A_779, %select_n3A_739 : vector<16xi1>, vector<16xi32>
      %select_n3A_784 = arith.select %gt3A_780, %select_n3A_739, %select_n3A_779 : vector<16xi1>, vector<16xi32>
      %gt3A_785 = arith.cmpf ogt, %select_n3A_782, %select_n3A_742 : vector<16xf32>
      %select_n3A_786 = arith.select %gt3A_785, %select_n3A_782, %select_n3A_742 : vector<16xi1>, vector<16xf32>
      %select_n3A_787 = arith.select %gt3A_785, %select_n3A_742, %select_n3A_782 : vector<16xi1>, vector<16xf32>
      %select_n3A_788 = arith.select %gt3A_785, %select_n3A_784, %select_n3A_744 : vector<16xi1>, vector<16xi32>
      %select_n3A_789 = arith.select %gt3A_785, %select_n3A_744, %select_n3A_784 : vector<16xi1>, vector<16xi32>
      %gt3A_790 = arith.cmpf ogt, %select_n3A_787, %select_n3A_747 : vector<16xf32>
      %select_n3A_791 = arith.select %gt3A_790, %select_n3A_787, %select_n3A_747 : vector<16xi1>, vector<16xf32>
      %select_n3A_792 = arith.select %gt3A_790, %select_n3A_747, %select_n3A_787 : vector<16xi1>, vector<16xf32>
      %select_n3A_793 = arith.select %gt3A_790, %select_n3A_789, %select_n3A_749 : vector<16xi1>, vector<16xi32>
      %select_n3A_794 = arith.select %gt3A_790, %select_n3A_749, %select_n3A_789 : vector<16xi1>, vector<16xi32>
      %gt3A_795 = arith.cmpf ogt, %select_n3A_792, %select_n3A_752 : vector<16xf32>
      %select_n3A_796 = arith.select %gt3A_795, %select_n3A_792, %select_n3A_752 : vector<16xi1>, vector<16xf32>
      %select_n3A_797 = arith.select %gt3A_795, %select_n3A_752, %select_n3A_792 : vector<16xi1>, vector<16xf32>
      %select_n3A_798 = arith.select %gt3A_795, %select_n3A_794, %select_n3A_754 : vector<16xi1>, vector<16xi32>
      %select_n3A_799 = arith.select %gt3A_795, %select_n3A_754, %select_n3A_794 : vector<16xi1>, vector<16xi32>
      %broadcast_in_dim3A_800 = arith.constant 18 : i32
      %broadcast_in_dim3A_801 = vector.broadcast %broadcast_in_dim3A_800 : i32 to vector<16xi32>
      %add3A_802 = arith.addi %mul3A_7, %broadcast_in_dim3A_801 : vector<16xi32>
      %gather3A_803 = tpu.vector_load_idx %arg7[%add3A_802] : memref<1024xf32, #tpu.memory_space<vmem>>[vector<16xi32>], vector<16xf32>,
      %gt3A_804 = arith.cmpf ogt, %gather3A_803, %select_n3A_761 : vector<16xf32>
      %select_n3A_805 = arith.select %gt3A_804, %gather3A_803, %select_n3A_761 : vector<16xi1>, vector<16xf32>
      %select_n3A_806 = arith.select %gt3A_804, %select_n3A_761, %gather3A_803 : vector<16xi1>, vector<16xf32>
      %select_n3A_807 = arith.select %gt3A_804, %broadcast_in_dim3A_801, %select_n3A_763 : vector<16xi1>, vector<16xi32>
      %select_n3A_808 = arith.select %gt3A_804, %select_n3A_763, %broadcast_in_dim3A_801 : vector<16xi1>, vector<16xi32>
      %gt3A_809 = arith.cmpf ogt, %select_n3A_806, %select_n3A_766 : vector<16xf32>
      %select_n3A_810 = arith.select %gt3A_809, %select_n3A_806, %select_n3A_766 : vector<16xi1>, vector<16xf32>
      %select_n3A_811 = arith.select %gt3A_809, %select_n3A_766, %select_n3A_806 : vector<16xi1>, vector<16xf32>
      %select_n3A_812 = arith.select %gt3A_809, %select_n3A_808, %select_n3A_768 : vector<16xi1>, vector<16xi32>
      %select_n3A_813 = arith.select %gt3A_809, %select_n3A_768, %select_n3A_808 : vector<16xi1>, vector<16xi32>
      %gt3A_814 = arith.cmpf ogt, %select_n3A_811, %select_n3A_771 : vector<16xf32>
      %select_n3A_815 = arith.select %gt3A_814, %select_n3A_811, %select_n3A_771 : vector<16xi1>, vector<16xf32>
      %select_n3A_816 = arith.select %gt3A_814, %select_n3A_771, %select_n3A_811 : vector<16xi1>, vector<16xf32>
      %select_n3A_817 = arith.select %gt3A_814, %select_n3A_813, %select_n3A_773 : vector<16xi1>, vector<16xi32>
      %select_n3A_818 = arith.select %gt3A_814, %select_n3A_773, %select_n3A_813 : vector<16xi1>, vector<16xi32>
      %gt3A_819 = arith.cmpf ogt, %select_n3A_816, %select_n3A_776 : vector<16xf32>
      %select_n3A_820 = arith.select %gt3A_819, %select_n3A_816, %select_n3A_776 : vector<16xi1>, vector<16xf32>
      %select_n3A_821 = arith.select %gt3A_819, %select_n3A_776, %select_n3A_816 : vector<16xi1>, vector<16xf32>
      %select_n3A_822 = arith.select %gt3A_819, %select_n3A_818, %select_n3A_778 : vector<16xi1>, vector<16xi32>
      %select_n3A_823 = arith.select %gt3A_819, %select_n3A_778, %select_n3A_818 : vector<16xi1>, vector<16xi32>
      %gt3A_824 = arith.cmpf ogt, %select_n3A_821, %select_n3A_781 : vector<16xf32>
      %select_n3A_825 = arith.select %gt3A_824, %select_n3A_821, %select_n3A_781 : vector<16xi1>, vector<16xf32>
      %select_n3A_826 = arith.select %gt3A_824, %select_n3A_781, %select_n3A_821 : vector<16xi1>, vector<16xf32>
      %select_n3A_827 = arith.select %gt3A_824, %select_n3A_823, %select_n3A_783 : vector<16xi1>, vector<16xi32>
      %select_n3A_828 = arith.select %gt3A_824, %select_n3A_783, %select_n3A_823 : vector<16xi1>, vector<16xi32>
      %gt3A_829 = arith.cmpf ogt, %select_n3A_826, %select_n3A_786 : vector<16xf32>
      %select_n3A_830 = arith.select %gt3A_829, %select_n3A_826, %select_n3A_786 : vector<16xi1>, vector<16xf32>
      %select_n3A_831 = arith.select %gt3A_829, %select_n3A_786, %select_n3A_826 : vector<16xi1>, vector<16xf32>
      %select_n3A_832 = arith.select %gt3A_829, %select_n3A_828, %select_n3A_788 : vector<16xi1>, vector<16xi32>
      %select_n3A_833 = arith.select %gt3A_829, %select_n3A_788, %select_n3A_828 : vector<16xi1>, vector<16xi32>
      %gt3A_834 = arith.cmpf ogt, %select_n3A_831, %select_n3A_791 : vector<16xf32>
      %select_n3A_835 = arith.select %gt3A_834, %select_n3A_831, %select_n3A_791 : vector<16xi1>, vector<16xf32>
      %select_n3A_836 = arith.select %gt3A_834, %select_n3A_791, %select_n3A_831 : vector<16xi1>, vector<16xf32>
      %select_n3A_837 = arith.select %gt3A_834, %select_n3A_833, %select_n3A_793 : vector<16xi1>, vector<16xi32>
      %select_n3A_838 = arith.select %gt3A_834, %select_n3A_793, %select_n3A_833 : vector<16xi1>, vector<16xi32>
      %gt3A_839 = arith.cmpf ogt, %select_n3A_836, %select_n3A_796 : vector<16xf32>
      %select_n3A_840 = arith.select %gt3A_839, %select_n3A_836, %select_n3A_796 : vector<16xi1>, vector<16xf32>
      %select_n3A_841 = arith.select %gt3A_839, %select_n3A_796, %select_n3A_836 : vector<16xi1>, vector<16xf32>
      %select_n3A_842 = arith.select %gt3A_839, %select_n3A_838, %select_n3A_798 : vector<16xi1>, vector<16xi32>
      %select_n3A_843 = arith.select %gt3A_839, %select_n3A_798, %select_n3A_838 : vector<16xi1>, vector<16xi32>
      %broadcast_in_dim3A_844 = arith.constant 19 : i32
      %broadcast_in_dim3A_845 = vector.broadcast %broadcast_in_dim3A_844 : i32 to vector<16xi32>
      %add3A_846 = arith.addi %mul3A_7, %broadcast_in_dim3A_845 : vector<16xi32>
      %gather3A_847 = tpu.vector_load_idx %arg7[%add3A_846] : memref<1024xf32, #tpu.memory_space<vmem>>[vector<16xi32>], vector<16xf32>,
      %gt3A_848 = arith.cmpf ogt, %gather3A_847, %select_n3A_805 : vector<16xf32>
      %select_n3A_849 = arith.select %gt3A_848, %gather3A_847, %select_n3A_805 : vector<16xi1>, vector<16xf32>
      %select_n3A_850 = arith.select %gt3A_848, %select_n3A_805, %gather3A_847 : vector<16xi1>, vector<16xf32>
      %select_n3A_851 = arith.select %gt3A_848, %broadcast_in_dim3A_845, %select_n3A_807 : vector<16xi1>, vector<16xi32>
      %select_n3A_852 = arith.select %gt3A_848, %select_n3A_807, %broadcast_in_dim3A_845 : vector<16xi1>, vector<16xi32>
      %gt3A_853 = arith.cmpf ogt, %select_n3A_850, %select_n3A_810 : vector<16xf32>
      %select_n3A_854 = arith.select %gt3A_853, %select_n3A_850, %select_n3A_810 : vector<16xi1>, vector<16xf32>
      %select_n3A_855 = arith.select %gt3A_853, %select_n3A_810, %select_n3A_850 : vector<16xi1>, vector<16xf32>
      %select_n3A_856 = arith.select %gt3A_853, %select_n3A_852, %select_n3A_812 : vector<16xi1>, vector<16xi32>
      %select_n3A_857 = arith.select %gt3A_853, %select_n3A_812, %select_n3A_852 : vector<16xi1>, vector<16xi32>
      %gt3A_858 = arith.cmpf ogt, %select_n3A_855, %select_n3A_815 : vector<16xf32>
      %select_n3A_859 = arith.select %gt3A_858, %select_n3A_855, %select_n3A_815 : vector<16xi1>, vector<16xf32>
      %select_n3A_860 = arith.select %gt3A_858, %select_n3A_815, %select_n3A_855 : vector<16xi1>, vector<16xf32>
      %select_n3A_861 = arith.select %gt3A_858, %select_n3A_857, %select_n3A_817 : vector<16xi1>, vector<16xi32>
      %select_n3A_862 = arith.select %gt3A_858, %select_n3A_817, %select_n3A_857 : vector<16xi1>, vector<16xi32>
      %gt3A_863 = arith.cmpf ogt, %select_n3A_860, %select_n3A_820 : vector<16xf32>
      %select_n3A_864 = arith.select %gt3A_863, %select_n3A_860, %select_n3A_820 : vector<16xi1>, vector<16xf32>
      %select_n3A_865 = arith.select %gt3A_863, %select_n3A_820, %select_n3A_860 : vector<16xi1>, vector<16xf32>
      %select_n3A_866 = arith.select %gt3A_863, %select_n3A_862, %select_n3A_822 : vector<16xi1>, vector<16xi32>
      %select_n3A_867 = arith.select %gt3A_863, %select_n3A_822, %select_n3A_862 : vector<16xi1>, vector<16xi32>
      %gt3A_868 = arith.cmpf ogt, %select_n3A_865, %select_n3A_825 : vector<16xf32>
      %select_n3A_869 = arith.select %gt3A_868, %select_n3A_865, %select_n3A_825 : vector<16xi1>, vector<16xf32>
      %select_n3A_870 = arith.select %gt3A_868, %select_n3A_825, %select_n3A_865 : vector<16xi1>, vector<16xf32>
      %select_n3A_871 = arith.select %gt3A_868, %select_n3A_867, %select_n3A_827 : vector<16xi1>, vector<16xi32>
      %select_n3A_872 = arith.select %gt3A_868, %select_n3A_827, %select_n3A_867 : vector<16xi1>, vector<16xi32>
      %gt3A_873 = arith.cmpf ogt, %select_n3A_870, %select_n3A_830 : vector<16xf32>
      %select_n3A_874 = arith.select %gt3A_873, %select_n3A_870, %select_n3A_830 : vector<16xi1>, vector<16xf32>
      %select_n3A_875 = arith.select %gt3A_873, %select_n3A_830, %select_n3A_870 : vector<16xi1>, vector<16xf32>
      %select_n3A_876 = arith.select %gt3A_873, %select_n3A_872, %select_n3A_832 : vector<16xi1>, vector<16xi32>
      %select_n3A_877 = arith.select %gt3A_873, %select_n3A_832, %select_n3A_872 : vector<16xi1>, vector<16xi32>
      %gt3A_878 = arith.cmpf ogt, %select_n3A_875, %select_n3A_835 : vector<16xf32>
      %select_n3A_879 = arith.select %gt3A_878, %select_n3A_875, %select_n3A_835 : vector<16xi1>, vector<16xf32>
      %select_n3A_880 = arith.select %gt3A_878, %select_n3A_835, %select_n3A_875 : vector<16xi1>, vector<16xf32>
      %select_n3A_881 = arith.select %gt3A_878, %select_n3A_877, %select_n3A_837 : vector<16xi1>, vector<16xi32>
      %select_n3A_882 = arith.select %gt3A_878, %select_n3A_837, %select_n3A_877 : vector<16xi1>, vector<16xi32>
      %gt3A_883 = arith.cmpf ogt, %select_n3A_880, %select_n3A_840 : vector<16xf32>
      %select_n3A_884 = arith.select %gt3A_883, %select_n3A_880, %select_n3A_840 : vector<16xi1>, vector<16xf32>
      %select_n3A_885 = arith.select %gt3A_883, %select_n3A_840, %select_n3A_880 : vector<16xi1>, vector<16xf32>
      %select_n3A_886 = arith.select %gt3A_883, %select_n3A_882, %select_n3A_842 : vector<16xi1>, vector<16xi32>
      %select_n3A_887 = arith.select %gt3A_883, %select_n3A_842, %select_n3A_882 : vector<16xi1>, vector<16xi32>
      %broadcast_in_dim3A_888 = arith.constant 20 : i32
      %broadcast_in_dim3A_889 = vector.broadcast %broadcast_in_dim3A_888 : i32 to vector<16xi32>
      %add3A_890 = arith.addi %mul3A_7, %broadcast_in_dim3A_889 : vector<16xi32>
      %gather3A_891 = tpu.vector_load_idx %arg7[%add3A_890] : memref<1024xf32, #tpu.memory_space<vmem>>[vector<16xi32>], vector<16xf32>,
      %gt3A_892 = arith.cmpf ogt, %gather3A_891, %select_n3A_849 : vector<16xf32>
      %select_n3A_893 = arith.select %gt3A_892, %gather3A_891, %select_n3A_849 : vector<16xi1>, vector<16xf32>
      %select_n3A_894 = arith.select %gt3A_892, %select_n3A_849, %gather3A_891 : vector<16xi1>, vector<16xf32>
      %select_n3A_895 = arith.select %gt3A_892, %broadcast_in_dim3A_889, %select_n3A_851 : vector<16xi1>, vector<16xi32>
      %select_n3A_896 = arith.select %gt3A_892, %select_n3A_851, %broadcast_in_dim3A_889 : vector<16xi1>, vector<16xi32>
      %gt3A_897 = arith.cmpf ogt, %select_n3A_894, %select_n3A_854 : vector<16xf32>
      %select_n3A_898 = arith.select %gt3A_897, %select_n3A_894, %select_n3A_854 : vector<16xi1>, vector<16xf32>
      %select_n3A_899 = arith.select %gt3A_897, %select_n3A_854, %select_n3A_894 : vector<16xi1>, vector<16xf32>
      %select_n3A_900 = arith.select %gt3A_897, %select_n3A_896, %select_n3A_856 : vector<16xi1>, vector<16xi32>
      %select_n3A_901 = arith.select %gt3A_897, %select_n3A_856, %select_n3A_896 : vector<16xi1>, vector<16xi32>
      %gt3A_902 = arith.cmpf ogt, %select_n3A_899, %select_n3A_859 : vector<16xf32>
      %select_n3A_903 = arith.select %gt3A_902, %select_n3A_899, %select_n3A_859 : vector<16xi1>, vector<16xf32>
      %select_n3A_904 = arith.select %gt3A_902, %select_n3A_859, %select_n3A_899 : vector<16xi1>, vector<16xf32>
      %select_n3A_905 = arith.select %gt3A_902, %select_n3A_901, %select_n3A_861 : vector<16xi1>, vector<16xi32>
      %select_n3A_906 = arith.select %gt3A_902, %select_n3A_861, %select_n3A_901 : vector<16xi1>, vector<16xi32>
      %gt3A_907 = arith.cmpf ogt, %select_n3A_904, %select_n3A_864 : vector<16xf32>
      %select_n3A_908 = arith.select %gt3A_907, %select_n3A_904, %select_n3A_864 : vector<16xi1>, vector<16xf32>
      %select_n3A_909 = arith.select %gt3A_907, %select_n3A_864, %select_n3A_904 : vector<16xi1>, vector<16xf32>
      %select_n3A_910 = arith.select %gt3A_907, %select_n3A_906, %select_n3A_866 : vector<16xi1>, vector<16xi32>
      %select_n3A_911 = arith.select %gt3A_907, %select_n3A_866, %select_n3A_906 : vector<16xi1>, vector<16xi32>
      %gt3A_912 = arith.cmpf ogt, %select_n3A_909, %select_n3A_869 : vector<16xf32>
      %select_n3A_913 = arith.select %gt3A_912, %select_n3A_909, %select_n3A_869 : vector<16xi1>, vector<16xf32>
      %select_n3A_914 = arith.select %gt3A_912, %select_n3A_869, %select_n3A_909 : vector<16xi1>, vector<16xf32>
      %select_n3A_915 = arith.select %gt3A_912, %select_n3A_911, %select_n3A_871 : vector<16xi1>, vector<16xi32>
      %select_n3A_916 = arith.select %gt3A_912, %select_n3A_871, %select_n3A_911 : vector<16xi1>, vector<16xi32>
      %gt3A_917 = arith.cmpf ogt, %select_n3A_914, %select_n3A_874 : vector<16xf32>
      %select_n3A_918 = arith.select %gt3A_917, %select_n3A_914, %select_n3A_874 : vector<16xi1>, vector<16xf32>
      %select_n3A_919 = arith.select %gt3A_917, %select_n3A_874, %select_n3A_914 : vector<16xi1>, vector<16xf32>
      %select_n3A_920 = arith.select %gt3A_917, %select_n3A_916, %select_n3A_876 : vector<16xi1>, vector<16xi32>
      %select_n3A_921 = arith.select %gt3A_917, %select_n3A_876, %select_n3A_916 : vector<16xi1>, vector<16xi32>
      %gt3A_922 = arith.cmpf ogt, %select_n3A_919, %select_n3A_879 : vector<16xf32>
      %select_n3A_923 = arith.select %gt3A_922, %select_n3A_919, %select_n3A_879 : vector<16xi1>, vector<16xf32>
      %select_n3A_924 = arith.select %gt3A_922, %select_n3A_879, %select_n3A_919 : vector<16xi1>, vector<16xf32>
      %select_n3A_925 = arith.select %gt3A_922, %select_n3A_921, %select_n3A_881 : vector<16xi1>, vector<16xi32>
      %select_n3A_926 = arith.select %gt3A_922, %select_n3A_881, %select_n3A_921 : vector<16xi1>, vector<16xi32>
      %gt3A_927 = arith.cmpf ogt, %select_n3A_924, %select_n3A_884 : vector<16xf32>
      %select_n3A_928 = arith.select %gt3A_927, %select_n3A_924, %select_n3A_884 : vector<16xi1>, vector<16xf32>
      %select_n3A_929 = arith.select %gt3A_927, %select_n3A_884, %select_n3A_924 : vector<16xi1>, vector<16xf32>
      %select_n3A_930 = arith.select %gt3A_927, %select_n3A_926, %select_n3A_886 : vector<16xi1>, vector<16xi32>
      %select_n3A_931 = arith.select %gt3A_927, %select_n3A_886, %select_n3A_926 : vector<16xi1>, vector<16xi32>
      %broadcast_in_dim3A_932 = arith.constant 21 : i32
      %broadcast_in_dim3A_933 = vector.broadcast %broadcast_in_dim3A_932 : i32 to vector<16xi32>
      %add3A_934 = arith.addi %mul3A_7, %broadcast_in_dim3A_933 : vector<16xi32>
      %gather3A_935 = tpu.vector_load_idx %arg7[%add3A_934] : memref<1024xf32, #tpu.memory_space<vmem>>[vector<16xi32>], vector<16xf32>,
      %gt3A_936 = arith.cmpf ogt, %gather3A_935, %select_n3A_893 : vector<16xf32>
      %select_n3A_937 = arith.select %gt3A_936, %gather3A_935, %select_n3A_893 : vector<16xi1>, vector<16xf32>
      %select_n3A_938 = arith.select %gt3A_936, %select_n3A_893, %gather3A_935 : vector<16xi1>, vector<16xf32>
      %select_n3A_939 = arith.select %gt3A_936, %broadcast_in_dim3A_933, %select_n3A_895 : vector<16xi1>, vector<16xi32>
      %select_n3A_940 = arith.select %gt3A_936, %select_n3A_895, %broadcast_in_dim3A_933 : vector<16xi1>, vector<16xi32>
      %gt3A_941 = arith.cmpf ogt, %select_n3A_938, %select_n3A_898 : vector<16xf32>
      %select_n3A_942 = arith.select %gt3A_941, %select_n3A_938, %select_n3A_898 : vector<16xi1>, vector<16xf32>
      %select_n3A_943 = arith.select %gt3A_941, %select_n3A_898, %select_n3A_938 : vector<16xi1>, vector<16xf32>
      %select_n3A_944 = arith.select %gt3A_941, %select_n3A_940, %select_n3A_900 : vector<16xi1>, vector<16xi32>
      %select_n3A_945 = arith.select %gt3A_941, %select_n3A_900, %select_n3A_940 : vector<16xi1>, vector<16xi32>
      %gt3A_946 = arith.cmpf ogt, %select_n3A_943, %select_n3A_903 : vector<16xf32>
      %select_n3A_947 = arith.select %gt3A_946, %select_n3A_943, %select_n3A_903 : vector<16xi1>, vector<16xf32>
      %select_n3A_948 = arith.select %gt3A_946, %select_n3A_903, %select_n3A_943 : vector<16xi1>, vector<16xf32>
      %select_n3A_949 = arith.select %gt3A_946, %select_n3A_945, %select_n3A_905 : vector<16xi1>, vector<16xi32>
      %select_n3A_950 = arith.select %gt3A_946, %select_n3A_905, %select_n3A_945 : vector<16xi1>, vector<16xi32>
      %gt3A_951 = arith.cmpf ogt, %select_n3A_948, %select_n3A_908 : vector<16xf32>
      %select_n3A_952 = arith.select %gt3A_951, %select_n3A_948, %select_n3A_908 : vector<16xi1>, vector<16xf32>
      %select_n3A_953 = arith.select %gt3A_951, %select_n3A_908, %select_n3A_948 : vector<16xi1>, vector<16xf32>
      %select_n3A_954 = arith.select %gt3A_951, %select_n3A_950, %select_n3A_910 : vector<16xi1>, vector<16xi32>
      %select_n3A_955 = arith.select %gt3A_951, %select_n3A_910, %select_n3A_950 : vector<16xi1>, vector<16xi32>
      %gt3A_956 = arith.cmpf ogt, %select_n3A_953, %select_n3A_913 : vector<16xf32>
      %select_n3A_957 = arith.select %gt3A_956, %select_n3A_953, %select_n3A_913 : vector<16xi1>, vector<16xf32>
      %select_n3A_958 = arith.select %gt3A_956, %select_n3A_913, %select_n3A_953 : vector<16xi1>, vector<16xf32>
      %select_n3A_959 = arith.select %gt3A_956, %select_n3A_955, %select_n3A_915 : vector<16xi1>, vector<16xi32>
      %select_n3A_960 = arith.select %gt3A_956, %select_n3A_915, %select_n3A_955 : vector<16xi1>, vector<16xi32>
      %gt3A_961 = arith.cmpf ogt, %select_n3A_958, %select_n3A_918 : vector<16xf32>
      %select_n3A_962 = arith.select %gt3A_961, %select_n3A_958, %select_n3A_918 : vector<16xi1>, vector<16xf32>
      %select_n3A_963 = arith.select %gt3A_961, %select_n3A_918, %select_n3A_958 : vector<16xi1>, vector<16xf32>
      %select_n3A_964 = arith.select %gt3A_961, %select_n3A_960, %select_n3A_920 : vector<16xi1>, vector<16xi32>
      %select_n3A_965 = arith.select %gt3A_961, %select_n3A_920, %select_n3A_960 : vector<16xi1>, vector<16xi32>
      %gt3A_966 = arith.cmpf ogt, %select_n3A_963, %select_n3A_923 : vector<16xf32>
      %select_n3A_967 = arith.select %gt3A_966, %select_n3A_963, %select_n3A_923 : vector<16xi1>, vector<16xf32>
      %select_n3A_968 = arith.select %gt3A_966, %select_n3A_923, %select_n3A_963 : vector<16xi1>, vector<16xf32>
      %select_n3A_969 = arith.select %gt3A_966, %select_n3A_965, %select_n3A_925 : vector<16xi1>, vector<16xi32>
      %select_n3A_970 = arith.select %gt3A_966, %select_n3A_925, %select_n3A_965 : vector<16xi1>, vector<16xi32>
      %gt3A_971 = arith.cmpf ogt, %select_n3A_968, %select_n3A_928 : vector<16xf32>
      %select_n3A_972 = arith.select %gt3A_971, %select_n3A_968, %select_n3A_928 : vector<16xi1>, vector<16xf32>
      %select_n3A_973 = arith.select %gt3A_971, %select_n3A_928, %select_n3A_968 : vector<16xi1>, vector<16xf32>
      %select_n3A_974 = arith.select %gt3A_971, %select_n3A_970, %select_n3A_930 : vector<16xi1>, vector<16xi32>
      %select_n3A_975 = arith.select %gt3A_971, %select_n3A_930, %select_n3A_970 : vector<16xi1>, vector<16xi32>
      %broadcast_in_dim3A_976 = arith.constant 22 : i32
      %broadcast_in_dim3A_977 = vector.broadcast %broadcast_in_dim3A_976 : i32 to vector<16xi32>
      %add3A_978 = arith.addi %mul3A_7, %broadcast_in_dim3A_977 : vector<16xi32>
      %gather3A_979 = tpu.vector_load_idx %arg7[%add3A_978] : memref<1024xf32, #tpu.memory_space<vmem>>[vector<16xi32>], vector<16xf32>,
      %gt3A_980 = arith.cmpf ogt, %gather3A_979, %select_n3A_937 : vector<16xf32>
      %select_n3A_981 = arith.select %gt3A_980, %gather3A_979, %select_n3A_937 : vector<16xi1>, vector<16xf32>
      %select_n3A_982 = arith.select %gt3A_980, %select_n3A_937, %gather3A_979 : vector<16xi1>, vector<16xf32>
      %select_n3A_983 = arith.select %gt3A_980, %broadcast_in_dim3A_977, %select_n3A_939 : vector<16xi1>, vector<16xi32>
      %select_n3A_984 = arith.select %gt3A_980, %select_n3A_939, %broadcast_in_dim3A_977 : vector<16xi1>, vector<16xi32>
      %gt3A_985 = arith.cmpf ogt, %select_n3A_982, %select_n3A_942 : vector<16xf32>
      %select_n3A_986 = arith.select %gt3A_985, %select_n3A_982, %select_n3A_942 : vector<16xi1>, vector<16xf32>
      %select_n3A_987 = arith.select %gt3A_985, %select_n3A_942, %select_n3A_982 : vector<16xi1>, vector<16xf32>
      %select_n3A_988 = arith.select %gt3A_985, %select_n3A_984, %select_n3A_944 : vector<16xi1>, vector<16xi32>
      %select_n3A_989 = arith.select %gt3A_985, %select_n3A_944, %select_n3A_984 : vector<16xi1>, vector<16xi32>
      %gt3A_990 = arith.cmpf ogt, %select_n3A_987, %select_n3A_947 : vector<16xf32>
      %select_n3A_991 = arith.select %gt3A_990, %select_n3A_987, %select_n3A_947 : vector<16xi1>, vector<16xf32>
      %select_n3A_992 = arith.select %gt3A_990, %select_n3A_947, %select_n3A_987 : vector<16xi1>, vector<16xf32>
      %select_n3A_993 = arith.select %gt3A_990, %select_n3A_989, %select_n3A_949 : vector<16xi1>, vector<16xi32>
      %select_n3A_994 = arith.select %gt3A_990, %select_n3A_949, %select_n3A_989 : vector<16xi1>, vector<16xi32>
      %gt3A_995 = arith.cmpf ogt, %select_n3A_992, %select_n3A_952 : vector<16xf32>
      %select_n3A_996 = arith.select %gt3A_995, %select_n3A_992, %select_n3A_952 : vector<16xi1>, vector<16xf32>
      %select_n3A_997 = arith.select %gt3A_995, %select_n3A_952, %select_n3A_992 : vector<16xi1>, vector<16xf32>
      %select_n3A_998 = arith.select %gt3A_995, %select_n3A_994, %select_n3A_954 : vector<16xi1>, vector<16xi32>
      %select_n3A_999 = arith.select %gt3A_995, %select_n3A_954, %select_n3A_994 : vector<16xi1>, vector<16xi32>
      %gt3A_1000 = arith.cmpf ogt, %select_n3A_997, %select_n3A_957 : vector<16xf32>
      %select_n3A_1001 = arith.select %gt3A_1000, %select_n3A_997, %select_n3A_957 : vector<16xi1>, vector<16xf32>
      %select_n3A_1002 = arith.select %gt3A_1000, %select_n3A_957, %select_n3A_997 : vector<16xi1>, vector<16xf32>
      %select_n3A_1003 = arith.select %gt3A_1000, %select_n3A_999, %select_n3A_959 : vector<16xi1>, vector<16xi32>
      %select_n3A_1004 = arith.select %gt3A_1000, %select_n3A_959, %select_n3A_999 : vector<16xi1>, vector<16xi32>
      %gt3A_1005 = arith.cmpf ogt, %select_n3A_1002, %select_n3A_962 : vector<16xf32>
      %select_n3A_1006 = arith.select %gt3A_1005, %select_n3A_1002, %select_n3A_962 : vector<16xi1>, vector<16xf32>
      %select_n3A_1007 = arith.select %gt3A_1005, %select_n3A_962, %select_n3A_1002 : vector<16xi1>, vector<16xf32>
      %select_n3A_1008 = arith.select %gt3A_1005, %select_n3A_1004, %select_n3A_964 : vector<16xi1>, vector<16xi32>
      %select_n3A_1009 = arith.select %gt3A_1005, %select_n3A_964, %select_n3A_1004 : vector<16xi1>, vector<16xi32>
      %gt3A_1010 = arith.cmpf ogt, %select_n3A_1007, %select_n3A_967 : vector<16xf32>
      %select_n3A_1011 = arith.select %gt3A_1010, %select_n3A_1007, %select_n3A_967 : vector<16xi1>, vector<16xf32>
      %select_n3A_1012 = arith.select %gt3A_1010, %select_n3A_967, %select_n3A_1007 : vector<16xi1>, vector<16xf32>
      %select_n3A_1013 = arith.select %gt3A_1010, %select_n3A_1009, %select_n3A_969 : vector<16xi1>, vector<16xi32>
      %select_n3A_1014 = arith.select %gt3A_1010, %select_n3A_969, %select_n3A_1009 : vector<16xi1>, vector<16xi32>
      %gt3A_1015 = arith.cmpf ogt, %select_n3A_1012, %select_n3A_972 : vector<16xf32>
      %select_n3A_1016 = arith.select %gt3A_1015, %select_n3A_1012, %select_n3A_972 : vector<16xi1>, vector<16xf32>
      %select_n3A_1017 = arith.select %gt3A_1015, %select_n3A_972, %select_n3A_1012 : vector<16xi1>, vector<16xf32>
      %select_n3A_1018 = arith.select %gt3A_1015, %select_n3A_1014, %select_n3A_974 : vector<16xi1>, vector<16xi32>
      %select_n3A_1019 = arith.select %gt3A_1015, %select_n3A_974, %select_n3A_1014 : vector<16xi1>, vector<16xi32>
      %broadcast_in_dim3A_1020 = arith.constant 23 : i32
      %broadcast_in_dim3A_1021 = vector.broadcast %broadcast_in_dim3A_1020 : i32 to vector<16xi32>
      %add3A_1022 = arith.addi %mul3A_7, %broadcast_in_dim3A_1021 : vector<16xi32>
      %gather3A_1023 = tpu.vector_load_idx %arg7[%add3A_1022] : memref<1024xf32, #tpu.memory_space<vmem>>[vector<16xi32>], vector<16xf32>,
      %gt3A_1024 = arith.cmpf ogt, %gather3A_1023, %select_n3A_981 : vector<16xf32>
      %select_n3A_1025 = arith.select %gt3A_1024, %gather3A_1023, %select_n3A_981 : vector<16xi1>, vector<16xf32>
      %select_n3A_1026 = arith.select %gt3A_1024, %select_n3A_981, %gather3A_1023 : vector<16xi1>, vector<16xf32>
      %select_n3A_1027 = arith.select %gt3A_1024, %broadcast_in_dim3A_1021, %select_n3A_983 : vector<16xi1>, vector<16xi32>
      %select_n3A_1028 = arith.select %gt3A_1024, %select_n3A_983, %broadcast_in_dim3A_1021 : vector<16xi1>, vector<16xi32>
      %gt3A_1029 = arith.cmpf ogt, %select_n3A_1026, %select_n3A_986 : vector<16xf32>
      %select_n3A_1030 = arith.select %gt3A_1029, %select_n3A_1026, %select_n3A_986 : vector<16xi1>, vector<16xf32>
      %select_n3A_1031 = arith.select %gt3A_1029, %select_n3A_986, %select_n3A_1026 : vector<16xi1>, vector<16xf32>
      %select_n3A_1032 = arith.select %gt3A_1029, %select_n3A_1028, %select_n3A_988 : vector<16xi1>, vector<16xi32>
      %select_n3A_1033 = arith.select %gt3A_1029, %select_n3A_988, %select_n3A_1028 : vector<16xi1>, vector<16xi32>
      %gt3A_1034 = arith.cmpf ogt, %select_n3A_1031, %select_n3A_991 : vector<16xf32>
      %select_n3A_1035 = arith.select %gt3A_1034, %select_n3A_1031, %select_n3A_991 : vector<16xi1>, vector<16xf32>
      %select_n3A_1036 = arith.select %gt3A_1034, %select_n3A_991, %select_n3A_1031 : vector<16xi1>, vector<16xf32>
      %select_n3A_1037 = arith.select %gt3A_1034, %select_n3A_1033, %select_n3A_993 : vector<16xi1>, vector<16xi32>
      %select_n3A_1038 = arith.select %gt3A_1034, %select_n3A_993, %select_n3A_1033 : vector<16xi1>, vector<16xi32>
      %gt3A_1039 = arith.cmpf ogt, %select_n3A_1036, %select_n3A_996 : vector<16xf32>
      %select_n3A_1040 = arith.select %gt3A_1039, %select_n3A_1036, %select_n3A_996 : vector<16xi1>, vector<16xf32>
      %select_n3A_1041 = arith.select %gt3A_1039, %select_n3A_996, %select_n3A_1036 : vector<16xi1>, vector<16xf32>
      %select_n3A_1042 = arith.select %gt3A_1039, %select_n3A_1038, %select_n3A_998 : vector<16xi1>, vector<16xi32>
      %select_n3A_1043 = arith.select %gt3A_1039, %select_n3A_998, %select_n3A_1038 : vector<16xi1>, vector<16xi32>
      %gt3A_1044 = arith.cmpf ogt, %select_n3A_1041, %select_n3A_1001 : vector<16xf32>
      %select_n3A_1045 = arith.select %gt3A_1044, %select_n3A_1041, %select_n3A_1001 : vector<16xi1>, vector<16xf32>
      %select_n3A_1046 = arith.select %gt3A_1044, %select_n3A_1001, %select_n3A_1041 : vector<16xi1>, vector<16xf32>
      %select_n3A_1047 = arith.select %gt3A_1044, %select_n3A_1043, %select_n3A_1003 : vector<16xi1>, vector<16xi32>
      %select_n3A_1048 = arith.select %gt3A_1044, %select_n3A_1003, %select_n3A_1043 : vector<16xi1>, vector<16xi32>
      %gt3A_1049 = arith.cmpf ogt, %select_n3A_1046, %select_n3A_1006 : vector<16xf32>
      %select_n3A_1050 = arith.select %gt3A_1049, %select_n3A_1046, %select_n3A_1006 : vector<16xi1>, vector<16xf32>
      %select_n3A_1051 = arith.select %gt3A_1049, %select_n3A_1006, %select_n3A_1046 : vector<16xi1>, vector<16xf32>
      %select_n3A_1052 = arith.select %gt3A_1049, %select_n3A_1048, %select_n3A_1008 : vector<16xi1>, vector<16xi32>
      %select_n3A_1053 = arith.select %gt3A_1049, %select_n3A_1008, %select_n3A_1048 : vector<16xi1>, vector<16xi32>
      %gt3A_1054 = arith.cmpf ogt, %select_n3A_1051, %select_n3A_1011 : vector<16xf32>
      %select_n3A_1055 = arith.select %gt3A_1054, %select_n3A_1051, %select_n3A_1011 : vector<16xi1>, vector<16xf32>
      %select_n3A_1056 = arith.select %gt3A_1054, %select_n3A_1011, %select_n3A_1051 : vector<16xi1>, vector<16xf32>
      %select_n3A_1057 = arith.select %gt3A_1054, %select_n3A_1053, %select_n3A_1013 : vector<16xi1>, vector<16xi32>
      %select_n3A_1058 = arith.select %gt3A_1054, %select_n3A_1013, %select_n3A_1053 : vector<16xi1>, vector<16xi32>
      %gt3A_1059 = arith.cmpf ogt, %select_n3A_1056, %select_n3A_1016 : vector<16xf32>
      %select_n3A_1060 = arith.select %gt3A_1059, %select_n3A_1056, %select_n3A_1016 : vector<16xi1>, vector<16xf32>
      %select_n3A_1061 = arith.select %gt3A_1059, %select_n3A_1016, %select_n3A_1056 : vector<16xi1>, vector<16xf32>
      %select_n3A_1062 = arith.select %gt3A_1059, %select_n3A_1058, %select_n3A_1018 : vector<16xi1>, vector<16xi32>
      %select_n3A_1063 = arith.select %gt3A_1059, %select_n3A_1018, %select_n3A_1058 : vector<16xi1>, vector<16xi32>
      %broadcast_in_dim3A_1064 = arith.constant 24 : i32
      %broadcast_in_dim3A_1065 = vector.broadcast %broadcast_in_dim3A_1064 : i32 to vector<16xi32>
      %add3A_1066 = arith.addi %mul3A_7, %broadcast_in_dim3A_1065 : vector<16xi32>
      %gather3A_1067 = tpu.vector_load_idx %arg7[%add3A_1066] : memref<1024xf32, #tpu.memory_space<vmem>>[vector<16xi32>], vector<16xf32>,
      %gt3A_1068 = arith.cmpf ogt, %gather3A_1067, %select_n3A_1025 : vector<16xf32>
      %select_n3A_1069 = arith.select %gt3A_1068, %gather3A_1067, %select_n3A_1025 : vector<16xi1>, vector<16xf32>
      %select_n3A_1070 = arith.select %gt3A_1068, %select_n3A_1025, %gather3A_1067 : vector<16xi1>, vector<16xf32>
      %select_n3A_1071 = arith.select %gt3A_1068, %broadcast_in_dim3A_1065, %select_n3A_1027 : vector<16xi1>, vector<16xi32>
      %select_n3A_1072 = arith.select %gt3A_1068, %select_n3A_1027, %broadcast_in_dim3A_1065 : vector<16xi1>, vector<16xi32>
      %gt3A_1073 = arith.cmpf ogt, %select_n3A_1070, %select_n3A_1030 : vector<16xf32>
      %select_n3A_1074 = arith.select %gt3A_1073, %select_n3A_1070, %select_n3A_1030 : vector<16xi1>, vector<16xf32>
      %select_n3A_1075 = arith.select %gt3A_1073, %select_n3A_1030, %select_n3A_1070 : vector<16xi1>, vector<16xf32>
      %select_n3A_1076 = arith.select %gt3A_1073, %select_n3A_1072, %select_n3A_1032 : vector<16xi1>, vector<16xi32>
      %select_n3A_1077 = arith.select %gt3A_1073, %select_n3A_1032, %select_n3A_1072 : vector<16xi1>, vector<16xi32>
      %gt3A_1078 = arith.cmpf ogt, %select_n3A_1075, %select_n3A_1035 : vector<16xf32>
      %select_n3A_1079 = arith.select %gt3A_1078, %select_n3A_1075, %select_n3A_1035 : vector<16xi1>, vector<16xf32>
      %select_n3A_1080 = arith.select %gt3A_1078, %select_n3A_1035, %select_n3A_1075 : vector<16xi1>, vector<16xf32>
      %select_n3A_1081 = arith.select %gt3A_1078, %select_n3A_1077, %select_n3A_1037 : vector<16xi1>, vector<16xi32>
      %select_n3A_1082 = arith.select %gt3A_1078, %select_n3A_1037, %select_n3A_1077 : vector<16xi1>, vector<16xi32>
      %gt3A_1083 = arith.cmpf ogt, %select_n3A_1080, %select_n3A_1040 : vector<16xf32>
      %select_n3A_1084 = arith.select %gt3A_1083, %select_n3A_1080, %select_n3A_1040 : vector<16xi1>, vector<16xf32>
      %select_n3A_1085 = arith.select %gt3A_1083, %select_n3A_1040, %select_n3A_1080 : vector<16xi1>, vector<16xf32>
      %select_n3A_1086 = arith.select %gt3A_1083, %select_n3A_1082, %select_n3A_1042 : vector<16xi1>, vector<16xi32>
      %select_n3A_1087 = arith.select %gt3A_1083, %select_n3A_1042, %select_n3A_1082 : vector<16xi1>, vector<16xi32>
      %gt3A_1088 = arith.cmpf ogt, %select_n3A_1085, %select_n3A_1045 : vector<16xf32>
      %select_n3A_1089 = arith.select %gt3A_1088, %select_n3A_1085, %select_n3A_1045 : vector<16xi1>, vector<16xf32>
      %select_n3A_1090 = arith.select %gt3A_1088, %select_n3A_1045, %select_n3A_1085 : vector<16xi1>, vector<16xf32>
      %select_n3A_1091 = arith.select %gt3A_1088, %select_n3A_1087, %select_n3A_1047 : vector<16xi1>, vector<16xi32>
      %select_n3A_1092 = arith.select %gt3A_1088, %select_n3A_1047, %select_n3A_1087 : vector<16xi1>, vector<16xi32>
      %gt3A_1093 = arith.cmpf ogt, %select_n3A_1090, %select_n3A_1050 : vector<16xf32>
      %select_n3A_1094 = arith.select %gt3A_1093, %select_n3A_1090, %select_n3A_1050 : vector<16xi1>, vector<16xf32>
      %select_n3A_1095 = arith.select %gt3A_1093, %select_n3A_1050, %select_n3A_1090 : vector<16xi1>, vector<16xf32>
      %select_n3A_1096 = arith.select %gt3A_1093, %select_n3A_1092, %select_n3A_1052 : vector<16xi1>, vector<16xi32>
      %select_n3A_1097 = arith.select %gt3A_1093, %select_n3A_1052, %select_n3A_1092 : vector<16xi1>, vector<16xi32>
      %gt3A_1098 = arith.cmpf ogt, %select_n3A_1095, %select_n3A_1055 : vector<16xf32>
      %select_n3A_1099 = arith.select %gt3A_1098, %select_n3A_1095, %select_n3A_1055 : vector<16xi1>, vector<16xf32>
      %select_n3A_1100 = arith.select %gt3A_1098, %select_n3A_1055, %select_n3A_1095 : vector<16xi1>, vector<16xf32>
      %select_n3A_1101 = arith.select %gt3A_1098, %select_n3A_1097, %select_n3A_1057 : vector<16xi1>, vector<16xi32>
      %select_n3A_1102 = arith.select %gt3A_1098, %select_n3A_1057, %select_n3A_1097 : vector<16xi1>, vector<16xi32>
      %gt3A_1103 = arith.cmpf ogt, %select_n3A_1100, %select_n3A_1060 : vector<16xf32>
      %select_n3A_1104 = arith.select %gt3A_1103, %select_n3A_1100, %select_n3A_1060 : vector<16xi1>, vector<16xf32>
      %select_n3A_1105 = arith.select %gt3A_1103, %select_n3A_1060, %select_n3A_1100 : vector<16xi1>, vector<16xf32>
      %select_n3A_1106 = arith.select %gt3A_1103, %select_n3A_1102, %select_n3A_1062 : vector<16xi1>, vector<16xi32>
      %select_n3A_1107 = arith.select %gt3A_1103, %select_n3A_1062, %select_n3A_1102 : vector<16xi1>, vector<16xi32>
      %broadcast_in_dim3A_1108 = arith.constant 25 : i32
      %broadcast_in_dim3A_1109 = vector.broadcast %broadcast_in_dim3A_1108 : i32 to vector<16xi32>
      %add3A_1110 = arith.addi %mul3A_7, %broadcast_in_dim3A_1109 : vector<16xi32>
      %gather3A_1111 = tpu.vector_load_idx %arg7[%add3A_1110] : memref<1024xf32, #tpu.memory_space<vmem>>[vector<16xi32>], vector<16xf32>,
      %gt3A_1112 = arith.cmpf ogt, %gather3A_1111, %select_n3A_1069 : vector<16xf32>
      %select_n3A_1113 = arith.select %gt3A_1112, %gather3A_1111, %select_n3A_1069 : vector<16xi1>, vector<16xf32>
      %select_n3A_1114 = arith.select %gt3A_1112, %select_n3A_1069, %gather3A_1111 : vector<16xi1>, vector<16xf32>
      %select_n3A_1115 = arith.select %gt3A_1112, %broadcast_in_dim3A_1109, %select_n3A_1071 : vector<16xi1>, vector<16xi32>
      %select_n3A_1116 = arith.select %gt3A_1112, %select_n3A_1071, %broadcast_in_dim3A_1109 : vector<16xi1>, vector<16xi32>
      %gt3A_1117 = arith.cmpf ogt, %select_n3A_1114, %select_n3A_1074 : vector<16xf32>
      %select_n3A_1118 = arith.select %gt3A_1117, %select_n3A_1114, %select_n3A_1074 : vector<16xi1>, vector<16xf32>
      %select_n3A_1119 = arith.select %gt3A_1117, %select_n3A_1074, %select_n3A_1114 : vector<16xi1>, vector<16xf32>
      %select_n3A_1120 = arith.select %gt3A_1117, %select_n3A_1116, %select_n3A_1076 : vector<16xi1>, vector<16xi32>
      %select_n3A_1121 = arith.select %gt3A_1117, %select_n3A_1076, %select_n3A_1116 : vector<16xi1>, vector<16xi32>
      %gt3A_1122 = arith.cmpf ogt, %select_n3A_1119, %select_n3A_1079 : vector<16xf32>
      %select_n3A_1123 = arith.select %gt3A_1122, %select_n3A_1119, %select_n3A_1079 : vector<16xi1>, vector<16xf32>
      %select_n3A_1124 = arith.select %gt3A_1122, %select_n3A_1079, %select_n3A_1119 : vector<16xi1>, vector<16xf32>
      %select_n3A_1125 = arith.select %gt3A_1122, %select_n3A_1121, %select_n3A_1081 : vector<16xi1>, vector<16xi32>
      %select_n3A_1126 = arith.select %gt3A_1122, %select_n3A_1081, %select_n3A_1121 : vector<16xi1>, vector<16xi32>
      %gt3A_1127 = arith.cmpf ogt, %select_n3A_1124, %select_n3A_1084 : vector<16xf32>
      %select_n3A_1128 = arith.select %gt3A_1127, %select_n3A_1124, %select_n3A_1084 : vector<16xi1>, vector<16xf32>
      %select_n3A_1129 = arith.select %gt3A_1127, %select_n3A_1084, %select_n3A_1124 : vector<16xi1>, vector<16xf32>
      %select_n3A_1130 = arith.select %gt3A_1127, %select_n3A_1126, %select_n3A_1086 : vector<16xi1>, vector<16xi32>
      %select_n3A_1131 = arith.select %gt3A_1127, %select_n3A_1086, %select_n3A_1126 : vector<16xi1>, vector<16xi32>
      %gt3A_1132 = arith.cmpf ogt, %select_n3A_1129, %select_n3A_1089 : vector<16xf32>
      %select_n3A_1133 = arith.select %gt3A_1132, %select_n3A_1129, %select_n3A_1089 : vector<16xi1>, vector<16xf32>
      %select_n3A_1134 = arith.select %gt3A_1132, %select_n3A_1089, %select_n3A_1129 : vector<16xi1>, vector<16xf32>
      %select_n3A_1135 = arith.select %gt3A_1132, %select_n3A_1131, %select_n3A_1091 : vector<16xi1>, vector<16xi32>
      %select_n3A_1136 = arith.select %gt3A_1132, %select_n3A_1091, %select_n3A_1131 : vector<16xi1>, vector<16xi32>
      %gt3A_1137 = arith.cmpf ogt, %select_n3A_1134, %select_n3A_1094 : vector<16xf32>
      %select_n3A_1138 = arith.select %gt3A_1137, %select_n3A_1134, %select_n3A_1094 : vector<16xi1>, vector<16xf32>
      %select_n3A_1139 = arith.select %gt3A_1137, %select_n3A_1094, %select_n3A_1134 : vector<16xi1>, vector<16xf32>
      %select_n3A_1140 = arith.select %gt3A_1137, %select_n3A_1136, %select_n3A_1096 : vector<16xi1>, vector<16xi32>
      %select_n3A_1141 = arith.select %gt3A_1137, %select_n3A_1096, %select_n3A_1136 : vector<16xi1>, vector<16xi32>
      %gt3A_1142 = arith.cmpf ogt, %select_n3A_1139, %select_n3A_1099 : vector<16xf32>
      %select_n3A_1143 = arith.select %gt3A_1142, %select_n3A_1139, %select_n3A_1099 : vector<16xi1>, vector<16xf32>
      %select_n3A_1144 = arith.select %gt3A_1142, %select_n3A_1099, %select_n3A_1139 : vector<16xi1>, vector<16xf32>
      %select_n3A_1145 = arith.select %gt3A_1142, %select_n3A_1141, %select_n3A_1101 : vector<16xi1>, vector<16xi32>
      %select_n3A_1146 = arith.select %gt3A_1142, %select_n3A_1101, %select_n3A_1141 : vector<16xi1>, vector<16xi32>
      %gt3A_1147 = arith.cmpf ogt, %select_n3A_1144, %select_n3A_1104 : vector<16xf32>
      %select_n3A_1148 = arith.select %gt3A_1147, %select_n3A_1144, %select_n3A_1104 : vector<16xi1>, vector<16xf32>
      %select_n3A_1149 = arith.select %gt3A_1147, %select_n3A_1104, %select_n3A_1144 : vector<16xi1>, vector<16xf32>
      %select_n3A_1150 = arith.select %gt3A_1147, %select_n3A_1146, %select_n3A_1106 : vector<16xi1>, vector<16xi32>
      %select_n3A_1151 = arith.select %gt3A_1147, %select_n3A_1106, %select_n3A_1146 : vector<16xi1>, vector<16xi32>
      %broadcast_in_dim3A_1152 = arith.constant 26 : i32
      %broadcast_in_dim3A_1153 = vector.broadcast %broadcast_in_dim3A_1152 : i32 to vector<16xi32>
      %add3A_1154 = arith.addi %mul3A_7, %broadcast_in_dim3A_1153 : vector<16xi32>
      %gather3A_1155 = tpu.vector_load_idx %arg7[%add3A_1154] : memref<1024xf32, #tpu.memory_space<vmem>>[vector<16xi32>], vector<16xf32>,
      %gt3A_1156 = arith.cmpf ogt, %gather3A_1155, %select_n3A_1113 : vector<16xf32>
      %select_n3A_1157 = arith.select %gt3A_1156, %gather3A_1155, %select_n3A_1113 : vector<16xi1>, vector<16xf32>
      %select_n3A_1158 = arith.select %gt3A_1156, %select_n3A_1113, %gather3A_1155 : vector<16xi1>, vector<16xf32>
      %select_n3A_1159 = arith.select %gt3A_1156, %broadcast_in_dim3A_1153, %select_n3A_1115 : vector<16xi1>, vector<16xi32>
      %select_n3A_1160 = arith.select %gt3A_1156, %select_n3A_1115, %broadcast_in_dim3A_1153 : vector<16xi1>, vector<16xi32>
      %gt3A_1161 = arith.cmpf ogt, %select_n3A_1158, %select_n3A_1118 : vector<16xf32>
      %select_n3A_1162 = arith.select %gt3A_1161, %select_n3A_1158, %select_n3A_1118 : vector<16xi1>, vector<16xf32>
      %select_n3A_1163 = arith.select %gt3A_1161, %select_n3A_1118, %select_n3A_1158 : vector<16xi1>, vector<16xf32>
      %select_n3A_1164 = arith.select %gt3A_1161, %select_n3A_1160, %select_n3A_1120 : vector<16xi1>, vector<16xi32>
      %select_n3A_1165 = arith.select %gt3A_1161, %select_n3A_1120, %select_n3A_1160 : vector<16xi1>, vector<16xi32>
      %gt3A_1166 = arith.cmpf ogt, %select_n3A_1163, %select_n3A_1123 : vector<16xf32>
      %select_n3A_1167 = arith.select %gt3A_1166, %select_n3A_1163, %select_n3A_1123 : vector<16xi1>, vector<16xf32>
      %select_n3A_1168 = arith.select %gt3A_1166, %select_n3A_1123, %select_n3A_1163 : vector<16xi1>, vector<16xf32>
      %select_n3A_1169 = arith.select %gt3A_1166, %select_n3A_1165, %select_n3A_1125 : vector<16xi1>, vector<16xi32>
      %select_n3A_1170 = arith.select %gt3A_1166, %select_n3A_1125, %select_n3A_1165 : vector<16xi1>, vector<16xi32>
      %gt3A_1171 = arith.cmpf ogt, %select_n3A_1168, %select_n3A_1128 : vector<16xf32>
      %select_n3A_1172 = arith.select %gt3A_1171, %select_n3A_1168, %select_n3A_1128 : vector<16xi1>, vector<16xf32>
      %select_n3A_1173 = arith.select %gt3A_1171, %select_n3A_1128, %select_n3A_1168 : vector<16xi1>, vector<16xf32>
      %select_n3A_1174 = arith.select %gt3A_1171, %select_n3A_1170, %select_n3A_1130 : vector<16xi1>, vector<16xi32>
      %select_n3A_1175 = arith.select %gt3A_1171, %select_n3A_1130, %select_n3A_1170 : vector<16xi1>, vector<16xi32>
      %gt3A_1176 = arith.cmpf ogt, %select_n3A_1173, %select_n3A_1133 : vector<16xf32>
      %select_n3A_1177 = arith.select %gt3A_1176, %select_n3A_1173, %select_n3A_1133 : vector<16xi1>, vector<16xf32>
      %select_n3A_1178 = arith.select %gt3A_1176, %select_n3A_1133, %select_n3A_1173 : vector<16xi1>, vector<16xf32>
      %select_n3A_1179 = arith.select %gt3A_1176, %select_n3A_1175, %select_n3A_1135 : vector<16xi1>, vector<16xi32>
      %select_n3A_1180 = arith.select %gt3A_1176, %select_n3A_1135, %select_n3A_1175 : vector<16xi1>, vector<16xi32>
      %gt3A_1181 = arith.cmpf ogt, %select_n3A_1178, %select_n3A_1138 : vector<16xf32>
      %select_n3A_1182 = arith.select %gt3A_1181, %select_n3A_1178, %select_n3A_1138 : vector<16xi1>, vector<16xf32>
      %select_n3A_1183 = arith.select %gt3A_1181, %select_n3A_1138, %select_n3A_1178 : vector<16xi1>, vector<16xf32>
      %select_n3A_1184 = arith.select %gt3A_1181, %select_n3A_1180, %select_n3A_1140 : vector<16xi1>, vector<16xi32>
      %select_n3A_1185 = arith.select %gt3A_1181, %select_n3A_1140, %select_n3A_1180 : vector<16xi1>, vector<16xi32>
      %gt3A_1186 = arith.cmpf ogt, %select_n3A_1183, %select_n3A_1143 : vector<16xf32>
      %select_n3A_1187 = arith.select %gt3A_1186, %select_n3A_1183, %select_n3A_1143 : vector<16xi1>, vector<16xf32>
      %select_n3A_1188 = arith.select %gt3A_1186, %select_n3A_1143, %select_n3A_1183 : vector<16xi1>, vector<16xf32>
      %select_n3A_1189 = arith.select %gt3A_1186, %select_n3A_1185, %select_n3A_1145 : vector<16xi1>, vector<16xi32>
      %select_n3A_1190 = arith.select %gt3A_1186, %select_n3A_1145, %select_n3A_1185 : vector<16xi1>, vector<16xi32>
      %gt3A_1191 = arith.cmpf ogt, %select_n3A_1188, %select_n3A_1148 : vector<16xf32>
      %select_n3A_1192 = arith.select %gt3A_1191, %select_n3A_1188, %select_n3A_1148 : vector<16xi1>, vector<16xf32>
      %select_n3A_1193 = arith.select %gt3A_1191, %select_n3A_1148, %select_n3A_1188 : vector<16xi1>, vector<16xf32>
      %select_n3A_1194 = arith.select %gt3A_1191, %select_n3A_1190, %select_n3A_1150 : vector<16xi1>, vector<16xi32>
      %select_n3A_1195 = arith.select %gt3A_1191, %select_n3A_1150, %select_n3A_1190 : vector<16xi1>, vector<16xi32>
      %broadcast_in_dim3A_1196 = arith.constant 27 : i32
      %broadcast_in_dim3A_1197 = vector.broadcast %broadcast_in_dim3A_1196 : i32 to vector<16xi32>
      %add3A_1198 = arith.addi %mul3A_7, %broadcast_in_dim3A_1197 : vector<16xi32>
      %gather3A_1199 = tpu.vector_load_idx %arg7[%add3A_1198] : memref<1024xf32, #tpu.memory_space<vmem>>[vector<16xi32>], vector<16xf32>,
      %gt3A_1200 = arith.cmpf ogt, %gather3A_1199, %select_n3A_1157 : vector<16xf32>
      %select_n3A_1201 = arith.select %gt3A_1200, %gather3A_1199, %select_n3A_1157 : vector<16xi1>, vector<16xf32>
      %select_n3A_1202 = arith.select %gt3A_1200, %select_n3A_1157, %gather3A_1199 : vector<16xi1>, vector<16xf32>
      %select_n3A_1203 = arith.select %gt3A_1200, %broadcast_in_dim3A_1197, %select_n3A_1159 : vector<16xi1>, vector<16xi32>
      %select_n3A_1204 = arith.select %gt3A_1200, %select_n3A_1159, %broadcast_in_dim3A_1197 : vector<16xi1>, vector<16xi32>
      %gt3A_1205 = arith.cmpf ogt, %select_n3A_1202, %select_n3A_1162 : vector<16xf32>
      %select_n3A_1206 = arith.select %gt3A_1205, %select_n3A_1202, %select_n3A_1162 : vector<16xi1>, vector<16xf32>
      %select_n3A_1207 = arith.select %gt3A_1205, %select_n3A_1162, %select_n3A_1202 : vector<16xi1>, vector<16xf32>
      %select_n3A_1208 = arith.select %gt3A_1205, %select_n3A_1204, %select_n3A_1164 : vector<16xi1>, vector<16xi32>
      %select_n3A_1209 = arith.select %gt3A_1205, %select_n3A_1164, %select_n3A_1204 : vector<16xi1>, vector<16xi32>
      %gt3A_1210 = arith.cmpf ogt, %select_n3A_1207, %select_n3A_1167 : vector<16xf32>
      %select_n3A_1211 = arith.select %gt3A_1210, %select_n3A_1207, %select_n3A_1167 : vector<16xi1>, vector<16xf32>
      %select_n3A_1212 = arith.select %gt3A_1210, %select_n3A_1167, %select_n3A_1207 : vector<16xi1>, vector<16xf32>
      %select_n3A_1213 = arith.select %gt3A_1210, %select_n3A_1209, %select_n3A_1169 : vector<16xi1>, vector<16xi32>
      %select_n3A_1214 = arith.select %gt3A_1210, %select_n3A_1169, %select_n3A_1209 : vector<16xi1>, vector<16xi32>
      %gt3A_1215 = arith.cmpf ogt, %select_n3A_1212, %select_n3A_1172 : vector<16xf32>
      %select_n3A_1216 = arith.select %gt3A_1215, %select_n3A_1212, %select_n3A_1172 : vector<16xi1>, vector<16xf32>
      %select_n3A_1217 = arith.select %gt3A_1215, %select_n3A_1172, %select_n3A_1212 : vector<16xi1>, vector<16xf32>
      %select_n3A_1218 = arith.select %gt3A_1215, %select_n3A_1214, %select_n3A_1174 : vector<16xi1>, vector<16xi32>
      %select_n3A_1219 = arith.select %gt3A_1215, %select_n3A_1174, %select_n3A_1214 : vector<16xi1>, vector<16xi32>
      %gt3A_1220 = arith.cmpf ogt, %select_n3A_1217, %select_n3A_1177 : vector<16xf32>
      %select_n3A_1221 = arith.select %gt3A_1220, %select_n3A_1217, %select_n3A_1177 : vector<16xi1>, vector<16xf32>
      %select_n3A_1222 = arith.select %gt3A_1220, %select_n3A_1177, %select_n3A_1217 : vector<16xi1>, vector<16xf32>
      %select_n3A_1223 = arith.select %gt3A_1220, %select_n3A_1219, %select_n3A_1179 : vector<16xi1>, vector<16xi32>
      %select_n3A_1224 = arith.select %gt3A_1220, %select_n3A_1179, %select_n3A_1219 : vector<16xi1>, vector<16xi32>
      %gt3A_1225 = arith.cmpf ogt, %select_n3A_1222, %select_n3A_1182 : vector<16xf32>
      %select_n3A_1226 = arith.select %gt3A_1225, %select_n3A_1222, %select_n3A_1182 : vector<16xi1>, vector<16xf32>
      %select_n3A_1227 = arith.select %gt3A_1225, %select_n3A_1182, %select_n3A_1222 : vector<16xi1>, vector<16xf32>
      %select_n3A_1228 = arith.select %gt3A_1225, %select_n3A_1224, %select_n3A_1184 : vector<16xi1>, vector<16xi32>
      %select_n3A_1229 = arith.select %gt3A_1225, %select_n3A_1184, %select_n3A_1224 : vector<16xi1>, vector<16xi32>
      %gt3A_1230 = arith.cmpf ogt, %select_n3A_1227, %select_n3A_1187 : vector<16xf32>
      %select_n3A_1231 = arith.select %gt3A_1230, %select_n3A_1227, %select_n3A_1187 : vector<16xi1>, vector<16xf32>
      %select_n3A_1232 = arith.select %gt3A_1230, %select_n3A_1187, %select_n3A_1227 : vector<16xi1>, vector<16xf32>
      %select_n3A_1233 = arith.select %gt3A_1230, %select_n3A_1229, %select_n3A_1189 : vector<16xi1>, vector<16xi32>
      %select_n3A_1234 = arith.select %gt3A_1230, %select_n3A_1189, %select_n3A_1229 : vector<16xi1>, vector<16xi32>
      %gt3A_1235 = arith.cmpf ogt, %select_n3A_1232, %select_n3A_1192 : vector<16xf32>
      %select_n3A_1236 = arith.select %gt3A_1235, %select_n3A_1232, %select_n3A_1192 : vector<16xi1>, vector<16xf32>
      %select_n3A_1237 = arith.select %gt3A_1235, %select_n3A_1192, %select_n3A_1232 : vector<16xi1>, vector<16xf32>
      %select_n3A_1238 = arith.select %gt3A_1235, %select_n3A_1234, %select_n3A_1194 : vector<16xi1>, vector<16xi32>
      %select_n3A_1239 = arith.select %gt3A_1235, %select_n3A_1194, %select_n3A_1234 : vector<16xi1>, vector<16xi32>
      %broadcast_in_dim3A_1240 = arith.constant 28 : i32
      %broadcast_in_dim3A_1241 = vector.broadcast %broadcast_in_dim3A_1240 : i32 to vector<16xi32>
      %add3A_1242 = arith.addi %mul3A_7, %broadcast_in_dim3A_1241 : vector<16xi32>
      %gather3A_1243 = tpu.vector_load_idx %arg7[%add3A_1242] : memref<1024xf32, #tpu.memory_space<vmem>>[vector<16xi32>], vector<16xf32>,
      %gt3A_1244 = arith.cmpf ogt, %gather3A_1243, %select_n3A_1201 : vector<16xf32>
      %select_n3A_1245 = arith.select %gt3A_1244, %gather3A_1243, %select_n3A_1201 : vector<16xi1>, vector<16xf32>
      %select_n3A_1246 = arith.select %gt3A_1244, %select_n3A_1201, %gather3A_1243 : vector<16xi1>, vector<16xf32>
      %select_n3A_1247 = arith.select %gt3A_1244, %broadcast_in_dim3A_1241, %select_n3A_1203 : vector<16xi1>, vector<16xi32>
      %select_n3A_1248 = arith.select %gt3A_1244, %select_n3A_1203, %broadcast_in_dim3A_1241 : vector<16xi1>, vector<16xi32>
      %gt3A_1249 = arith.cmpf ogt, %select_n3A_1246, %select_n3A_1206 : vector<16xf32>
      %select_n3A_1250 = arith.select %gt3A_1249, %select_n3A_1246, %select_n3A_1206 : vector<16xi1>, vector<16xf32>
      %select_n3A_1251 = arith.select %gt3A_1249, %select_n3A_1206, %select_n3A_1246 : vector<16xi1>, vector<16xf32>
      %select_n3A_1252 = arith.select %gt3A_1249, %select_n3A_1248, %select_n3A_1208 : vector<16xi1>, vector<16xi32>
      %select_n3A_1253 = arith.select %gt3A_1249, %select_n3A_1208, %select_n3A_1248 : vector<16xi1>, vector<16xi32>
      %gt3A_1254 = arith.cmpf ogt, %select_n3A_1251, %select_n3A_1211 : vector<16xf32>
      %select_n3A_1255 = arith.select %gt3A_1254, %select_n3A_1251, %select_n3A_1211 : vector<16xi1>, vector<16xf32>
      %select_n3A_1256 = arith.select %gt3A_1254, %select_n3A_1211, %select_n3A_1251 : vector<16xi1>, vector<16xf32>
      %select_n3A_1257 = arith.select %gt3A_1254, %select_n3A_1253, %select_n3A_1213 : vector<16xi1>, vector<16xi32>
      %select_n3A_1258 = arith.select %gt3A_1254, %select_n3A_1213, %select_n3A_1253 : vector<16xi1>, vector<16xi32>
      %gt3A_1259 = arith.cmpf ogt, %select_n3A_1256, %select_n3A_1216 : vector<16xf32>
      %select_n3A_1260 = arith.select %gt3A_1259, %select_n3A_1256, %select_n3A_1216 : vector<16xi1>, vector<16xf32>
      %select_n3A_1261 = arith.select %gt3A_1259, %select_n3A_1216, %select_n3A_1256 : vector<16xi1>, vector<16xf32>
      %select_n3A_1262 = arith.select %gt3A_1259, %select_n3A_1258, %select_n3A_1218 : vector<16xi1>, vector<16xi32>
      %select_n3A_1263 = arith.select %gt3A_1259, %select_n3A_1218, %select_n3A_1258 : vector<16xi1>, vector<16xi32>
      %gt3A_1264 = arith.cmpf ogt, %select_n3A_1261, %select_n3A_1221 : vector<16xf32>
      %select_n3A_1265 = arith.select %gt3A_1264, %select_n3A_1261, %select_n3A_1221 : vector<16xi1>, vector<16xf32>
      %select_n3A_1266 = arith.select %gt3A_1264, %select_n3A_1221, %select_n3A_1261 : vector<16xi1>, vector<16xf32>
      %select_n3A_1267 = arith.select %gt3A_1264, %select_n3A_1263, %select_n3A_1223 : vector<16xi1>, vector<16xi32>
      %select_n3A_1268 = arith.select %gt3A_1264, %select_n3A_1223, %select_n3A_1263 : vector<16xi1>, vector<16xi32>
      %gt3A_1269 = arith.cmpf ogt, %select_n3A_1266, %select_n3A_1226 : vector<16xf32>
      %select_n3A_1270 = arith.select %gt3A_1269, %select_n3A_1266, %select_n3A_1226 : vector<16xi1>, vector<16xf32>
      %select_n3A_1271 = arith.select %gt3A_1269, %select_n3A_1226, %select_n3A_1266 : vector<16xi1>, vector<16xf32>
      %select_n3A_1272 = arith.select %gt3A_1269, %select_n3A_1268, %select_n3A_1228 : vector<16xi1>, vector<16xi32>
      %select_n3A_1273 = arith.select %gt3A_1269, %select_n3A_1228, %select_n3A_1268 : vector<16xi1>, vector<16xi32>
      %gt3A_1274 = arith.cmpf ogt, %select_n3A_1271, %select_n3A_1231 : vector<16xf32>
      %select_n3A_1275 = arith.select %gt3A_1274, %select_n3A_1271, %select_n3A_1231 : vector<16xi1>, vector<16xf32>
      %select_n3A_1276 = arith.select %gt3A_1274, %select_n3A_1231, %select_n3A_1271 : vector<16xi1>, vector<16xf32>
      %select_n3A_1277 = arith.select %gt3A_1274, %select_n3A_1273, %select_n3A_1233 : vector<16xi1>, vector<16xi32>
      %select_n3A_1278 = arith.select %gt3A_1274, %select_n3A_1233, %select_n3A_1273 : vector<16xi1>, vector<16xi32>
      %gt3A_1279 = arith.cmpf ogt, %select_n3A_1276, %select_n3A_1236 : vector<16xf32>
      %select_n3A_1280 = arith.select %gt3A_1279, %select_n3A_1276, %select_n3A_1236 : vector<16xi1>, vector<16xf32>
      %select_n3A_1281 = arith.select %gt3A_1279, %select_n3A_1236, %select_n3A_1276 : vector<16xi1>, vector<16xf32>
      %select_n3A_1282 = arith.select %gt3A_1279, %select_n3A_1278, %select_n3A_1238 : vector<16xi1>, vector<16xi32>
      %select_n3A_1283 = arith.select %gt3A_1279, %select_n3A_1238, %select_n3A_1278 : vector<16xi1>, vector<16xi32>
      %broadcast_in_dim3A_1284 = arith.constant 29 : i32
      %broadcast_in_dim3A_1285 = vector.broadcast %broadcast_in_dim3A_1284 : i32 to vector<16xi32>
      %add3A_1286 = arith.addi %mul3A_7, %broadcast_in_dim3A_1285 : vector<16xi32>
      %gather3A_1287 = tpu.vector_load_idx %arg7[%add3A_1286] : memref<1024xf32, #tpu.memory_space<vmem>>[vector<16xi32>], vector<16xf32>,
      %gt3A_1288 = arith.cmpf ogt, %gather3A_1287, %select_n3A_1245 : vector<16xf32>
      %select_n3A_1289 = arith.select %gt3A_1288, %gather3A_1287, %select_n3A_1245 : vector<16xi1>, vector<16xf32>
      %select_n3A_1290 = arith.select %gt3A_1288, %select_n3A_1245, %gather3A_1287 : vector<16xi1>, vector<16xf32>
      %select_n3A_1291 = arith.select %gt3A_1288, %broadcast_in_dim3A_1285, %select_n3A_1247 : vector<16xi1>, vector<16xi32>
      %select_n3A_1292 = arith.select %gt3A_1288, %select_n3A_1247, %broadcast_in_dim3A_1285 : vector<16xi1>, vector<16xi32>
      %gt3A_1293 = arith.cmpf ogt, %select_n3A_1290, %select_n3A_1250 : vector<16xf32>
      %select_n3A_1294 = arith.select %gt3A_1293, %select_n3A_1290, %select_n3A_1250 : vector<16xi1>, vector<16xf32>
      %select_n3A_1295 = arith.select %gt3A_1293, %select_n3A_1250, %select_n3A_1290 : vector<16xi1>, vector<16xf32>
      %select_n3A_1296 = arith.select %gt3A_1293, %select_n3A_1292, %select_n3A_1252 : vector<16xi1>, vector<16xi32>
      %select_n3A_1297 = arith.select %gt3A_1293, %select_n3A_1252, %select_n3A_1292 : vector<16xi1>, vector<16xi32>
      %gt3A_1298 = arith.cmpf ogt, %select_n3A_1295, %select_n3A_1255 : vector<16xf32>
      %select_n3A_1299 = arith.select %gt3A_1298, %select_n3A_1295, %select_n3A_1255 : vector<16xi1>, vector<16xf32>
      %select_n3A_1300 = arith.select %gt3A_1298, %select_n3A_1255, %select_n3A_1295 : vector<16xi1>, vector<16xf32>
      %select_n3A_1301 = arith.select %gt3A_1298, %select_n3A_1297, %select_n3A_1257 : vector<16xi1>, vector<16xi32>
      %select_n3A_1302 = arith.select %gt3A_1298, %select_n3A_1257, %select_n3A_1297 : vector<16xi1>, vector<16xi32>
      %gt3A_1303 = arith.cmpf ogt, %select_n3A_1300, %select_n3A_1260 : vector<16xf32>
      %select_n3A_1304 = arith.select %gt3A_1303, %select_n3A_1300, %select_n3A_1260 : vector<16xi1>, vector<16xf32>
      %select_n3A_1305 = arith.select %gt3A_1303, %select_n3A_1260, %select_n3A_1300 : vector<16xi1>, vector<16xf32>
      %select_n3A_1306 = arith.select %gt3A_1303, %select_n3A_1302, %select_n3A_1262 : vector<16xi1>, vector<16xi32>
      %select_n3A_1307 = arith.select %gt3A_1303, %select_n3A_1262, %select_n3A_1302 : vector<16xi1>, vector<16xi32>
      %gt3A_1308 = arith.cmpf ogt, %select_n3A_1305, %select_n3A_1265 : vector<16xf32>
      %select_n3A_1309 = arith.select %gt3A_1308, %select_n3A_1305, %select_n3A_1265 : vector<16xi1>, vector<16xf32>
      %select_n3A_1310 = arith.select %gt3A_1308, %select_n3A_1265, %select_n3A_1305 : vector<16xi1>, vector<16xf32>
      %select_n3A_1311 = arith.select %gt3A_1308, %select_n3A_1307, %select_n3A_1267 : vector<16xi1>, vector<16xi32>
      %select_n3A_1312 = arith.select %gt3A_1308, %select_n3A_1267, %select_n3A_1307 : vector<16xi1>, vector<16xi32>
      %gt3A_1313 = arith.cmpf ogt, %select_n3A_1310, %select_n3A_1270 : vector<16xf32>
      %select_n3A_1314 = arith.select %gt3A_1313, %select_n3A_1310, %select_n3A_1270 : vector<16xi1>, vector<16xf32>
      %select_n3A_1315 = arith.select %gt3A_1313, %select_n3A_1270, %select_n3A_1310 : vector<16xi1>, vector<16xf32>
      %select_n3A_1316 = arith.select %gt3A_1313, %select_n3A_1312, %select_n3A_1272 : vector<16xi1>, vector<16xi32>
      %select_n3A_1317 = arith.select %gt3A_1313, %select_n3A_1272, %select_n3A_1312 : vector<16xi1>, vector<16xi32>
      %gt3A_1318 = arith.cmpf ogt, %select_n3A_1315, %select_n3A_1275 : vector<16xf32>
      %select_n3A_1319 = arith.select %gt3A_1318, %select_n3A_1315, %select_n3A_1275 : vector<16xi1>, vector<16xf32>
      %select_n3A_1320 = arith.select %gt3A_1318, %select_n3A_1275, %select_n3A_1315 : vector<16xi1>, vector<16xf32>
      %select_n3A_1321 = arith.select %gt3A_1318, %select_n3A_1317, %select_n3A_1277 : vector<16xi1>, vector<16xi32>
      %select_n3A_1322 = arith.select %gt3A_1318, %select_n3A_1277, %select_n3A_1317 : vector<16xi1>, vector<16xi32>
      %gt3A_1323 = arith.cmpf ogt, %select_n3A_1320, %select_n3A_1280 : vector<16xf32>
      %select_n3A_1324 = arith.select %gt3A_1323, %select_n3A_1320, %select_n3A_1280 : vector<16xi1>, vector<16xf32>
      %select_n3A_1325 = arith.select %gt3A_1323, %select_n3A_1280, %select_n3A_1320 : vector<16xi1>, vector<16xf32>
      %select_n3A_1326 = arith.select %gt3A_1323, %select_n3A_1322, %select_n3A_1282 : vector<16xi1>, vector<16xi32>
      %select_n3A_1327 = arith.select %gt3A_1323, %select_n3A_1282, %select_n3A_1322 : vector<16xi1>, vector<16xi32>
      %broadcast_in_dim3A_1328 = arith.constant 30 : i32
      %broadcast_in_dim3A_1329 = vector.broadcast %broadcast_in_dim3A_1328 : i32 to vector<16xi32>
      %add3A_1330 = arith.addi %mul3A_7, %broadcast_in_dim3A_1329 : vector<16xi32>
      %gather3A_1331 = tpu.vector_load_idx %arg7[%add3A_1330] : memref<1024xf32, #tpu.memory_space<vmem>>[vector<16xi32>], vector<16xf32>,
      %gt3A_1332 = arith.cmpf ogt, %gather3A_1331, %select_n3A_1289 : vector<16xf32>
      %select_n3A_1333 = arith.select %gt3A_1332, %gather3A_1331, %select_n3A_1289 : vector<16xi1>, vector<16xf32>
      %select_n3A_1334 = arith.select %gt3A_1332, %select_n3A_1289, %gather3A_1331 : vector<16xi1>, vector<16xf32>
      %select_n3A_1335 = arith.select %gt3A_1332, %broadcast_in_dim3A_1329, %select_n3A_1291 : vector<16xi1>, vector<16xi32>
      %select_n3A_1336 = arith.select %gt3A_1332, %select_n3A_1291, %broadcast_in_dim3A_1329 : vector<16xi1>, vector<16xi32>
      %gt3A_1337 = arith.cmpf ogt, %select_n3A_1334, %select_n3A_1294 : vector<16xf32>
      %select_n3A_1338 = arith.select %gt3A_1337, %select_n3A_1334, %select_n3A_1294 : vector<16xi1>, vector<16xf32>
      %select_n3A_1339 = arith.select %gt3A_1337, %select_n3A_1294, %select_n3A_1334 : vector<16xi1>, vector<16xf32>
      %select_n3A_1340 = arith.select %gt3A_1337, %select_n3A_1336, %select_n3A_1296 : vector<16xi1>, vector<16xi32>
      %select_n3A_1341 = arith.select %gt3A_1337, %select_n3A_1296, %select_n3A_1336 : vector<16xi1>, vector<16xi32>
      %gt3A_1342 = arith.cmpf ogt, %select_n3A_1339, %select_n3A_1299 : vector<16xf32>
      %select_n3A_1343 = arith.select %gt3A_1342, %select_n3A_1339, %select_n3A_1299 : vector<16xi1>, vector<16xf32>
      %select_n3A_1344 = arith.select %gt3A_1342, %select_n3A_1299, %select_n3A_1339 : vector<16xi1>, vector<16xf32>
      %select_n3A_1345 = arith.select %gt3A_1342, %select_n3A_1341, %select_n3A_1301 : vector<16xi1>, vector<16xi32>
      %select_n3A_1346 = arith.select %gt3A_1342, %select_n3A_1301, %select_n3A_1341 : vector<16xi1>, vector<16xi32>
      %gt3A_1347 = arith.cmpf ogt, %select_n3A_1344, %select_n3A_1304 : vector<16xf32>
      %select_n3A_1348 = arith.select %gt3A_1347, %select_n3A_1344, %select_n3A_1304 : vector<16xi1>, vector<16xf32>
      %select_n3A_1349 = arith.select %gt3A_1347, %select_n3A_1304, %select_n3A_1344 : vector<16xi1>, vector<16xf32>
      %select_n3A_1350 = arith.select %gt3A_1347, %select_n3A_1346, %select_n3A_1306 : vector<16xi1>, vector<16xi32>
      %select_n3A_1351 = arith.select %gt3A_1347, %select_n3A_1306, %select_n3A_1346 : vector<16xi1>, vector<16xi32>
      %gt3A_1352 = arith.cmpf ogt, %select_n3A_1349, %select_n3A_1309 : vector<16xf32>
      %select_n3A_1353 = arith.select %gt3A_1352, %select_n3A_1349, %select_n3A_1309 : vector<16xi1>, vector<16xf32>
      %select_n3A_1354 = arith.select %gt3A_1352, %select_n3A_1309, %select_n3A_1349 : vector<16xi1>, vector<16xf32>
      %select_n3A_1355 = arith.select %gt3A_1352, %select_n3A_1351, %select_n3A_1311 : vector<16xi1>, vector<16xi32>
      %select_n3A_1356 = arith.select %gt3A_1352, %select_n3A_1311, %select_n3A_1351 : vector<16xi1>, vector<16xi32>
      %gt3A_1357 = arith.cmpf ogt, %select_n3A_1354, %select_n3A_1314 : vector<16xf32>
      %select_n3A_1358 = arith.select %gt3A_1357, %select_n3A_1354, %select_n3A_1314 : vector<16xi1>, vector<16xf32>
      %select_n3A_1359 = arith.select %gt3A_1357, %select_n3A_1314, %select_n3A_1354 : vector<16xi1>, vector<16xf32>
      %select_n3A_1360 = arith.select %gt3A_1357, %select_n3A_1356, %select_n3A_1316 : vector<16xi1>, vector<16xi32>
      %select_n3A_1361 = arith.select %gt3A_1357, %select_n3A_1316, %select_n3A_1356 : vector<16xi1>, vector<16xi32>
      %gt3A_1362 = arith.cmpf ogt, %select_n3A_1359, %select_n3A_1319 : vector<16xf32>
      %select_n3A_1363 = arith.select %gt3A_1362, %select_n3A_1359, %select_n3A_1319 : vector<16xi1>, vector<16xf32>
      %select_n3A_1364 = arith.select %gt3A_1362, %select_n3A_1319, %select_n3A_1359 : vector<16xi1>, vector<16xf32>
      %select_n3A_1365 = arith.select %gt3A_1362, %select_n3A_1361, %select_n3A_1321 : vector<16xi1>, vector<16xi32>
      %select_n3A_1366 = arith.select %gt3A_1362, %select_n3A_1321, %select_n3A_1361 : vector<16xi1>, vector<16xi32>
      %gt3A_1367 = arith.cmpf ogt, %select_n3A_1364, %select_n3A_1324 : vector<16xf32>
      %select_n3A_1368 = arith.select %gt3A_1367, %select_n3A_1364, %select_n3A_1324 : vector<16xi1>, vector<16xf32>
      %select_n3A_1369 = arith.select %gt3A_1367, %select_n3A_1324, %select_n3A_1364 : vector<16xi1>, vector<16xf32>
      %select_n3A_1370 = arith.select %gt3A_1367, %select_n3A_1366, %select_n3A_1326 : vector<16xi1>, vector<16xi32>
      %select_n3A_1371 = arith.select %gt3A_1367, %select_n3A_1326, %select_n3A_1366 : vector<16xi1>, vector<16xi32>
      %broadcast_in_dim3A_1372 = arith.constant 31 : i32
      %broadcast_in_dim3A_1373 = vector.broadcast %broadcast_in_dim3A_1372 : i32 to vector<16xi32>
      %add3A_1374 = arith.addi %mul3A_7, %broadcast_in_dim3A_1373 : vector<16xi32>
      %gather3A_1375 = tpu.vector_load_idx %arg7[%add3A_1374] : memref<1024xf32, #tpu.memory_space<vmem>>[vector<16xi32>], vector<16xf32>,
      %gt3A_1376 = arith.cmpf ogt, %gather3A_1375, %select_n3A_1333 : vector<16xf32>
      %select_n3A_1377 = arith.select %gt3A_1376, %gather3A_1375, %select_n3A_1333 : vector<16xi1>, vector<16xf32>
      %select_n3A_1378 = arith.select %gt3A_1376, %select_n3A_1333, %gather3A_1375 : vector<16xi1>, vector<16xf32>
      %select_n3A_1379 = arith.select %gt3A_1376, %broadcast_in_dim3A_1373, %select_n3A_1335 : vector<16xi1>, vector<16xi32>
      %select_n3A_1380 = arith.select %gt3A_1376, %select_n3A_1335, %broadcast_in_dim3A_1373 : vector<16xi1>, vector<16xi32>
      %gt3A_1381 = arith.cmpf ogt, %select_n3A_1378, %select_n3A_1338 : vector<16xf32>
      %select_n3A_1382 = arith.select %gt3A_1381, %select_n3A_1378, %select_n3A_1338 : vector<16xi1>, vector<16xf32>
      %select_n3A_1383 = arith.select %gt3A_1381, %select_n3A_1338, %select_n3A_1378 : vector<16xi1>, vector<16xf32>
      %select_n3A_1384 = arith.select %gt3A_1381, %select_n3A_1380, %select_n3A_1340 : vector<16xi1>, vector<16xi32>
      %select_n3A_1385 = arith.select %gt3A_1381, %select_n3A_1340, %select_n3A_1380 : vector<16xi1>, vector<16xi32>
      %gt3A_1386 = arith.cmpf ogt, %select_n3A_1383, %select_n3A_1343 : vector<16xf32>
      %select_n3A_1387 = arith.select %gt3A_1386, %select_n3A_1383, %select_n3A_1343 : vector<16xi1>, vector<16xf32>
      %select_n3A_1388 = arith.select %gt3A_1386, %select_n3A_1343, %select_n3A_1383 : vector<16xi1>, vector<16xf32>
      %select_n3A_1389 = arith.select %gt3A_1386, %select_n3A_1385, %select_n3A_1345 : vector<16xi1>, vector<16xi32>
      %select_n3A_1390 = arith.select %gt3A_1386, %select_n3A_1345, %select_n3A_1385 : vector<16xi1>, vector<16xi32>
      %gt3A_1391 = arith.cmpf ogt, %select_n3A_1388, %select_n3A_1348 : vector<16xf32>
      %select_n3A_1392 = arith.select %gt3A_1391, %select_n3A_1388, %select_n3A_1348 : vector<16xi1>, vector<16xf32>
      %select_n3A_1393 = arith.select %gt3A_1391, %select_n3A_1348, %select_n3A_1388 : vector<16xi1>, vector<16xf32>
      %select_n3A_1394 = arith.select %gt3A_1391, %select_n3A_1390, %select_n3A_1350 : vector<16xi1>, vector<16xi32>
      %select_n3A_1395 = arith.select %gt3A_1391, %select_n3A_1350, %select_n3A_1390 : vector<16xi1>, vector<16xi32>
      %gt3A_1396 = arith.cmpf ogt, %select_n3A_1393, %select_n3A_1353 : vector<16xf32>
      %select_n3A_1397 = arith.select %gt3A_1396, %select_n3A_1393, %select_n3A_1353 : vector<16xi1>, vector<16xf32>
      %select_n3A_1398 = arith.select %gt3A_1396, %select_n3A_1353, %select_n3A_1393 : vector<16xi1>, vector<16xf32>
      %select_n3A_1399 = arith.select %gt3A_1396, %select_n3A_1395, %select_n3A_1355 : vector<16xi1>, vector<16xi32>
      %select_n3A_1400 = arith.select %gt3A_1396, %select_n3A_1355, %select_n3A_1395 : vector<16xi1>, vector<16xi32>
      %gt3A_1401 = arith.cmpf ogt, %select_n3A_1398, %select_n3A_1358 : vector<16xf32>
      %select_n3A_1402 = arith.select %gt3A_1401, %select_n3A_1398, %select_n3A_1358 : vector<16xi1>, vector<16xf32>
      %select_n3A_1403 = arith.select %gt3A_1401, %select_n3A_1358, %select_n3A_1398 : vector<16xi1>, vector<16xf32>
      %select_n3A_1404 = arith.select %gt3A_1401, %select_n3A_1400, %select_n3A_1360 : vector<16xi1>, vector<16xi32>
      %select_n3A_1405 = arith.select %gt3A_1401, %select_n3A_1360, %select_n3A_1400 : vector<16xi1>, vector<16xi32>
      %gt3A_1406 = arith.cmpf ogt, %select_n3A_1403, %select_n3A_1363 : vector<16xf32>
      %select_n3A_1407 = arith.select %gt3A_1406, %select_n3A_1403, %select_n3A_1363 : vector<16xi1>, vector<16xf32>
      %select_n3A_1408 = arith.select %gt3A_1406, %select_n3A_1363, %select_n3A_1403 : vector<16xi1>, vector<16xf32>
      %select_n3A_1409 = arith.select %gt3A_1406, %select_n3A_1405, %select_n3A_1365 : vector<16xi1>, vector<16xi32>
      %select_n3A_1410 = arith.select %gt3A_1406, %select_n3A_1365, %select_n3A_1405 : vector<16xi1>, vector<16xi32>
      %gt3A_1411 = arith.cmpf ogt, %select_n3A_1408, %select_n3A_1368 : vector<16xf32>
      %select_n3A_1412 = arith.select %gt3A_1411, %select_n3A_1408, %select_n3A_1368 : vector<16xi1>, vector<16xf32>
      %select_n3A_1413 = arith.select %gt3A_1411, %select_n3A_1368, %select_n3A_1408 : vector<16xi1>, vector<16xf32>
      %select_n3A_1414 = arith.select %gt3A_1411, %select_n3A_1410, %select_n3A_1370 : vector<16xi1>, vector<16xi32>
      %select_n3A_1415 = arith.select %gt3A_1411, %select_n3A_1370, %select_n3A_1410 : vector<16xi1>, vector<16xi32>
      %broadcast_in_dim3A_1416 = arith.constant 32 : i32
      %broadcast_in_dim3A_1417 = vector.broadcast %broadcast_in_dim3A_1416 : i32 to vector<16xi32>
      %add3A_1418 = arith.addi %mul3A_7, %broadcast_in_dim3A_1417 : vector<16xi32>
      %gather3A_1419 = tpu.vector_load_idx %arg7[%add3A_1418] : memref<1024xf32, #tpu.memory_space<vmem>>[vector<16xi32>], vector<16xf32>,
      %gt3A_1420 = arith.cmpf ogt, %gather3A_1419, %select_n3A_1377 : vector<16xf32>
      %select_n3A_1421 = arith.select %gt3A_1420, %gather3A_1419, %select_n3A_1377 : vector<16xi1>, vector<16xf32>
      %select_n3A_1422 = arith.select %gt3A_1420, %select_n3A_1377, %gather3A_1419 : vector<16xi1>, vector<16xf32>
      %select_n3A_1423 = arith.select %gt3A_1420, %broadcast_in_dim3A_1417, %select_n3A_1379 : vector<16xi1>, vector<16xi32>
      %select_n3A_1424 = arith.select %gt3A_1420, %select_n3A_1379, %broadcast_in_dim3A_1417 : vector<16xi1>, vector<16xi32>
      %gt3A_1425 = arith.cmpf ogt, %select_n3A_1422, %select_n3A_1382 : vector<16xf32>
      %select_n3A_1426 = arith.select %gt3A_1425, %select_n3A_1422, %select_n3A_1382 : vector<16xi1>, vector<16xf32>
      %select_n3A_1427 = arith.select %gt3A_1425, %select_n3A_1382, %select_n3A_1422 : vector<16xi1>, vector<16xf32>
      %select_n3A_1428 = arith.select %gt3A_1425, %select_n3A_1424, %select_n3A_1384 : vector<16xi1>, vector<16xi32>
      %select_n3A_1429 = arith.select %gt3A_1425, %select_n3A_1384, %select_n3A_1424 : vector<16xi1>, vector<16xi32>
      %gt3A_1430 = arith.cmpf ogt, %select_n3A_1427, %select_n3A_1387 : vector<16xf32>
      %select_n3A_1431 = arith.select %gt3A_1430, %select_n3A_1427, %select_n3A_1387 : vector<16xi1>, vector<16xf32>
      %select_n3A_1432 = arith.select %gt3A_1430, %select_n3A_1387, %select_n3A_1427 : vector<16xi1>, vector<16xf32>
      %select_n3A_1433 = arith.select %gt3A_1430, %select_n3A_1429, %select_n3A_1389 : vector<16xi1>, vector<16xi32>
      %select_n3A_1434 = arith.select %gt3A_1430, %select_n3A_1389, %select_n3A_1429 : vector<16xi1>, vector<16xi32>
      %gt3A_1435 = arith.cmpf ogt, %select_n3A_1432, %select_n3A_1392 : vector<16xf32>
      %select_n3A_1436 = arith.select %gt3A_1435, %select_n3A_1432, %select_n3A_1392 : vector<16xi1>, vector<16xf32>
      %select_n3A_1437 = arith.select %gt3A_1435, %select_n3A_1392, %select_n3A_1432 : vector<16xi1>, vector<16xf32>
      %select_n3A_1438 = arith.select %gt3A_1435, %select_n3A_1434, %select_n3A_1394 : vector<16xi1>, vector<16xi32>
      %select_n3A_1439 = arith.select %gt3A_1435, %select_n3A_1394, %select_n3A_1434 : vector<16xi1>, vector<16xi32>
      %gt3A_1440 = arith.cmpf ogt, %select_n3A_1437, %select_n3A_1397 : vector<16xf32>
      %select_n3A_1441 = arith.select %gt3A_1440, %select_n3A_1437, %select_n3A_1397 : vector<16xi1>, vector<16xf32>
      %select_n3A_1442 = arith.select %gt3A_1440, %select_n3A_1397, %select_n3A_1437 : vector<16xi1>, vector<16xf32>
      %select_n3A_1443 = arith.select %gt3A_1440, %select_n3A_1439, %select_n3A_1399 : vector<16xi1>, vector<16xi32>
      %select_n3A_1444 = arith.select %gt3A_1440, %select_n3A_1399, %select_n3A_1439 : vector<16xi1>, vector<16xi32>
      %gt3A_1445 = arith.cmpf ogt, %select_n3A_1442, %select_n3A_1402 : vector<16xf32>
      %select_n3A_1446 = arith.select %gt3A_1445, %select_n3A_1442, %select_n3A_1402 : vector<16xi1>, vector<16xf32>
      %select_n3A_1447 = arith.select %gt3A_1445, %select_n3A_1402, %select_n3A_1442 : vector<16xi1>, vector<16xf32>
      %select_n3A_1448 = arith.select %gt3A_1445, %select_n3A_1444, %select_n3A_1404 : vector<16xi1>, vector<16xi32>
      %select_n3A_1449 = arith.select %gt3A_1445, %select_n3A_1404, %select_n3A_1444 : vector<16xi1>, vector<16xi32>
      %gt3A_1450 = arith.cmpf ogt, %select_n3A_1447, %select_n3A_1407 : vector<16xf32>
      %select_n3A_1451 = arith.select %gt3A_1450, %select_n3A_1447, %select_n3A_1407 : vector<16xi1>, vector<16xf32>
      %select_n3A_1452 = arith.select %gt3A_1450, %select_n3A_1407, %select_n3A_1447 : vector<16xi1>, vector<16xf32>
      %select_n3A_1453 = arith.select %gt3A_1450, %select_n3A_1449, %select_n3A_1409 : vector<16xi1>, vector<16xi32>
      %select_n3A_1454 = arith.select %gt3A_1450, %select_n3A_1409, %select_n3A_1449 : vector<16xi1>, vector<16xi32>
      %gt3A_1455 = arith.cmpf ogt, %select_n3A_1452, %select_n3A_1412 : vector<16xf32>
      %select_n3A_1456 = arith.select %gt3A_1455, %select_n3A_1452, %select_n3A_1412 : vector<16xi1>, vector<16xf32>
      %select_n3A_1457 = arith.select %gt3A_1455, %select_n3A_1412, %select_n3A_1452 : vector<16xi1>, vector<16xf32>
      %select_n3A_1458 = arith.select %gt3A_1455, %select_n3A_1454, %select_n3A_1414 : vector<16xi1>, vector<16xi32>
      %select_n3A_1459 = arith.select %gt3A_1455, %select_n3A_1414, %select_n3A_1454 : vector<16xi1>, vector<16xi32>
      %broadcast_in_dim3A_1460 = arith.constant 33 : i32
      %broadcast_in_dim3A_1461 = vector.broadcast %broadcast_in_dim3A_1460 : i32 to vector<16xi32>
      %add3A_1462 = arith.addi %mul3A_7, %broadcast_in_dim3A_1461 : vector<16xi32>
      %gather3A_1463 = tpu.vector_load_idx %arg7[%add3A_1462] : memref<1024xf32, #tpu.memory_space<vmem>>[vector<16xi32>], vector<16xf32>,
      %gt3A_1464 = arith.cmpf ogt, %gather3A_1463, %select_n3A_1421 : vector<16xf32>
      %select_n3A_1465 = arith.select %gt3A_1464, %gather3A_1463, %select_n3A_1421 : vector<16xi1>, vector<16xf32>
      %select_n3A_1466 = arith.select %gt3A_1464, %select_n3A_1421, %gather3A_1463 : vector<16xi1>, vector<16xf32>
      %select_n3A_1467 = arith.select %gt3A_1464, %broadcast_in_dim3A_1461, %select_n3A_1423 : vector<16xi1>, vector<16xi32>
      %select_n3A_1468 = arith.select %gt3A_1464, %select_n3A_1423, %broadcast_in_dim3A_1461 : vector<16xi1>, vector<16xi32>
      %gt3A_1469 = arith.cmpf ogt, %select_n3A_1466, %select_n3A_1426 : vector<16xf32>
      %select_n3A_1470 = arith.select %gt3A_1469, %select_n3A_1466, %select_n3A_1426 : vector<16xi1>, vector<16xf32>
      %select_n3A_1471 = arith.select %gt3A_1469, %select_n3A_1426, %select_n3A_1466 : vector<16xi1>, vector<16xf32>
      %select_n3A_1472 = arith.select %gt3A_1469, %select_n3A_1468, %select_n3A_1428 : vector<16xi1>, vector<16xi32>
      %select_n3A_1473 = arith.select %gt3A_1469, %select_n3A_1428, %select_n3A_1468 : vector<16xi1>, vector<16xi32>
      %gt3A_1474 = arith.cmpf ogt, %select_n3A_1471, %select_n3A_1431 : vector<16xf32>
      %select_n3A_1475 = arith.select %gt3A_1474, %select_n3A_1471, %select_n3A_1431 : vector<16xi1>, vector<16xf32>
      %select_n3A_1476 = arith.select %gt3A_1474, %select_n3A_1431, %select_n3A_1471 : vector<16xi1>, vector<16xf32>
      %select_n3A_1477 = arith.select %gt3A_1474, %select_n3A_1473, %select_n3A_1433 : vector<16xi1>, vector<16xi32>
      %select_n3A_1478 = arith.select %gt3A_1474, %select_n3A_1433, %select_n3A_1473 : vector<16xi1>, vector<16xi32>
      %gt3A_1479 = arith.cmpf ogt, %select_n3A_1476, %select_n3A_1436 : vector<16xf32>
      %select_n3A_1480 = arith.select %gt3A_1479, %select_n3A_1476, %select_n3A_1436 : vector<16xi1>, vector<16xf32>
      %select_n3A_1481 = arith.select %gt3A_1479, %select_n3A_1436, %select_n3A_1476 : vector<16xi1>, vector<16xf32>
      %select_n3A_1482 = arith.select %gt3A_1479, %select_n3A_1478, %select_n3A_1438 : vector<16xi1>, vector<16xi32>
      %select_n3A_1483 = arith.select %gt3A_1479, %select_n3A_1438, %select_n3A_1478 : vector<16xi1>, vector<16xi32>
      %gt3A_1484 = arith.cmpf ogt, %select_n3A_1481, %select_n3A_1441 : vector<16xf32>
      %select_n3A_1485 = arith.select %gt3A_1484, %select_n3A_1481, %select_n3A_1441 : vector<16xi1>, vector<16xf32>
      %select_n3A_1486 = arith.select %gt3A_1484, %select_n3A_1441, %select_n3A_1481 : vector<16xi1>, vector<16xf32>
      %select_n3A_1487 = arith.select %gt3A_1484, %select_n3A_1483, %select_n3A_1443 : vector<16xi1>, vector<16xi32>
      %select_n3A_1488 = arith.select %gt3A_1484, %select_n3A_1443, %select_n3A_1483 : vector<16xi1>, vector<16xi32>
      %gt3A_1489 = arith.cmpf ogt, %select_n3A_1486, %select_n3A_1446 : vector<16xf32>
      %select_n3A_1490 = arith.select %gt3A_1489, %select_n3A_1486, %select_n3A_1446 : vector<16xi1>, vector<16xf32>
      %select_n3A_1491 = arith.select %gt3A_1489, %select_n3A_1446, %select_n3A_1486 : vector<16xi1>, vector<16xf32>
      %select_n3A_1492 = arith.select %gt3A_1489, %select_n3A_1488, %select_n3A_1448 : vector<16xi1>, vector<16xi32>
      %select_n3A_1493 = arith.select %gt3A_1489, %select_n3A_1448, %select_n3A_1488 : vector<16xi1>, vector<16xi32>
      %gt3A_1494 = arith.cmpf ogt, %select_n3A_1491, %select_n3A_1451 : vector<16xf32>
      %select_n3A_1495 = arith.select %gt3A_1494, %select_n3A_1491, %select_n3A_1451 : vector<16xi1>, vector<16xf32>
      %select_n3A_1496 = arith.select %gt3A_1494, %select_n3A_1451, %select_n3A_1491 : vector<16xi1>, vector<16xf32>
      %select_n3A_1497 = arith.select %gt3A_1494, %select_n3A_1493, %select_n3A_1453 : vector<16xi1>, vector<16xi32>
      %select_n3A_1498 = arith.select %gt3A_1494, %select_n3A_1453, %select_n3A_1493 : vector<16xi1>, vector<16xi32>
      %gt3A_1499 = arith.cmpf ogt, %select_n3A_1496, %select_n3A_1456 : vector<16xf32>
      %select_n3A_1500 = arith.select %gt3A_1499, %select_n3A_1496, %select_n3A_1456 : vector<16xi1>, vector<16xf32>
      %select_n3A_1501 = arith.select %gt3A_1499, %select_n3A_1456, %select_n3A_1496 : vector<16xi1>, vector<16xf32>
      %select_n3A_1502 = arith.select %gt3A_1499, %select_n3A_1498, %select_n3A_1458 : vector<16xi1>, vector<16xi32>
      %select_n3A_1503 = arith.select %gt3A_1499, %select_n3A_1458, %select_n3A_1498 : vector<16xi1>, vector<16xi32>
      %broadcast_in_dim3A_1504 = arith.constant 34 : i32
      %broadcast_in_dim3A_1505 = vector.broadcast %broadcast_in_dim3A_1504 : i32 to vector<16xi32>
      %add3A_1506 = arith.addi %mul3A_7, %broadcast_in_dim3A_1505 : vector<16xi32>
      %gather3A_1507 = tpu.vector_load_idx %arg7[%add3A_1506] : memref<1024xf32, #tpu.memory_space<vmem>>[vector<16xi32>], vector<16xf32>,
      %gt3A_1508 = arith.cmpf ogt, %gather3A_1507, %select_n3A_1465 : vector<16xf32>
      %select_n3A_1509 = arith.select %gt3A_1508, %gather3A_1507, %select_n3A_1465 : vector<16xi1>, vector<16xf32>
      %select_n3A_1510 = arith.select %gt3A_1508, %select_n3A_1465, %gather3A_1507 : vector<16xi1>, vector<16xf32>
      %select_n3A_1511 = arith.select %gt3A_1508, %broadcast_in_dim3A_1505, %select_n3A_1467 : vector<16xi1>, vector<16xi32>
      %select_n3A_1512 = arith.select %gt3A_1508, %select_n3A_1467, %broadcast_in_dim3A_1505 : vector<16xi1>, vector<16xi32>
      %gt3A_1513 = arith.cmpf ogt, %select_n3A_1510, %select_n3A_1470 : vector<16xf32>
      %select_n3A_1514 = arith.select %gt3A_1513, %select_n3A_1510, %select_n3A_1470 : vector<16xi1>, vector<16xf32>
      %select_n3A_1515 = arith.select %gt3A_1513, %select_n3A_1470, %select_n3A_1510 : vector<16xi1>, vector<16xf32>
      %select_n3A_1516 = arith.select %gt3A_1513, %select_n3A_1512, %select_n3A_1472 : vector<16xi1>, vector<16xi32>
      %select_n3A_1517 = arith.select %gt3A_1513, %select_n3A_1472, %select_n3A_1512 : vector<16xi1>, vector<16xi32>
      %gt3A_1518 = arith.cmpf ogt, %select_n3A_1515, %select_n3A_1475 : vector<16xf32>
      %select_n3A_1519 = arith.select %gt3A_1518, %select_n3A_1515, %select_n3A_1475 : vector<16xi1>, vector<16xf32>
      %select_n3A_1520 = arith.select %gt3A_1518, %select_n3A_1475, %select_n3A_1515 : vector<16xi1>, vector<16xf32>
      %select_n3A_1521 = arith.select %gt3A_1518, %select_n3A_1517, %select_n3A_1477 : vector<16xi1>, vector<16xi32>
      %select_n3A_1522 = arith.select %gt3A_1518, %select_n3A_1477, %select_n3A_1517 : vector<16xi1>, vector<16xi32>
      %gt3A_1523 = arith.cmpf ogt, %select_n3A_1520, %select_n3A_1480 : vector<16xf32>
      %select_n3A_1524 = arith.select %gt3A_1523, %select_n3A_1520, %select_n3A_1480 : vector<16xi1>, vector<16xf32>
      %select_n3A_1525 = arith.select %gt3A_1523, %select_n3A_1480, %select_n3A_1520 : vector<16xi1>, vector<16xf32>
      %select_n3A_1526 = arith.select %gt3A_1523, %select_n3A_1522, %select_n3A_1482 : vector<16xi1>, vector<16xi32>
      %select_n3A_1527 = arith.select %gt3A_1523, %select_n3A_1482, %select_n3A_1522 : vector<16xi1>, vector<16xi32>
      %gt3A_1528 = arith.cmpf ogt, %select_n3A_1525, %select_n3A_1485 : vector<16xf32>
      %select_n3A_1529 = arith.select %gt3A_1528, %select_n3A_1525, %select_n3A_1485 : vector<16xi1>, vector<16xf32>
      %select_n3A_1530 = arith.select %gt3A_1528, %select_n3A_1485, %select_n3A_1525 : vector<16xi1>, vector<16xf32>
      %select_n3A_1531 = arith.select %gt3A_1528, %select_n3A_1527, %select_n3A_1487 : vector<16xi1>, vector<16xi32>
      %select_n3A_1532 = arith.select %gt3A_1528, %select_n3A_1487, %select_n3A_1527 : vector<16xi1>, vector<16xi32>
      %gt3A_1533 = arith.cmpf ogt, %select_n3A_1530, %select_n3A_1490 : vector<16xf32>
      %select_n3A_1534 = arith.select %gt3A_1533, %select_n3A_1530, %select_n3A_1490 : vector<16xi1>, vector<16xf32>
      %select_n3A_1535 = arith.select %gt3A_1533, %select_n3A_1490, %select_n3A_1530 : vector<16xi1>, vector<16xf32>
      %select_n3A_1536 = arith.select %gt3A_1533, %select_n3A_1532, %select_n3A_1492 : vector<16xi1>, vector<16xi32>
      %select_n3A_1537 = arith.select %gt3A_1533, %select_n3A_1492, %select_n3A_1532 : vector<16xi1>, vector<16xi32>
      %gt3A_1538 = arith.cmpf ogt, %select_n3A_1535, %select_n3A_1495 : vector<16xf32>
      %select_n3A_1539 = arith.select %gt3A_1538, %select_n3A_1535, %select_n3A_1495 : vector<16xi1>, vector<16xf32>
      %select_n3A_1540 = arith.select %gt3A_1538, %select_n3A_1495, %select_n3A_1535 : vector<16xi1>, vector<16xf32>
      %select_n3A_1541 = arith.select %gt3A_1538, %select_n3A_1537, %select_n3A_1497 : vector<16xi1>, vector<16xi32>
      %select_n3A_1542 = arith.select %gt3A_1538, %select_n3A_1497, %select_n3A_1537 : vector<16xi1>, vector<16xi32>
      %gt3A_1543 = arith.cmpf ogt, %select_n3A_1540, %select_n3A_1500 : vector<16xf32>
      %select_n3A_1544 = arith.select %gt3A_1543, %select_n3A_1540, %select_n3A_1500 : vector<16xi1>, vector<16xf32>
      %select_n3A_1545 = arith.select %gt3A_1543, %select_n3A_1500, %select_n3A_1540 : vector<16xi1>, vector<16xf32>
      %select_n3A_1546 = arith.select %gt3A_1543, %select_n3A_1542, %select_n3A_1502 : vector<16xi1>, vector<16xi32>
      %select_n3A_1547 = arith.select %gt3A_1543, %select_n3A_1502, %select_n3A_1542 : vector<16xi1>, vector<16xi32>
      %broadcast_in_dim3A_1548 = arith.constant 35 : i32
      %broadcast_in_dim3A_1549 = vector.broadcast %broadcast_in_dim3A_1548 : i32 to vector<16xi32>
      %add3A_1550 = arith.addi %mul3A_7, %broadcast_in_dim3A_1549 : vector<16xi32>
      %gather3A_1551 = tpu.vector_load_idx %arg7[%add3A_1550] : memref<1024xf32, #tpu.memory_space<vmem>>[vector<16xi32>], vector<16xf32>,
      %gt3A_1552 = arith.cmpf ogt, %gather3A_1551, %select_n3A_1509 : vector<16xf32>
      %select_n3A_1553 = arith.select %gt3A_1552, %gather3A_1551, %select_n3A_1509 : vector<16xi1>, vector<16xf32>
      %select_n3A_1554 = arith.select %gt3A_1552, %select_n3A_1509, %gather3A_1551 : vector<16xi1>, vector<16xf32>
      %select_n3A_1555 = arith.select %gt3A_1552, %broadcast_in_dim3A_1549, %select_n3A_1511 : vector<16xi1>, vector<16xi32>
      %select_n3A_1556 = arith.select %gt3A_1552, %select_n3A_1511, %broadcast_in_dim3A_1549 : vector<16xi1>, vector<16xi32>
      %gt3A_1557 = arith.cmpf ogt, %select_n3A_1554, %select_n3A_1514 : vector<16xf32>
      %select_n3A_1558 = arith.select %gt3A_1557, %select_n3A_1554, %select_n3A_1514 : vector<16xi1>, vector<16xf32>
      %select_n3A_1559 = arith.select %gt3A_1557, %select_n3A_1514, %select_n3A_1554 : vector<16xi1>, vector<16xf32>
      %select_n3A_1560 = arith.select %gt3A_1557, %select_n3A_1556, %select_n3A_1516 : vector<16xi1>, vector<16xi32>
      %select_n3A_1561 = arith.select %gt3A_1557, %select_n3A_1516, %select_n3A_1556 : vector<16xi1>, vector<16xi32>
      %gt3A_1562 = arith.cmpf ogt, %select_n3A_1559, %select_n3A_1519 : vector<16xf32>
      %select_n3A_1563 = arith.select %gt3A_1562, %select_n3A_1559, %select_n3A_1519 : vector<16xi1>, vector<16xf32>
      %select_n3A_1564 = arith.select %gt3A_1562, %select_n3A_1519, %select_n3A_1559 : vector<16xi1>, vector<16xf32>
      %select_n3A_1565 = arith.select %gt3A_1562, %select_n3A_1561, %select_n3A_1521 : vector<16xi1>, vector<16xi32>
      %select_n3A_1566 = arith.select %gt3A_1562, %select_n3A_1521, %select_n3A_1561 : vector<16xi1>, vector<16xi32>
      %gt3A_1567 = arith.cmpf ogt, %select_n3A_1564, %select_n3A_1524 : vector<16xf32>
      %select_n3A_1568 = arith.select %gt3A_1567, %select_n3A_1564, %select_n3A_1524 : vector<16xi1>, vector<16xf32>
      %select_n3A_1569 = arith.select %gt3A_1567, %select_n3A_1524, %select_n3A_1564 : vector<16xi1>, vector<16xf32>
      %select_n3A_1570 = arith.select %gt3A_1567, %select_n3A_1566, %select_n3A_1526 : vector<16xi1>, vector<16xi32>
      %select_n3A_1571 = arith.select %gt3A_1567, %select_n3A_1526, %select_n3A_1566 : vector<16xi1>, vector<16xi32>
      %gt3A_1572 = arith.cmpf ogt, %select_n3A_1569, %select_n3A_1529 : vector<16xf32>
      %select_n3A_1573 = arith.select %gt3A_1572, %select_n3A_1569, %select_n3A_1529 : vector<16xi1>, vector<16xf32>
      %select_n3A_1574 = arith.select %gt3A_1572, %select_n3A_1529, %select_n3A_1569 : vector<16xi1>, vector<16xf32>
      %select_n3A_1575 = arith.select %gt3A_1572, %select_n3A_1571, %select_n3A_1531 : vector<16xi1>, vector<16xi32>
      %select_n3A_1576 = arith.select %gt3A_1572, %select_n3A_1531, %select_n3A_1571 : vector<16xi1>, vector<16xi32>
      %gt3A_1577 = arith.cmpf ogt, %select_n3A_1574, %select_n3A_1534 : vector<16xf32>
      %select_n3A_1578 = arith.select %gt3A_1577, %select_n3A_1574, %select_n3A_1534 : vector<16xi1>, vector<16xf32>
      %select_n3A_1579 = arith.select %gt3A_1577, %select_n3A_1534, %select_n3A_1574 : vector<16xi1>, vector<16xf32>
      %select_n3A_1580 = arith.select %gt3A_1577, %select_n3A_1576, %select_n3A_1536 : vector<16xi1>, vector<16xi32>
      %select_n3A_1581 = arith.select %gt3A_1577, %select_n3A_1536, %select_n3A_1576 : vector<16xi1>, vector<16xi32>
      %gt3A_1582 = arith.cmpf ogt, %select_n3A_1579, %select_n3A_1539 : vector<16xf32>
      %select_n3A_1583 = arith.select %gt3A_1582, %select_n3A_1579, %select_n3A_1539 : vector<16xi1>, vector<16xf32>
      %select_n3A_1584 = arith.select %gt3A_1582, %select_n3A_1539, %select_n3A_1579 : vector<16xi1>, vector<16xf32>
      %select_n3A_1585 = arith.select %gt3A_1582, %select_n3A_1581, %select_n3A_1541 : vector<16xi1>, vector<16xi32>
      %select_n3A_1586 = arith.select %gt3A_1582, %select_n3A_1541, %select_n3A_1581 : vector<16xi1>, vector<16xi32>
      %gt3A_1587 = arith.cmpf ogt, %select_n3A_1584, %select_n3A_1544 : vector<16xf32>
      %select_n3A_1588 = arith.select %gt3A_1587, %select_n3A_1584, %select_n3A_1544 : vector<16xi1>, vector<16xf32>
      %select_n3A_1589 = arith.select %gt3A_1587, %select_n3A_1544, %select_n3A_1584 : vector<16xi1>, vector<16xf32>
      %select_n3A_1590 = arith.select %gt3A_1587, %select_n3A_1586, %select_n3A_1546 : vector<16xi1>, vector<16xi32>
      %select_n3A_1591 = arith.select %gt3A_1587, %select_n3A_1546, %select_n3A_1586 : vector<16xi1>, vector<16xi32>
      %broadcast_in_dim3A_1592 = arith.constant 36 : i32
      %broadcast_in_dim3A_1593 = vector.broadcast %broadcast_in_dim3A_1592 : i32 to vector<16xi32>
      %add3A_1594 = arith.addi %mul3A_7, %broadcast_in_dim3A_1593 : vector<16xi32>
      %gather3A_1595 = tpu.vector_load_idx %arg7[%add3A_1594] : memref<1024xf32, #tpu.memory_space<vmem>>[vector<16xi32>], vector<16xf32>,
      %gt3A_1596 = arith.cmpf ogt, %gather3A_1595, %select_n3A_1553 : vector<16xf32>
      %select_n3A_1597 = arith.select %gt3A_1596, %gather3A_1595, %select_n3A_1553 : vector<16xi1>, vector<16xf32>
      %select_n3A_1598 = arith.select %gt3A_1596, %select_n3A_1553, %gather3A_1595 : vector<16xi1>, vector<16xf32>
      %select_n3A_1599 = arith.select %gt3A_1596, %broadcast_in_dim3A_1593, %select_n3A_1555 : vector<16xi1>, vector<16xi32>
      %select_n3A_1600 = arith.select %gt3A_1596, %select_n3A_1555, %broadcast_in_dim3A_1593 : vector<16xi1>, vector<16xi32>
      %gt3A_1601 = arith.cmpf ogt, %select_n3A_1598, %select_n3A_1558 : vector<16xf32>
      %select_n3A_1602 = arith.select %gt3A_1601, %select_n3A_1598, %select_n3A_1558 : vector<16xi1>, vector<16xf32>
      %select_n3A_1603 = arith.select %gt3A_1601, %select_n3A_1558, %select_n3A_1598 : vector<16xi1>, vector<16xf32>
      %select_n3A_1604 = arith.select %gt3A_1601, %select_n3A_1600, %select_n3A_1560 : vector<16xi1>, vector<16xi32>
      %select_n3A_1605 = arith.select %gt3A_1601, %select_n3A_1560, %select_n3A_1600 : vector<16xi1>, vector<16xi32>
      %gt3A_1606 = arith.cmpf ogt, %select_n3A_1603, %select_n3A_1563 : vector<16xf32>
      %select_n3A_1607 = arith.select %gt3A_1606, %select_n3A_1603, %select_n3A_1563 : vector<16xi1>, vector<16xf32>
      %select_n3A_1608 = arith.select %gt3A_1606, %select_n3A_1563, %select_n3A_1603 : vector<16xi1>, vector<16xf32>
      %select_n3A_1609 = arith.select %gt3A_1606, %select_n3A_1605, %select_n3A_1565 : vector<16xi1>, vector<16xi32>
      %select_n3A_1610 = arith.select %gt3A_1606, %select_n3A_1565, %select_n3A_1605 : vector<16xi1>, vector<16xi32>
      %gt3A_1611 = arith.cmpf ogt, %select_n3A_1608, %select_n3A_1568 : vector<16xf32>
      %select_n3A_1612 = arith.select %gt3A_1611, %select_n3A_1608, %select_n3A_1568 : vector<16xi1>, vector<16xf32>
      %select_n3A_1613 = arith.select %gt3A_1611, %select_n3A_1568, %select_n3A_1608 : vector<16xi1>, vector<16xf32>
      %select_n3A_1614 = arith.select %gt3A_1611, %select_n3A_1610, %select_n3A_1570 : vector<16xi1>, vector<16xi32>
      %select_n3A_1615 = arith.select %gt3A_1611, %select_n3A_1570, %select_n3A_1610 : vector<16xi1>, vector<16xi32>
      %gt3A_1616 = arith.cmpf ogt, %select_n3A_1613, %select_n3A_1573 : vector<16xf32>
      %select_n3A_1617 = arith.select %gt3A_1616, %select_n3A_1613, %select_n3A_1573 : vector<16xi1>, vector<16xf32>
      %select_n3A_1618 = arith.select %gt3A_1616, %select_n3A_1573, %select_n3A_1613 : vector<16xi1>, vector<16xf32>
      %select_n3A_1619 = arith.select %gt3A_1616, %select_n3A_1615, %select_n3A_1575 : vector<16xi1>, vector<16xi32>
      %select_n3A_1620 = arith.select %gt3A_1616, %select_n3A_1575, %select_n3A_1615 : vector<16xi1>, vector<16xi32>
      %gt3A_1621 = arith.cmpf ogt, %select_n3A_1618, %select_n3A_1578 : vector<16xf32>
      %select_n3A_1622 = arith.select %gt3A_1621, %select_n3A_1618, %select_n3A_1578 : vector<16xi1>, vector<16xf32>
      %select_n3A_1623 = arith.select %gt3A_1621, %select_n3A_1578, %select_n3A_1618 : vector<16xi1>, vector<16xf32>
      %select_n3A_1624 = arith.select %gt3A_1621, %select_n3A_1620, %select_n3A_1580 : vector<16xi1>, vector<16xi32>
      %select_n3A_1625 = arith.select %gt3A_1621, %select_n3A_1580, %select_n3A_1620 : vector<16xi1>, vector<16xi32>
      %gt3A_1626 = arith.cmpf ogt, %select_n3A_1623, %select_n3A_1583 : vector<16xf32>
      %select_n3A_1627 = arith.select %gt3A_1626, %select_n3A_1623, %select_n3A_1583 : vector<16xi1>, vector<16xf32>
      %select_n3A_1628 = arith.select %gt3A_1626, %select_n3A_1583, %select_n3A_1623 : vector<16xi1>, vector<16xf32>
      %select_n3A_1629 = arith.select %gt3A_1626, %select_n3A_1625, %select_n3A_1585 : vector<16xi1>, vector<16xi32>
      %select_n3A_1630 = arith.select %gt3A_1626, %select_n3A_1585, %select_n3A_1625 : vector<16xi1>, vector<16xi32>
      %gt3A_1631 = arith.cmpf ogt, %select_n3A_1628, %select_n3A_1588 : vector<16xf32>
      %select_n3A_1632 = arith.select %gt3A_1631, %select_n3A_1628, %select_n3A_1588 : vector<16xi1>, vector<16xf32>
      %select_n3A_1633 = arith.select %gt3A_1631, %select_n3A_1588, %select_n3A_1628 : vector<16xi1>, vector<16xf32>
      %select_n3A_1634 = arith.select %gt3A_1631, %select_n3A_1630, %select_n3A_1590 : vector<16xi1>, vector<16xi32>
      %select_n3A_1635 = arith.select %gt3A_1631, %select_n3A_1590, %select_n3A_1630 : vector<16xi1>, vector<16xi32>
      %broadcast_in_dim3A_1636 = arith.constant 37 : i32
      %broadcast_in_dim3A_1637 = vector.broadcast %broadcast_in_dim3A_1636 : i32 to vector<16xi32>
      %add3A_1638 = arith.addi %mul3A_7, %broadcast_in_dim3A_1637 : vector<16xi32>
      %gather3A_1639 = tpu.vector_load_idx %arg7[%add3A_1638] : memref<1024xf32, #tpu.memory_space<vmem>>[vector<16xi32>], vector<16xf32>,
      %gt3A_1640 = arith.cmpf ogt, %gather3A_1639, %select_n3A_1597 : vector<16xf32>
      %select_n3A_1641 = arith.select %gt3A_1640, %gather3A_1639, %select_n3A_1597 : vector<16xi1>, vector<16xf32>
      %select_n3A_1642 = arith.select %gt3A_1640, %select_n3A_1597, %gather3A_1639 : vector<16xi1>, vector<16xf32>
      %select_n3A_1643 = arith.select %gt3A_1640, %broadcast_in_dim3A_1637, %select_n3A_1599 : vector<16xi1>, vector<16xi32>
      %select_n3A_1644 = arith.select %gt3A_1640, %select_n3A_1599, %broadcast_in_dim3A_1637 : vector<16xi1>, vector<16xi32>
      %gt3A_1645 = arith.cmpf ogt, %select_n3A_1642, %select_n3A_1602 : vector<16xf32>
      %select_n3A_1646 = arith.select %gt3A_1645, %select_n3A_1642, %select_n3A_1602 : vector<16xi1>, vector<16xf32>
      %select_n3A_1647 = arith.select %gt3A_1645, %select_n3A_1602, %select_n3A_1642 : vector<16xi1>, vector<16xf32>
      %select_n3A_1648 = arith.select %gt3A_1645, %select_n3A_1644, %select_n3A_1604 : vector<16xi1>, vector<16xi32>
      %select_n3A_1649 = arith.select %gt3A_1645, %select_n3A_1604, %select_n3A_1644 : vector<16xi1>, vector<16xi32>
      %gt3A_1650 = arith.cmpf ogt, %select_n3A_1647, %select_n3A_1607 : vector<16xf32>
      %select_n3A_1651 = arith.select %gt3A_1650, %select_n3A_1647, %select_n3A_1607 : vector<16xi1>, vector<16xf32>
      %select_n3A_1652 = arith.select %gt3A_1650, %select_n3A_1607, %select_n3A_1647 : vector<16xi1>, vector<16xf32>
      %select_n3A_1653 = arith.select %gt3A_1650, %select_n3A_1649, %select_n3A_1609 : vector<16xi1>, vector<16xi32>
      %select_n3A_1654 = arith.select %gt3A_1650, %select_n3A_1609, %select_n3A_1649 : vector<16xi1>, vector<16xi32>
      %gt3A_1655 = arith.cmpf ogt, %select_n3A_1652, %select_n3A_1612 : vector<16xf32>
      %select_n3A_1656 = arith.select %gt3A_1655, %select_n3A_1652, %select_n3A_1612 : vector<16xi1>, vector<16xf32>
      %select_n3A_1657 = arith.select %gt3A_1655, %select_n3A_1612, %select_n3A_1652 : vector<16xi1>, vector<16xf32>
      %select_n3A_1658 = arith.select %gt3A_1655, %select_n3A_1654, %select_n3A_1614 : vector<16xi1>, vector<16xi32>
      %select_n3A_1659 = arith.select %gt3A_1655, %select_n3A_1614, %select_n3A_1654 : vector<16xi1>, vector<16xi32>
      %gt3A_1660 = arith.cmpf ogt, %select_n3A_1657, %select_n3A_1617 : vector<16xf32>
      %select_n3A_1661 = arith.select %gt3A_1660, %select_n3A_1657, %select_n3A_1617 : vector<16xi1>, vector<16xf32>
      %select_n3A_1662 = arith.select %gt3A_1660, %select_n3A_1617, %select_n3A_1657 : vector<16xi1>, vector<16xf32>
      %select_n3A_1663 = arith.select %gt3A_1660, %select_n3A_1659, %select_n3A_1619 : vector<16xi1>, vector<16xi32>
      %select_n3A_1664 = arith.select %gt3A_1660, %select_n3A_1619, %select_n3A_1659 : vector<16xi1>, vector<16xi32>
      %gt3A_1665 = arith.cmpf ogt, %select_n3A_1662, %select_n3A_1622 : vector<16xf32>
      %select_n3A_1666 = arith.select %gt3A_1665, %select_n3A_1662, %select_n3A_1622 : vector<16xi1>, vector<16xf32>
      %select_n3A_1667 = arith.select %gt3A_1665, %select_n3A_1622, %select_n3A_1662 : vector<16xi1>, vector<16xf32>
      %select_n3A_1668 = arith.select %gt3A_1665, %select_n3A_1664, %select_n3A_1624 : vector<16xi1>, vector<16xi32>
      %select_n3A_1669 = arith.select %gt3A_1665, %select_n3A_1624, %select_n3A_1664 : vector<16xi1>, vector<16xi32>
      %gt3A_1670 = arith.cmpf ogt, %select_n3A_1667, %select_n3A_1627 : vector<16xf32>
      %select_n3A_1671 = arith.select %gt3A_1670, %select_n3A_1667, %select_n3A_1627 : vector<16xi1>, vector<16xf32>
      %select_n3A_1672 = arith.select %gt3A_1670, %select_n3A_1627, %select_n3A_1667 : vector<16xi1>, vector<16xf32>
      %select_n3A_1673 = arith.select %gt3A_1670, %select_n3A_1669, %select_n3A_1629 : vector<16xi1>, vector<16xi32>
      %select_n3A_1674 = arith.select %gt3A_1670, %select_n3A_1629, %select_n3A_1669 : vector<16xi1>, vector<16xi32>
      %gt3A_1675 = arith.cmpf ogt, %select_n3A_1672, %select_n3A_1632 : vector<16xf32>
      %select_n3A_1676 = arith.select %gt3A_1675, %select_n3A_1672, %select_n3A_1632 : vector<16xi1>, vector<16xf32>
      %select_n3A_1677 = arith.select %gt3A_1675, %select_n3A_1632, %select_n3A_1672 : vector<16xi1>, vector<16xf32>
      %select_n3A_1678 = arith.select %gt3A_1675, %select_n3A_1674, %select_n3A_1634 : vector<16xi1>, vector<16xi32>
      %select_n3A_1679 = arith.select %gt3A_1675, %select_n3A_1634, %select_n3A_1674 : vector<16xi1>, vector<16xi32>
      %broadcast_in_dim3A_1680 = arith.constant 38 : i32
      %broadcast_in_dim3A_1681 = vector.broadcast %broadcast_in_dim3A_1680 : i32 to vector<16xi32>
      %add3A_1682 = arith.addi %mul3A_7, %broadcast_in_dim3A_1681 : vector<16xi32>
      %gather3A_1683 = tpu.vector_load_idx %arg7[%add3A_1682] : memref<1024xf32, #tpu.memory_space<vmem>>[vector<16xi32>], vector<16xf32>,
      %gt3A_1684 = arith.cmpf ogt, %gather3A_1683, %select_n3A_1641 : vector<16xf32>
      %select_n3A_1685 = arith.select %gt3A_1684, %gather3A_1683, %select_n3A_1641 : vector<16xi1>, vector<16xf32>
      %select_n3A_1686 = arith.select %gt3A_1684, %select_n3A_1641, %gather3A_1683 : vector<16xi1>, vector<16xf32>
      %select_n3A_1687 = arith.select %gt3A_1684, %broadcast_in_dim3A_1681, %select_n3A_1643 : vector<16xi1>, vector<16xi32>
      %select_n3A_1688 = arith.select %gt3A_1684, %select_n3A_1643, %broadcast_in_dim3A_1681 : vector<16xi1>, vector<16xi32>
      %gt3A_1689 = arith.cmpf ogt, %select_n3A_1686, %select_n3A_1646 : vector<16xf32>
      %select_n3A_1690 = arith.select %gt3A_1689, %select_n3A_1686, %select_n3A_1646 : vector<16xi1>, vector<16xf32>
      %select_n3A_1691 = arith.select %gt3A_1689, %select_n3A_1646, %select_n3A_1686 : vector<16xi1>, vector<16xf32>
      %select_n3A_1692 = arith.select %gt3A_1689, %select_n3A_1688, %select_n3A_1648 : vector<16xi1>, vector<16xi32>
      %select_n3A_1693 = arith.select %gt3A_1689, %select_n3A_1648, %select_n3A_1688 : vector<16xi1>, vector<16xi32>
      %gt3A_1694 = arith.cmpf ogt, %select_n3A_1691, %select_n3A_1651 : vector<16xf32>
      %select_n3A_1695 = arith.select %gt3A_1694, %select_n3A_1691, %select_n3A_1651 : vector<16xi1>, vector<16xf32>
      %select_n3A_1696 = arith.select %gt3A_1694, %select_n3A_1651, %select_n3A_1691 : vector<16xi1>, vector<16xf32>
      %select_n3A_1697 = arith.select %gt3A_1694, %select_n3A_1693, %select_n3A_1653 : vector<16xi1>, vector<16xi32>
      %select_n3A_1698 = arith.select %gt3A_1694, %select_n3A_1653, %select_n3A_1693 : vector<16xi1>, vector<16xi32>
      %gt3A_1699 = arith.cmpf ogt, %select_n3A_1696, %select_n3A_1656 : vector<16xf32>
      %select_n3A_1700 = arith.select %gt3A_1699, %select_n3A_1696, %select_n3A_1656 : vector<16xi1>, vector<16xf32>
      %select_n3A_1701 = arith.select %gt3A_1699, %select_n3A_1656, %select_n3A_1696 : vector<16xi1>, vector<16xf32>
      %select_n3A_1702 = arith.select %gt3A_1699, %select_n3A_1698, %select_n3A_1658 : vector<16xi1>, vector<16xi32>
      %select_n3A_1703 = arith.select %gt3A_1699, %select_n3A_1658, %select_n3A_1698 : vector<16xi1>, vector<16xi32>
      %gt3A_1704 = arith.cmpf ogt, %select_n3A_1701, %select_n3A_1661 : vector<16xf32>
      %select_n3A_1705 = arith.select %gt3A_1704, %select_n3A_1701, %select_n3A_1661 : vector<16xi1>, vector<16xf32>
      %select_n3A_1706 = arith.select %gt3A_1704, %select_n3A_1661, %select_n3A_1701 : vector<16xi1>, vector<16xf32>
      %select_n3A_1707 = arith.select %gt3A_1704, %select_n3A_1703, %select_n3A_1663 : vector<16xi1>, vector<16xi32>
      %select_n3A_1708 = arith.select %gt3A_1704, %select_n3A_1663, %select_n3A_1703 : vector<16xi1>, vector<16xi32>
      %gt3A_1709 = arith.cmpf ogt, %select_n3A_1706, %select_n3A_1666 : vector<16xf32>
      %select_n3A_1710 = arith.select %gt3A_1709, %select_n3A_1706, %select_n3A_1666 : vector<16xi1>, vector<16xf32>
      %select_n3A_1711 = arith.select %gt3A_1709, %select_n3A_1666, %select_n3A_1706 : vector<16xi1>, vector<16xf32>
      %select_n3A_1712 = arith.select %gt3A_1709, %select_n3A_1708, %select_n3A_1668 : vector<16xi1>, vector<16xi32>
      %select_n3A_1713 = arith.select %gt3A_1709, %select_n3A_1668, %select_n3A_1708 : vector<16xi1>, vector<16xi32>
      %gt3A_1714 = arith.cmpf ogt, %select_n3A_1711, %select_n3A_1671 : vector<16xf32>
      %select_n3A_1715 = arith.select %gt3A_1714, %select_n3A_1711, %select_n3A_1671 : vector<16xi1>, vector<16xf32>
      %select_n3A_1716 = arith.select %gt3A_1714, %select_n3A_1671, %select_n3A_1711 : vector<16xi1>, vector<16xf32>
      %select_n3A_1717 = arith.select %gt3A_1714, %select_n3A_1713, %select_n3A_1673 : vector<16xi1>, vector<16xi32>
      %select_n3A_1718 = arith.select %gt3A_1714, %select_n3A_1673, %select_n3A_1713 : vector<16xi1>, vector<16xi32>
      %gt3A_1719 = arith.cmpf ogt, %select_n3A_1716, %select_n3A_1676 : vector<16xf32>
      %select_n3A_1720 = arith.select %gt3A_1719, %select_n3A_1716, %select_n3A_1676 : vector<16xi1>, vector<16xf32>
      %select_n3A_1721 = arith.select %gt3A_1719, %select_n3A_1676, %select_n3A_1716 : vector<16xi1>, vector<16xf32>
      %select_n3A_1722 = arith.select %gt3A_1719, %select_n3A_1718, %select_n3A_1678 : vector<16xi1>, vector<16xi32>
      %select_n3A_1723 = arith.select %gt3A_1719, %select_n3A_1678, %select_n3A_1718 : vector<16xi1>, vector<16xi32>
      %broadcast_in_dim3A_1724 = arith.constant 39 : i32
      %broadcast_in_dim3A_1725 = vector.broadcast %broadcast_in_dim3A_1724 : i32 to vector<16xi32>
      %add3A_1726 = arith.addi %mul3A_7, %broadcast_in_dim3A_1725 : vector<16xi32>
      %gather3A_1727 = tpu.vector_load_idx %arg7[%add3A_1726] : memref<1024xf32, #tpu.memory_space<vmem>>[vector<16xi32>], vector<16xf32>,
      %gt3A_1728 = arith.cmpf ogt, %gather3A_1727, %select_n3A_1685 : vector<16xf32>
      %select_n3A_1729 = arith.select %gt3A_1728, %gather3A_1727, %select_n3A_1685 : vector<16xi1>, vector<16xf32>
      %select_n3A_1730 = arith.select %gt3A_1728, %select_n3A_1685, %gather3A_1727 : vector<16xi1>, vector<16xf32>
      %select_n3A_1731 = arith.select %gt3A_1728, %broadcast_in_dim3A_1725, %select_n3A_1687 : vector<16xi1>, vector<16xi32>
      %select_n3A_1732 = arith.select %gt3A_1728, %select_n3A_1687, %broadcast_in_dim3A_1725 : vector<16xi1>, vector<16xi32>
      %gt3A_1733 = arith.cmpf ogt, %select_n3A_1730, %select_n3A_1690 : vector<16xf32>
      %select_n3A_1734 = arith.select %gt3A_1733, %select_n3A_1730, %select_n3A_1690 : vector<16xi1>, vector<16xf32>
      %select_n3A_1735 = arith.select %gt3A_1733, %select_n3A_1690, %select_n3A_1730 : vector<16xi1>, vector<16xf32>
      %select_n3A_1736 = arith.select %gt3A_1733, %select_n3A_1732, %select_n3A_1692 : vector<16xi1>, vector<16xi32>
      %select_n3A_1737 = arith.select %gt3A_1733, %select_n3A_1692, %select_n3A_1732 : vector<16xi1>, vector<16xi32>
      %gt3A_1738 = arith.cmpf ogt, %select_n3A_1735, %select_n3A_1695 : vector<16xf32>
      %select_n3A_1739 = arith.select %gt3A_1738, %select_n3A_1735, %select_n3A_1695 : vector<16xi1>, vector<16xf32>
      %select_n3A_1740 = arith.select %gt3A_1738, %select_n3A_1695, %select_n3A_1735 : vector<16xi1>, vector<16xf32>
      %select_n3A_1741 = arith.select %gt3A_1738, %select_n3A_1737, %select_n3A_1697 : vector<16xi1>, vector<16xi32>
      %select_n3A_1742 = arith.select %gt3A_1738, %select_n3A_1697, %select_n3A_1737 : vector<16xi1>, vector<16xi32>
      %gt3A_1743 = arith.cmpf ogt, %select_n3A_1740, %select_n3A_1700 : vector<16xf32>
      %select_n3A_1744 = arith.select %gt3A_1743, %select_n3A_1740, %select_n3A_1700 : vector<16xi1>, vector<16xf32>
      %select_n3A_1745 = arith.select %gt3A_1743, %select_n3A_1700, %select_n3A_1740 : vector<16xi1>, vector<16xf32>
      %select_n3A_1746 = arith.select %gt3A_1743, %select_n3A_1742, %select_n3A_1702 : vector<16xi1>, vector<16xi32>
      %select_n3A_1747 = arith.select %gt3A_1743, %select_n3A_1702, %select_n3A_1742 : vector<16xi1>, vector<16xi32>
      %gt3A_1748 = arith.cmpf ogt, %select_n3A_1745, %select_n3A_1705 : vector<16xf32>
      %select_n3A_1749 = arith.select %gt3A_1748, %select_n3A_1745, %select_n3A_1705 : vector<16xi1>, vector<16xf32>
      %select_n3A_1750 = arith.select %gt3A_1748, %select_n3A_1705, %select_n3A_1745 : vector<16xi1>, vector<16xf32>
      %select_n3A_1751 = arith.select %gt3A_1748, %select_n3A_1747, %select_n3A_1707 : vector<16xi1>, vector<16xi32>
      %select_n3A_1752 = arith.select %gt3A_1748, %select_n3A_1707, %select_n3A_1747 : vector<16xi1>, vector<16xi32>
      %gt3A_1753 = arith.cmpf ogt, %select_n3A_1750, %select_n3A_1710 : vector<16xf32>
      %select_n3A_1754 = arith.select %gt3A_1753, %select_n3A_1750, %select_n3A_1710 : vector<16xi1>, vector<16xf32>
      %select_n3A_1755 = arith.select %gt3A_1753, %select_n3A_1710, %select_n3A_1750 : vector<16xi1>, vector<16xf32>
      %select_n3A_1756 = arith.select %gt3A_1753, %select_n3A_1752, %select_n3A_1712 : vector<16xi1>, vector<16xi32>
      %select_n3A_1757 = arith.select %gt3A_1753, %select_n3A_1712, %select_n3A_1752 : vector<16xi1>, vector<16xi32>
      %gt3A_1758 = arith.cmpf ogt, %select_n3A_1755, %select_n3A_1715 : vector<16xf32>
      %select_n3A_1759 = arith.select %gt3A_1758, %select_n3A_1755, %select_n3A_1715 : vector<16xi1>, vector<16xf32>
      %select_n3A_1760 = arith.select %gt3A_1758, %select_n3A_1715, %select_n3A_1755 : vector<16xi1>, vector<16xf32>
      %select_n3A_1761 = arith.select %gt3A_1758, %select_n3A_1757, %select_n3A_1717 : vector<16xi1>, vector<16xi32>
      %select_n3A_1762 = arith.select %gt3A_1758, %select_n3A_1717, %select_n3A_1757 : vector<16xi1>, vector<16xi32>
      %gt3A_1763 = arith.cmpf ogt, %select_n3A_1760, %select_n3A_1720 : vector<16xf32>
      %select_n3A_1764 = arith.select %gt3A_1763, %select_n3A_1760, %select_n3A_1720 : vector<16xi1>, vector<16xf32>
      %select_n3A_1765 = arith.select %gt3A_1763, %select_n3A_1720, %select_n3A_1760 : vector<16xi1>, vector<16xf32>
      %select_n3A_1766 = arith.select %gt3A_1763, %select_n3A_1762, %select_n3A_1722 : vector<16xi1>, vector<16xi32>
      %select_n3A_1767 = arith.select %gt3A_1763, %select_n3A_1722, %select_n3A_1762 : vector<16xi1>, vector<16xi32>
      %broadcast_in_dim3A_1768 = arith.constant 40 : i32
      %broadcast_in_dim3A_1769 = vector.broadcast %broadcast_in_dim3A_1768 : i32 to vector<16xi32>
      %add3A_1770 = arith.addi %mul3A_7, %broadcast_in_dim3A_1769 : vector<16xi32>
      %gather3A_1771 = tpu.vector_load_idx %arg7[%add3A_1770] : memref<1024xf32, #tpu.memory_space<vmem>>[vector<16xi32>], vector<16xf32>,
      %gt3A_1772 = arith.cmpf ogt, %gather3A_1771, %select_n3A_1729 : vector<16xf32>
      %select_n3A_1773 = arith.select %gt3A_1772, %gather3A_1771, %select_n3A_1729 : vector<16xi1>, vector<16xf32>
      %select_n3A_1774 = arith.select %gt3A_1772, %select_n3A_1729, %gather3A_1771 : vector<16xi1>, vector<16xf32>
      %select_n3A_1775 = arith.select %gt3A_1772, %broadcast_in_dim3A_1769, %select_n3A_1731 : vector<16xi1>, vector<16xi32>
      %select_n3A_1776 = arith.select %gt3A_1772, %select_n3A_1731, %broadcast_in_dim3A_1769 : vector<16xi1>, vector<16xi32>
      %gt3A_1777 = arith.cmpf ogt, %select_n3A_1774, %select_n3A_1734 : vector<16xf32>
      %select_n3A_1778 = arith.select %gt3A_1777, %select_n3A_1774, %select_n3A_1734 : vector<16xi1>, vector<16xf32>
      %select_n3A_1779 = arith.select %gt3A_1777, %select_n3A_1734, %select_n3A_1774 : vector<16xi1>, vector<16xf32>
      %select_n3A_1780 = arith.select %gt3A_1777, %select_n3A_1776, %select_n3A_1736 : vector<16xi1>, vector<16xi32>
      %select_n3A_1781 = arith.select %gt3A_1777, %select_n3A_1736, %select_n3A_1776 : vector<16xi1>, vector<16xi32>
      %gt3A_1782 = arith.cmpf ogt, %select_n3A_1779, %select_n3A_1739 : vector<16xf32>
      %select_n3A_1783 = arith.select %gt3A_1782, %select_n3A_1779, %select_n3A_1739 : vector<16xi1>, vector<16xf32>
      %select_n3A_1784 = arith.select %gt3A_1782, %select_n3A_1739, %select_n3A_1779 : vector<16xi1>, vector<16xf32>
      %select_n3A_1785 = arith.select %gt3A_1782, %select_n3A_1781, %select_n3A_1741 : vector<16xi1>, vector<16xi32>
      %select_n3A_1786 = arith.select %gt3A_1782, %select_n3A_1741, %select_n3A_1781 : vector<16xi1>, vector<16xi32>
      %gt3A_1787 = arith.cmpf ogt, %select_n3A_1784, %select_n3A_1744 : vector<16xf32>
      %select_n3A_1788 = arith.select %gt3A_1787, %select_n3A_1784, %select_n3A_1744 : vector<16xi1>, vector<16xf32>
      %select_n3A_1789 = arith.select %gt3A_1787, %select_n3A_1744, %select_n3A_1784 : vector<16xi1>, vector<16xf32>
      %select_n3A_1790 = arith.select %gt3A_1787, %select_n3A_1786, %select_n3A_1746 : vector<16xi1>, vector<16xi32>
      %select_n3A_1791 = arith.select %gt3A_1787, %select_n3A_1746, %select_n3A_1786 : vector<16xi1>, vector<16xi32>
      %gt3A_1792 = arith.cmpf ogt, %select_n3A_1789, %select_n3A_1749 : vector<16xf32>
      %select_n3A_1793 = arith.select %gt3A_1792, %select_n3A_1789, %select_n3A_1749 : vector<16xi1>, vector<16xf32>
      %select_n3A_1794 = arith.select %gt3A_1792, %select_n3A_1749, %select_n3A_1789 : vector<16xi1>, vector<16xf32>
      %select_n3A_1795 = arith.select %gt3A_1792, %select_n3A_1791, %select_n3A_1751 : vector<16xi1>, vector<16xi32>
      %select_n3A_1796 = arith.select %gt3A_1792, %select_n3A_1751, %select_n3A_1791 : vector<16xi1>, vector<16xi32>
      %gt3A_1797 = arith.cmpf ogt, %select_n3A_1794, %select_n3A_1754 : vector<16xf32>
      %select_n3A_1798 = arith.select %gt3A_1797, %select_n3A_1794, %select_n3A_1754 : vector<16xi1>, vector<16xf32>
      %select_n3A_1799 = arith.select %gt3A_1797, %select_n3A_1754, %select_n3A_1794 : vector<16xi1>, vector<16xf32>
      %select_n3A_1800 = arith.select %gt3A_1797, %select_n3A_1796, %select_n3A_1756 : vector<16xi1>, vector<16xi32>
      %select_n3A_1801 = arith.select %gt3A_1797, %select_n3A_1756, %select_n3A_1796 : vector<16xi1>, vector<16xi32>
      %gt3A_1802 = arith.cmpf ogt, %select_n3A_1799, %select_n3A_1759 : vector<16xf32>
      %select_n3A_1803 = arith.select %gt3A_1802, %select_n3A_1799, %select_n3A_1759 : vector<16xi1>, vector<16xf32>
      %select_n3A_1804 = arith.select %gt3A_1802, %select_n3A_1759, %select_n3A_1799 : vector<16xi1>, vector<16xf32>
      %select_n3A_1805 = arith.select %gt3A_1802, %select_n3A_1801, %select_n3A_1761 : vector<16xi1>, vector<16xi32>
      %select_n3A_1806 = arith.select %gt3A_1802, %select_n3A_1761, %select_n3A_1801 : vector<16xi1>, vector<16xi32>
      %gt3A_1807 = arith.cmpf ogt, %select_n3A_1804, %select_n3A_1764 : vector<16xf32>
      %select_n3A_1808 = arith.select %gt3A_1807, %select_n3A_1804, %select_n3A_1764 : vector<16xi1>, vector<16xf32>
      %select_n3A_1809 = arith.select %gt3A_1807, %select_n3A_1764, %select_n3A_1804 : vector<16xi1>, vector<16xf32>
      %select_n3A_1810 = arith.select %gt3A_1807, %select_n3A_1806, %select_n3A_1766 : vector<16xi1>, vector<16xi32>
      %select_n3A_1811 = arith.select %gt3A_1807, %select_n3A_1766, %select_n3A_1806 : vector<16xi1>, vector<16xi32>
      %broadcast_in_dim3A_1812 = arith.constant 41 : i32
      %broadcast_in_dim3A_1813 = vector.broadcast %broadcast_in_dim3A_1812 : i32 to vector<16xi32>
      %add3A_1814 = arith.addi %mul3A_7, %broadcast_in_dim3A_1813 : vector<16xi32>
      %gather3A_1815 = tpu.vector_load_idx %arg7[%add3A_1814] : memref<1024xf32, #tpu.memory_space<vmem>>[vector<16xi32>], vector<16xf32>,
      %gt3A_1816 = arith.cmpf ogt, %gather3A_1815, %select_n3A_1773 : vector<16xf32>
      %select_n3A_1817 = arith.select %gt3A_1816, %gather3A_1815, %select_n3A_1773 : vector<16xi1>, vector<16xf32>
      %select_n3A_1818 = arith.select %gt3A_1816, %select_n3A_1773, %gather3A_1815 : vector<16xi1>, vector<16xf32>
      %select_n3A_1819 = arith.select %gt3A_1816, %broadcast_in_dim3A_1813, %select_n3A_1775 : vector<16xi1>, vector<16xi32>
      %select_n3A_1820 = arith.select %gt3A_1816, %select_n3A_1775, %broadcast_in_dim3A_1813 : vector<16xi1>, vector<16xi32>
      %gt3A_1821 = arith.cmpf ogt, %select_n3A_1818, %select_n3A_1778 : vector<16xf32>
      %select_n3A_1822 = arith.select %gt3A_1821, %select_n3A_1818, %select_n3A_1778 : vector<16xi1>, vector<16xf32>
      %select_n3A_1823 = arith.select %gt3A_1821, %select_n3A_1778, %select_n3A_1818 : vector<16xi1>, vector<16xf32>
      %select_n3A_1824 = arith.select %gt3A_1821, %select_n3A_1820, %select_n3A_1780 : vector<16xi1>, vector<16xi32>
      %select_n3A_1825 = arith.select %gt3A_1821, %select_n3A_1780, %select_n3A_1820 : vector<16xi1>, vector<16xi32>
      %gt3A_1826 = arith.cmpf ogt, %select_n3A_1823, %select_n3A_1783 : vector<16xf32>
      %select_n3A_1827 = arith.select %gt3A_1826, %select_n3A_1823, %select_n3A_1783 : vector<16xi1>, vector<16xf32>
      %select_n3A_1828 = arith.select %gt3A_1826, %select_n3A_1783, %select_n3A_1823 : vector<16xi1>, vector<16xf32>
      %select_n3A_1829 = arith.select %gt3A_1826, %select_n3A_1825, %select_n3A_1785 : vector<16xi1>, vector<16xi32>
      %select_n3A_1830 = arith.select %gt3A_1826, %select_n3A_1785, %select_n3A_1825 : vector<16xi1>, vector<16xi32>
      %gt3A_1831 = arith.cmpf ogt, %select_n3A_1828, %select_n3A_1788 : vector<16xf32>
      %select_n3A_1832 = arith.select %gt3A_1831, %select_n3A_1828, %select_n3A_1788 : vector<16xi1>, vector<16xf32>
      %select_n3A_1833 = arith.select %gt3A_1831, %select_n3A_1788, %select_n3A_1828 : vector<16xi1>, vector<16xf32>
      %select_n3A_1834 = arith.select %gt3A_1831, %select_n3A_1830, %select_n3A_1790 : vector<16xi1>, vector<16xi32>
      %select_n3A_1835 = arith.select %gt3A_1831, %select_n3A_1790, %select_n3A_1830 : vector<16xi1>, vector<16xi32>
      %gt3A_1836 = arith.cmpf ogt, %select_n3A_1833, %select_n3A_1793 : vector<16xf32>
      %select_n3A_1837 = arith.select %gt3A_1836, %select_n3A_1833, %select_n3A_1793 : vector<16xi1>, vector<16xf32>
      %select_n3A_1838 = arith.select %gt3A_1836, %select_n3A_1793, %select_n3A_1833 : vector<16xi1>, vector<16xf32>
      %select_n3A_1839 = arith.select %gt3A_1836, %select_n3A_1835, %select_n3A_1795 : vector<16xi1>, vector<16xi32>
      %select_n3A_1840 = arith.select %gt3A_1836, %select_n3A_1795, %select_n3A_1835 : vector<16xi1>, vector<16xi32>
      %gt3A_1841 = arith.cmpf ogt, %select_n3A_1838, %select_n3A_1798 : vector<16xf32>
      %select_n3A_1842 = arith.select %gt3A_1841, %select_n3A_1838, %select_n3A_1798 : vector<16xi1>, vector<16xf32>
      %select_n3A_1843 = arith.select %gt3A_1841, %select_n3A_1798, %select_n3A_1838 : vector<16xi1>, vector<16xf32>
      %select_n3A_1844 = arith.select %gt3A_1841, %select_n3A_1840, %select_n3A_1800 : vector<16xi1>, vector<16xi32>
      %select_n3A_1845 = arith.select %gt3A_1841, %select_n3A_1800, %select_n3A_1840 : vector<16xi1>, vector<16xi32>
      %gt3A_1846 = arith.cmpf ogt, %select_n3A_1843, %select_n3A_1803 : vector<16xf32>
      %select_n3A_1847 = arith.select %gt3A_1846, %select_n3A_1843, %select_n3A_1803 : vector<16xi1>, vector<16xf32>
      %select_n3A_1848 = arith.select %gt3A_1846, %select_n3A_1803, %select_n3A_1843 : vector<16xi1>, vector<16xf32>
      %select_n3A_1849 = arith.select %gt3A_1846, %select_n3A_1845, %select_n3A_1805 : vector<16xi1>, vector<16xi32>
      %select_n3A_1850 = arith.select %gt3A_1846, %select_n3A_1805, %select_n3A_1845 : vector<16xi1>, vector<16xi32>
      %gt3A_1851 = arith.cmpf ogt, %select_n3A_1848, %select_n3A_1808 : vector<16xf32>
      %select_n3A_1852 = arith.select %gt3A_1851, %select_n3A_1848, %select_n3A_1808 : vector<16xi1>, vector<16xf32>
      %select_n3A_1853 = arith.select %gt3A_1851, %select_n3A_1808, %select_n3A_1848 : vector<16xi1>, vector<16xf32>
      %select_n3A_1854 = arith.select %gt3A_1851, %select_n3A_1850, %select_n3A_1810 : vector<16xi1>, vector<16xi32>
      %select_n3A_1855 = arith.select %gt3A_1851, %select_n3A_1810, %select_n3A_1850 : vector<16xi1>, vector<16xi32>
      %broadcast_in_dim3A_1856 = arith.constant 42 : i32
      %broadcast_in_dim3A_1857 = vector.broadcast %broadcast_in_dim3A_1856 : i32 to vector<16xi32>
      %add3A_1858 = arith.addi %mul3A_7, %broadcast_in_dim3A_1857 : vector<16xi32>
      %gather3A_1859 = tpu.vector_load_idx %arg7[%add3A_1858] : memref<1024xf32, #tpu.memory_space<vmem>>[vector<16xi32>], vector<16xf32>,
      %gt3A_1860 = arith.cmpf ogt, %gather3A_1859, %select_n3A_1817 : vector<16xf32>
      %select_n3A_1861 = arith.select %gt3A_1860, %gather3A_1859, %select_n3A_1817 : vector<16xi1>, vector<16xf32>
      %select_n3A_1862 = arith.select %gt3A_1860, %select_n3A_1817, %gather3A_1859 : vector<16xi1>, vector<16xf32>
      %select_n3A_1863 = arith.select %gt3A_1860, %broadcast_in_dim3A_1857, %select_n3A_1819 : vector<16xi1>, vector<16xi32>
      %select_n3A_1864 = arith.select %gt3A_1860, %select_n3A_1819, %broadcast_in_dim3A_1857 : vector<16xi1>, vector<16xi32>
      %gt3A_1865 = arith.cmpf ogt, %select_n3A_1862, %select_n3A_1822 : vector<16xf32>
      %select_n3A_1866 = arith.select %gt3A_1865, %select_n3A_1862, %select_n3A_1822 : vector<16xi1>, vector<16xf32>
      %select_n3A_1867 = arith.select %gt3A_1865, %select_n3A_1822, %select_n3A_1862 : vector<16xi1>, vector<16xf32>
      %select_n3A_1868 = arith.select %gt3A_1865, %select_n3A_1864, %select_n3A_1824 : vector<16xi1>, vector<16xi32>
      %select_n3A_1869 = arith.select %gt3A_1865, %select_n3A_1824, %select_n3A_1864 : vector<16xi1>, vector<16xi32>
      %gt3A_1870 = arith.cmpf ogt, %select_n3A_1867, %select_n3A_1827 : vector<16xf32>
      %select_n3A_1871 = arith.select %gt3A_1870, %select_n3A_1867, %select_n3A_1827 : vector<16xi1>, vector<16xf32>
      %select_n3A_1872 = arith.select %gt3A_1870, %select_n3A_1827, %select_n3A_1867 : vector<16xi1>, vector<16xf32>
      %select_n3A_1873 = arith.select %gt3A_1870, %select_n3A_1869, %select_n3A_1829 : vector<16xi1>, vector<16xi32>
      %select_n3A_1874 = arith.select %gt3A_1870, %select_n3A_1829, %select_n3A_1869 : vector<16xi1>, vector<16xi32>
      %gt3A_1875 = arith.cmpf ogt, %select_n3A_1872, %select_n3A_1832 : vector<16xf32>
      %select_n3A_1876 = arith.select %gt3A_1875, %select_n3A_1872, %select_n3A_1832 : vector<16xi1>, vector<16xf32>
      %select_n3A_1877 = arith.select %gt3A_1875, %select_n3A_1832, %select_n3A_1872 : vector<16xi1>, vector<16xf32>
      %select_n3A_1878 = arith.select %gt3A_1875, %select_n3A_1874, %select_n3A_1834 : vector<16xi1>, vector<16xi32>
      %select_n3A_1879 = arith.select %gt3A_1875, %select_n3A_1834, %select_n3A_1874 : vector<16xi1>, vector<16xi32>
      %gt3A_1880 = arith.cmpf ogt, %select_n3A_1877, %select_n3A_1837 : vector<16xf32>
      %select_n3A_1881 = arith.select %gt3A_1880, %select_n3A_1877, %select_n3A_1837 : vector<16xi1>, vector<16xf32>
      %select_n3A_1882 = arith.select %gt3A_1880, %select_n3A_1837, %select_n3A_1877 : vector<16xi1>, vector<16xf32>
      %select_n3A_1883 = arith.select %gt3A_1880, %select_n3A_1879, %select_n3A_1839 : vector<16xi1>, vector<16xi32>
      %select_n3A_1884 = arith.select %gt3A_1880, %select_n3A_1839, %select_n3A_1879 : vector<16xi1>, vector<16xi32>
      %gt3A_1885 = arith.cmpf ogt, %select_n3A_1882, %select_n3A_1842 : vector<16xf32>
      %select_n3A_1886 = arith.select %gt3A_1885, %select_n3A_1882, %select_n3A_1842 : vector<16xi1>, vector<16xf32>
      %select_n3A_1887 = arith.select %gt3A_1885, %select_n3A_1842, %select_n3A_1882 : vector<16xi1>, vector<16xf32>
      %select_n3A_1888 = arith.select %gt3A_1885, %select_n3A_1884, %select_n3A_1844 : vector<16xi1>, vector<16xi32>
      %select_n3A_1889 = arith.select %gt3A_1885, %select_n3A_1844, %select_n3A_1884 : vector<16xi1>, vector<16xi32>
      %gt3A_1890 = arith.cmpf ogt, %select_n3A_1887, %select_n3A_1847 : vector<16xf32>
      %select_n3A_1891 = arith.select %gt3A_1890, %select_n3A_1887, %select_n3A_1847 : vector<16xi1>, vector<16xf32>
      %select_n3A_1892 = arith.select %gt3A_1890, %select_n3A_1847, %select_n3A_1887 : vector<16xi1>, vector<16xf32>
      %select_n3A_1893 = arith.select %gt3A_1890, %select_n3A_1889, %select_n3A_1849 : vector<16xi1>, vector<16xi32>
      %select_n3A_1894 = arith.select %gt3A_1890, %select_n3A_1849, %select_n3A_1889 : vector<16xi1>, vector<16xi32>
      %gt3A_1895 = arith.cmpf ogt, %select_n3A_1892, %select_n3A_1852 : vector<16xf32>
      %select_n3A_1896 = arith.select %gt3A_1895, %select_n3A_1892, %select_n3A_1852 : vector<16xi1>, vector<16xf32>
      %select_n3A_1897 = arith.select %gt3A_1895, %select_n3A_1852, %select_n3A_1892 : vector<16xi1>, vector<16xf32>
      %select_n3A_1898 = arith.select %gt3A_1895, %select_n3A_1894, %select_n3A_1854 : vector<16xi1>, vector<16xi32>
      %select_n3A_1899 = arith.select %gt3A_1895, %select_n3A_1854, %select_n3A_1894 : vector<16xi1>, vector<16xi32>
      %broadcast_in_dim3A_1900 = arith.constant 43 : i32
      %broadcast_in_dim3A_1901 = vector.broadcast %broadcast_in_dim3A_1900 : i32 to vector<16xi32>
      %add3A_1902 = arith.addi %mul3A_7, %broadcast_in_dim3A_1901 : vector<16xi32>
      %gather3A_1903 = tpu.vector_load_idx %arg7[%add3A_1902] : memref<1024xf32, #tpu.memory_space<vmem>>[vector<16xi32>], vector<16xf32>,
      %gt3A_1904 = arith.cmpf ogt, %gather3A_1903, %select_n3A_1861 : vector<16xf32>
      %select_n3A_1905 = arith.select %gt3A_1904, %gather3A_1903, %select_n3A_1861 : vector<16xi1>, vector<16xf32>
      %select_n3A_1906 = arith.select %gt3A_1904, %select_n3A_1861, %gather3A_1903 : vector<16xi1>, vector<16xf32>
      %select_n3A_1907 = arith.select %gt3A_1904, %broadcast_in_dim3A_1901, %select_n3A_1863 : vector<16xi1>, vector<16xi32>
      %select_n3A_1908 = arith.select %gt3A_1904, %select_n3A_1863, %broadcast_in_dim3A_1901 : vector<16xi1>, vector<16xi32>
      %gt3A_1909 = arith.cmpf ogt, %select_n3A_1906, %select_n3A_1866 : vector<16xf32>
      %select_n3A_1910 = arith.select %gt3A_1909, %select_n3A_1906, %select_n3A_1866 : vector<16xi1>, vector<16xf32>
      %select_n3A_1911 = arith.select %gt3A_1909, %select_n3A_1866, %select_n3A_1906 : vector<16xi1>, vector<16xf32>
      %select_n3A_1912 = arith.select %gt3A_1909, %select_n3A_1908, %select_n3A_1868 : vector<16xi1>, vector<16xi32>
      %select_n3A_1913 = arith.select %gt3A_1909, %select_n3A_1868, %select_n3A_1908 : vector<16xi1>, vector<16xi32>
      %gt3A_1914 = arith.cmpf ogt, %select_n3A_1911, %select_n3A_1871 : vector<16xf32>
      %select_n3A_1915 = arith.select %gt3A_1914, %select_n3A_1911, %select_n3A_1871 : vector<16xi1>, vector<16xf32>
      %select_n3A_1916 = arith.select %gt3A_1914, %select_n3A_1871, %select_n3A_1911 : vector<16xi1>, vector<16xf32>
      %select_n3A_1917 = arith.select %gt3A_1914, %select_n3A_1913, %select_n3A_1873 : vector<16xi1>, vector<16xi32>
      %select_n3A_1918 = arith.select %gt3A_1914, %select_n3A_1873, %select_n3A_1913 : vector<16xi1>, vector<16xi32>
      %gt3A_1919 = arith.cmpf ogt, %select_n3A_1916, %select_n3A_1876 : vector<16xf32>
      %select_n3A_1920 = arith.select %gt3A_1919, %select_n3A_1916, %select_n3A_1876 : vector<16xi1>, vector<16xf32>
      %select_n3A_1921 = arith.select %gt3A_1919, %select_n3A_1876, %select_n3A_1916 : vector<16xi1>, vector<16xf32>
      %select_n3A_1922 = arith.select %gt3A_1919, %select_n3A_1918, %select_n3A_1878 : vector<16xi1>, vector<16xi32>
      %select_n3A_1923 = arith.select %gt3A_1919, %select_n3A_1878, %select_n3A_1918 : vector<16xi1>, vector<16xi32>
      %gt3A_1924 = arith.cmpf ogt, %select_n3A_1921, %select_n3A_1881 : vector<16xf32>
      %select_n3A_1925 = arith.select %gt3A_1924, %select_n3A_1921, %select_n3A_1881 : vector<16xi1>, vector<16xf32>
      %select_n3A_1926 = arith.select %gt3A_1924, %select_n3A_1881, %select_n3A_1921 : vector<16xi1>, vector<16xf32>
      %select_n3A_1927 = arith.select %gt3A_1924, %select_n3A_1923, %select_n3A_1883 : vector<16xi1>, vector<16xi32>
      %select_n3A_1928 = arith.select %gt3A_1924, %select_n3A_1883, %select_n3A_1923 : vector<16xi1>, vector<16xi32>
      %gt3A_1929 = arith.cmpf ogt, %select_n3A_1926, %select_n3A_1886 : vector<16xf32>
      %select_n3A_1930 = arith.select %gt3A_1929, %select_n3A_1926, %select_n3A_1886 : vector<16xi1>, vector<16xf32>
      %select_n3A_1931 = arith.select %gt3A_1929, %select_n3A_1886, %select_n3A_1926 : vector<16xi1>, vector<16xf32>
      %select_n3A_1932 = arith.select %gt3A_1929, %select_n3A_1928, %select_n3A_1888 : vector<16xi1>, vector<16xi32>
      %select_n3A_1933 = arith.select %gt3A_1929, %select_n3A_1888, %select_n3A_1928 : vector<16xi1>, vector<16xi32>
      %gt3A_1934 = arith.cmpf ogt, %select_n3A_1931, %select_n3A_1891 : vector<16xf32>
      %select_n3A_1935 = arith.select %gt3A_1934, %select_n3A_1931, %select_n3A_1891 : vector<16xi1>, vector<16xf32>
      %select_n3A_1936 = arith.select %gt3A_1934, %select_n3A_1891, %select_n3A_1931 : vector<16xi1>, vector<16xf32>
      %select_n3A_1937 = arith.select %gt3A_1934, %select_n3A_1933, %select_n3A_1893 : vector<16xi1>, vector<16xi32>
      %select_n3A_1938 = arith.select %gt3A_1934, %select_n3A_1893, %select_n3A_1933 : vector<16xi1>, vector<16xi32>
      %gt3A_1939 = arith.cmpf ogt, %select_n3A_1936, %select_n3A_1896 : vector<16xf32>
      %select_n3A_1940 = arith.select %gt3A_1939, %select_n3A_1936, %select_n3A_1896 : vector<16xi1>, vector<16xf32>
      %select_n3A_1941 = arith.select %gt3A_1939, %select_n3A_1896, %select_n3A_1936 : vector<16xi1>, vector<16xf32>
      %select_n3A_1942 = arith.select %gt3A_1939, %select_n3A_1938, %select_n3A_1898 : vector<16xi1>, vector<16xi32>
      %select_n3A_1943 = arith.select %gt3A_1939, %select_n3A_1898, %select_n3A_1938 : vector<16xi1>, vector<16xi32>
      %broadcast_in_dim3A_1944 = arith.constant 44 : i32
      %broadcast_in_dim3A_1945 = vector.broadcast %broadcast_in_dim3A_1944 : i32 to vector<16xi32>
      %add3A_1946 = arith.addi %mul3A_7, %broadcast_in_dim3A_1945 : vector<16xi32>
      %gather3A_1947 = tpu.vector_load_idx %arg7[%add3A_1946] : memref<1024xf32, #tpu.memory_space<vmem>>[vector<16xi32>], vector<16xf32>,
      %gt3A_1948 = arith.cmpf ogt, %gather3A_1947, %select_n3A_1905 : vector<16xf32>
      %select_n3A_1949 = arith.select %gt3A_1948, %gather3A_1947, %select_n3A_1905 : vector<16xi1>, vector<16xf32>
      %select_n3A_1950 = arith.select %gt3A_1948, %select_n3A_1905, %gather3A_1947 : vector<16xi1>, vector<16xf32>
      %select_n3A_1951 = arith.select %gt3A_1948, %broadcast_in_dim3A_1945, %select_n3A_1907 : vector<16xi1>, vector<16xi32>
      %select_n3A_1952 = arith.select %gt3A_1948, %select_n3A_1907, %broadcast_in_dim3A_1945 : vector<16xi1>, vector<16xi32>
      %gt3A_1953 = arith.cmpf ogt, %select_n3A_1950, %select_n3A_1910 : vector<16xf32>
      %select_n3A_1954 = arith.select %gt3A_1953, %select_n3A_1950, %select_n3A_1910 : vector<16xi1>, vector<16xf32>
      %select_n3A_1955 = arith.select %gt3A_1953, %select_n3A_1910, %select_n3A_1950 : vector<16xi1>, vector<16xf32>
      %select_n3A_1956 = arith.select %gt3A_1953, %select_n3A_1952, %select_n3A_1912 : vector<16xi1>, vector<16xi32>
      %select_n3A_1957 = arith.select %gt3A_1953, %select_n3A_1912, %select_n3A_1952 : vector<16xi1>, vector<16xi32>
      %gt3A_1958 = arith.cmpf ogt, %select_n3A_1955, %select_n3A_1915 : vector<16xf32>
      %select_n3A_1959 = arith.select %gt3A_1958, %select_n3A_1955, %select_n3A_1915 : vector<16xi1>, vector<16xf32>
      %select_n3A_1960 = arith.select %gt3A_1958, %select_n3A_1915, %select_n3A_1955 : vector<16xi1>, vector<16xf32>
      %select_n3A_1961 = arith.select %gt3A_1958, %select_n3A_1957, %select_n3A_1917 : vector<16xi1>, vector<16xi32>
      %select_n3A_1962 = arith.select %gt3A_1958, %select_n3A_1917, %select_n3A_1957 : vector<16xi1>, vector<16xi32>
      %gt3A_1963 = arith.cmpf ogt, %select_n3A_1960, %select_n3A_1920 : vector<16xf32>
      %select_n3A_1964 = arith.select %gt3A_1963, %select_n3A_1960, %select_n3A_1920 : vector<16xi1>, vector<16xf32>
      %select_n3A_1965 = arith.select %gt3A_1963, %select_n3A_1920, %select_n3A_1960 : vector<16xi1>, vector<16xf32>
      %select_n3A_1966 = arith.select %gt3A_1963, %select_n3A_1962, %select_n3A_1922 : vector<16xi1>, vector<16xi32>
      %select_n3A_1967 = arith.select %gt3A_1963, %select_n3A_1922, %select_n3A_1962 : vector<16xi1>, vector<16xi32>
      %gt3A_1968 = arith.cmpf ogt, %select_n3A_1965, %select_n3A_1925 : vector<16xf32>
      %select_n3A_1969 = arith.select %gt3A_1968, %select_n3A_1965, %select_n3A_1925 : vector<16xi1>, vector<16xf32>
      %select_n3A_1970 = arith.select %gt3A_1968, %select_n3A_1925, %select_n3A_1965 : vector<16xi1>, vector<16xf32>
      %select_n3A_1971 = arith.select %gt3A_1968, %select_n3A_1967, %select_n3A_1927 : vector<16xi1>, vector<16xi32>
      %select_n3A_1972 = arith.select %gt3A_1968, %select_n3A_1927, %select_n3A_1967 : vector<16xi1>, vector<16xi32>
      %gt3A_1973 = arith.cmpf ogt, %select_n3A_1970, %select_n3A_1930 : vector<16xf32>
      %select_n3A_1974 = arith.select %gt3A_1973, %select_n3A_1970, %select_n3A_1930 : vector<16xi1>, vector<16xf32>
      %select_n3A_1975 = arith.select %gt3A_1973, %select_n3A_1930, %select_n3A_1970 : vector<16xi1>, vector<16xf32>
      %select_n3A_1976 = arith.select %gt3A_1973, %select_n3A_1972, %select_n3A_1932 : vector<16xi1>, vector<16xi32>
      %select_n3A_1977 = arith.select %gt3A_1973, %select_n3A_1932, %select_n3A_1972 : vector<16xi1>, vector<16xi32>
      %gt3A_1978 = arith.cmpf ogt, %select_n3A_1975, %select_n3A_1935 : vector<16xf32>
      %select_n3A_1979 = arith.select %gt3A_1978, %select_n3A_1975, %select_n3A_1935 : vector<16xi1>, vector<16xf32>
      %select_n3A_1980 = arith.select %gt3A_1978, %select_n3A_1935, %select_n3A_1975 : vector<16xi1>, vector<16xf32>
      %select_n3A_1981 = arith.select %gt3A_1978, %select_n3A_1977, %select_n3A_1937 : vector<16xi1>, vector<16xi32>
      %select_n3A_1982 = arith.select %gt3A_1978, %select_n3A_1937, %select_n3A_1977 : vector<16xi1>, vector<16xi32>
      %gt3A_1983 = arith.cmpf ogt, %select_n3A_1980, %select_n3A_1940 : vector<16xf32>
      %select_n3A_1984 = arith.select %gt3A_1983, %select_n3A_1980, %select_n3A_1940 : vector<16xi1>, vector<16xf32>
      %select_n3A_1985 = arith.select %gt3A_1983, %select_n3A_1940, %select_n3A_1980 : vector<16xi1>, vector<16xf32>
      %select_n3A_1986 = arith.select %gt3A_1983, %select_n3A_1982, %select_n3A_1942 : vector<16xi1>, vector<16xi32>
      %select_n3A_1987 = arith.select %gt3A_1983, %select_n3A_1942, %select_n3A_1982 : vector<16xi1>, vector<16xi32>
      %broadcast_in_dim3A_1988 = arith.constant 45 : i32
      %broadcast_in_dim3A_1989 = vector.broadcast %broadcast_in_dim3A_1988 : i32 to vector<16xi32>
      %add3A_1990 = arith.addi %mul3A_7, %broadcast_in_dim3A_1989 : vector<16xi32>
      %gather3A_1991 = tpu.vector_load_idx %arg7[%add3A_1990] : memref<1024xf32, #tpu.memory_space<vmem>>[vector<16xi32>], vector<16xf32>,
      %gt3A_1992 = arith.cmpf ogt, %gather3A_1991, %select_n3A_1949 : vector<16xf32>
      %select_n3A_1993 = arith.select %gt3A_1992, %gather3A_1991, %select_n3A_1949 : vector<16xi1>, vector<16xf32>
      %select_n3A_1994 = arith.select %gt3A_1992, %select_n3A_1949, %gather3A_1991 : vector<16xi1>, vector<16xf32>
      %select_n3A_1995 = arith.select %gt3A_1992, %broadcast_in_dim3A_1989, %select_n3A_1951 : vector<16xi1>, vector<16xi32>
      %select_n3A_1996 = arith.select %gt3A_1992, %select_n3A_1951, %broadcast_in_dim3A_1989 : vector<16xi1>, vector<16xi32>
      %gt3A_1997 = arith.cmpf ogt, %select_n3A_1994, %select_n3A_1954 : vector<16xf32>
      %select_n3A_1998 = arith.select %gt3A_1997, %select_n3A_1994, %select_n3A_1954 : vector<16xi1>, vector<16xf32>
      %select_n3A_1999 = arith.select %gt3A_1997, %select_n3A_1954, %select_n3A_1994 : vector<16xi1>, vector<16xf32>
      %select_n3A_2000 = arith.select %gt3A_1997, %select_n3A_1996, %select_n3A_1956 : vector<16xi1>, vector<16xi32>
      %select_n3A_2001 = arith.select %gt3A_1997, %select_n3A_1956, %select_n3A_1996 : vector<16xi1>, vector<16xi32>
      %gt3A_2002 = arith.cmpf ogt, %select_n3A_1999, %select_n3A_1959 : vector<16xf32>
      %select_n3A_2003 = arith.select %gt3A_2002, %select_n3A_1999, %select_n3A_1959 : vector<16xi1>, vector<16xf32>
      %select_n3A_2004 = arith.select %gt3A_2002, %select_n3A_1959, %select_n3A_1999 : vector<16xi1>, vector<16xf32>
      %select_n3A_2005 = arith.select %gt3A_2002, %select_n3A_2001, %select_n3A_1961 : vector<16xi1>, vector<16xi32>
      %select_n3A_2006 = arith.select %gt3A_2002, %select_n3A_1961, %select_n3A_2001 : vector<16xi1>, vector<16xi32>
      %gt3A_2007 = arith.cmpf ogt, %select_n3A_2004, %select_n3A_1964 : vector<16xf32>
      %select_n3A_2008 = arith.select %gt3A_2007, %select_n3A_2004, %select_n3A_1964 : vector<16xi1>, vector<16xf32>
      %select_n3A_2009 = arith.select %gt3A_2007, %select_n3A_1964, %select_n3A_2004 : vector<16xi1>, vector<16xf32>
      %select_n3A_2010 = arith.select %gt3A_2007, %select_n3A_2006, %select_n3A_1966 : vector<16xi1>, vector<16xi32>
      %select_n3A_2011 = arith.select %gt3A_2007, %select_n3A_1966, %select_n3A_2006 : vector<16xi1>, vector<16xi32>
      %gt3A_2012 = arith.cmpf ogt, %select_n3A_2009, %select_n3A_1969 : vector<16xf32>
      %select_n3A_2013 = arith.select %gt3A_2012, %select_n3A_2009, %select_n3A_1969 : vector<16xi1>, vector<16xf32>
      %select_n3A_2014 = arith.select %gt3A_2012, %select_n3A_1969, %select_n3A_2009 : vector<16xi1>, vector<16xf32>
      %select_n3A_2015 = arith.select %gt3A_2012, %select_n3A_2011, %select_n3A_1971 : vector<16xi1>, vector<16xi32>
      %select_n3A_2016 = arith.select %gt3A_2012, %select_n3A_1971, %select_n3A_2011 : vector<16xi1>, vector<16xi32>
      %gt3A_2017 = arith.cmpf ogt, %select_n3A_2014, %select_n3A_1974 : vector<16xf32>
      %select_n3A_2018 = arith.select %gt3A_2017, %select_n3A_2014, %select_n3A_1974 : vector<16xi1>, vector<16xf32>
      %select_n3A_2019 = arith.select %gt3A_2017, %select_n3A_1974, %select_n3A_2014 : vector<16xi1>, vector<16xf32>
      %select_n3A_2020 = arith.select %gt3A_2017, %select_n3A_2016, %select_n3A_1976 : vector<16xi1>, vector<16xi32>
      %select_n3A_2021 = arith.select %gt3A_2017, %select_n3A_1976, %select_n3A_2016 : vector<16xi1>, vector<16xi32>
      %gt3A_2022 = arith.cmpf ogt, %select_n3A_2019, %select_n3A_1979 : vector<16xf32>
      %select_n3A_2023 = arith.select %gt3A_2022, %select_n3A_2019, %select_n3A_1979 : vector<16xi1>, vector<16xf32>
      %select_n3A_2024 = arith.select %gt3A_2022, %select_n3A_1979, %select_n3A_2019 : vector<16xi1>, vector<16xf32>
      %select_n3A_2025 = arith.select %gt3A_2022, %select_n3A_2021, %select_n3A_1981 : vector<16xi1>, vector<16xi32>
      %select_n3A_2026 = arith.select %gt3A_2022, %select_n3A_1981, %select_n3A_2021 : vector<16xi1>, vector<16xi32>
      %gt3A_2027 = arith.cmpf ogt, %select_n3A_2024, %select_n3A_1984 : vector<16xf32>
      %select_n3A_2028 = arith.select %gt3A_2027, %select_n3A_2024, %select_n3A_1984 : vector<16xi1>, vector<16xf32>
      %select_n3A_2029 = arith.select %gt3A_2027, %select_n3A_1984, %select_n3A_2024 : vector<16xi1>, vector<16xf32>
      %select_n3A_2030 = arith.select %gt3A_2027, %select_n3A_2026, %select_n3A_1986 : vector<16xi1>, vector<16xi32>
      %select_n3A_2031 = arith.select %gt3A_2027, %select_n3A_1986, %select_n3A_2026 : vector<16xi1>, vector<16xi32>
      %broadcast_in_dim3A_2032 = arith.constant 46 : i32
      %broadcast_in_dim3A_2033 = vector.broadcast %broadcast_in_dim3A_2032 : i32 to vector<16xi32>
      %add3A_2034 = arith.addi %mul3A_7, %broadcast_in_dim3A_2033 : vector<16xi32>
      %gather3A_2035 = tpu.vector_load_idx %arg7[%add3A_2034] : memref<1024xf32, #tpu.memory_space<vmem>>[vector<16xi32>], vector<16xf32>,
      %gt3A_2036 = arith.cmpf ogt, %gather3A_2035, %select_n3A_1993 : vector<16xf32>
      %select_n3A_2037 = arith.select %gt3A_2036, %gather3A_2035, %select_n3A_1993 : vector<16xi1>, vector<16xf32>
      %select_n3A_2038 = arith.select %gt3A_2036, %select_n3A_1993, %gather3A_2035 : vector<16xi1>, vector<16xf32>
      %select_n3A_2039 = arith.select %gt3A_2036, %broadcast_in_dim3A_2033, %select_n3A_1995 : vector<16xi1>, vector<16xi32>
      %select_n3A_2040 = arith.select %gt3A_2036, %select_n3A_1995, %broadcast_in_dim3A_2033 : vector<16xi1>, vector<16xi32>
      %gt3A_2041 = arith.cmpf ogt, %select_n3A_2038, %select_n3A_1998 : vector<16xf32>
      %select_n3A_2042 = arith.select %gt3A_2041, %select_n3A_2038, %select_n3A_1998 : vector<16xi1>, vector<16xf32>
      %select_n3A_2043 = arith.select %gt3A_2041, %select_n3A_1998, %select_n3A_2038 : vector<16xi1>, vector<16xf32>
      %select_n3A_2044 = arith.select %gt3A_2041, %select_n3A_2040, %select_n3A_2000 : vector<16xi1>, vector<16xi32>
      %select_n3A_2045 = arith.select %gt3A_2041, %select_n3A_2000, %select_n3A_2040 : vector<16xi1>, vector<16xi32>
      %gt3A_2046 = arith.cmpf ogt, %select_n3A_2043, %select_n3A_2003 : vector<16xf32>
      %select_n3A_2047 = arith.select %gt3A_2046, %select_n3A_2043, %select_n3A_2003 : vector<16xi1>, vector<16xf32>
      %select_n3A_2048 = arith.select %gt3A_2046, %select_n3A_2003, %select_n3A_2043 : vector<16xi1>, vector<16xf32>
      %select_n3A_2049 = arith.select %gt3A_2046, %select_n3A_2045, %select_n3A_2005 : vector<16xi1>, vector<16xi32>
      %select_n3A_2050 = arith.select %gt3A_2046, %select_n3A_2005, %select_n3A_2045 : vector<16xi1>, vector<16xi32>
      %gt3A_2051 = arith.cmpf ogt, %select_n3A_2048, %select_n3A_2008 : vector<16xf32>
      %select_n3A_2052 = arith.select %gt3A_2051, %select_n3A_2048, %select_n3A_2008 : vector<16xi1>, vector<16xf32>
      %select_n3A_2053 = arith.select %gt3A_2051, %select_n3A_2008, %select_n3A_2048 : vector<16xi1>, vector<16xf32>
      %select_n3A_2054 = arith.select %gt3A_2051, %select_n3A_2050, %select_n3A_2010 : vector<16xi1>, vector<16xi32>
      %select_n3A_2055 = arith.select %gt3A_2051, %select_n3A_2010, %select_n3A_2050 : vector<16xi1>, vector<16xi32>
      %gt3A_2056 = arith.cmpf ogt, %select_n3A_2053, %select_n3A_2013 : vector<16xf32>
      %select_n3A_2057 = arith.select %gt3A_2056, %select_n3A_2053, %select_n3A_2013 : vector<16xi1>, vector<16xf32>
      %select_n3A_2058 = arith.select %gt3A_2056, %select_n3A_2013, %select_n3A_2053 : vector<16xi1>, vector<16xf32>
      %select_n3A_2059 = arith.select %gt3A_2056, %select_n3A_2055, %select_n3A_2015 : vector<16xi1>, vector<16xi32>
      %select_n3A_2060 = arith.select %gt3A_2056, %select_n3A_2015, %select_n3A_2055 : vector<16xi1>, vector<16xi32>
      %gt3A_2061 = arith.cmpf ogt, %select_n3A_2058, %select_n3A_2018 : vector<16xf32>
      %select_n3A_2062 = arith.select %gt3A_2061, %select_n3A_2058, %select_n3A_2018 : vector<16xi1>, vector<16xf32>
      %select_n3A_2063 = arith.select %gt3A_2061, %select_n3A_2018, %select_n3A_2058 : vector<16xi1>, vector<16xf32>
      %select_n3A_2064 = arith.select %gt3A_2061, %select_n3A_2060, %select_n3A_2020 : vector<16xi1>, vector<16xi32>
      %select_n3A_2065 = arith.select %gt3A_2061, %select_n3A_2020, %select_n3A_2060 : vector<16xi1>, vector<16xi32>
      %gt3A_2066 = arith.cmpf ogt, %select_n3A_2063, %select_n3A_2023 : vector<16xf32>
      %select_n3A_2067 = arith.select %gt3A_2066, %select_n3A_2063, %select_n3A_2023 : vector<16xi1>, vector<16xf32>
      %select_n3A_2068 = arith.select %gt3A_2066, %select_n3A_2023, %select_n3A_2063 : vector<16xi1>, vector<16xf32>
      %select_n3A_2069 = arith.select %gt3A_2066, %select_n3A_2065, %select_n3A_2025 : vector<16xi1>, vector<16xi32>
      %select_n3A_2070 = arith.select %gt3A_2066, %select_n3A_2025, %select_n3A_2065 : vector<16xi1>, vector<16xi32>
      %gt3A_2071 = arith.cmpf ogt, %select_n3A_2068, %select_n3A_2028 : vector<16xf32>
      %select_n3A_2072 = arith.select %gt3A_2071, %select_n3A_2068, %select_n3A_2028 : vector<16xi1>, vector<16xf32>
      %select_n3A_2073 = arith.select %gt3A_2071, %select_n3A_2028, %select_n3A_2068 : vector<16xi1>, vector<16xf32>
      %select_n3A_2074 = arith.select %gt3A_2071, %select_n3A_2070, %select_n3A_2030 : vector<16xi1>, vector<16xi32>
      %select_n3A_2075 = arith.select %gt3A_2071, %select_n3A_2030, %select_n3A_2070 : vector<16xi1>, vector<16xi32>
      %broadcast_in_dim3A_2076 = arith.constant 47 : i32
      %broadcast_in_dim3A_2077 = vector.broadcast %broadcast_in_dim3A_2076 : i32 to vector<16xi32>
      %add3A_2078 = arith.addi %mul3A_7, %broadcast_in_dim3A_2077 : vector<16xi32>
      %gather3A_2079 = tpu.vector_load_idx %arg7[%add3A_2078] : memref<1024xf32, #tpu.memory_space<vmem>>[vector<16xi32>], vector<16xf32>,
      %gt3A_2080 = arith.cmpf ogt, %gather3A_2079, %select_n3A_2037 : vector<16xf32>
      %select_n3A_2081 = arith.select %gt3A_2080, %gather3A_2079, %select_n3A_2037 : vector<16xi1>, vector<16xf32>
      %select_n3A_2082 = arith.select %gt3A_2080, %select_n3A_2037, %gather3A_2079 : vector<16xi1>, vector<16xf32>
      %select_n3A_2083 = arith.select %gt3A_2080, %broadcast_in_dim3A_2077, %select_n3A_2039 : vector<16xi1>, vector<16xi32>
      %select_n3A_2084 = arith.select %gt3A_2080, %select_n3A_2039, %broadcast_in_dim3A_2077 : vector<16xi1>, vector<16xi32>
      %gt3A_2085 = arith.cmpf ogt, %select_n3A_2082, %select_n3A_2042 : vector<16xf32>
      %select_n3A_2086 = arith.select %gt3A_2085, %select_n3A_2082, %select_n3A_2042 : vector<16xi1>, vector<16xf32>
      %select_n3A_2087 = arith.select %gt3A_2085, %select_n3A_2042, %select_n3A_2082 : vector<16xi1>, vector<16xf32>
      %select_n3A_2088 = arith.select %gt3A_2085, %select_n3A_2084, %select_n3A_2044 : vector<16xi1>, vector<16xi32>
      %select_n3A_2089 = arith.select %gt3A_2085, %select_n3A_2044, %select_n3A_2084 : vector<16xi1>, vector<16xi32>
      %gt3A_2090 = arith.cmpf ogt, %select_n3A_2087, %select_n3A_2047 : vector<16xf32>
      %select_n3A_2091 = arith.select %gt3A_2090, %select_n3A_2087, %select_n3A_2047 : vector<16xi1>, vector<16xf32>
      %select_n3A_2092 = arith.select %gt3A_2090, %select_n3A_2047, %select_n3A_2087 : vector<16xi1>, vector<16xf32>
      %select_n3A_2093 = arith.select %gt3A_2090, %select_n3A_2089, %select_n3A_2049 : vector<16xi1>, vector<16xi32>
      %select_n3A_2094 = arith.select %gt3A_2090, %select_n3A_2049, %select_n3A_2089 : vector<16xi1>, vector<16xi32>
      %gt3A_2095 = arith.cmpf ogt, %select_n3A_2092, %select_n3A_2052 : vector<16xf32>
      %select_n3A_2096 = arith.select %gt3A_2095, %select_n3A_2092, %select_n3A_2052 : vector<16xi1>, vector<16xf32>
      %select_n3A_2097 = arith.select %gt3A_2095, %select_n3A_2052, %select_n3A_2092 : vector<16xi1>, vector<16xf32>
      %select_n3A_2098 = arith.select %gt3A_2095, %select_n3A_2094, %select_n3A_2054 : vector<16xi1>, vector<16xi32>
      %select_n3A_2099 = arith.select %gt3A_2095, %select_n3A_2054, %select_n3A_2094 : vector<16xi1>, vector<16xi32>
      %gt3A_2100 = arith.cmpf ogt, %select_n3A_2097, %select_n3A_2057 : vector<16xf32>
      %select_n3A_2101 = arith.select %gt3A_2100, %select_n3A_2097, %select_n3A_2057 : vector<16xi1>, vector<16xf32>
      %select_n3A_2102 = arith.select %gt3A_2100, %select_n3A_2057, %select_n3A_2097 : vector<16xi1>, vector<16xf32>
      %select_n3A_2103 = arith.select %gt3A_2100, %select_n3A_2099, %select_n3A_2059 : vector<16xi1>, vector<16xi32>
      %select_n3A_2104 = arith.select %gt3A_2100, %select_n3A_2059, %select_n3A_2099 : vector<16xi1>, vector<16xi32>
      %gt3A_2105 = arith.cmpf ogt, %select_n3A_2102, %select_n3A_2062 : vector<16xf32>
      %select_n3A_2106 = arith.select %gt3A_2105, %select_n3A_2102, %select_n3A_2062 : vector<16xi1>, vector<16xf32>
      %select_n3A_2107 = arith.select %gt3A_2105, %select_n3A_2062, %select_n3A_2102 : vector<16xi1>, vector<16xf32>
      %select_n3A_2108 = arith.select %gt3A_2105, %select_n3A_2104, %select_n3A_2064 : vector<16xi1>, vector<16xi32>
      %select_n3A_2109 = arith.select %gt3A_2105, %select_n3A_2064, %select_n3A_2104 : vector<16xi1>, vector<16xi32>
      %gt3A_2110 = arith.cmpf ogt, %select_n3A_2107, %select_n3A_2067 : vector<16xf32>
      %select_n3A_2111 = arith.select %gt3A_2110, %select_n3A_2107, %select_n3A_2067 : vector<16xi1>, vector<16xf32>
      %select_n3A_2112 = arith.select %gt3A_2110, %select_n3A_2067, %select_n3A_2107 : vector<16xi1>, vector<16xf32>
      %select_n3A_2113 = arith.select %gt3A_2110, %select_n3A_2109, %select_n3A_2069 : vector<16xi1>, vector<16xi32>
      %select_n3A_2114 = arith.select %gt3A_2110, %select_n3A_2069, %select_n3A_2109 : vector<16xi1>, vector<16xi32>
      %gt3A_2115 = arith.cmpf ogt, %select_n3A_2112, %select_n3A_2072 : vector<16xf32>
      %select_n3A_2116 = arith.select %gt3A_2115, %select_n3A_2112, %select_n3A_2072 : vector<16xi1>, vector<16xf32>
      %select_n3A_2117 = arith.select %gt3A_2115, %select_n3A_2072, %select_n3A_2112 : vector<16xi1>, vector<16xf32>
      %select_n3A_2118 = arith.select %gt3A_2115, %select_n3A_2114, %select_n3A_2074 : vector<16xi1>, vector<16xi32>
      %select_n3A_2119 = arith.select %gt3A_2115, %select_n3A_2074, %select_n3A_2114 : vector<16xi1>, vector<16xi32>
      %broadcast_in_dim3A_2120 = arith.constant 48 : i32
      %broadcast_in_dim3A_2121 = vector.broadcast %broadcast_in_dim3A_2120 : i32 to vector<16xi32>
      %add3A_2122 = arith.addi %mul3A_7, %broadcast_in_dim3A_2121 : vector<16xi32>
      %gather3A_2123 = tpu.vector_load_idx %arg7[%add3A_2122] : memref<1024xf32, #tpu.memory_space<vmem>>[vector<16xi32>], vector<16xf32>,
      %gt3A_2124 = arith.cmpf ogt, %gather3A_2123, %select_n3A_2081 : vector<16xf32>
      %select_n3A_2125 = arith.select %gt3A_2124, %gather3A_2123, %select_n3A_2081 : vector<16xi1>, vector<16xf32>
      %select_n3A_2126 = arith.select %gt3A_2124, %select_n3A_2081, %gather3A_2123 : vector<16xi1>, vector<16xf32>
      %select_n3A_2127 = arith.select %gt3A_2124, %broadcast_in_dim3A_2121, %select_n3A_2083 : vector<16xi1>, vector<16xi32>
      %select_n3A_2128 = arith.select %gt3A_2124, %select_n3A_2083, %broadcast_in_dim3A_2121 : vector<16xi1>, vector<16xi32>
      %gt3A_2129 = arith.cmpf ogt, %select_n3A_2126, %select_n3A_2086 : vector<16xf32>
      %select_n3A_2130 = arith.select %gt3A_2129, %select_n3A_2126, %select_n3A_2086 : vector<16xi1>, vector<16xf32>
      %select_n3A_2131 = arith.select %gt3A_2129, %select_n3A_2086, %select_n3A_2126 : vector<16xi1>, vector<16xf32>
      %select_n3A_2132 = arith.select %gt3A_2129, %select_n3A_2128, %select_n3A_2088 : vector<16xi1>, vector<16xi32>
      %select_n3A_2133 = arith.select %gt3A_2129, %select_n3A_2088, %select_n3A_2128 : vector<16xi1>, vector<16xi32>
      %gt3A_2134 = arith.cmpf ogt, %select_n3A_2131, %select_n3A_2091 : vector<16xf32>
      %select_n3A_2135 = arith.select %gt3A_2134, %select_n3A_2131, %select_n3A_2091 : vector<16xi1>, vector<16xf32>
      %select_n3A_2136 = arith.select %gt3A_2134, %select_n3A_2091, %select_n3A_2131 : vector<16xi1>, vector<16xf32>
      %select_n3A_2137 = arith.select %gt3A_2134, %select_n3A_2133, %select_n3A_2093 : vector<16xi1>, vector<16xi32>
      %select_n3A_2138 = arith.select %gt3A_2134, %select_n3A_2093, %select_n3A_2133 : vector<16xi1>, vector<16xi32>
      %gt3A_2139 = arith.cmpf ogt, %select_n3A_2136, %select_n3A_2096 : vector<16xf32>
      %select_n3A_2140 = arith.select %gt3A_2139, %select_n3A_2136, %select_n3A_2096 : vector<16xi1>, vector<16xf32>
      %select_n3A_2141 = arith.select %gt3A_2139, %select_n3A_2096, %select_n3A_2136 : vector<16xi1>, vector<16xf32>
      %select_n3A_2142 = arith.select %gt3A_2139, %select_n3A_2138, %select_n3A_2098 : vector<16xi1>, vector<16xi32>
      %select_n3A_2143 = arith.select %gt3A_2139, %select_n3A_2098, %select_n3A_2138 : vector<16xi1>, vector<16xi32>
      %gt3A_2144 = arith.cmpf ogt, %select_n3A_2141, %select_n3A_2101 : vector<16xf32>
      %select_n3A_2145 = arith.select %gt3A_2144, %select_n3A_2141, %select_n3A_2101 : vector<16xi1>, vector<16xf32>
      %select_n3A_2146 = arith.select %gt3A_2144, %select_n3A_2101, %select_n3A_2141 : vector<16xi1>, vector<16xf32>
      %select_n3A_2147 = arith.select %gt3A_2144, %select_n3A_2143, %select_n3A_2103 : vector<16xi1>, vector<16xi32>
      %select_n3A_2148 = arith.select %gt3A_2144, %select_n3A_2103, %select_n3A_2143 : vector<16xi1>, vector<16xi32>
      %gt3A_2149 = arith.cmpf ogt, %select_n3A_2146, %select_n3A_2106 : vector<16xf32>
      %select_n3A_2150 = arith.select %gt3A_2149, %select_n3A_2146, %select_n3A_2106 : vector<16xi1>, vector<16xf32>
      %select_n3A_2151 = arith.select %gt3A_2149, %select_n3A_2106, %select_n3A_2146 : vector<16xi1>, vector<16xf32>
      %select_n3A_2152 = arith.select %gt3A_2149, %select_n3A_2148, %select_n3A_2108 : vector<16xi1>, vector<16xi32>
      %select_n3A_2153 = arith.select %gt3A_2149, %select_n3A_2108, %select_n3A_2148 : vector<16xi1>, vector<16xi32>
      %gt3A_2154 = arith.cmpf ogt, %select_n3A_2151, %select_n3A_2111 : vector<16xf32>
      %select_n3A_2155 = arith.select %gt3A_2154, %select_n3A_2151, %select_n3A_2111 : vector<16xi1>, vector<16xf32>
      %select_n3A_2156 = arith.select %gt3A_2154, %select_n3A_2111, %select_n3A_2151 : vector<16xi1>, vector<16xf32>
      %select_n3A_2157 = arith.select %gt3A_2154, %select_n3A_2153, %select_n3A_2113 : vector<16xi1>, vector<16xi32>
      %select_n3A_2158 = arith.select %gt3A_2154, %select_n3A_2113, %select_n3A_2153 : vector<16xi1>, vector<16xi32>
      %gt3A_2159 = arith.cmpf ogt, %select_n3A_2156, %select_n3A_2116 : vector<16xf32>
      %select_n3A_2160 = arith.select %gt3A_2159, %select_n3A_2156, %select_n3A_2116 : vector<16xi1>, vector<16xf32>
      %select_n3A_2161 = arith.select %gt3A_2159, %select_n3A_2116, %select_n3A_2156 : vector<16xi1>, vector<16xf32>
      %select_n3A_2162 = arith.select %gt3A_2159, %select_n3A_2158, %select_n3A_2118 : vector<16xi1>, vector<16xi32>
      %select_n3A_2163 = arith.select %gt3A_2159, %select_n3A_2118, %select_n3A_2158 : vector<16xi1>, vector<16xi32>
      %broadcast_in_dim3A_2164 = arith.constant 49 : i32
      %broadcast_in_dim3A_2165 = vector.broadcast %broadcast_in_dim3A_2164 : i32 to vector<16xi32>
      %add3A_2166 = arith.addi %mul3A_7, %broadcast_in_dim3A_2165 : vector<16xi32>
      %gather3A_2167 = tpu.vector_load_idx %arg7[%add3A_2166] : memref<1024xf32, #tpu.memory_space<vmem>>[vector<16xi32>], vector<16xf32>,
      %gt3A_2168 = arith.cmpf ogt, %gather3A_2167, %select_n3A_2125 : vector<16xf32>
      %select_n3A_2169 = arith.select %gt3A_2168, %gather3A_2167, %select_n3A_2125 : vector<16xi1>, vector<16xf32>
      %select_n3A_2170 = arith.select %gt3A_2168, %select_n3A_2125, %gather3A_2167 : vector<16xi1>, vector<16xf32>
      %select_n3A_2171 = arith.select %gt3A_2168, %broadcast_in_dim3A_2165, %select_n3A_2127 : vector<16xi1>, vector<16xi32>
      %select_n3A_2172 = arith.select %gt3A_2168, %select_n3A_2127, %broadcast_in_dim3A_2165 : vector<16xi1>, vector<16xi32>
      %gt3A_2173 = arith.cmpf ogt, %select_n3A_2170, %select_n3A_2130 : vector<16xf32>
      %select_n3A_2174 = arith.select %gt3A_2173, %select_n3A_2170, %select_n3A_2130 : vector<16xi1>, vector<16xf32>
      %select_n3A_2175 = arith.select %gt3A_2173, %select_n3A_2130, %select_n3A_2170 : vector<16xi1>, vector<16xf32>
      %select_n3A_2176 = arith.select %gt3A_2173, %select_n3A_2172, %select_n3A_2132 : vector<16xi1>, vector<16xi32>
      %select_n3A_2177 = arith.select %gt3A_2173, %select_n3A_2132, %select_n3A_2172 : vector<16xi1>, vector<16xi32>
      %gt3A_2178 = arith.cmpf ogt, %select_n3A_2175, %select_n3A_2135 : vector<16xf32>
      %select_n3A_2179 = arith.select %gt3A_2178, %select_n3A_2175, %select_n3A_2135 : vector<16xi1>, vector<16xf32>
      %select_n3A_2180 = arith.select %gt3A_2178, %select_n3A_2135, %select_n3A_2175 : vector<16xi1>, vector<16xf32>
      %select_n3A_2181 = arith.select %gt3A_2178, %select_n3A_2177, %select_n3A_2137 : vector<16xi1>, vector<16xi32>
      %select_n3A_2182 = arith.select %gt3A_2178, %select_n3A_2137, %select_n3A_2177 : vector<16xi1>, vector<16xi32>
      %gt3A_2183 = arith.cmpf ogt, %select_n3A_2180, %select_n3A_2140 : vector<16xf32>
      %select_n3A_2184 = arith.select %gt3A_2183, %select_n3A_2180, %select_n3A_2140 : vector<16xi1>, vector<16xf32>
      %select_n3A_2185 = arith.select %gt3A_2183, %select_n3A_2140, %select_n3A_2180 : vector<16xi1>, vector<16xf32>
      %select_n3A_2186 = arith.select %gt3A_2183, %select_n3A_2182, %select_n3A_2142 : vector<16xi1>, vector<16xi32>
      %select_n3A_2187 = arith.select %gt3A_2183, %select_n3A_2142, %select_n3A_2182 : vector<16xi1>, vector<16xi32>
      %gt3A_2188 = arith.cmpf ogt, %select_n3A_2185, %select_n3A_2145 : vector<16xf32>
      %select_n3A_2189 = arith.select %gt3A_2188, %select_n3A_2185, %select_n3A_2145 : vector<16xi1>, vector<16xf32>
      %select_n3A_2190 = arith.select %gt3A_2188, %select_n3A_2145, %select_n3A_2185 : vector<16xi1>, vector<16xf32>
      %select_n3A_2191 = arith.select %gt3A_2188, %select_n3A_2187, %select_n3A_2147 : vector<16xi1>, vector<16xi32>
      %select_n3A_2192 = arith.select %gt3A_2188, %select_n3A_2147, %select_n3A_2187 : vector<16xi1>, vector<16xi32>
      %gt3A_2193 = arith.cmpf ogt, %select_n3A_2190, %select_n3A_2150 : vector<16xf32>
      %select_n3A_2194 = arith.select %gt3A_2193, %select_n3A_2190, %select_n3A_2150 : vector<16xi1>, vector<16xf32>
      %select_n3A_2195 = arith.select %gt3A_2193, %select_n3A_2150, %select_n3A_2190 : vector<16xi1>, vector<16xf32>
      %select_n3A_2196 = arith.select %gt3A_2193, %select_n3A_2192, %select_n3A_2152 : vector<16xi1>, vector<16xi32>
      %select_n3A_2197 = arith.select %gt3A_2193, %select_n3A_2152, %select_n3A_2192 : vector<16xi1>, vector<16xi32>
      %gt3A_2198 = arith.cmpf ogt, %select_n3A_2195, %select_n3A_2155 : vector<16xf32>
      %select_n3A_2199 = arith.select %gt3A_2198, %select_n3A_2195, %select_n3A_2155 : vector<16xi1>, vector<16xf32>
      %select_n3A_2200 = arith.select %gt3A_2198, %select_n3A_2155, %select_n3A_2195 : vector<16xi1>, vector<16xf32>
      %select_n3A_2201 = arith.select %gt3A_2198, %select_n3A_2197, %select_n3A_2157 : vector<16xi1>, vector<16xi32>
      %select_n3A_2202 = arith.select %gt3A_2198, %select_n3A_2157, %select_n3A_2197 : vector<16xi1>, vector<16xi32>
      %gt3A_2203 = arith.cmpf ogt, %select_n3A_2200, %select_n3A_2160 : vector<16xf32>
      %select_n3A_2204 = arith.select %gt3A_2203, %select_n3A_2200, %select_n3A_2160 : vector<16xi1>, vector<16xf32>
      %select_n3A_2205 = arith.select %gt3A_2203, %select_n3A_2160, %select_n3A_2200 : vector<16xi1>, vector<16xf32>
      %select_n3A_2206 = arith.select %gt3A_2203, %select_n3A_2202, %select_n3A_2162 : vector<16xi1>, vector<16xi32>
      %select_n3A_2207 = arith.select %gt3A_2203, %select_n3A_2162, %select_n3A_2202 : vector<16xi1>, vector<16xi32>
      %broadcast_in_dim3A_2208 = arith.constant 50 : i32
      %broadcast_in_dim3A_2209 = vector.broadcast %broadcast_in_dim3A_2208 : i32 to vector<16xi32>
      %add3A_2210 = arith.addi %mul3A_7, %broadcast_in_dim3A_2209 : vector<16xi32>
      %gather3A_2211 = tpu.vector_load_idx %arg7[%add3A_2210] : memref<1024xf32, #tpu.memory_space<vmem>>[vector<16xi32>], vector<16xf32>,
      %gt3A_2212 = arith.cmpf ogt, %gather3A_2211, %select_n3A_2169 : vector<16xf32>
      %select_n3A_2213 = arith.select %gt3A_2212, %gather3A_2211, %select_n3A_2169 : vector<16xi1>, vector<16xf32>
      %select_n3A_2214 = arith.select %gt3A_2212, %select_n3A_2169, %gather3A_2211 : vector<16xi1>, vector<16xf32>
      %select_n3A_2215 = arith.select %gt3A_2212, %broadcast_in_dim3A_2209, %select_n3A_2171 : vector<16xi1>, vector<16xi32>
      %select_n3A_2216 = arith.select %gt3A_2212, %select_n3A_2171, %broadcast_in_dim3A_2209 : vector<16xi1>, vector<16xi32>
      %gt3A_2217 = arith.cmpf ogt, %select_n3A_2214, %select_n3A_2174 : vector<16xf32>
      %select_n3A_2218 = arith.select %gt3A_2217, %select_n3A_2214, %select_n3A_2174 : vector<16xi1>, vector<16xf32>
      %select_n3A_2219 = arith.select %gt3A_2217, %select_n3A_2174, %select_n3A_2214 : vector<16xi1>, vector<16xf32>
      %select_n3A_2220 = arith.select %gt3A_2217, %select_n3A_2216, %select_n3A_2176 : vector<16xi1>, vector<16xi32>
      %select_n3A_2221 = arith.select %gt3A_2217, %select_n3A_2176, %select_n3A_2216 : vector<16xi1>, vector<16xi32>
      %gt3A_2222 = arith.cmpf ogt, %select_n3A_2219, %select_n3A_2179 : vector<16xf32>
      %select_n3A_2223 = arith.select %gt3A_2222, %select_n3A_2219, %select_n3A_2179 : vector<16xi1>, vector<16xf32>
      %select_n3A_2224 = arith.select %gt3A_2222, %select_n3A_2179, %select_n3A_2219 : vector<16xi1>, vector<16xf32>
      %select_n3A_2225 = arith.select %gt3A_2222, %select_n3A_2221, %select_n3A_2181 : vector<16xi1>, vector<16xi32>
      %select_n3A_2226 = arith.select %gt3A_2222, %select_n3A_2181, %select_n3A_2221 : vector<16xi1>, vector<16xi32>
      %gt3A_2227 = arith.cmpf ogt, %select_n3A_2224, %select_n3A_2184 : vector<16xf32>
      %select_n3A_2228 = arith.select %gt3A_2227, %select_n3A_2224, %select_n3A_2184 : vector<16xi1>, vector<16xf32>
      %select_n3A_2229 = arith.select %gt3A_2227, %select_n3A_2184, %select_n3A_2224 : vector<16xi1>, vector<16xf32>
      %select_n3A_2230 = arith.select %gt3A_2227, %select_n3A_2226, %select_n3A_2186 : vector<16xi1>, vector<16xi32>
      %select_n3A_2231 = arith.select %gt3A_2227, %select_n3A_2186, %select_n3A_2226 : vector<16xi1>, vector<16xi32>
      %gt3A_2232 = arith.cmpf ogt, %select_n3A_2229, %select_n3A_2189 : vector<16xf32>
      %select_n3A_2233 = arith.select %gt3A_2232, %select_n3A_2229, %select_n3A_2189 : vector<16xi1>, vector<16xf32>
      %select_n3A_2234 = arith.select %gt3A_2232, %select_n3A_2189, %select_n3A_2229 : vector<16xi1>, vector<16xf32>
      %select_n3A_2235 = arith.select %gt3A_2232, %select_n3A_2231, %select_n3A_2191 : vector<16xi1>, vector<16xi32>
      %select_n3A_2236 = arith.select %gt3A_2232, %select_n3A_2191, %select_n3A_2231 : vector<16xi1>, vector<16xi32>
      %gt3A_2237 = arith.cmpf ogt, %select_n3A_2234, %select_n3A_2194 : vector<16xf32>
      %select_n3A_2238 = arith.select %gt3A_2237, %select_n3A_2234, %select_n3A_2194 : vector<16xi1>, vector<16xf32>
      %select_n3A_2239 = arith.select %gt3A_2237, %select_n3A_2194, %select_n3A_2234 : vector<16xi1>, vector<16xf32>
      %select_n3A_2240 = arith.select %gt3A_2237, %select_n3A_2236, %select_n3A_2196 : vector<16xi1>, vector<16xi32>
      %select_n3A_2241 = arith.select %gt3A_2237, %select_n3A_2196, %select_n3A_2236 : vector<16xi1>, vector<16xi32>
      %gt3A_2242 = arith.cmpf ogt, %select_n3A_2239, %select_n3A_2199 : vector<16xf32>
      %select_n3A_2243 = arith.select %gt3A_2242, %select_n3A_2239, %select_n3A_2199 : vector<16xi1>, vector<16xf32>
      %select_n3A_2244 = arith.select %gt3A_2242, %select_n3A_2199, %select_n3A_2239 : vector<16xi1>, vector<16xf32>
      %select_n3A_2245 = arith.select %gt3A_2242, %select_n3A_2241, %select_n3A_2201 : vector<16xi1>, vector<16xi32>
      %select_n3A_2246 = arith.select %gt3A_2242, %select_n3A_2201, %select_n3A_2241 : vector<16xi1>, vector<16xi32>
      %gt3A_2247 = arith.cmpf ogt, %select_n3A_2244, %select_n3A_2204 : vector<16xf32>
      %select_n3A_2248 = arith.select %gt3A_2247, %select_n3A_2244, %select_n3A_2204 : vector<16xi1>, vector<16xf32>
      %select_n3A_2249 = arith.select %gt3A_2247, %select_n3A_2204, %select_n3A_2244 : vector<16xi1>, vector<16xf32>
      %select_n3A_2250 = arith.select %gt3A_2247, %select_n3A_2246, %select_n3A_2206 : vector<16xi1>, vector<16xi32>
      %select_n3A_2251 = arith.select %gt3A_2247, %select_n3A_2206, %select_n3A_2246 : vector<16xi1>, vector<16xi32>
      %broadcast_in_dim3A_2252 = arith.constant 51 : i32
      %broadcast_in_dim3A_2253 = vector.broadcast %broadcast_in_dim3A_2252 : i32 to vector<16xi32>
      %add3A_2254 = arith.addi %mul3A_7, %broadcast_in_dim3A_2253 : vector<16xi32>
      %gather3A_2255 = tpu.vector_load_idx %arg7[%add3A_2254] : memref<1024xf32, #tpu.memory_space<vmem>>[vector<16xi32>], vector<16xf32>,
      %gt3A_2256 = arith.cmpf ogt, %gather3A_2255, %select_n3A_2213 : vector<16xf32>
      %select_n3A_2257 = arith.select %gt3A_2256, %gather3A_2255, %select_n3A_2213 : vector<16xi1>, vector<16xf32>
      %select_n3A_2258 = arith.select %gt3A_2256, %select_n3A_2213, %gather3A_2255 : vector<16xi1>, vector<16xf32>
      %select_n3A_2259 = arith.select %gt3A_2256, %broadcast_in_dim3A_2253, %select_n3A_2215 : vector<16xi1>, vector<16xi32>
      %select_n3A_2260 = arith.select %gt3A_2256, %select_n3A_2215, %broadcast_in_dim3A_2253 : vector<16xi1>, vector<16xi32>
      %gt3A_2261 = arith.cmpf ogt, %select_n3A_2258, %select_n3A_2218 : vector<16xf32>
      %select_n3A_2262 = arith.select %gt3A_2261, %select_n3A_2258, %select_n3A_2218 : vector<16xi1>, vector<16xf32>
      %select_n3A_2263 = arith.select %gt3A_2261, %select_n3A_2218, %select_n3A_2258 : vector<16xi1>, vector<16xf32>
      %select_n3A_2264 = arith.select %gt3A_2261, %select_n3A_2260, %select_n3A_2220 : vector<16xi1>, vector<16xi32>
      %select_n3A_2265 = arith.select %gt3A_2261, %select_n3A_2220, %select_n3A_2260 : vector<16xi1>, vector<16xi32>
      %gt3A_2266 = arith.cmpf ogt, %select_n3A_2263, %select_n3A_2223 : vector<16xf32>
      %select_n3A_2267 = arith.select %gt3A_2266, %select_n3A_2263, %select_n3A_2223 : vector<16xi1>, vector<16xf32>
      %select_n3A_2268 = arith.select %gt3A_2266, %select_n3A_2223, %select_n3A_2263 : vector<16xi1>, vector<16xf32>
      %select_n3A_2269 = arith.select %gt3A_2266, %select_n3A_2265, %select_n3A_2225 : vector<16xi1>, vector<16xi32>
      %select_n3A_2270 = arith.select %gt3A_2266, %select_n3A_2225, %select_n3A_2265 : vector<16xi1>, vector<16xi32>
      %gt3A_2271 = arith.cmpf ogt, %select_n3A_2268, %select_n3A_2228 : vector<16xf32>
      %select_n3A_2272 = arith.select %gt3A_2271, %select_n3A_2268, %select_n3A_2228 : vector<16xi1>, vector<16xf32>
      %select_n3A_2273 = arith.select %gt3A_2271, %select_n3A_2228, %select_n3A_2268 : vector<16xi1>, vector<16xf32>
      %select_n3A_2274 = arith.select %gt3A_2271, %select_n3A_2270, %select_n3A_2230 : vector<16xi1>, vector<16xi32>
      %select_n3A_2275 = arith.select %gt3A_2271, %select_n3A_2230, %select_n3A_2270 : vector<16xi1>, vector<16xi32>
      %gt3A_2276 = arith.cmpf ogt, %select_n3A_2273, %select_n3A_2233 : vector<16xf32>
      %select_n3A_2277 = arith.select %gt3A_2276, %select_n3A_2273, %select_n3A_2233 : vector<16xi1>, vector<16xf32>
      %select_n3A_2278 = arith.select %gt3A_2276, %select_n3A_2233, %select_n3A_2273 : vector<16xi1>, vector<16xf32>
      %select_n3A_2279 = arith.select %gt3A_2276, %select_n3A_2275, %select_n3A_2235 : vector<16xi1>, vector<16xi32>
      %select_n3A_2280 = arith.select %gt3A_2276, %select_n3A_2235, %select_n3A_2275 : vector<16xi1>, vector<16xi32>
      %gt3A_2281 = arith.cmpf ogt, %select_n3A_2278, %select_n3A_2238 : vector<16xf32>
      %select_n3A_2282 = arith.select %gt3A_2281, %select_n3A_2278, %select_n3A_2238 : vector<16xi1>, vector<16xf32>
      %select_n3A_2283 = arith.select %gt3A_2281, %select_n3A_2238, %select_n3A_2278 : vector<16xi1>, vector<16xf32>
      %select_n3A_2284 = arith.select %gt3A_2281, %select_n3A_2280, %select_n3A_2240 : vector<16xi1>, vector<16xi32>
      %select_n3A_2285 = arith.select %gt3A_2281, %select_n3A_2240, %select_n3A_2280 : vector<16xi1>, vector<16xi32>
      %gt3A_2286 = arith.cmpf ogt, %select_n3A_2283, %select_n3A_2243 : vector<16xf32>
      %select_n3A_2287 = arith.select %gt3A_2286, %select_n3A_2283, %select_n3A_2243 : vector<16xi1>, vector<16xf32>
      %select_n3A_2288 = arith.select %gt3A_2286, %select_n3A_2243, %select_n3A_2283 : vector<16xi1>, vector<16xf32>
      %select_n3A_2289 = arith.select %gt3A_2286, %select_n3A_2285, %select_n3A_2245 : vector<16xi1>, vector<16xi32>
      %select_n3A_2290 = arith.select %gt3A_2286, %select_n3A_2245, %select_n3A_2285 : vector<16xi1>, vector<16xi32>
      %gt3A_2291 = arith.cmpf ogt, %select_n3A_2288, %select_n3A_2248 : vector<16xf32>
      %select_n3A_2292 = arith.select %gt3A_2291, %select_n3A_2288, %select_n3A_2248 : vector<16xi1>, vector<16xf32>
      %select_n3A_2293 = arith.select %gt3A_2291, %select_n3A_2248, %select_n3A_2288 : vector<16xi1>, vector<16xf32>
      %select_n3A_2294 = arith.select %gt3A_2291, %select_n3A_2290, %select_n3A_2250 : vector<16xi1>, vector<16xi32>
      %select_n3A_2295 = arith.select %gt3A_2291, %select_n3A_2250, %select_n3A_2290 : vector<16xi1>, vector<16xi32>
      %broadcast_in_dim3A_2296 = arith.constant 52 : i32
      %broadcast_in_dim3A_2297 = vector.broadcast %broadcast_in_dim3A_2296 : i32 to vector<16xi32>
      %add3A_2298 = arith.addi %mul3A_7, %broadcast_in_dim3A_2297 : vector<16xi32>
      %gather3A_2299 = tpu.vector_load_idx %arg7[%add3A_2298] : memref<1024xf32, #tpu.memory_space<vmem>>[vector<16xi32>], vector<16xf32>,
      %gt3A_2300 = arith.cmpf ogt, %gather3A_2299, %select_n3A_2257 : vector<16xf32>
      %select_n3A_2301 = arith.select %gt3A_2300, %gather3A_2299, %select_n3A_2257 : vector<16xi1>, vector<16xf32>
      %select_n3A_2302 = arith.select %gt3A_2300, %select_n3A_2257, %gather3A_2299 : vector<16xi1>, vector<16xf32>
      %select_n3A_2303 = arith.select %gt3A_2300, %broadcast_in_dim3A_2297, %select_n3A_2259 : vector<16xi1>, vector<16xi32>
      %select_n3A_2304 = arith.select %gt3A_2300, %select_n3A_2259, %broadcast_in_dim3A_2297 : vector<16xi1>, vector<16xi32>
      %gt3A_2305 = arith.cmpf ogt, %select_n3A_2302, %select_n3A_2262 : vector<16xf32>
      %select_n3A_2306 = arith.select %gt3A_2305, %select_n3A_2302, %select_n3A_2262 : vector<16xi1>, vector<16xf32>
      %select_n3A_2307 = arith.select %gt3A_2305, %select_n3A_2262, %select_n3A_2302 : vector<16xi1>, vector<16xf32>
      %select_n3A_2308 = arith.select %gt3A_2305, %select_n3A_2304, %select_n3A_2264 : vector<16xi1>, vector<16xi32>
      %select_n3A_2309 = arith.select %gt3A_2305, %select_n3A_2264, %select_n3A_2304 : vector<16xi1>, vector<16xi32>
      %gt3A_2310 = arith.cmpf ogt, %select_n3A_2307, %select_n3A_2267 : vector<16xf32>
      %select_n3A_2311 = arith.select %gt3A_2310, %select_n3A_2307, %select_n3A_2267 : vector<16xi1>, vector<16xf32>
      %select_n3A_2312 = arith.select %gt3A_2310, %select_n3A_2267, %select_n3A_2307 : vector<16xi1>, vector<16xf32>
      %select_n3A_2313 = arith.select %gt3A_2310, %select_n3A_2309, %select_n3A_2269 : vector<16xi1>, vector<16xi32>
      %select_n3A_2314 = arith.select %gt3A_2310, %select_n3A_2269, %select_n3A_2309 : vector<16xi1>, vector<16xi32>
      %gt3A_2315 = arith.cmpf ogt, %select_n3A_2312, %select_n3A_2272 : vector<16xf32>
      %select_n3A_2316 = arith.select %gt3A_2315, %select_n3A_2312, %select_n3A_2272 : vector<16xi1>, vector<16xf32>
      %select_n3A_2317 = arith.select %gt3A_2315, %select_n3A_2272, %select_n3A_2312 : vector<16xi1>, vector<16xf32>
      %select_n3A_2318 = arith.select %gt3A_2315, %select_n3A_2314, %select_n3A_2274 : vector<16xi1>, vector<16xi32>
      %select_n3A_2319 = arith.select %gt3A_2315, %select_n3A_2274, %select_n3A_2314 : vector<16xi1>, vector<16xi32>
      %gt3A_2320 = arith.cmpf ogt, %select_n3A_2317, %select_n3A_2277 : vector<16xf32>
      %select_n3A_2321 = arith.select %gt3A_2320, %select_n3A_2317, %select_n3A_2277 : vector<16xi1>, vector<16xf32>
      %select_n3A_2322 = arith.select %gt3A_2320, %select_n3A_2277, %select_n3A_2317 : vector<16xi1>, vector<16xf32>
      %select_n3A_2323 = arith.select %gt3A_2320, %select_n3A_2319, %select_n3A_2279 : vector<16xi1>, vector<16xi32>
      %select_n3A_2324 = arith.select %gt3A_2320, %select_n3A_2279, %select_n3A_2319 : vector<16xi1>, vector<16xi32>
      %gt3A_2325 = arith.cmpf ogt, %select_n3A_2322, %select_n3A_2282 : vector<16xf32>
      %select_n3A_2326 = arith.select %gt3A_2325, %select_n3A_2322, %select_n3A_2282 : vector<16xi1>, vector<16xf32>
      %select_n3A_2327 = arith.select %gt3A_2325, %select_n3A_2282, %select_n3A_2322 : vector<16xi1>, vector<16xf32>
      %select_n3A_2328 = arith.select %gt3A_2325, %select_n3A_2324, %select_n3A_2284 : vector<16xi1>, vector<16xi32>
      %select_n3A_2329 = arith.select %gt3A_2325, %select_n3A_2284, %select_n3A_2324 : vector<16xi1>, vector<16xi32>
      %gt3A_2330 = arith.cmpf ogt, %select_n3A_2327, %select_n3A_2287 : vector<16xf32>
      %select_n3A_2331 = arith.select %gt3A_2330, %select_n3A_2327, %select_n3A_2287 : vector<16xi1>, vector<16xf32>
      %select_n3A_2332 = arith.select %gt3A_2330, %select_n3A_2287, %select_n3A_2327 : vector<16xi1>, vector<16xf32>
      %select_n3A_2333 = arith.select %gt3A_2330, %select_n3A_2329, %select_n3A_2289 : vector<16xi1>, vector<16xi32>
      %select_n3A_2334 = arith.select %gt3A_2330, %select_n3A_2289, %select_n3A_2329 : vector<16xi1>, vector<16xi32>
      %gt3A_2335 = arith.cmpf ogt, %select_n3A_2332, %select_n3A_2292 : vector<16xf32>
      %select_n3A_2336 = arith.select %gt3A_2335, %select_n3A_2332, %select_n3A_2292 : vector<16xi1>, vector<16xf32>
      %select_n3A_2337 = arith.select %gt3A_2335, %select_n3A_2292, %select_n3A_2332 : vector<16xi1>, vector<16xf32>
      %select_n3A_2338 = arith.select %gt3A_2335, %select_n3A_2334, %select_n3A_2294 : vector<16xi1>, vector<16xi32>
      %select_n3A_2339 = arith.select %gt3A_2335, %select_n3A_2294, %select_n3A_2334 : vector<16xi1>, vector<16xi32>
      %broadcast_in_dim3A_2340 = arith.constant 53 : i32
      %broadcast_in_dim3A_2341 = vector.broadcast %broadcast_in_dim3A_2340 : i32 to vector<16xi32>
      %add3A_2342 = arith.addi %mul3A_7, %broadcast_in_dim3A_2341 : vector<16xi32>
      %gather3A_2343 = tpu.vector_load_idx %arg7[%add3A_2342] : memref<1024xf32, #tpu.memory_space<vmem>>[vector<16xi32>], vector<16xf32>,
      %gt3A_2344 = arith.cmpf ogt, %gather3A_2343, %select_n3A_2301 : vector<16xf32>
      %select_n3A_2345 = arith.select %gt3A_2344, %gather3A_2343, %select_n3A_2301 : vector<16xi1>, vector<16xf32>
      %select_n3A_2346 = arith.select %gt3A_2344, %select_n3A_2301, %gather3A_2343 : vector<16xi1>, vector<16xf32>
      %select_n3A_2347 = arith.select %gt3A_2344, %broadcast_in_dim3A_2341, %select_n3A_2303 : vector<16xi1>, vector<16xi32>
      %select_n3A_2348 = arith.select %gt3A_2344, %select_n3A_2303, %broadcast_in_dim3A_2341 : vector<16xi1>, vector<16xi32>
      %gt3A_2349 = arith.cmpf ogt, %select_n3A_2346, %select_n3A_2306 : vector<16xf32>
      %select_n3A_2350 = arith.select %gt3A_2349, %select_n3A_2346, %select_n3A_2306 : vector<16xi1>, vector<16xf32>
      %select_n3A_2351 = arith.select %gt3A_2349, %select_n3A_2306, %select_n3A_2346 : vector<16xi1>, vector<16xf32>
      %select_n3A_2352 = arith.select %gt3A_2349, %select_n3A_2348, %select_n3A_2308 : vector<16xi1>, vector<16xi32>
      %select_n3A_2353 = arith.select %gt3A_2349, %select_n3A_2308, %select_n3A_2348 : vector<16xi1>, vector<16xi32>
      %gt3A_2354 = arith.cmpf ogt, %select_n3A_2351, %select_n3A_2311 : vector<16xf32>
      %select_n3A_2355 = arith.select %gt3A_2354, %select_n3A_2351, %select_n3A_2311 : vector<16xi1>, vector<16xf32>
      %select_n3A_2356 = arith.select %gt3A_2354, %select_n3A_2311, %select_n3A_2351 : vector<16xi1>, vector<16xf32>
      %select_n3A_2357 = arith.select %gt3A_2354, %select_n3A_2353, %select_n3A_2313 : vector<16xi1>, vector<16xi32>
      %select_n3A_2358 = arith.select %gt3A_2354, %select_n3A_2313, %select_n3A_2353 : vector<16xi1>, vector<16xi32>
      %gt3A_2359 = arith.cmpf ogt, %select_n3A_2356, %select_n3A_2316 : vector<16xf32>
      %select_n3A_2360 = arith.select %gt3A_2359, %select_n3A_2356, %select_n3A_2316 : vector<16xi1>, vector<16xf32>
      %select_n3A_2361 = arith.select %gt3A_2359, %select_n3A_2316, %select_n3A_2356 : vector<16xi1>, vector<16xf32>
      %select_n3A_2362 = arith.select %gt3A_2359, %select_n3A_2358, %select_n3A_2318 : vector<16xi1>, vector<16xi32>
      %select_n3A_2363 = arith.select %gt3A_2359, %select_n3A_2318, %select_n3A_2358 : vector<16xi1>, vector<16xi32>
      %gt3A_2364 = arith.cmpf ogt, %select_n3A_2361, %select_n3A_2321 : vector<16xf32>
      %select_n3A_2365 = arith.select %gt3A_2364, %select_n3A_2361, %select_n3A_2321 : vector<16xi1>, vector<16xf32>
      %select_n3A_2366 = arith.select %gt3A_2364, %select_n3A_2321, %select_n3A_2361 : vector<16xi1>, vector<16xf32>
      %select_n3A_2367 = arith.select %gt3A_2364, %select_n3A_2363, %select_n3A_2323 : vector<16xi1>, vector<16xi32>
      %select_n3A_2368 = arith.select %gt3A_2364, %select_n3A_2323, %select_n3A_2363 : vector<16xi1>, vector<16xi32>
      %gt3A_2369 = arith.cmpf ogt, %select_n3A_2366, %select_n3A_2326 : vector<16xf32>
      %select_n3A_2370 = arith.select %gt3A_2369, %select_n3A_2366, %select_n3A_2326 : vector<16xi1>, vector<16xf32>
      %select_n3A_2371 = arith.select %gt3A_2369, %select_n3A_2326, %select_n3A_2366 : vector<16xi1>, vector<16xf32>
      %select_n3A_2372 = arith.select %gt3A_2369, %select_n3A_2368, %select_n3A_2328 : vector<16xi1>, vector<16xi32>
      %select_n3A_2373 = arith.select %gt3A_2369, %select_n3A_2328, %select_n3A_2368 : vector<16xi1>, vector<16xi32>
      %gt3A_2374 = arith.cmpf ogt, %select_n3A_2371, %select_n3A_2331 : vector<16xf32>
      %select_n3A_2375 = arith.select %gt3A_2374, %select_n3A_2371, %select_n3A_2331 : vector<16xi1>, vector<16xf32>
      %select_n3A_2376 = arith.select %gt3A_2374, %select_n3A_2331, %select_n3A_2371 : vector<16xi1>, vector<16xf32>
      %select_n3A_2377 = arith.select %gt3A_2374, %select_n3A_2373, %select_n3A_2333 : vector<16xi1>, vector<16xi32>
      %select_n3A_2378 = arith.select %gt3A_2374, %select_n3A_2333, %select_n3A_2373 : vector<16xi1>, vector<16xi32>
      %gt3A_2379 = arith.cmpf ogt, %select_n3A_2376, %select_n3A_2336 : vector<16xf32>
      %select_n3A_2380 = arith.select %gt3A_2379, %select_n3A_2376, %select_n3A_2336 : vector<16xi1>, vector<16xf32>
      %select_n3A_2381 = arith.select %gt3A_2379, %select_n3A_2336, %select_n3A_2376 : vector<16xi1>, vector<16xf32>
      %select_n3A_2382 = arith.select %gt3A_2379, %select_n3A_2378, %select_n3A_2338 : vector<16xi1>, vector<16xi32>
      %select_n3A_2383 = arith.select %gt3A_2379, %select_n3A_2338, %select_n3A_2378 : vector<16xi1>, vector<16xi32>
      %broadcast_in_dim3A_2384 = arith.constant 54 : i32
      %broadcast_in_dim3A_2385 = vector.broadcast %broadcast_in_dim3A_2384 : i32 to vector<16xi32>
      %add3A_2386 = arith.addi %mul3A_7, %broadcast_in_dim3A_2385 : vector<16xi32>
      %gather3A_2387 = tpu.vector_load_idx %arg7[%add3A_2386] : memref<1024xf32, #tpu.memory_space<vmem>>[vector<16xi32>], vector<16xf32>,
      %gt3A_2388 = arith.cmpf ogt, %gather3A_2387, %select_n3A_2345 : vector<16xf32>
      %select_n3A_2389 = arith.select %gt3A_2388, %gather3A_2387, %select_n3A_2345 : vector<16xi1>, vector<16xf32>
      %select_n3A_2390 = arith.select %gt3A_2388, %select_n3A_2345, %gather3A_2387 : vector<16xi1>, vector<16xf32>
      %select_n3A_2391 = arith.select %gt3A_2388, %broadcast_in_dim3A_2385, %select_n3A_2347 : vector<16xi1>, vector<16xi32>
      %select_n3A_2392 = arith.select %gt3A_2388, %select_n3A_2347, %broadcast_in_dim3A_2385 : vector<16xi1>, vector<16xi32>
      %gt3A_2393 = arith.cmpf ogt, %select_n3A_2390, %select_n3A_2350 : vector<16xf32>
      %select_n3A_2394 = arith.select %gt3A_2393, %select_n3A_2390, %select_n3A_2350 : vector<16xi1>, vector<16xf32>
      %select_n3A_2395 = arith.select %gt3A_2393, %select_n3A_2350, %select_n3A_2390 : vector<16xi1>, vector<16xf32>
      %select_n3A_2396 = arith.select %gt3A_2393, %select_n3A_2392, %select_n3A_2352 : vector<16xi1>, vector<16xi32>
      %select_n3A_2397 = arith.select %gt3A_2393, %select_n3A_2352, %select_n3A_2392 : vector<16xi1>, vector<16xi32>
      %gt3A_2398 = arith.cmpf ogt, %select_n3A_2395, %select_n3A_2355 : vector<16xf32>
      %select_n3A_2399 = arith.select %gt3A_2398, %select_n3A_2395, %select_n3A_2355 : vector<16xi1>, vector<16xf32>
      %select_n3A_2400 = arith.select %gt3A_2398, %select_n3A_2355, %select_n3A_2395 : vector<16xi1>, vector<16xf32>
      %select_n3A_2401 = arith.select %gt3A_2398, %select_n3A_2397, %select_n3A_2357 : vector<16xi1>, vector<16xi32>
      %select_n3A_2402 = arith.select %gt3A_2398, %select_n3A_2357, %select_n3A_2397 : vector<16xi1>, vector<16xi32>
      %gt3A_2403 = arith.cmpf ogt, %select_n3A_2400, %select_n3A_2360 : vector<16xf32>
      %select_n3A_2404 = arith.select %gt3A_2403, %select_n3A_2400, %select_n3A_2360 : vector<16xi1>, vector<16xf32>
      %select_n3A_2405 = arith.select %gt3A_2403, %select_n3A_2360, %select_n3A_2400 : vector<16xi1>, vector<16xf32>
      %select_n3A_2406 = arith.select %gt3A_2403, %select_n3A_2402, %select_n3A_2362 : vector<16xi1>, vector<16xi32>
      %select_n3A_2407 = arith.select %gt3A_2403, %select_n3A_2362, %select_n3A_2402 : vector<16xi1>, vector<16xi32>
      %gt3A_2408 = arith.cmpf ogt, %select_n3A_2405, %select_n3A_2365 : vector<16xf32>
      %select_n3A_2409 = arith.select %gt3A_2408, %select_n3A_2405, %select_n3A_2365 : vector<16xi1>, vector<16xf32>
      %select_n3A_2410 = arith.select %gt3A_2408, %select_n3A_2365, %select_n3A_2405 : vector<16xi1>, vector<16xf32>
      %select_n3A_2411 = arith.select %gt3A_2408, %select_n3A_2407, %select_n3A_2367 : vector<16xi1>, vector<16xi32>
      %select_n3A_2412 = arith.select %gt3A_2408, %select_n3A_2367, %select_n3A_2407 : vector<16xi1>, vector<16xi32>
      %gt3A_2413 = arith.cmpf ogt, %select_n3A_2410, %select_n3A_2370 : vector<16xf32>
      %select_n3A_2414 = arith.select %gt3A_2413, %select_n3A_2410, %select_n3A_2370 : vector<16xi1>, vector<16xf32>
      %select_n3A_2415 = arith.select %gt3A_2413, %select_n3A_2370, %select_n3A_2410 : vector<16xi1>, vector<16xf32>
      %select_n3A_2416 = arith.select %gt3A_2413, %select_n3A_2412, %select_n3A_2372 : vector<16xi1>, vector<16xi32>
      %select_n3A_2417 = arith.select %gt3A_2413, %select_n3A_2372, %select_n3A_2412 : vector<16xi1>, vector<16xi32>
      %gt3A_2418 = arith.cmpf ogt, %select_n3A_2415, %select_n3A_2375 : vector<16xf32>
      %select_n3A_2419 = arith.select %gt3A_2418, %select_n3A_2415, %select_n3A_2375 : vector<16xi1>, vector<16xf32>
      %select_n3A_2420 = arith.select %gt3A_2418, %select_n3A_2375, %select_n3A_2415 : vector<16xi1>, vector<16xf32>
      %select_n3A_2421 = arith.select %gt3A_2418, %select_n3A_2417, %select_n3A_2377 : vector<16xi1>, vector<16xi32>
      %select_n3A_2422 = arith.select %gt3A_2418, %select_n3A_2377, %select_n3A_2417 : vector<16xi1>, vector<16xi32>
      %gt3A_2423 = arith.cmpf ogt, %select_n3A_2420, %select_n3A_2380 : vector<16xf32>
      %select_n3A_2424 = arith.select %gt3A_2423, %select_n3A_2420, %select_n3A_2380 : vector<16xi1>, vector<16xf32>
      %select_n3A_2425 = arith.select %gt3A_2423, %select_n3A_2380, %select_n3A_2420 : vector<16xi1>, vector<16xf32>
      %select_n3A_2426 = arith.select %gt3A_2423, %select_n3A_2422, %select_n3A_2382 : vector<16xi1>, vector<16xi32>
      %select_n3A_2427 = arith.select %gt3A_2423, %select_n3A_2382, %select_n3A_2422 : vector<16xi1>, vector<16xi32>
      %broadcast_in_dim3A_2428 = arith.constant 55 : i32
      %broadcast_in_dim3A_2429 = vector.broadcast %broadcast_in_dim3A_2428 : i32 to vector<16xi32>
      %add3A_2430 = arith.addi %mul3A_7, %broadcast_in_dim3A_2429 : vector<16xi32>
      %gather3A_2431 = tpu.vector_load_idx %arg7[%add3A_2430] : memref<1024xf32, #tpu.memory_space<vmem>>[vector<16xi32>], vector<16xf32>,
      %gt3A_2432 = arith.cmpf ogt, %gather3A_2431, %select_n3A_2389 : vector<16xf32>
      %select_n3A_2433 = arith.select %gt3A_2432, %gather3A_2431, %select_n3A_2389 : vector<16xi1>, vector<16xf32>
      %select_n3A_2434 = arith.select %gt3A_2432, %select_n3A_2389, %gather3A_2431 : vector<16xi1>, vector<16xf32>
      %select_n3A_2435 = arith.select %gt3A_2432, %broadcast_in_dim3A_2429, %select_n3A_2391 : vector<16xi1>, vector<16xi32>
      %select_n3A_2436 = arith.select %gt3A_2432, %select_n3A_2391, %broadcast_in_dim3A_2429 : vector<16xi1>, vector<16xi32>
      %gt3A_2437 = arith.cmpf ogt, %select_n3A_2434, %select_n3A_2394 : vector<16xf32>
      %select_n3A_2438 = arith.select %gt3A_2437, %select_n3A_2434, %select_n3A_2394 : vector<16xi1>, vector<16xf32>
      %select_n3A_2439 = arith.select %gt3A_2437, %select_n3A_2394, %select_n3A_2434 : vector<16xi1>, vector<16xf32>
      %select_n3A_2440 = arith.select %gt3A_2437, %select_n3A_2436, %select_n3A_2396 : vector<16xi1>, vector<16xi32>
      %select_n3A_2441 = arith.select %gt3A_2437, %select_n3A_2396, %select_n3A_2436 : vector<16xi1>, vector<16xi32>
      %gt3A_2442 = arith.cmpf ogt, %select_n3A_2439, %select_n3A_2399 : vector<16xf32>
      %select_n3A_2443 = arith.select %gt3A_2442, %select_n3A_2439, %select_n3A_2399 : vector<16xi1>, vector<16xf32>
      %select_n3A_2444 = arith.select %gt3A_2442, %select_n3A_2399, %select_n3A_2439 : vector<16xi1>, vector<16xf32>
      %select_n3A_2445 = arith.select %gt3A_2442, %select_n3A_2441, %select_n3A_2401 : vector<16xi1>, vector<16xi32>
      %select_n3A_2446 = arith.select %gt3A_2442, %select_n3A_2401, %select_n3A_2441 : vector<16xi1>, vector<16xi32>
      %gt3A_2447 = arith.cmpf ogt, %select_n3A_2444, %select_n3A_2404 : vector<16xf32>
      %select_n3A_2448 = arith.select %gt3A_2447, %select_n3A_2444, %select_n3A_2404 : vector<16xi1>, vector<16xf32>
      %select_n3A_2449 = arith.select %gt3A_2447, %select_n3A_2404, %select_n3A_2444 : vector<16xi1>, vector<16xf32>
      %select_n3A_2450 = arith.select %gt3A_2447, %select_n3A_2446, %select_n3A_2406 : vector<16xi1>, vector<16xi32>
      %select_n3A_2451 = arith.select %gt3A_2447, %select_n3A_2406, %select_n3A_2446 : vector<16xi1>, vector<16xi32>
      %gt3A_2452 = arith.cmpf ogt, %select_n3A_2449, %select_n3A_2409 : vector<16xf32>
      %select_n3A_2453 = arith.select %gt3A_2452, %select_n3A_2449, %select_n3A_2409 : vector<16xi1>, vector<16xf32>
      %select_n3A_2454 = arith.select %gt3A_2452, %select_n3A_2409, %select_n3A_2449 : vector<16xi1>, vector<16xf32>
      %select_n3A_2455 = arith.select %gt3A_2452, %select_n3A_2451, %select_n3A_2411 : vector<16xi1>, vector<16xi32>
      %select_n3A_2456 = arith.select %gt3A_2452, %select_n3A_2411, %select_n3A_2451 : vector<16xi1>, vector<16xi32>
      %gt3A_2457 = arith.cmpf ogt, %select_n3A_2454, %select_n3A_2414 : vector<16xf32>
      %select_n3A_2458 = arith.select %gt3A_2457, %select_n3A_2454, %select_n3A_2414 : vector<16xi1>, vector<16xf32>
      %select_n3A_2459 = arith.select %gt3A_2457, %select_n3A_2414, %select_n3A_2454 : vector<16xi1>, vector<16xf32>
      %select_n3A_2460 = arith.select %gt3A_2457, %select_n3A_2456, %select_n3A_2416 : vector<16xi1>, vector<16xi32>
      %select_n3A_2461 = arith.select %gt3A_2457, %select_n3A_2416, %select_n3A_2456 : vector<16xi1>, vector<16xi32>
      %gt3A_2462 = arith.cmpf ogt, %select_n3A_2459, %select_n3A_2419 : vector<16xf32>
      %select_n3A_2463 = arith.select %gt3A_2462, %select_n3A_2459, %select_n3A_2419 : vector<16xi1>, vector<16xf32>
      %select_n3A_2464 = arith.select %gt3A_2462, %select_n3A_2419, %select_n3A_2459 : vector<16xi1>, vector<16xf32>
      %select_n3A_2465 = arith.select %gt3A_2462, %select_n3A_2461, %select_n3A_2421 : vector<16xi1>, vector<16xi32>
      %select_n3A_2466 = arith.select %gt3A_2462, %select_n3A_2421, %select_n3A_2461 : vector<16xi1>, vector<16xi32>
      %gt3A_2467 = arith.cmpf ogt, %select_n3A_2464, %select_n3A_2424 : vector<16xf32>
      %select_n3A_2468 = arith.select %gt3A_2467, %select_n3A_2464, %select_n3A_2424 : vector<16xi1>, vector<16xf32>
      %select_n3A_2469 = arith.select %gt3A_2467, %select_n3A_2424, %select_n3A_2464 : vector<16xi1>, vector<16xf32>
      %select_n3A_2470 = arith.select %gt3A_2467, %select_n3A_2466, %select_n3A_2426 : vector<16xi1>, vector<16xi32>
      %select_n3A_2471 = arith.select %gt3A_2467, %select_n3A_2426, %select_n3A_2466 : vector<16xi1>, vector<16xi32>
      %broadcast_in_dim3A_2472 = arith.constant 56 : i32
      %broadcast_in_dim3A_2473 = vector.broadcast %broadcast_in_dim3A_2472 : i32 to vector<16xi32>
      %add3A_2474 = arith.addi %mul3A_7, %broadcast_in_dim3A_2473 : vector<16xi32>
      %gather3A_2475 = tpu.vector_load_idx %arg7[%add3A_2474] : memref<1024xf32, #tpu.memory_space<vmem>>[vector<16xi32>], vector<16xf32>,
      %gt3A_2476 = arith.cmpf ogt, %gather3A_2475, %select_n3A_2433 : vector<16xf32>
      %select_n3A_2477 = arith.select %gt3A_2476, %gather3A_2475, %select_n3A_2433 : vector<16xi1>, vector<16xf32>
      %select_n3A_2478 = arith.select %gt3A_2476, %select_n3A_2433, %gather3A_2475 : vector<16xi1>, vector<16xf32>
      %select_n3A_2479 = arith.select %gt3A_2476, %broadcast_in_dim3A_2473, %select_n3A_2435 : vector<16xi1>, vector<16xi32>
      %select_n3A_2480 = arith.select %gt3A_2476, %select_n3A_2435, %broadcast_in_dim3A_2473 : vector<16xi1>, vector<16xi32>
      %gt3A_2481 = arith.cmpf ogt, %select_n3A_2478, %select_n3A_2438 : vector<16xf32>
      %select_n3A_2482 = arith.select %gt3A_2481, %select_n3A_2478, %select_n3A_2438 : vector<16xi1>, vector<16xf32>
      %select_n3A_2483 = arith.select %gt3A_2481, %select_n3A_2438, %select_n3A_2478 : vector<16xi1>, vector<16xf32>
      %select_n3A_2484 = arith.select %gt3A_2481, %select_n3A_2480, %select_n3A_2440 : vector<16xi1>, vector<16xi32>
      %select_n3A_2485 = arith.select %gt3A_2481, %select_n3A_2440, %select_n3A_2480 : vector<16xi1>, vector<16xi32>
      %gt3A_2486 = arith.cmpf ogt, %select_n3A_2483, %select_n3A_2443 : vector<16xf32>
      %select_n3A_2487 = arith.select %gt3A_2486, %select_n3A_2483, %select_n3A_2443 : vector<16xi1>, vector<16xf32>
      %select_n3A_2488 = arith.select %gt3A_2486, %select_n3A_2443, %select_n3A_2483 : vector<16xi1>, vector<16xf32>
      %select_n3A_2489 = arith.select %gt3A_2486, %select_n3A_2485, %select_n3A_2445 : vector<16xi1>, vector<16xi32>
      %select_n3A_2490 = arith.select %gt3A_2486, %select_n3A_2445, %select_n3A_2485 : vector<16xi1>, vector<16xi32>
      %gt3A_2491 = arith.cmpf ogt, %select_n3A_2488, %select_n3A_2448 : vector<16xf32>
      %select_n3A_2492 = arith.select %gt3A_2491, %select_n3A_2488, %select_n3A_2448 : vector<16xi1>, vector<16xf32>
      %select_n3A_2493 = arith.select %gt3A_2491, %select_n3A_2448, %select_n3A_2488 : vector<16xi1>, vector<16xf32>
      %select_n3A_2494 = arith.select %gt3A_2491, %select_n3A_2490, %select_n3A_2450 : vector<16xi1>, vector<16xi32>
      %select_n3A_2495 = arith.select %gt3A_2491, %select_n3A_2450, %select_n3A_2490 : vector<16xi1>, vector<16xi32>
      %gt3A_2496 = arith.cmpf ogt, %select_n3A_2493, %select_n3A_2453 : vector<16xf32>
      %select_n3A_2497 = arith.select %gt3A_2496, %select_n3A_2493, %select_n3A_2453 : vector<16xi1>, vector<16xf32>
      %select_n3A_2498 = arith.select %gt3A_2496, %select_n3A_2453, %select_n3A_2493 : vector<16xi1>, vector<16xf32>
      %select_n3A_2499 = arith.select %gt3A_2496, %select_n3A_2495, %select_n3A_2455 : vector<16xi1>, vector<16xi32>
      %select_n3A_2500 = arith.select %gt3A_2496, %select_n3A_2455, %select_n3A_2495 : vector<16xi1>, vector<16xi32>
      %gt3A_2501 = arith.cmpf ogt, %select_n3A_2498, %select_n3A_2458 : vector<16xf32>
      %select_n3A_2502 = arith.select %gt3A_2501, %select_n3A_2498, %select_n3A_2458 : vector<16xi1>, vector<16xf32>
      %select_n3A_2503 = arith.select %gt3A_2501, %select_n3A_2458, %select_n3A_2498 : vector<16xi1>, vector<16xf32>
      %select_n3A_2504 = arith.select %gt3A_2501, %select_n3A_2500, %select_n3A_2460 : vector<16xi1>, vector<16xi32>
      %select_n3A_2505 = arith.select %gt3A_2501, %select_n3A_2460, %select_n3A_2500 : vector<16xi1>, vector<16xi32>
      %gt3A_2506 = arith.cmpf ogt, %select_n3A_2503, %select_n3A_2463 : vector<16xf32>
      %select_n3A_2507 = arith.select %gt3A_2506, %select_n3A_2503, %select_n3A_2463 : vector<16xi1>, vector<16xf32>
      %select_n3A_2508 = arith.select %gt3A_2506, %select_n3A_2463, %select_n3A_2503 : vector<16xi1>, vector<16xf32>
      %select_n3A_2509 = arith.select %gt3A_2506, %select_n3A_2505, %select_n3A_2465 : vector<16xi1>, vector<16xi32>
      %select_n3A_2510 = arith.select %gt3A_2506, %select_n3A_2465, %select_n3A_2505 : vector<16xi1>, vector<16xi32>
      %gt3A_2511 = arith.cmpf ogt, %select_n3A_2508, %select_n3A_2468 : vector<16xf32>
      %select_n3A_2512 = arith.select %gt3A_2511, %select_n3A_2508, %select_n3A_2468 : vector<16xi1>, vector<16xf32>
      %select_n3A_2513 = arith.select %gt3A_2511, %select_n3A_2468, %select_n3A_2508 : vector<16xi1>, vector<16xf32>
      %select_n3A_2514 = arith.select %gt3A_2511, %select_n3A_2510, %select_n3A_2470 : vector<16xi1>, vector<16xi32>
      %select_n3A_2515 = arith.select %gt3A_2511, %select_n3A_2470, %select_n3A_2510 : vector<16xi1>, vector<16xi32>
      %broadcast_in_dim3A_2516 = arith.constant 57 : i32
      %broadcast_in_dim3A_2517 = vector.broadcast %broadcast_in_dim3A_2516 : i32 to vector<16xi32>
      %add3A_2518 = arith.addi %mul3A_7, %broadcast_in_dim3A_2517 : vector<16xi32>
      %gather3A_2519 = tpu.vector_load_idx %arg7[%add3A_2518] : memref<1024xf32, #tpu.memory_space<vmem>>[vector<16xi32>], vector<16xf32>,
      %gt3A_2520 = arith.cmpf ogt, %gather3A_2519, %select_n3A_2477 : vector<16xf32>
      %select_n3A_2521 = arith.select %gt3A_2520, %gather3A_2519, %select_n3A_2477 : vector<16xi1>, vector<16xf32>
      %select_n3A_2522 = arith.select %gt3A_2520, %select_n3A_2477, %gather3A_2519 : vector<16xi1>, vector<16xf32>
      %select_n3A_2523 = arith.select %gt3A_2520, %broadcast_in_dim3A_2517, %select_n3A_2479 : vector<16xi1>, vector<16xi32>
      %select_n3A_2524 = arith.select %gt3A_2520, %select_n3A_2479, %broadcast_in_dim3A_2517 : vector<16xi1>, vector<16xi32>
      %gt3A_2525 = arith.cmpf ogt, %select_n3A_2522, %select_n3A_2482 : vector<16xf32>
      %select_n3A_2526 = arith.select %gt3A_2525, %select_n3A_2522, %select_n3A_2482 : vector<16xi1>, vector<16xf32>
      %select_n3A_2527 = arith.select %gt3A_2525, %select_n3A_2482, %select_n3A_2522 : vector<16xi1>, vector<16xf32>
      %select_n3A_2528 = arith.select %gt3A_2525, %select_n3A_2524, %select_n3A_2484 : vector<16xi1>, vector<16xi32>
      %select_n3A_2529 = arith.select %gt3A_2525, %select_n3A_2484, %select_n3A_2524 : vector<16xi1>, vector<16xi32>
      %gt3A_2530 = arith.cmpf ogt, %select_n3A_2527, %select_n3A_2487 : vector<16xf32>
      %select_n3A_2531 = arith.select %gt3A_2530, %select_n3A_2527, %select_n3A_2487 : vector<16xi1>, vector<16xf32>
      %select_n3A_2532 = arith.select %gt3A_2530, %select_n3A_2487, %select_n3A_2527 : vector<16xi1>, vector<16xf32>
      %select_n3A_2533 = arith.select %gt3A_2530, %select_n3A_2529, %select_n3A_2489 : vector<16xi1>, vector<16xi32>
      %select_n3A_2534 = arith.select %gt3A_2530, %select_n3A_2489, %select_n3A_2529 : vector<16xi1>, vector<16xi32>
      %gt3A_2535 = arith.cmpf ogt, %select_n3A_2532, %select_n3A_2492 : vector<16xf32>
      %select_n3A_2536 = arith.select %gt3A_2535, %select_n3A_2532, %select_n3A_2492 : vector<16xi1>, vector<16xf32>
      %select_n3A_2537 = arith.select %gt3A_2535, %select_n3A_2492, %select_n3A_2532 : vector<16xi1>, vector<16xf32>
      %select_n3A_2538 = arith.select %gt3A_2535, %select_n3A_2534, %select_n3A_2494 : vector<16xi1>, vector<16xi32>
      %select_n3A_2539 = arith.select %gt3A_2535, %select_n3A_2494, %select_n3A_2534 : vector<16xi1>, vector<16xi32>
      %gt3A_2540 = arith.cmpf ogt, %select_n3A_2537, %select_n3A_2497 : vector<16xf32>
      %select_n3A_2541 = arith.select %gt3A_2540, %select_n3A_2537, %select_n3A_2497 : vector<16xi1>, vector<16xf32>
      %select_n3A_2542 = arith.select %gt3A_2540, %select_n3A_2497, %select_n3A_2537 : vector<16xi1>, vector<16xf32>
      %select_n3A_2543 = arith.select %gt3A_2540, %select_n3A_2539, %select_n3A_2499 : vector<16xi1>, vector<16xi32>
      %select_n3A_2544 = arith.select %gt3A_2540, %select_n3A_2499, %select_n3A_2539 : vector<16xi1>, vector<16xi32>
      %gt3A_2545 = arith.cmpf ogt, %select_n3A_2542, %select_n3A_2502 : vector<16xf32>
      %select_n3A_2546 = arith.select %gt3A_2545, %select_n3A_2542, %select_n3A_2502 : vector<16xi1>, vector<16xf32>
      %select_n3A_2547 = arith.select %gt3A_2545, %select_n3A_2502, %select_n3A_2542 : vector<16xi1>, vector<16xf32>
      %select_n3A_2548 = arith.select %gt3A_2545, %select_n3A_2544, %select_n3A_2504 : vector<16xi1>, vector<16xi32>
      %select_n3A_2549 = arith.select %gt3A_2545, %select_n3A_2504, %select_n3A_2544 : vector<16xi1>, vector<16xi32>
      %gt3A_2550 = arith.cmpf ogt, %select_n3A_2547, %select_n3A_2507 : vector<16xf32>
      %select_n3A_2551 = arith.select %gt3A_2550, %select_n3A_2547, %select_n3A_2507 : vector<16xi1>, vector<16xf32>
      %select_n3A_2552 = arith.select %gt3A_2550, %select_n3A_2507, %select_n3A_2547 : vector<16xi1>, vector<16xf32>
      %select_n3A_2553 = arith.select %gt3A_2550, %select_n3A_2549, %select_n3A_2509 : vector<16xi1>, vector<16xi32>
      %select_n3A_2554 = arith.select %gt3A_2550, %select_n3A_2509, %select_n3A_2549 : vector<16xi1>, vector<16xi32>
      %gt3A_2555 = arith.cmpf ogt, %select_n3A_2552, %select_n3A_2512 : vector<16xf32>
      %select_n3A_2556 = arith.select %gt3A_2555, %select_n3A_2552, %select_n3A_2512 : vector<16xi1>, vector<16xf32>
      %select_n3A_2557 = arith.select %gt3A_2555, %select_n3A_2512, %select_n3A_2552 : vector<16xi1>, vector<16xf32>
      %select_n3A_2558 = arith.select %gt3A_2555, %select_n3A_2554, %select_n3A_2514 : vector<16xi1>, vector<16xi32>
      %select_n3A_2559 = arith.select %gt3A_2555, %select_n3A_2514, %select_n3A_2554 : vector<16xi1>, vector<16xi32>
      %broadcast_in_dim3A_2560 = arith.constant 58 : i32
      %broadcast_in_dim3A_2561 = vector.broadcast %broadcast_in_dim3A_2560 : i32 to vector<16xi32>
      %add3A_2562 = arith.addi %mul3A_7, %broadcast_in_dim3A_2561 : vector<16xi32>
      %gather3A_2563 = tpu.vector_load_idx %arg7[%add3A_2562] : memref<1024xf32, #tpu.memory_space<vmem>>[vector<16xi32>], vector<16xf32>,
      %gt3A_2564 = arith.cmpf ogt, %gather3A_2563, %select_n3A_2521 : vector<16xf32>
      %select_n3A_2565 = arith.select %gt3A_2564, %gather3A_2563, %select_n3A_2521 : vector<16xi1>, vector<16xf32>
      %select_n3A_2566 = arith.select %gt3A_2564, %select_n3A_2521, %gather3A_2563 : vector<16xi1>, vector<16xf32>
      %select_n3A_2567 = arith.select %gt3A_2564, %broadcast_in_dim3A_2561, %select_n3A_2523 : vector<16xi1>, vector<16xi32>
      %select_n3A_2568 = arith.select %gt3A_2564, %select_n3A_2523, %broadcast_in_dim3A_2561 : vector<16xi1>, vector<16xi32>
      %gt3A_2569 = arith.cmpf ogt, %select_n3A_2566, %select_n3A_2526 : vector<16xf32>
      %select_n3A_2570 = arith.select %gt3A_2569, %select_n3A_2566, %select_n3A_2526 : vector<16xi1>, vector<16xf32>
      %select_n3A_2571 = arith.select %gt3A_2569, %select_n3A_2526, %select_n3A_2566 : vector<16xi1>, vector<16xf32>
      %select_n3A_2572 = arith.select %gt3A_2569, %select_n3A_2568, %select_n3A_2528 : vector<16xi1>, vector<16xi32>
      %select_n3A_2573 = arith.select %gt3A_2569, %select_n3A_2528, %select_n3A_2568 : vector<16xi1>, vector<16xi32>
      %gt3A_2574 = arith.cmpf ogt, %select_n3A_2571, %select_n3A_2531 : vector<16xf32>
      %select_n3A_2575 = arith.select %gt3A_2574, %select_n3A_2571, %select_n3A_2531 : vector<16xi1>, vector<16xf32>
      %select_n3A_2576 = arith.select %gt3A_2574, %select_n3A_2531, %select_n3A_2571 : vector<16xi1>, vector<16xf32>
      %select_n3A_2577 = arith.select %gt3A_2574, %select_n3A_2573, %select_n3A_2533 : vector<16xi1>, vector<16xi32>
      %select_n3A_2578 = arith.select %gt3A_2574, %select_n3A_2533, %select_n3A_2573 : vector<16xi1>, vector<16xi32>
      %gt3A_2579 = arith.cmpf ogt, %select_n3A_2576, %select_n3A_2536 : vector<16xf32>
      %select_n3A_2580 = arith.select %gt3A_2579, %select_n3A_2576, %select_n3A_2536 : vector<16xi1>, vector<16xf32>
      %select_n3A_2581 = arith.select %gt3A_2579, %select_n3A_2536, %select_n3A_2576 : vector<16xi1>, vector<16xf32>
      %select_n3A_2582 = arith.select %gt3A_2579, %select_n3A_2578, %select_n3A_2538 : vector<16xi1>, vector<16xi32>
      %select_n3A_2583 = arith.select %gt3A_2579, %select_n3A_2538, %select_n3A_2578 : vector<16xi1>, vector<16xi32>
      %gt3A_2584 = arith.cmpf ogt, %select_n3A_2581, %select_n3A_2541 : vector<16xf32>
      %select_n3A_2585 = arith.select %gt3A_2584, %select_n3A_2581, %select_n3A_2541 : vector<16xi1>, vector<16xf32>
      %select_n3A_2586 = arith.select %gt3A_2584, %select_n3A_2541, %select_n3A_2581 : vector<16xi1>, vector<16xf32>
      %select_n3A_2587 = arith.select %gt3A_2584, %select_n3A_2583, %select_n3A_2543 : vector<16xi1>, vector<16xi32>
      %select_n3A_2588 = arith.select %gt3A_2584, %select_n3A_2543, %select_n3A_2583 : vector<16xi1>, vector<16xi32>
      %gt3A_2589 = arith.cmpf ogt, %select_n3A_2586, %select_n3A_2546 : vector<16xf32>
      %select_n3A_2590 = arith.select %gt3A_2589, %select_n3A_2586, %select_n3A_2546 : vector<16xi1>, vector<16xf32>
      %select_n3A_2591 = arith.select %gt3A_2589, %select_n3A_2546, %select_n3A_2586 : vector<16xi1>, vector<16xf32>
      %select_n3A_2592 = arith.select %gt3A_2589, %select_n3A_2588, %select_n3A_2548 : vector<16xi1>, vector<16xi32>
      %select_n3A_2593 = arith.select %gt3A_2589, %select_n3A_2548, %select_n3A_2588 : vector<16xi1>, vector<16xi32>
      %gt3A_2594 = arith.cmpf ogt, %select_n3A_2591, %select_n3A_2551 : vector<16xf32>
      %select_n3A_2595 = arith.select %gt3A_2594, %select_n3A_2591, %select_n3A_2551 : vector<16xi1>, vector<16xf32>
      %select_n3A_2596 = arith.select %gt3A_2594, %select_n3A_2551, %select_n3A_2591 : vector<16xi1>, vector<16xf32>
      %select_n3A_2597 = arith.select %gt3A_2594, %select_n3A_2593, %select_n3A_2553 : vector<16xi1>, vector<16xi32>
      %select_n3A_2598 = arith.select %gt3A_2594, %select_n3A_2553, %select_n3A_2593 : vector<16xi1>, vector<16xi32>
      %gt3A_2599 = arith.cmpf ogt, %select_n3A_2596, %select_n3A_2556 : vector<16xf32>
      %select_n3A_2600 = arith.select %gt3A_2599, %select_n3A_2596, %select_n3A_2556 : vector<16xi1>, vector<16xf32>
      %select_n3A_2601 = arith.select %gt3A_2599, %select_n3A_2556, %select_n3A_2596 : vector<16xi1>, vector<16xf32>
      %select_n3A_2602 = arith.select %gt3A_2599, %select_n3A_2598, %select_n3A_2558 : vector<16xi1>, vector<16xi32>
      %select_n3A_2603 = arith.select %gt3A_2599, %select_n3A_2558, %select_n3A_2598 : vector<16xi1>, vector<16xi32>
      %broadcast_in_dim3A_2604 = arith.constant 59 : i32
      %broadcast_in_dim3A_2605 = vector.broadcast %broadcast_in_dim3A_2604 : i32 to vector<16xi32>
      %add3A_2606 = arith.addi %mul3A_7, %broadcast_in_dim3A_2605 : vector<16xi32>
      %gather3A_2607 = tpu.vector_load_idx %arg7[%add3A_2606] : memref<1024xf32, #tpu.memory_space<vmem>>[vector<16xi32>], vector<16xf32>,
      %gt3A_2608 = arith.cmpf ogt, %gather3A_2607, %select_n3A_2565 : vector<16xf32>
      %select_n3A_2609 = arith.select %gt3A_2608, %gather3A_2607, %select_n3A_2565 : vector<16xi1>, vector<16xf32>
      %select_n3A_2610 = arith.select %gt3A_2608, %select_n3A_2565, %gather3A_2607 : vector<16xi1>, vector<16xf32>
      %select_n3A_2611 = arith.select %gt3A_2608, %broadcast_in_dim3A_2605, %select_n3A_2567 : vector<16xi1>, vector<16xi32>
      %select_n3A_2612 = arith.select %gt3A_2608, %select_n3A_2567, %broadcast_in_dim3A_2605 : vector<16xi1>, vector<16xi32>
      %gt3A_2613 = arith.cmpf ogt, %select_n3A_2610, %select_n3A_2570 : vector<16xf32>
      %select_n3A_2614 = arith.select %gt3A_2613, %select_n3A_2610, %select_n3A_2570 : vector<16xi1>, vector<16xf32>
      %select_n3A_2615 = arith.select %gt3A_2613, %select_n3A_2570, %select_n3A_2610 : vector<16xi1>, vector<16xf32>
      %select_n3A_2616 = arith.select %gt3A_2613, %select_n3A_2612, %select_n3A_2572 : vector<16xi1>, vector<16xi32>
      %select_n3A_2617 = arith.select %gt3A_2613, %select_n3A_2572, %select_n3A_2612 : vector<16xi1>, vector<16xi32>
      %gt3A_2618 = arith.cmpf ogt, %select_n3A_2615, %select_n3A_2575 : vector<16xf32>
      %select_n3A_2619 = arith.select %gt3A_2618, %select_n3A_2615, %select_n3A_2575 : vector<16xi1>, vector<16xf32>
      %select_n3A_2620 = arith.select %gt3A_2618, %select_n3A_2575, %select_n3A_2615 : vector<16xi1>, vector<16xf32>
      %select_n3A_2621 = arith.select %gt3A_2618, %select_n3A_2617, %select_n3A_2577 : vector<16xi1>, vector<16xi32>
      %select_n3A_2622 = arith.select %gt3A_2618, %select_n3A_2577, %select_n3A_2617 : vector<16xi1>, vector<16xi32>
      %gt3A_2623 = arith.cmpf ogt, %select_n3A_2620, %select_n3A_2580 : vector<16xf32>
      %select_n3A_2624 = arith.select %gt3A_2623, %select_n3A_2620, %select_n3A_2580 : vector<16xi1>, vector<16xf32>
      %select_n3A_2625 = arith.select %gt3A_2623, %select_n3A_2580, %select_n3A_2620 : vector<16xi1>, vector<16xf32>
      %select_n3A_2626 = arith.select %gt3A_2623, %select_n3A_2622, %select_n3A_2582 : vector<16xi1>, vector<16xi32>
      %select_n3A_2627 = arith.select %gt3A_2623, %select_n3A_2582, %select_n3A_2622 : vector<16xi1>, vector<16xi32>
      %gt3A_2628 = arith.cmpf ogt, %select_n3A_2625, %select_n3A_2585 : vector<16xf32>
      %select_n3A_2629 = arith.select %gt3A_2628, %select_n3A_2625, %select_n3A_2585 : vector<16xi1>, vector<16xf32>
      %select_n3A_2630 = arith.select %gt3A_2628, %select_n3A_2585, %select_n3A_2625 : vector<16xi1>, vector<16xf32>
      %select_n3A_2631 = arith.select %gt3A_2628, %select_n3A_2627, %select_n3A_2587 : vector<16xi1>, vector<16xi32>
      %select_n3A_2632 = arith.select %gt3A_2628, %select_n3A_2587, %select_n3A_2627 : vector<16xi1>, vector<16xi32>
      %gt3A_2633 = arith.cmpf ogt, %select_n3A_2630, %select_n3A_2590 : vector<16xf32>
      %select_n3A_2634 = arith.select %gt3A_2633, %select_n3A_2630, %select_n3A_2590 : vector<16xi1>, vector<16xf32>
      %select_n3A_2635 = arith.select %gt3A_2633, %select_n3A_2590, %select_n3A_2630 : vector<16xi1>, vector<16xf32>
      %select_n3A_2636 = arith.select %gt3A_2633, %select_n3A_2632, %select_n3A_2592 : vector<16xi1>, vector<16xi32>
      %select_n3A_2637 = arith.select %gt3A_2633, %select_n3A_2592, %select_n3A_2632 : vector<16xi1>, vector<16xi32>
      %gt3A_2638 = arith.cmpf ogt, %select_n3A_2635, %select_n3A_2595 : vector<16xf32>
      %select_n3A_2639 = arith.select %gt3A_2638, %select_n3A_2635, %select_n3A_2595 : vector<16xi1>, vector<16xf32>
      %select_n3A_2640 = arith.select %gt3A_2638, %select_n3A_2595, %select_n3A_2635 : vector<16xi1>, vector<16xf32>
      %select_n3A_2641 = arith.select %gt3A_2638, %select_n3A_2637, %select_n3A_2597 : vector<16xi1>, vector<16xi32>
      %select_n3A_2642 = arith.select %gt3A_2638, %select_n3A_2597, %select_n3A_2637 : vector<16xi1>, vector<16xi32>
      %gt3A_2643 = arith.cmpf ogt, %select_n3A_2640, %select_n3A_2600 : vector<16xf32>
      %select_n3A_2644 = arith.select %gt3A_2643, %select_n3A_2640, %select_n3A_2600 : vector<16xi1>, vector<16xf32>
      %select_n3A_2645 = arith.select %gt3A_2643, %select_n3A_2600, %select_n3A_2640 : vector<16xi1>, vector<16xf32>
      %select_n3A_2646 = arith.select %gt3A_2643, %select_n3A_2642, %select_n3A_2602 : vector<16xi1>, vector<16xi32>
      %select_n3A_2647 = arith.select %gt3A_2643, %select_n3A_2602, %select_n3A_2642 : vector<16xi1>, vector<16xi32>
      %broadcast_in_dim3A_2648 = arith.constant 60 : i32
      %broadcast_in_dim3A_2649 = vector.broadcast %broadcast_in_dim3A_2648 : i32 to vector<16xi32>
      %add3A_2650 = arith.addi %mul3A_7, %broadcast_in_dim3A_2649 : vector<16xi32>
      %gather3A_2651 = tpu.vector_load_idx %arg7[%add3A_2650] : memref<1024xf32, #tpu.memory_space<vmem>>[vector<16xi32>], vector<16xf32>,
      %gt3A_2652 = arith.cmpf ogt, %gather3A_2651, %select_n3A_2609 : vector<16xf32>
      %select_n3A_2653 = arith.select %gt3A_2652, %gather3A_2651, %select_n3A_2609 : vector<16xi1>, vector<16xf32>
      %select_n3A_2654 = arith.select %gt3A_2652, %select_n3A_2609, %gather3A_2651 : vector<16xi1>, vector<16xf32>
      %select_n3A_2655 = arith.select %gt3A_2652, %broadcast_in_dim3A_2649, %select_n3A_2611 : vector<16xi1>, vector<16xi32>
      %select_n3A_2656 = arith.select %gt3A_2652, %select_n3A_2611, %broadcast_in_dim3A_2649 : vector<16xi1>, vector<16xi32>
      %gt3A_2657 = arith.cmpf ogt, %select_n3A_2654, %select_n3A_2614 : vector<16xf32>
      %select_n3A_2658 = arith.select %gt3A_2657, %select_n3A_2654, %select_n3A_2614 : vector<16xi1>, vector<16xf32>
      %select_n3A_2659 = arith.select %gt3A_2657, %select_n3A_2614, %select_n3A_2654 : vector<16xi1>, vector<16xf32>
      %select_n3A_2660 = arith.select %gt3A_2657, %select_n3A_2656, %select_n3A_2616 : vector<16xi1>, vector<16xi32>
      %select_n3A_2661 = arith.select %gt3A_2657, %select_n3A_2616, %select_n3A_2656 : vector<16xi1>, vector<16xi32>
      %gt3A_2662 = arith.cmpf ogt, %select_n3A_2659, %select_n3A_2619 : vector<16xf32>
      %select_n3A_2663 = arith.select %gt3A_2662, %select_n3A_2659, %select_n3A_2619 : vector<16xi1>, vector<16xf32>
      %select_n3A_2664 = arith.select %gt3A_2662, %select_n3A_2619, %select_n3A_2659 : vector<16xi1>, vector<16xf32>
      %select_n3A_2665 = arith.select %gt3A_2662, %select_n3A_2661, %select_n3A_2621 : vector<16xi1>, vector<16xi32>
      %select_n3A_2666 = arith.select %gt3A_2662, %select_n3A_2621, %select_n3A_2661 : vector<16xi1>, vector<16xi32>
      %gt3A_2667 = arith.cmpf ogt, %select_n3A_2664, %select_n3A_2624 : vector<16xf32>
      %select_n3A_2668 = arith.select %gt3A_2667, %select_n3A_2664, %select_n3A_2624 : vector<16xi1>, vector<16xf32>
      %select_n3A_2669 = arith.select %gt3A_2667, %select_n3A_2624, %select_n3A_2664 : vector<16xi1>, vector<16xf32>
      %select_n3A_2670 = arith.select %gt3A_2667, %select_n3A_2666, %select_n3A_2626 : vector<16xi1>, vector<16xi32>
      %select_n3A_2671 = arith.select %gt3A_2667, %select_n3A_2626, %select_n3A_2666 : vector<16xi1>, vector<16xi32>
      %gt3A_2672 = arith.cmpf ogt, %select_n3A_2669, %select_n3A_2629 : vector<16xf32>
      %select_n3A_2673 = arith.select %gt3A_2672, %select_n3A_2669, %select_n3A_2629 : vector<16xi1>, vector<16xf32>
      %select_n3A_2674 = arith.select %gt3A_2672, %select_n3A_2629, %select_n3A_2669 : vector<16xi1>, vector<16xf32>
      %select_n3A_2675 = arith.select %gt3A_2672, %select_n3A_2671, %select_n3A_2631 : vector<16xi1>, vector<16xi32>
      %select_n3A_2676 = arith.select %gt3A_2672, %select_n3A_2631, %select_n3A_2671 : vector<16xi1>, vector<16xi32>
      %gt3A_2677 = arith.cmpf ogt, %select_n3A_2674, %select_n3A_2634 : vector<16xf32>
      %select_n3A_2678 = arith.select %gt3A_2677, %select_n3A_2674, %select_n3A_2634 : vector<16xi1>, vector<16xf32>
      %select_n3A_2679 = arith.select %gt3A_2677, %select_n3A_2634, %select_n3A_2674 : vector<16xi1>, vector<16xf32>
      %select_n3A_2680 = arith.select %gt3A_2677, %select_n3A_2676, %select_n3A_2636 : vector<16xi1>, vector<16xi32>
      %select_n3A_2681 = arith.select %gt3A_2677, %select_n3A_2636, %select_n3A_2676 : vector<16xi1>, vector<16xi32>
      %gt3A_2682 = arith.cmpf ogt, %select_n3A_2679, %select_n3A_2639 : vector<16xf32>
      %select_n3A_2683 = arith.select %gt3A_2682, %select_n3A_2679, %select_n3A_2639 : vector<16xi1>, vector<16xf32>
      %select_n3A_2684 = arith.select %gt3A_2682, %select_n3A_2639, %select_n3A_2679 : vector<16xi1>, vector<16xf32>
      %select_n3A_2685 = arith.select %gt3A_2682, %select_n3A_2681, %select_n3A_2641 : vector<16xi1>, vector<16xi32>
      %select_n3A_2686 = arith.select %gt3A_2682, %select_n3A_2641, %select_n3A_2681 : vector<16xi1>, vector<16xi32>
      %gt3A_2687 = arith.cmpf ogt, %select_n3A_2684, %select_n3A_2644 : vector<16xf32>
      %select_n3A_2688 = arith.select %gt3A_2687, %select_n3A_2684, %select_n3A_2644 : vector<16xi1>, vector<16xf32>
      %select_n3A_2689 = arith.select %gt3A_2687, %select_n3A_2644, %select_n3A_2684 : vector<16xi1>, vector<16xf32>
      %select_n3A_2690 = arith.select %gt3A_2687, %select_n3A_2686, %select_n3A_2646 : vector<16xi1>, vector<16xi32>
      %select_n3A_2691 = arith.select %gt3A_2687, %select_n3A_2646, %select_n3A_2686 : vector<16xi1>, vector<16xi32>
      %broadcast_in_dim3A_2692 = arith.constant 61 : i32
      %broadcast_in_dim3A_2693 = vector.broadcast %broadcast_in_dim3A_2692 : i32 to vector<16xi32>
      %add3A_2694 = arith.addi %mul3A_7, %broadcast_in_dim3A_2693 : vector<16xi32>
      %gather3A_2695 = tpu.vector_load_idx %arg7[%add3A_2694] : memref<1024xf32, #tpu.memory_space<vmem>>[vector<16xi32>], vector<16xf32>,
      %gt3A_2696 = arith.cmpf ogt, %gather3A_2695, %select_n3A_2653 : vector<16xf32>
      %select_n3A_2697 = arith.select %gt3A_2696, %gather3A_2695, %select_n3A_2653 : vector<16xi1>, vector<16xf32>
      %select_n3A_2698 = arith.select %gt3A_2696, %select_n3A_2653, %gather3A_2695 : vector<16xi1>, vector<16xf32>
      %select_n3A_2699 = arith.select %gt3A_2696, %broadcast_in_dim3A_2693, %select_n3A_2655 : vector<16xi1>, vector<16xi32>
      %select_n3A_2700 = arith.select %gt3A_2696, %select_n3A_2655, %broadcast_in_dim3A_2693 : vector<16xi1>, vector<16xi32>
      %gt3A_2701 = arith.cmpf ogt, %select_n3A_2698, %select_n3A_2658 : vector<16xf32>
      %select_n3A_2702 = arith.select %gt3A_2701, %select_n3A_2698, %select_n3A_2658 : vector<16xi1>, vector<16xf32>
      %select_n3A_2703 = arith.select %gt3A_2701, %select_n3A_2658, %select_n3A_2698 : vector<16xi1>, vector<16xf32>
      %select_n3A_2704 = arith.select %gt3A_2701, %select_n3A_2700, %select_n3A_2660 : vector<16xi1>, vector<16xi32>
      %select_n3A_2705 = arith.select %gt3A_2701, %select_n3A_2660, %select_n3A_2700 : vector<16xi1>, vector<16xi32>
      %gt3A_2706 = arith.cmpf ogt, %select_n3A_2703, %select_n3A_2663 : vector<16xf32>
      %select_n3A_2707 = arith.select %gt3A_2706, %select_n3A_2703, %select_n3A_2663 : vector<16xi1>, vector<16xf32>
      %select_n3A_2708 = arith.select %gt3A_2706, %select_n3A_2663, %select_n3A_2703 : vector<16xi1>, vector<16xf32>
      %select_n3A_2709 = arith.select %gt3A_2706, %select_n3A_2705, %select_n3A_2665 : vector<16xi1>, vector<16xi32>
      %select_n3A_2710 = arith.select %gt3A_2706, %select_n3A_2665, %select_n3A_2705 : vector<16xi1>, vector<16xi32>
      %gt3A_2711 = arith.cmpf ogt, %select_n3A_2708, %select_n3A_2668 : vector<16xf32>
      %select_n3A_2712 = arith.select %gt3A_2711, %select_n3A_2708, %select_n3A_2668 : vector<16xi1>, vector<16xf32>
      %select_n3A_2713 = arith.select %gt3A_2711, %select_n3A_2668, %select_n3A_2708 : vector<16xi1>, vector<16xf32>
      %select_n3A_2714 = arith.select %gt3A_2711, %select_n3A_2710, %select_n3A_2670 : vector<16xi1>, vector<16xi32>
      %select_n3A_2715 = arith.select %gt3A_2711, %select_n3A_2670, %select_n3A_2710 : vector<16xi1>, vector<16xi32>
      %gt3A_2716 = arith.cmpf ogt, %select_n3A_2713, %select_n3A_2673 : vector<16xf32>
      %select_n3A_2717 = arith.select %gt3A_2716, %select_n3A_2713, %select_n3A_2673 : vector<16xi1>, vector<16xf32>
      %select_n3A_2718 = arith.select %gt3A_2716, %select_n3A_2673, %select_n3A_2713 : vector<16xi1>, vector<16xf32>
      %select_n3A_2719 = arith.select %gt3A_2716, %select_n3A_2715, %select_n3A_2675 : vector<16xi1>, vector<16xi32>
      %select_n3A_2720 = arith.select %gt3A_2716, %select_n3A_2675, %select_n3A_2715 : vector<16xi1>, vector<16xi32>
      %gt3A_2721 = arith.cmpf ogt, %select_n3A_2718, %select_n3A_2678 : vector<16xf32>
      %select_n3A_2722 = arith.select %gt3A_2721, %select_n3A_2718, %select_n3A_2678 : vector<16xi1>, vector<16xf32>
      %select_n3A_2723 = arith.select %gt3A_2721, %select_n3A_2678, %select_n3A_2718 : vector<16xi1>, vector<16xf32>
      %select_n3A_2724 = arith.select %gt3A_2721, %select_n3A_2720, %select_n3A_2680 : vector<16xi1>, vector<16xi32>
      %select_n3A_2725 = arith.select %gt3A_2721, %select_n3A_2680, %select_n3A_2720 : vector<16xi1>, vector<16xi32>
      %gt3A_2726 = arith.cmpf ogt, %select_n3A_2723, %select_n3A_2683 : vector<16xf32>
      %select_n3A_2727 = arith.select %gt3A_2726, %select_n3A_2723, %select_n3A_2683 : vector<16xi1>, vector<16xf32>
      %select_n3A_2728 = arith.select %gt3A_2726, %select_n3A_2683, %select_n3A_2723 : vector<16xi1>, vector<16xf32>
      %select_n3A_2729 = arith.select %gt3A_2726, %select_n3A_2725, %select_n3A_2685 : vector<16xi1>, vector<16xi32>
      %select_n3A_2730 = arith.select %gt3A_2726, %select_n3A_2685, %select_n3A_2725 : vector<16xi1>, vector<16xi32>
      %gt3A_2731 = arith.cmpf ogt, %select_n3A_2728, %select_n3A_2688 : vector<16xf32>
      %select_n3A_2732 = arith.select %gt3A_2731, %select_n3A_2728, %select_n3A_2688 : vector<16xi1>, vector<16xf32>
      %select_n3A_2733 = arith.select %gt3A_2731, %select_n3A_2688, %select_n3A_2728 : vector<16xi1>, vector<16xf32>
      %select_n3A_2734 = arith.select %gt3A_2731, %select_n3A_2730, %select_n3A_2690 : vector<16xi1>, vector<16xi32>
      %select_n3A_2735 = arith.select %gt3A_2731, %select_n3A_2690, %select_n3A_2730 : vector<16xi1>, vector<16xi32>
      %broadcast_in_dim3A_2736 = arith.constant 62 : i32
      %broadcast_in_dim3A_2737 = vector.broadcast %broadcast_in_dim3A_2736 : i32 to vector<16xi32>
      %add3A_2738 = arith.addi %mul3A_7, %broadcast_in_dim3A_2737 : vector<16xi32>
      %gather3A_2739 = tpu.vector_load_idx %arg7[%add3A_2738] : memref<1024xf32, #tpu.memory_space<vmem>>[vector<16xi32>], vector<16xf32>,
      %gt3A_2740 = arith.cmpf ogt, %gather3A_2739, %select_n3A_2697 : vector<16xf32>
      %select_n3A_2741 = arith.select %gt3A_2740, %gather3A_2739, %select_n3A_2697 : vector<16xi1>, vector<16xf32>
      %select_n3A_2742 = arith.select %gt3A_2740, %select_n3A_2697, %gather3A_2739 : vector<16xi1>, vector<16xf32>
      %select_n3A_2743 = arith.select %gt3A_2740, %broadcast_in_dim3A_2737, %select_n3A_2699 : vector<16xi1>, vector<16xi32>
      %select_n3A_2744 = arith.select %gt3A_2740, %select_n3A_2699, %broadcast_in_dim3A_2737 : vector<16xi1>, vector<16xi32>
      %gt3A_2745 = arith.cmpf ogt, %select_n3A_2742, %select_n3A_2702 : vector<16xf32>
      %select_n3A_2746 = arith.select %gt3A_2745, %select_n3A_2742, %select_n3A_2702 : vector<16xi1>, vector<16xf32>
      %select_n3A_2747 = arith.select %gt3A_2745, %select_n3A_2702, %select_n3A_2742 : vector<16xi1>, vector<16xf32>
      %select_n3A_2748 = arith.select %gt3A_2745, %select_n3A_2744, %select_n3A_2704 : vector<16xi1>, vector<16xi32>
      %select_n3A_2749 = arith.select %gt3A_2745, %select_n3A_2704, %select_n3A_2744 : vector<16xi1>, vector<16xi32>
      %gt3A_2750 = arith.cmpf ogt, %select_n3A_2747, %select_n3A_2707 : vector<16xf32>
      %select_n3A_2751 = arith.select %gt3A_2750, %select_n3A_2747, %select_n3A_2707 : vector<16xi1>, vector<16xf32>
      %select_n3A_2752 = arith.select %gt3A_2750, %select_n3A_2707, %select_n3A_2747 : vector<16xi1>, vector<16xf32>
      %select_n3A_2753 = arith.select %gt3A_2750, %select_n3A_2749, %select_n3A_2709 : vector<16xi1>, vector<16xi32>
      %select_n3A_2754 = arith.select %gt3A_2750, %select_n3A_2709, %select_n3A_2749 : vector<16xi1>, vector<16xi32>
      %gt3A_2755 = arith.cmpf ogt, %select_n3A_2752, %select_n3A_2712 : vector<16xf32>
      %select_n3A_2756 = arith.select %gt3A_2755, %select_n3A_2752, %select_n3A_2712 : vector<16xi1>, vector<16xf32>
      %select_n3A_2757 = arith.select %gt3A_2755, %select_n3A_2712, %select_n3A_2752 : vector<16xi1>, vector<16xf32>
      %select_n3A_2758 = arith.select %gt3A_2755, %select_n3A_2754, %select_n3A_2714 : vector<16xi1>, vector<16xi32>
      %select_n3A_2759 = arith.select %gt3A_2755, %select_n3A_2714, %select_n3A_2754 : vector<16xi1>, vector<16xi32>
      %gt3A_2760 = arith.cmpf ogt, %select_n3A_2757, %select_n3A_2717 : vector<16xf32>
      %select_n3A_2761 = arith.select %gt3A_2760, %select_n3A_2757, %select_n3A_2717 : vector<16xi1>, vector<16xf32>
      %select_n3A_2762 = arith.select %gt3A_2760, %select_n3A_2717, %select_n3A_2757 : vector<16xi1>, vector<16xf32>
      %select_n3A_2763 = arith.select %gt3A_2760, %select_n3A_2759, %select_n3A_2719 : vector<16xi1>, vector<16xi32>
      %select_n3A_2764 = arith.select %gt3A_2760, %select_n3A_2719, %select_n3A_2759 : vector<16xi1>, vector<16xi32>
      %gt3A_2765 = arith.cmpf ogt, %select_n3A_2762, %select_n3A_2722 : vector<16xf32>
      %select_n3A_2766 = arith.select %gt3A_2765, %select_n3A_2762, %select_n3A_2722 : vector<16xi1>, vector<16xf32>
      %select_n3A_2767 = arith.select %gt3A_2765, %select_n3A_2722, %select_n3A_2762 : vector<16xi1>, vector<16xf32>
      %select_n3A_2768 = arith.select %gt3A_2765, %select_n3A_2764, %select_n3A_2724 : vector<16xi1>, vector<16xi32>
      %select_n3A_2769 = arith.select %gt3A_2765, %select_n3A_2724, %select_n3A_2764 : vector<16xi1>, vector<16xi32>
      %gt3A_2770 = arith.cmpf ogt, %select_n3A_2767, %select_n3A_2727 : vector<16xf32>
      %select_n3A_2771 = arith.select %gt3A_2770, %select_n3A_2767, %select_n3A_2727 : vector<16xi1>, vector<16xf32>
      %select_n3A_2772 = arith.select %gt3A_2770, %select_n3A_2727, %select_n3A_2767 : vector<16xi1>, vector<16xf32>
      %select_n3A_2773 = arith.select %gt3A_2770, %select_n3A_2769, %select_n3A_2729 : vector<16xi1>, vector<16xi32>
      %select_n3A_2774 = arith.select %gt3A_2770, %select_n3A_2729, %select_n3A_2769 : vector<16xi1>, vector<16xi32>
      %gt3A_2775 = arith.cmpf ogt, %select_n3A_2772, %select_n3A_2732 : vector<16xf32>
      %select_n3A_2776 = arith.select %gt3A_2775, %select_n3A_2772, %select_n3A_2732 : vector<16xi1>, vector<16xf32>
      %select_n3A_2777 = arith.select %gt3A_2775, %select_n3A_2732, %select_n3A_2772 : vector<16xi1>, vector<16xf32>
      %select_n3A_2778 = arith.select %gt3A_2775, %select_n3A_2774, %select_n3A_2734 : vector<16xi1>, vector<16xi32>
      %select_n3A_2779 = arith.select %gt3A_2775, %select_n3A_2734, %select_n3A_2774 : vector<16xi1>, vector<16xi32>
      %broadcast_in_dim3A_2780 = arith.constant 63 : i32
      %broadcast_in_dim3A_2781 = vector.broadcast %broadcast_in_dim3A_2780 : i32 to vector<16xi32>
      %add3A_2782 = arith.addi %mul3A_7, %broadcast_in_dim3A_2781 : vector<16xi32>
      %gather3A_2783 = tpu.vector_load_idx %arg7[%add3A_2782] : memref<1024xf32, #tpu.memory_space<vmem>>[vector<16xi32>], vector<16xf32>,
      %gt3A_2784 = arith.cmpf ogt, %gather3A_2783, %select_n3A_2741 : vector<16xf32>
      %select_n3A_2785 = arith.select %gt3A_2784, %gather3A_2783, %select_n3A_2741 : vector<16xi1>, vector<16xf32>
      %select_n3A_2786 = arith.select %gt3A_2784, %select_n3A_2741, %gather3A_2783 : vector<16xi1>, vector<16xf32>
      %select_n3A_2787 = arith.select %gt3A_2784, %broadcast_in_dim3A_2781, %select_n3A_2743 : vector<16xi1>, vector<16xi32>
      %select_n3A_2788 = arith.select %gt3A_2784, %select_n3A_2743, %broadcast_in_dim3A_2781 : vector<16xi1>, vector<16xi32>
      %gt3A_2789 = arith.cmpf ogt, %select_n3A_2786, %select_n3A_2746 : vector<16xf32>
      %select_n3A_2790 = arith.select %gt3A_2789, %select_n3A_2786, %select_n3A_2746 : vector<16xi1>, vector<16xf32>
      %select_n3A_2791 = arith.select %gt3A_2789, %select_n3A_2746, %select_n3A_2786 : vector<16xi1>, vector<16xf32>
      %select_n3A_2792 = arith.select %gt3A_2789, %select_n3A_2788, %select_n3A_2748 : vector<16xi1>, vector<16xi32>
      %select_n3A_2793 = arith.select %gt3A_2789, %select_n3A_2748, %select_n3A_2788 : vector<16xi1>, vector<16xi32>
      %gt3A_2794 = arith.cmpf ogt, %select_n3A_2791, %select_n3A_2751 : vector<16xf32>
      %select_n3A_2795 = arith.select %gt3A_2794, %select_n3A_2791, %select_n3A_2751 : vector<16xi1>, vector<16xf32>
      %select_n3A_2796 = arith.select %gt3A_2794, %select_n3A_2751, %select_n3A_2791 : vector<16xi1>, vector<16xf32>
      %select_n3A_2797 = arith.select %gt3A_2794, %select_n3A_2793, %select_n3A_2753 : vector<16xi1>, vector<16xi32>
      %select_n3A_2798 = arith.select %gt3A_2794, %select_n3A_2753, %select_n3A_2793 : vector<16xi1>, vector<16xi32>
      %gt3A_2799 = arith.cmpf ogt, %select_n3A_2796, %select_n3A_2756 : vector<16xf32>
      %select_n3A_2800 = arith.select %gt3A_2799, %select_n3A_2796, %select_n3A_2756 : vector<16xi1>, vector<16xf32>
      %select_n3A_2801 = arith.select %gt3A_2799, %select_n3A_2756, %select_n3A_2796 : vector<16xi1>, vector<16xf32>
      %select_n3A_2802 = arith.select %gt3A_2799, %select_n3A_2798, %select_n3A_2758 : vector<16xi1>, vector<16xi32>
      %select_n3A_2803 = arith.select %gt3A_2799, %select_n3A_2758, %select_n3A_2798 : vector<16xi1>, vector<16xi32>
      %gt3A_2804 = arith.cmpf ogt, %select_n3A_2801, %select_n3A_2761 : vector<16xf32>
      %select_n3A_2805 = arith.select %gt3A_2804, %select_n3A_2801, %select_n3A_2761 : vector<16xi1>, vector<16xf32>
      %select_n3A_2806 = arith.select %gt3A_2804, %select_n3A_2761, %select_n3A_2801 : vector<16xi1>, vector<16xf32>
      %select_n3A_2807 = arith.select %gt3A_2804, %select_n3A_2803, %select_n3A_2763 : vector<16xi1>, vector<16xi32>
      %select_n3A_2808 = arith.select %gt3A_2804, %select_n3A_2763, %select_n3A_2803 : vector<16xi1>, vector<16xi32>
      %gt3A_2809 = arith.cmpf ogt, %select_n3A_2806, %select_n3A_2766 : vector<16xf32>
      %select_n3A_2810 = arith.select %gt3A_2809, %select_n3A_2806, %select_n3A_2766 : vector<16xi1>, vector<16xf32>
      %select_n3A_2811 = arith.select %gt3A_2809, %select_n3A_2766, %select_n3A_2806 : vector<16xi1>, vector<16xf32>
      %select_n3A_2812 = arith.select %gt3A_2809, %select_n3A_2808, %select_n3A_2768 : vector<16xi1>, vector<16xi32>
      %select_n3A_2813 = arith.select %gt3A_2809, %select_n3A_2768, %select_n3A_2808 : vector<16xi1>, vector<16xi32>
      %gt3A_2814 = arith.cmpf ogt, %select_n3A_2811, %select_n3A_2771 : vector<16xf32>
      %select_n3A_2815 = arith.select %gt3A_2814, %select_n3A_2811, %select_n3A_2771 : vector<16xi1>, vector<16xf32>
      %select_n3A_2816 = arith.select %gt3A_2814, %select_n3A_2771, %select_n3A_2811 : vector<16xi1>, vector<16xf32>
      %select_n3A_2817 = arith.select %gt3A_2814, %select_n3A_2813, %select_n3A_2773 : vector<16xi1>, vector<16xi32>
      %select_n3A_2818 = arith.select %gt3A_2814, %select_n3A_2773, %select_n3A_2813 : vector<16xi1>, vector<16xi32>
      %gt3A_2819 = arith.cmpf ogt, %select_n3A_2816, %select_n3A_2776 : vector<16xf32>
      %select_n3A_2820 = arith.select %gt3A_2819, %select_n3A_2816, %select_n3A_2776 : vector<16xi1>, vector<16xf32>
      %select_n3A_2821 = arith.select %gt3A_2819, %select_n3A_2776, %select_n3A_2816 : vector<16xi1>, vector<16xf32>
      %select_n3A_2822 = arith.select %gt3A_2819, %select_n3A_2818, %select_n3A_2778 : vector<16xi1>, vector<16xi32>
      %select_n3A_2823 = arith.select %gt3A_2819, %select_n3A_2778, %select_n3A_2818 : vector<16xi1>, vector<16xi32>
      %add3A_2824 = arith.addi %mul3A_7, %select_n3A_2787 : vector<16xi32>
      %gather3A_2825 = tpu.vector_load_idx %arg6[%add3A_2824] : memref<1024xf32, #tpu.memory_space<vmem>>[vector<16xi32>], vector<16xf32>,
      %add3A_2826 = arith.addi %mul3A_7, %select_n3A_2792 : vector<16xi32>
      %gather3A_2827 = tpu.vector_load_idx %arg6[%add3A_2826] : memref<1024xf32, #tpu.memory_space<vmem>>[vector<16xi32>], vector<16xf32>,
      %add3A_2828 = arith.addi %mul3A_7, %select_n3A_2797 : vector<16xi32>
      %gather3A_2829 = tpu.vector_load_idx %arg6[%add3A_2828] : memref<1024xf32, #tpu.memory_space<vmem>>[vector<16xi32>], vector<16xf32>,
      %add3A_2830 = arith.addi %mul3A_7, %select_n3A_2802 : vector<16xi32>
      %gather3A_2831 = tpu.vector_load_idx %arg6[%add3A_2830] : memref<1024xf32, #tpu.memory_space<vmem>>[vector<16xi32>], vector<16xf32>,
      %add3A_2832 = arith.addi %mul3A_7, %select_n3A_2807 : vector<16xi32>
      %gather3A_2833 = tpu.vector_load_idx %arg6[%add3A_2832] : memref<1024xf32, #tpu.memory_space<vmem>>[vector<16xi32>], vector<16xf32>,
      %add3A_2834 = arith.addi %mul3A_7, %select_n3A_2812 : vector<16xi32>
      %gather3A_2835 = tpu.vector_load_idx %arg6[%add3A_2834] : memref<1024xf32, #tpu.memory_space<vmem>>[vector<16xi32>], vector<16xf32>,
      %add3A_2836 = arith.addi %mul3A_7, %select_n3A_2817 : vector<16xi32>
      %gather3A_2837 = tpu.vector_load_idx %arg6[%add3A_2836] : memref<1024xf32, #tpu.memory_space<vmem>>[vector<16xi32>], vector<16xf32>,
      %add3A_2838 = arith.addi %mul3A_7, %select_n3A_2822 : vector<16xi32>
      %gather3A_2839 = tpu.vector_load_idx %arg6[%add3A_2838] : memref<1024xf32, #tpu.memory_space<vmem>>[vector<16xi32>], vector<16xf32>,
      %add3A_2840 = arith.addf %gather3A_2825, %gather3A_2827 : vector<16xf32>
      %add3A_2841 = arith.addf %add3A_2840, %gather3A_2829 : vector<16xf32>
      %add3A_2842 = arith.addf %add3A_2841, %gather3A_2831 : vector<16xf32>
      %add3A_2843 = arith.addf %add3A_2842, %gather3A_2833 : vector<16xf32>
      %add3A_2844 = arith.addf %add3A_2843, %gather3A_2835 : vector<16xf32>
      %add3A_2845 = arith.addf %add3A_2844, %gather3A_2837 : vector<16xf32>
      %add3A_2846 = arith.addf %add3A_2845, %gather3A_2839 : vector<16xf32>
      %add3A_2847 = arith.constant 9.99999968E-21 : f32
      %add3A_2848 = vector.broadcast %add3A_2847 : f32 to vector<16xf32>
      %add3A_2849 = arith.addf %add3A_2846, %add3A_2848 : vector<16xf32>
      %add3A_2850 = arith.addi %mul3A_7, %select_n3A_2787 : vector<16xi32>
      %div3A = arith.divf %gather3A_2825, %add3A_2849 : vector<16xf32>
      tpu.vector_store_idx %arg8[%add3A_2850], %div3A : memref<1024xf32, #tpu.memory_space<vmem>>[vector<16xi32>], vector<16xf32>,
      %add3A_2851 = arith.addi %mul3A_7, %select_n3A_2792 : vector<16xi32>
      %div3A_2852 = arith.divf %gather3A_2827, %add3A_2849 : vector<16xf32>
      tpu.vector_store_idx %arg8[%add3A_2851], %div3A_2852 : memref<1024xf32, #tpu.memory_space<vmem>>[vector<16xi32>], vector<16xf32>,
      %add3A_2853 = arith.addi %mul3A_7, %select_n3A_2797 : vector<16xi32>
      %div3A_2854 = arith.divf %gather3A_2829, %add3A_2849 : vector<16xf32>
      tpu.vector_store_idx %arg8[%add3A_2853], %div3A_2854 : memref<1024xf32, #tpu.memory_space<vmem>>[vector<16xi32>], vector<16xf32>,
      %add3A_2855 = arith.addi %mul3A_7, %select_n3A_2802 : vector<16xi32>
      %div3A_2856 = arith.divf %gather3A_2831, %add3A_2849 : vector<16xf32>
      tpu.vector_store_idx %arg8[%add3A_2855], %div3A_2856 : memref<1024xf32, #tpu.memory_space<vmem>>[vector<16xi32>], vector<16xf32>,
      %add3A_2857 = arith.addi %mul3A_7, %select_n3A_2807 : vector<16xi32>
      %div3A_2858 = arith.divf %gather3A_2833, %add3A_2849 : vector<16xf32>
      tpu.vector_store_idx %arg8[%add3A_2857], %div3A_2858 : memref<1024xf32, #tpu.memory_space<vmem>>[vector<16xi32>], vector<16xf32>,
      %add3A_2859 = arith.addi %mul3A_7, %select_n3A_2812 : vector<16xi32>
      %div3A_2860 = arith.divf %gather3A_2835, %add3A_2849 : vector<16xf32>
      tpu.vector_store_idx %arg8[%add3A_2859], %div3A_2860 : memref<1024xf32, #tpu.memory_space<vmem>>[vector<16xi32>], vector<16xf32>,
      %add3A_2861 = arith.addi %mul3A_7, %select_n3A_2817 : vector<16xi32>
      %div3A_2862 = arith.divf %gather3A_2837, %add3A_2849 : vector<16xf32>
      tpu.vector_store_idx %arg8[%add3A_2861], %div3A_2862 : memref<1024xf32, #tpu.memory_space<vmem>>[vector<16xi32>], vector<16xf32>,
      %add3A_2863 = arith.addi %mul3A_7, %select_n3A_2822 : vector<16xi32>
      %div3A_2864 = arith.divf %gather3A_2839, %add3A_2849 : vector<16xf32>
      tpu.vector_store_idx %arg8[%add3A_2863], %div3A_2864 : memref<1024xf32, #tpu.memory_space<vmem>>[vector<16xi32>], vector<16xf32>,
      "tpu.region"() ({
        %run_scoped3A = tpu.sem_alloc : memref<!tpu.dma_semaphore, #tpu.memory_space<semaphore_mem>>
        %dma_start3A = tpu.memref_slice %arg5[%mul3A_4] : memref<8192xf32, #tpu.memory_space<hbm>> -> memref<1024xf32, #tpu.memory_space<hbm>>
        %dma_start3A_2865 = tpu.memref_slice %arg5[%mul3A_4] : memref<8192xf32, #tpu.memory_space<hbm>> -> memref<1024xf32, #tpu.memory_space<hbm>>
        tpu.enqueue_dma source(%arg8 : memref<1024xf32, #tpu.memory_space<vmem>>) target(%dma_start3A_2865 : memref<1024xf32, #tpu.memory_space<hbm>>) target_semaphore(%run_scoped3A : memref<!tpu.dma_semaphore, #tpu.memory_space<semaphore_mem>>)
        %dma_wait3A = tpu.memref_slice %arg5[%mul3A_4] : memref<8192xf32, #tpu.memory_space<hbm>> -> memref<1024xf32, #tpu.memory_space<hbm>>
        %dma_wait3A_2866 = tpu.memref_slice %arg5[%mul3A_4] : memref<8192xf32, #tpu.memory_space<hbm>> -> memref<1024xf32, #tpu.memory_space<hbm>>
        tpu.wait_dma2 semaphore(%run_scoped3A : memref<!tpu.dma_semaphore, #tpu.memory_space<semaphore_mem>>) src(%arg8 : memref<1024xf32, #tpu.memory_space<vmem>>) dst(%dma_wait3A_2866 : memref<1024xf32, #tpu.memory_space<hbm>>)
        tpu.yield
      }) : () -> ()
    } else {
    }
    return
  }
}

module attributes {stable_mosaic.version = 14 : i64} {
  func.func @_router_tc(%arg0: memref<128x1024xf32, #tpu.memory_space<vmem>>, %arg1: memref<1024x64xf32, #tpu.memory_space<vmem>>, %arg2: memref<8x64xf32, #tpu.memory_space<vmem>>, %arg3: memref<128x64xf32, #tpu.memory_space<vmem>>, %arg4: memref<128x64xf32, #tpu.memory_space<vmem>>) attributes {dimension_semantics = [], scalar_prefetch = 0 : i64, scratch_operands = 0 : i64, tpu.core_type = #tpu.core_type<tc>} {
    %get3A = arith.constant 0 : index
    %get3A_0 = arith.constant 0 : index
    %get3A_1 = vector.load %arg0[%get3A, %get3A_0] : memref<128x1024xf32, #tpu.memory_space<vmem>>, vector<128x1024xf32>
    %get3A_2 = arith.constant 0 : index
    %get3A_3 = arith.constant 0 : index
    %get3A_4 = vector.load %arg1[%get3A_2, %get3A_3] : memref<1024x64xf32, #tpu.memory_space<vmem>>, vector<1024x64xf32>
    %dot_general3A = arith.constant dense<0.000000e+00> : vector<128x64xf32>
    %dot_general3A_5 = tpu.matmul %get3A_1, %get3A_4, %dot_general3A {dimension_numbers = #tpu.dot_dimension_numbers<[1], [0], [0], [1], [0, 0, 1, 1], [], []>, transpose_lhs_hint = false} : vector<128x1024xf32>, vector<1024x64xf32>, vector<128x64xf32> -> vector<128x64xf32>
    %logistic3A = arith.negf %dot_general3A_5 : vector<128x64xf32>
    %logistic3A_6 = math.exp %logistic3A : vector<128x64xf32>
    %logistic3A_7 = arith.constant 1.000000e+00 : f32
    %logistic3A_8 = vector.broadcast %logistic3A_7 : f32 to vector<128x64xf32>
    %logistic3A_9 = arith.addf %logistic3A_8, %logistic3A_6 : vector<128x64xf32>
    %logistic3A_10 = arith.divf %logistic3A_8, %logistic3A_9 : vector<128x64xf32>
    %swap3A = arith.constant 0 : index
    %swap3A_11 = arith.constant 0 : index
    %swap3A_12 = vector.load %arg3[%swap3A, %swap3A_11] : memref<128x64xf32, #tpu.memory_space<vmem>>, vector<128x64xf32>
    tpu.vector_store %arg3[%swap3A, %swap3A_11], %logistic3A_10 {strides = array<i32>} : memref<128x64xf32, #tpu.memory_space<vmem>>, vector<128x64xf32>,
    %get3A_13 = arith.constant 0 : index
    %get3A_14 = arith.constant 0 : index
    %get3A_15 = vector.load %arg2[%get3A_13, %get3A_14] : memref<8x64xf32, #tpu.memory_space<vmem>>, vector<1x64xf32>
    %add3A = vector.broadcast %get3A_15 : vector<1x64xf32> to vector<128x64xf32>
    %add3A_16 = arith.addf %logistic3A_10, %add3A : vector<128x64xf32>
    %swap3A_17 = arith.constant 0 : index
    %swap3A_18 = arith.constant 0 : index
    %swap3A_19 = vector.load %arg4[%swap3A_17, %swap3A_18] : memref<128x64xf32, #tpu.memory_space<vmem>>, vector<128x64xf32>
    tpu.vector_store %arg4[%swap3A_17, %swap3A_18], %add3A_16 {strides = array<i32>} : memref<128x64xf32, #tpu.memory_space<vmem>>, vector<128x64xf32>,
    return
  }
}

module attributes {stable_mosaic.version = 14 : i64} {
  func.func @_moe_body(%arg0: i32, %arg1: memref<128x1024xf32, #tpu.memory_space<vmem>>, %arg2: memref<128x64xf32, #tpu.memory_space<vmem>>, %arg3: memref<4x1024x256xf32, #tpu.memory_space<vmem>>, %arg4: memref<4x1024x256xf32, #tpu.memory_space<vmem>>, %arg5: memref<4x256x1024xf32, #tpu.memory_space<vmem>>, %arg6: memref<1024x1024xf32, #tpu.memory_space<vmem>>, %arg7: memref<1024x1024xf32, #tpu.memory_space<vmem>>, %arg8: memref<1024x1024xf32, #tpu.memory_space<vmem>>, %arg9: memref<128x1024xf32, #tpu.memory_space<vmem>>, %arg10: memref<128x1024xbf16, #tpu.memory_space<vmem>>) attributes {dimension_semantics = [#tpu.dimension_semantics<arbitrary>], iteration_bounds = array<i64: 17>, scalar_prefetch = 0 : i64, scratch_operands = 1 : i64, tpu.core_type = #tpu.core_type<tc>, window_params = [{pipeline_mode = #tpu.pipeline_mode<synchronous>, transform_indices = @transform_0, window_bounds = array<i64: 128, 1024>}, {pipeline_mode = #tpu.pipeline_mode<synchronous>, transform_indices = @transform_1, window_bounds = array<i64: 128, 64>}, {transform_indices = @transform_2, window_bounds = array<i64: 4, 1024, 256>}, {transform_indices = @transform_3, window_bounds = array<i64: 4, 1024, 256>}, {transform_indices = @transform_4, window_bounds = array<i64: 4, 256, 1024>}, {pipeline_mode = #tpu.pipeline_mode<synchronous>, transform_indices = @transform_5, window_bounds = array<i64: 1024, 1024>}, {pipeline_mode = #tpu.pipeline_mode<synchronous>, transform_indices = @transform_6, window_bounds = array<i64: 1024, 1024>}, {pipeline_mode = #tpu.pipeline_mode<synchronous>, transform_indices = @transform_7, window_bounds = array<i64: 1024, 1024>}, {pipeline_mode = #tpu.pipeline_mode<synchronous>, transform_indices = @transform_8, window_bounds = array<i64: 128, 1024>}]} {
    %eq3A = arith.constant 0 : i32
    %eq3A_0 = arith.cmpi eq, %arg0, %eq3A : i32
    %convert_element_type3A = arith.extui %eq3A_0 : i1 to i32
    %cond3A = arith.constant 0 : i32
    %cond3A_1 = arith.cmpi ne, %convert_element_type3A, %cond3A : i32
    scf.if %cond3A_1 {
      %get3A_13 = arith.constant 0 : index
      %get3A_14 = arith.constant 0 : index
      %get3A_15 = vector.load %arg1[%get3A_13, %get3A_14] : memref<128x1024xf32, #tpu.memory_space<vmem>>, vector<128x1024xf32>
      %convert_element_type3A_16 = arith.truncf %get3A_15 : vector<128x1024xf32> to vector<128x1024xbf16>
      %swap3A = arith.constant 0 : index
      %swap3A_17 = arith.constant 0 : index
      %swap3A_18 = vector.load %arg10[%swap3A, %swap3A_17] : memref<128x1024xbf16, #tpu.memory_space<vmem>>, vector<128x1024xbf16>
      tpu.vector_store %arg10[%swap3A, %swap3A_17], %convert_element_type3A_16 {strides = array<i32>} : memref<128x1024xbf16, #tpu.memory_space<vmem>>, vector<128x1024xbf16>,
      %broadcast_in_dim3A = arith.constant 0.000000e+00 : f32
      %broadcast_in_dim3A_19 = vector.broadcast %broadcast_in_dim3A : f32 to vector<128x1024xf32>
      %swap3A_20 = arith.constant 0 : index
      %swap3A_21 = arith.constant 0 : index
      %swap3A_22 = vector.load %arg9[%swap3A_20, %swap3A_21] : memref<128x1024xf32, #tpu.memory_space<vmem>>, vector<128x1024xf32>
      tpu.vector_store %arg9[%swap3A_20, %swap3A_21], %broadcast_in_dim3A_19 {strides = array<i32>} : memref<128x1024xf32, #tpu.memory_space<vmem>>, vector<128x1024xf32>,
    } else {
    }
    %get3A = arith.constant 0 : index
    %get3A_2 = arith.constant 0 : index
    %get3A_3 = vector.load %arg10[%get3A, %get3A_2] : memref<128x1024xbf16, #tpu.memory_space<vmem>>, vector<128x1024xbf16>
    %eq3A_4 = arith.constant 0 : i32
    %eq3A_5 = arith.cmpi eq, %arg0, %eq3A_4 : i32
    %convert_element_type3A_6 = arith.extui %eq3A_5 : i1 to i32
    %cond3A_7 = arith.constant 0 : i32
    %cond3A_8 = arith.cmpi ne, %convert_element_type3A_6, %cond3A_7 : i32
    scf.if %cond3A_8 {
      %get3A_13 = arith.constant 0 : index
      %get3A_14 = arith.constant 0 : index
      %get3A_15 = vector.load %arg6[%get3A_13, %get3A_14] : memref<1024x1024xf32, #tpu.memory_space<vmem>>, vector<1024x1024xf32>
      %convert_element_type3A_16 = arith.truncf %get3A_15 : vector<1024x1024xf32> to vector<1024x1024xbf16>
      %dot_general3A = arith.constant dense<0.000000e+00> : vector<128x1024xf32>
      %dot_general3A_17 = tpu.matmul %get3A_3, %convert_element_type3A_16, %dot_general3A {dimension_numbers = #tpu.dot_dimension_numbers<[1], [0], [0], [1], [0, 0, 1, 1], [], []>, transpose_lhs_hint = false} : vector<128x1024xbf16>, vector<1024x1024xbf16>, vector<128x1024xf32> -> vector<128x1024xf32>
      %get3A_18 = arith.constant 0 : index
      %get3A_19 = arith.constant 0 : index
      %get3A_20 = vector.load %arg7[%get3A_18, %get3A_19] : memref<1024x1024xf32, #tpu.memory_space<vmem>>, vector<1024x1024xf32>
      %convert_element_type3A_21 = arith.truncf %get3A_20 : vector<1024x1024xf32> to vector<1024x1024xbf16>
      %dot_general3A_22 = arith.constant dense<0.000000e+00> : vector<128x1024xf32>
      %dot_general3A_23 = tpu.matmul %get3A_3, %convert_element_type3A_21, %dot_general3A_22 {dimension_numbers = #tpu.dot_dimension_numbers<[1], [0], [0], [1], [0, 0, 1, 1], [], []>, transpose_lhs_hint = false} : vector<128x1024xbf16>, vector<1024x1024xbf16>, vector<128x1024xf32> -> vector<128x1024xf32>
      %logistic3A = arith.negf %dot_general3A_17 : vector<128x1024xf32>
      %logistic3A_24 = math.exp %logistic3A : vector<128x1024xf32>
      %logistic3A_25 = arith.constant 1.000000e+00 : f32
      %logistic3A_26 = vector.broadcast %logistic3A_25 : f32 to vector<128x1024xf32>
      %logistic3A_27 = arith.addf %logistic3A_26, %logistic3A_24 : vector<128x1024xf32>
      %logistic3A_28 = arith.divf %logistic3A_26, %logistic3A_27 : vector<128x1024xf32>
      %mul3A = arith.mulf %dot_general3A_17, %logistic3A_28 : vector<128x1024xf32>
      %mul3A_29 = arith.mulf %mul3A, %dot_general3A_23 : vector<128x1024xf32>
      %get3A_30 = arith.constant 0 : index
      %get3A_31 = arith.constant 0 : index
      %get3A_32 = vector.load %arg9[%get3A_30, %get3A_31] : memref<128x1024xf32, #tpu.memory_space<vmem>>, vector<128x1024xf32>
      %convert_element_type3A_33 = arith.truncf %mul3A_29 : vector<128x1024xf32> to vector<128x1024xbf16>
      %get3A_34 = arith.constant 0 : index
      %get3A_35 = arith.constant 0 : index
      %get3A_36 = vector.load %arg8[%get3A_34, %get3A_35] : memref<1024x1024xf32, #tpu.memory_space<vmem>>, vector<1024x1024xf32>
      %convert_element_type3A_37 = arith.truncf %get3A_36 : vector<1024x1024xf32> to vector<1024x1024xbf16>
      %dot_general3A_38 = arith.constant dense<0.000000e+00> : vector<128x1024xf32>
      %dot_general3A_39 = tpu.matmul %convert_element_type3A_33, %convert_element_type3A_37, %dot_general3A_38 {dimension_numbers = #tpu.dot_dimension_numbers<[1], [0], [0], [1], [0, 0, 1, 1], [], []>, transpose_lhs_hint = false} : vector<128x1024xbf16>, vector<1024x1024xbf16>, vector<128x1024xf32> -> vector<128x1024xf32>
      %add3A = arith.addf %get3A_32, %dot_general3A_39 : vector<128x1024xf32>
      %swap3A = arith.constant 0 : index
      %swap3A_40 = arith.constant 0 : index
      %swap3A_41 = vector.load %arg9[%swap3A, %swap3A_40] : memref<128x1024xf32, #tpu.memory_space<vmem>>, vector<128x1024xf32>
      tpu.vector_store %arg9[%swap3A, %swap3A_40], %add3A {strides = array<i32>} : memref<128x1024xf32, #tpu.memory_space<vmem>>, vector<128x1024xf32>,
    } else {
    }
    %ge3A = arith.constant 1 : i32
    %ge3A_9 = arith.cmpi sge, %arg0, %ge3A : i32
    %convert_element_type3A_10 = arith.extui %ge3A_9 : i1 to i32
    %cond3A_11 = arith.constant 0 : i32
    %cond3A_12 = arith.cmpi ne, %convert_element_type3A_10, %cond3A_11 : i32
    scf.if %cond3A_12 {
      %sub3A = arith.constant 1 : i32
      %sub3A_13 = arith.subi %arg0, %sub3A : i32
      %mul3A = arith.constant 4 : i32
      %mul3A_14 = arith.muli %sub3A_13, %mul3A : i32
      %get3A_15 = arith.constant 0 : index
      %get3A_16 = arith.constant 0 : index
      %get3A_17 = arith.constant 0 : index
      %get3A_18 = vector.load %arg3[%get3A_15, %get3A_16, %get3A_17] : memref<4x1024x256xf32, #tpu.memory_space<vmem>>, vector<1x1024x256xf32>
      %get3A_19 = vector.shape_cast %get3A_18 : vector<1x1024x256xf32> to vector<1024x256xf32>
      %convert_element_type3A_20 = arith.truncf %get3A_19 : vector<1024x256xf32> to vector<1024x256xbf16>
      %dot_general3A = arith.constant dense<0.000000e+00> : vector<128x256xf32>
      %dot_general3A_21 = tpu.matmul %get3A_3, %convert_element_type3A_20, %dot_general3A {dimension_numbers = #tpu.dot_dimension_numbers<[1], [0], [0], [1], [0, 0, 1, 1], [], []>, transpose_lhs_hint = false} : vector<128x1024xbf16>, vector<1024x256xbf16>, vector<128x256xf32> -> vector<128x256xf32>
      %get3A_22 = arith.constant 0 : index
      %get3A_23 = arith.constant 0 : index
      %get3A_24 = arith.constant 0 : index
      %get3A_25 = vector.load %arg4[%get3A_22, %get3A_23, %get3A_24] : memref<4x1024x256xf32, #tpu.memory_space<vmem>>, vector<1x1024x256xf32>
      %get3A_26 = vector.shape_cast %get3A_25 : vector<1x1024x256xf32> to vector<1024x256xf32>
      %convert_element_type3A_27 = arith.truncf %get3A_26 : vector<1024x256xf32> to vector<1024x256xbf16>
      %dot_general3A_28 = arith.constant dense<0.000000e+00> : vector<128x256xf32>
      %dot_general3A_29 = tpu.matmul %get3A_3, %convert_element_type3A_27, %dot_general3A_28 {dimension_numbers = #tpu.dot_dimension_numbers<[1], [0], [0], [1], [0, 0, 1, 1], [], []>, transpose_lhs_hint = false} : vector<128x1024xbf16>, vector<1024x256xbf16>, vector<128x256xf32> -> vector<128x256xf32>
      %logistic3A = arith.negf %dot_general3A_21 : vector<128x256xf32>
      %logistic3A_30 = math.exp %logistic3A : vector<128x256xf32>
      %logistic3A_31 = arith.constant 1.000000e+00 : f32
      %logistic3A_32 = vector.broadcast %logistic3A_31 : f32 to vector<128x256xf32>
      %logistic3A_33 = arith.addf %logistic3A_32, %logistic3A_30 : vector<128x256xf32>
      %logistic3A_34 = arith.divf %logistic3A_32, %logistic3A_33 : vector<128x256xf32>
      %mul3A_35 = arith.mulf %dot_general3A_21, %logistic3A_34 : vector<128x256xf32>
      %mul3A_36 = arith.mulf %mul3A_35, %dot_general3A_29 : vector<128x256xf32>
      %add3A = arith.constant 0 : i32
      %add3A_37 = arith.addi %mul3A_14, %add3A : i32
      %iota3A = tpu.iota {dimensions = array<i32: 1>} : vector<128x64xi32>
      %eq3A_38 = vector.broadcast %add3A_37 : i32 to vector<128x64xi32>
      %eq3A_39 = arith.cmpi eq, %iota3A, %eq3A_38 : vector<128x64xi32>
      %get3A_40 = arith.constant 0 : index
      %get3A_41 = arith.constant 0 : index
      %get3A_42 = vector.load %arg2[%get3A_40, %get3A_41] : memref<128x64xf32, #tpu.memory_space<vmem>>, vector<128x64xf32>
      %jit3A = arith.constant 0.000000e+00 : f32
      %broadcast_in_dim3A = vector.broadcast %jit3A : f32 to vector<128x64xf32>
      %select_n3A = arith.select %eq3A_39, %get3A_42, %broadcast_in_dim3A : vector<128x64xi1>, vector<128x64xf32>
      %reduce_sum3A = arith.constant dense<0.000000e+00> : vector<128xf32>
      %reduce_sum3A_43 = vector.multi_reduction <add>, %select_n3A, %reduce_sum3A [1] : vector<128x64xf32> to vector<128xf32>
      %broadcast_in_dim3A_44 = vector.shape_cast %reduce_sum3A_43 : vector<128xf32> to vector<128x1xf32>
      %mul3A_45 = vector.broadcast %broadcast_in_dim3A_44 : vector<128x1xf32> to vector<128x256xf32>
      %mul3A_46 = arith.mulf %mul3A_45, %mul3A_36 : vector<128x256xf32>
      %convert_element_type3A_47 = arith.truncf %mul3A_46 : vector<128x256xf32> to vector<128x256xbf16>
      %get3A_48 = arith.constant 1 : index
      %get3A_49 = arith.constant 0 : index
      %get3A_50 = arith.constant 0 : index
      %get3A_51 = vector.load %arg3[%get3A_48, %get3A_49, %get3A_50] : memref<4x1024x256xf32, #tpu.memory_space<vmem>>, vector<1x1024x256xf32>
      %get3A_52 = vector.shape_cast %get3A_51 : vector<1x1024x256xf32> to vector<1024x256xf32>
      %convert_element_type3A_53 = arith.truncf %get3A_52 : vector<1024x256xf32> to vector<1024x256xbf16>
      %dot_general3A_54 = arith.constant dense<0.000000e+00> : vector<128x256xf32>
      %dot_general3A_55 = tpu.matmul %get3A_3, %convert_element_type3A_53, %dot_general3A_54 {dimension_numbers = #tpu.dot_dimension_numbers<[1], [0], [0], [1], [0, 0, 1, 1], [], []>, transpose_lhs_hint = false} : vector<128x1024xbf16>, vector<1024x256xbf16>, vector<128x256xf32> -> vector<128x256xf32>
      %get3A_56 = arith.constant 1 : index
      %get3A_57 = arith.constant 0 : index
      %get3A_58 = arith.constant 0 : index
      %get3A_59 = vector.load %arg4[%get3A_56, %get3A_57, %get3A_58] : memref<4x1024x256xf32, #tpu.memory_space<vmem>>, vector<1x1024x256xf32>
      %get3A_60 = vector.shape_cast %get3A_59 : vector<1x1024x256xf32> to vector<1024x256xf32>
      %convert_element_type3A_61 = arith.truncf %get3A_60 : vector<1024x256xf32> to vector<1024x256xbf16>
      %dot_general3A_62 = arith.constant dense<0.000000e+00> : vector<128x256xf32>
      %dot_general3A_63 = tpu.matmul %get3A_3, %convert_element_type3A_61, %dot_general3A_62 {dimension_numbers = #tpu.dot_dimension_numbers<[1], [0], [0], [1], [0, 0, 1, 1], [], []>, transpose_lhs_hint = false} : vector<128x1024xbf16>, vector<1024x256xbf16>, vector<128x256xf32> -> vector<128x256xf32>
      %logistic3A_64 = arith.negf %dot_general3A_55 : vector<128x256xf32>
      %logistic3A_65 = math.exp %logistic3A_64 : vector<128x256xf32>
      %logistic3A_66 = arith.constant 1.000000e+00 : f32
      %logistic3A_67 = vector.broadcast %logistic3A_66 : f32 to vector<128x256xf32>
      %logistic3A_68 = arith.addf %logistic3A_67, %logistic3A_65 : vector<128x256xf32>
      %logistic3A_69 = arith.divf %logistic3A_67, %logistic3A_68 : vector<128x256xf32>
      %mul3A_70 = arith.mulf %dot_general3A_55, %logistic3A_69 : vector<128x256xf32>
      %mul3A_71 = arith.mulf %mul3A_70, %dot_general3A_63 : vector<128x256xf32>
      %add3A_72 = arith.constant 1 : i32
      %add3A_73 = arith.addi %mul3A_14, %add3A_72 : i32
      %iota3A_74 = tpu.iota {dimensions = array<i32: 1>} : vector<128x64xi32>
      %eq3A_75 = vector.broadcast %add3A_73 : i32 to vector<128x64xi32>
      %eq3A_76 = arith.cmpi eq, %iota3A_74, %eq3A_75 : vector<128x64xi32>
      %get3A_77 = arith.constant 0 : index
      %get3A_78 = arith.constant 0 : index
      %get3A_79 = vector.load %arg2[%get3A_77, %get3A_78] : memref<128x64xf32, #tpu.memory_space<vmem>>, vector<128x64xf32>
      %jit3A_80 = arith.constant 0.000000e+00 : f32
      %broadcast_in_dim3A_81 = vector.broadcast %jit3A_80 : f32 to vector<128x64xf32>
      %select_n3A_82 = arith.select %eq3A_76, %get3A_79, %broadcast_in_dim3A_81 : vector<128x64xi1>, vector<128x64xf32>
      %reduce_sum3A_83 = arith.constant dense<0.000000e+00> : vector<128xf32>
      %reduce_sum3A_84 = vector.multi_reduction <add>, %select_n3A_82, %reduce_sum3A_83 [1] : vector<128x64xf32> to vector<128xf32>
      %broadcast_in_dim3A_85 = vector.shape_cast %reduce_sum3A_84 : vector<128xf32> to vector<128x1xf32>
      %mul3A_86 = vector.broadcast %broadcast_in_dim3A_85 : vector<128x1xf32> to vector<128x256xf32>
      %mul3A_87 = arith.mulf %mul3A_86, %mul3A_71 : vector<128x256xf32>
      %convert_element_type3A_88 = arith.truncf %mul3A_87 : vector<128x256xf32> to vector<128x256xbf16>
      %get3A_89 = arith.constant 2 : index
      %get3A_90 = arith.constant 0 : index
      %get3A_91 = arith.constant 0 : index
      %get3A_92 = vector.load %arg3[%get3A_89, %get3A_90, %get3A_91] : memref<4x1024x256xf32, #tpu.memory_space<vmem>>, vector<1x1024x256xf32>
      %get3A_93 = vector.shape_cast %get3A_92 : vector<1x1024x256xf32> to vector<1024x256xf32>
      %convert_element_type3A_94 = arith.truncf %get3A_93 : vector<1024x256xf32> to vector<1024x256xbf16>
      %dot_general3A_95 = arith.constant dense<0.000000e+00> : vector<128x256xf32>
      %dot_general3A_96 = tpu.matmul %get3A_3, %convert_element_type3A_94, %dot_general3A_95 {dimension_numbers = #tpu.dot_dimension_numbers<[1], [0], [0], [1], [0, 0, 1, 1], [], []>, transpose_lhs_hint = false} : vector<128x1024xbf16>, vector<1024x256xbf16>, vector<128x256xf32> -> vector<128x256xf32>
      %get3A_97 = arith.constant 2 : index
      %get3A_98 = arith.constant 0 : index
      %get3A_99 = arith.constant 0 : index
      %get3A_100 = vector.load %arg4[%get3A_97, %get3A_98, %get3A_99] : memref<4x1024x256xf32, #tpu.memory_space<vmem>>, vector<1x1024x256xf32>
      %get3A_101 = vector.shape_cast %get3A_100 : vector<1x1024x256xf32> to vector<1024x256xf32>
      %convert_element_type3A_102 = arith.truncf %get3A_101 : vector<1024x256xf32> to vector<1024x256xbf16>
      %dot_general3A_103 = arith.constant dense<0.000000e+00> : vector<128x256xf32>
      %dot_general3A_104 = tpu.matmul %get3A_3, %convert_element_type3A_102, %dot_general3A_103 {dimension_numbers = #tpu.dot_dimension_numbers<[1], [0], [0], [1], [0, 0, 1, 1], [], []>, transpose_lhs_hint = false} : vector<128x1024xbf16>, vector<1024x256xbf16>, vector<128x256xf32> -> vector<128x256xf32>
      %logistic3A_105 = arith.negf %dot_general3A_96 : vector<128x256xf32>
      %logistic3A_106 = math.exp %logistic3A_105 : vector<128x256xf32>
      %logistic3A_107 = arith.constant 1.000000e+00 : f32
      %logistic3A_108 = vector.broadcast %logistic3A_107 : f32 to vector<128x256xf32>
      %logistic3A_109 = arith.addf %logistic3A_108, %logistic3A_106 : vector<128x256xf32>
      %logistic3A_110 = arith.divf %logistic3A_108, %logistic3A_109 : vector<128x256xf32>
      %mul3A_111 = arith.mulf %dot_general3A_96, %logistic3A_110 : vector<128x256xf32>
      %mul3A_112 = arith.mulf %mul3A_111, %dot_general3A_104 : vector<128x256xf32>
      %add3A_113 = arith.constant 2 : i32
      %add3A_114 = arith.addi %mul3A_14, %add3A_113 : i32
      %iota3A_115 = tpu.iota {dimensions = array<i32: 1>} : vector<128x64xi32>
      %eq3A_116 = vector.broadcast %add3A_114 : i32 to vector<128x64xi32>
      %eq3A_117 = arith.cmpi eq, %iota3A_115, %eq3A_116 : vector<128x64xi32>
      %get3A_118 = arith.constant 0 : index
      %get3A_119 = arith.constant 0 : index
      %get3A_120 = vector.load %arg2[%get3A_118, %get3A_119] : memref<128x64xf32, #tpu.memory_space<vmem>>, vector<128x64xf32>
      %jit3A_121 = arith.constant 0.000000e+00 : f32
      %broadcast_in_dim3A_122 = vector.broadcast %jit3A_121 : f32 to vector<128x64xf32>
      %select_n3A_123 = arith.select %eq3A_117, %get3A_120, %broadcast_in_dim3A_122 : vector<128x64xi1>, vector<128x64xf32>
      %reduce_sum3A_124 = arith.constant dense<0.000000e+00> : vector<128xf32>
      %reduce_sum3A_125 = vector.multi_reduction <add>, %select_n3A_123, %reduce_sum3A_124 [1] : vector<128x64xf32> to vector<128xf32>
      %broadcast_in_dim3A_126 = vector.shape_cast %reduce_sum3A_125 : vector<128xf32> to vector<128x1xf32>
      %mul3A_127 = vector.broadcast %broadcast_in_dim3A_126 : vector<128x1xf32> to vector<128x256xf32>
      %mul3A_128 = arith.mulf %mul3A_127, %mul3A_112 : vector<128x256xf32>
      %convert_element_type3A_129 = arith.truncf %mul3A_128 : vector<128x256xf32> to vector<128x256xbf16>
      %get3A_130 = arith.constant 3 : index
      %get3A_131 = arith.constant 0 : index
      %get3A_132 = arith.constant 0 : index
      %get3A_133 = vector.load %arg3[%get3A_130, %get3A_131, %get3A_132] : memref<4x1024x256xf32, #tpu.memory_space<vmem>>, vector<1x1024x256xf32>
      %get3A_134 = vector.shape_cast %get3A_133 : vector<1x1024x256xf32> to vector<1024x256xf32>
      %convert_element_type3A_135 = arith.truncf %get3A_134 : vector<1024x256xf32> to vector<1024x256xbf16>
      %dot_general3A_136 = arith.constant dense<0.000000e+00> : vector<128x256xf32>
      %dot_general3A_137 = tpu.matmul %get3A_3, %convert_element_type3A_135, %dot_general3A_136 {dimension_numbers = #tpu.dot_dimension_numbers<[1], [0], [0], [1], [0, 0, 1, 1], [], []>, transpose_lhs_hint = false} : vector<128x1024xbf16>, vector<1024x256xbf16>, vector<128x256xf32> -> vector<128x256xf32>
      %get3A_138 = arith.constant 3 : index
      %get3A_139 = arith.constant 0 : index
      %get3A_140 = arith.constant 0 : index
      %get3A_141 = vector.load %arg4[%get3A_138, %get3A_139, %get3A_140] : memref<4x1024x256xf32, #tpu.memory_space<vmem>>, vector<1x1024x256xf32>
      %get3A_142 = vector.shape_cast %get3A_141 : vector<1x1024x256xf32> to vector<1024x256xf32>
      %convert_element_type3A_143 = arith.truncf %get3A_142 : vector<1024x256xf32> to vector<1024x256xbf16>
      %dot_general3A_144 = arith.constant dense<0.000000e+00> : vector<128x256xf32>
      %dot_general3A_145 = tpu.matmul %get3A_3, %convert_element_type3A_143, %dot_general3A_144 {dimension_numbers = #tpu.dot_dimension_numbers<[1], [0], [0], [1], [0, 0, 1, 1], [], []>, transpose_lhs_hint = false} : vector<128x1024xbf16>, vector<1024x256xbf16>, vector<128x256xf32> -> vector<128x256xf32>
      %logistic3A_146 = arith.negf %dot_general3A_137 : vector<128x256xf32>
      %logistic3A_147 = math.exp %logistic3A_146 : vector<128x256xf32>
      %logistic3A_148 = arith.constant 1.000000e+00 : f32
      %logistic3A_149 = vector.broadcast %logistic3A_148 : f32 to vector<128x256xf32>
      %logistic3A_150 = arith.addf %logistic3A_149, %logistic3A_147 : vector<128x256xf32>
      %logistic3A_151 = arith.divf %logistic3A_149, %logistic3A_150 : vector<128x256xf32>
      %mul3A_152 = arith.mulf %dot_general3A_137, %logistic3A_151 : vector<128x256xf32>
      %mul3A_153 = arith.mulf %mul3A_152, %dot_general3A_145 : vector<128x256xf32>
      %add3A_154 = arith.constant 3 : i32
      %add3A_155 = arith.addi %mul3A_14, %add3A_154 : i32
      %iota3A_156 = tpu.iota {dimensions = array<i32: 1>} : vector<128x64xi32>
      %eq3A_157 = vector.broadcast %add3A_155 : i32 to vector<128x64xi32>
      %eq3A_158 = arith.cmpi eq, %iota3A_156, %eq3A_157 : vector<128x64xi32>
      %get3A_159 = arith.constant 0 : index
      %get3A_160 = arith.constant 0 : index
      %get3A_161 = vector.load %arg2[%get3A_159, %get3A_160] : memref<128x64xf32, #tpu.memory_space<vmem>>, vector<128x64xf32>
      %jit3A_162 = arith.constant 0.000000e+00 : f32
      %broadcast_in_dim3A_163 = vector.broadcast %jit3A_162 : f32 to vector<128x64xf32>
      %select_n3A_164 = arith.select %eq3A_158, %get3A_161, %broadcast_in_dim3A_163 : vector<128x64xi1>, vector<128x64xf32>
      %reduce_sum3A_165 = arith.constant dense<0.000000e+00> : vector<128xf32>
      %reduce_sum3A_166 = vector.multi_reduction <add>, %select_n3A_164, %reduce_sum3A_165 [1] : vector<128x64xf32> to vector<128xf32>
      %broadcast_in_dim3A_167 = vector.shape_cast %reduce_sum3A_166 : vector<128xf32> to vector<128x1xf32>
      %mul3A_168 = vector.broadcast %broadcast_in_dim3A_167 : vector<128x1xf32> to vector<128x256xf32>
      %mul3A_169 = arith.mulf %mul3A_168, %mul3A_153 : vector<128x256xf32>
      %convert_element_type3A_170 = arith.truncf %mul3A_169 : vector<128x256xf32> to vector<128x256xbf16>
      %concatenate3A = tpu.concatenate %convert_element_type3A_47, %convert_element_type3A_88, %convert_element_type3A_129, %convert_element_type3A_170 in 1 : vector<128x256xbf16>, vector<128x256xbf16>, vector<128x256xbf16>, vector<128x256xbf16> -> vector<128x1024xbf16>
      %get3A_171 = arith.constant 0 : index
      %get3A_172 = arith.constant 0 : index
      %get3A_173 = arith.constant 0 : index
      %get3A_174 = vector.load %arg5[%get3A_171, %get3A_172, %get3A_173] : memref<4x256x1024xf32, #tpu.memory_space<vmem>>, vector<4x256x1024xf32>
      %reshape3A = vector.shape_cast %get3A_174 : vector<4x256x1024xf32> to vector<1024x1024xf32>
      %get3A_175 = arith.constant 0 : index
      %get3A_176 = arith.constant 0 : index
      %get3A_177 = vector.load %arg9[%get3A_175, %get3A_176] : memref<128x1024xf32, #tpu.memory_space<vmem>>, vector<128x1024xf32>
      %convert_element_type3A_178 = arith.truncf %reshape3A : vector<1024x1024xf32> to vector<1024x1024xbf16>
      %dot_general3A_179 = arith.constant dense<0.000000e+00> : vector<128x1024xf32>
      %dot_general3A_180 = tpu.matmul %concatenate3A, %convert_element_type3A_178, %dot_general3A_179 {dimension_numbers = #tpu.dot_dimension_numbers<[1], [0], [0], [1], [0, 0, 1, 1], [], []>, transpose_lhs_hint = false} : vector<128x1024xbf16>, vector<1024x1024xbf16>, vector<128x1024xf32> -> vector<128x1024xf32>
      %add3A_181 = arith.addf %get3A_177, %dot_general3A_180 : vector<128x1024xf32>
      %swap3A = arith.constant 0 : index
      %swap3A_182 = arith.constant 0 : index
      %swap3A_183 = vector.load %arg9[%swap3A, %swap3A_182] : memref<128x1024xf32, #tpu.memory_space<vmem>>, vector<128x1024xf32>
      tpu.vector_store %arg9[%swap3A, %swap3A_182], %add3A_181 {strides = array<i32>} : memref<128x1024xf32, #tpu.memory_space<vmem>>, vector<128x1024xf32>,
    } else {
    }
    return
  }
  func.func @transform_0(%arg0: i32) -> (i32, i32) {
    %c0_i32 = arith.constant 0 : i32
    %c0_i32_0 = arith.constant 0 : i32
    %c0_i32_1 = arith.constant 0 : i32
    return %c0_i32, %c0_i32_0 : i32, i32
  }
  func.func @transform_1(%arg0: i32) -> (i32, i32) {
    %c0_i32 = arith.constant 0 : i32
    %c0_i32_0 = arith.constant 0 : i32
    %c0_i32_1 = arith.constant 0 : i32
    return %c0_i32, %c0_i32_0 : i32, i32
  }
  func.func @transform_2(%arg0: i32) -> (i32, i32, i32) {
    %sub3A = arith.constant 1 : i32
    %sub3A_0 = arith.subi %arg0, %sub3A : i32
    %max3A = arith.constant 0 : i32
    %max3A_1 = arith.maxsi %sub3A_0, %max3A : i32
    %c0_i32 = arith.constant 0 : i32
    %c0_i32_2 = arith.constant 0 : i32
    %c0_i32_3 = arith.constant 0 : i32
    return %max3A_1, %c0_i32, %c0_i32_2 : i32, i32, i32
  }
  func.func @transform_3(%arg0: i32) -> (i32, i32, i32) {
    %sub3A = arith.constant 1 : i32
    %sub3A_0 = arith.subi %arg0, %sub3A : i32
    %max3A = arith.constant 0 : i32
    %max3A_1 = arith.maxsi %sub3A_0, %max3A : i32
    %c0_i32 = arith.constant 0 : i32
    %c0_i32_2 = arith.constant 0 : i32
    %c0_i32_3 = arith.constant 0 : i32
    return %max3A_1, %c0_i32, %c0_i32_2 : i32, i32, i32
  }
  func.func @transform_4(%arg0: i32) -> (i32, i32, i32) {
    %sub3A = arith.constant 1 : i32
    %sub3A_0 = arith.subi %arg0, %sub3A : i32
    %max3A = arith.constant 0 : i32
    %max3A_1 = arith.maxsi %sub3A_0, %max3A : i32
    %c0_i32 = arith.constant 0 : i32
    %c0_i32_2 = arith.constant 0 : i32
    %c0_i32_3 = arith.constant 0 : i32
    return %max3A_1, %c0_i32, %c0_i32_2 : i32, i32, i32
  }
  func.func @transform_5(%arg0: i32) -> (i32, i32) {
    %c0_i32 = arith.constant 0 : i32
    %c0_i32_0 = arith.constant 0 : i32
    %c0_i32_1 = arith.constant 0 : i32
    return %c0_i32, %c0_i32_0 : i32, i32
  }
  func.func @transform_6(%arg0: i32) -> (i32, i32) {
    %c0_i32 = arith.constant 0 : i32
    %c0_i32_0 = arith.constant 0 : i32
    %c0_i32_1 = arith.constant 0 : i32
    return %c0_i32, %c0_i32_0 : i32, i32
  }
  func.func @transform_7(%arg0: i32) -> (i32, i32) {
    %c0_i32 = arith.constant 0 : i32
    %c0_i32_0 = arith.constant 0 : i32
    %c0_i32_1 = arith.constant 0 : i32
    return %c0_i32, %c0_i32_0 : i32, i32
  }
  func.func @transform_8(%arg0: i32) -> (i32, i32) {
    %c0_i32 = arith.constant 0 : i32
    %c0_i32_0 = arith.constant 0 : i32
    %c0_i32_1 = arith.constant 0 : i32
    return %c0_i32, %c0_i32_0 : i32, i32
  }
}

</mosaic_0001>

<sc_bundles>
// kernel: kernel.5.cloned.1.call-start
scs
__scs_entry_jumppad:
0x0: {  	(pc) =	sbr.rel $0x88, $3  }
0x1: {  	(tag) =	ssettag $0x0;
	lr =	simm.s32 $0x1  }
0x2: {  	[smem:$0x3F98] =	sst lr;
	_ =	strace $0xD0000000  }
0x3: {  	_ = 	snop  }
0x4: {  	_ = 	snop  }
0x5: {  	_ = 	snop  }
0x6: {  	_ = 	snop  }
0x7: {  	_ = 	snop  }
__scs_overlays_trampoline_lowered:
0x8: {  	[smem:$0x3FA7] =	sst s0  }
0x9: {  	[smem:$0x3FA8] =	sst s1  }
0xa: {  	[smem:$0x3FA9] =	sst s2  }
0xb: {  	[smem:$0x3FAA] =	sst s3  }
0xc: {  	[smem:$0x3FAB] =	sst s4  }
0xd: {  	[smem:$0x3FAC] =	sst s5  }
0xe: {  	[smem:$0x3FAD] =	sst s6  }
0xf: {  	[smem:$0x3FAE] =	sst s7  }
0x10: {  	[smem:$0x3FAF] =	sst s8  }
0x11: {  	[smem:$0x3FB0] =	sst s9;
	s0 =	simm.s32 @!p0 $0x0  }
0x12: {  	s1 =	sld [smem:$0x3F96];
	s0 =	simm.s32 @p0 $0x1  }
0x13: {  	[smem:$0x3FB1] =	sst s0;
	s0 =	simm.s32 @!p1 $0x0  }
0x14: {  	s2 =	sld [smem:$0x3F95];
	s0 =	simm.s32 @p1 $0x1  }
0x15: {  	[smem:$0x3FB2] =	sst s0;
	s0 =	simm.s32 @!p2 $0x0  }
0x16: {  	s3 =	sld [smem:$0x3FDB];
	s0 =	simm.s32 @p2 $0x1  }
0x17: {  	s4 =	simm.s32 $0x1BF5;
	[smem:$0x3FB4] =	sst s0  }
0x18: {  	s0 =	sld [smem:$0x3F97];
	_ =	swait.ge [sflag:s4], $0x0  }
0x19: {  	s7 =	sld [smem:$0x3F98]  }
0x1a: {  	s8 =	sadd.s32 $0xFFFFE003, lr  }
0x1b: {  	s9 =	sadd.s32 $0xFFFFFEF7, lr;
	s5 =	simm.s32 $0xFFFFFFFF;
	p2 =	slt.u32 s8, $0xFFFFF086  }
0x1c: {  	p1 =	slt.u32 s9, $0xF7A;
	s5 =	simm.s32 @!p2 $0x0  }
0x1d: {  	s5 =	simm.s32 @p1 $0x1;
	p0 =	seq.s32 s7, s2  }
0x1e: {  	s7 =	smul.u32 @!p0 $0xF7A, s2;
	p2 =	seq.s32 @!p0 s5, $0x0  }
0x1f: {  	s9 =	smul.u32 $0xF7A, s1;
	s8 =	simm.s32 @!p0 $0x1BF5;
	p2 =	por !p2, p0  }
0x20: {  	[sflag:s8] =	ssyncset.s32 @!p0 $0xFFFFF086;
	s6 =	sadd.s32 @!p0 s3, s7;
	s7 =	simm.s32 @!p0 $0x108  }
0x21: {  	s3 =	sadd.s32 s3, s9;
	s6 =	sadd.s32 @!p0 $0x88, s6;
	s7 =	simm.s32 @p2 $0x1082  }
0x22: {  	[simem:s7], [sflag:s8] =	dma.local @!p0 [hbm:s6], $0xF7A  }
0x23: {  	s9 =	sor.u32 $0xD0000000, s2;
	s6 =	simm.s32 $0x108;
	_ =	swait.ge @!p0 [sflag:s8], $0x0  }
0x24: {  	s3 =	sadd.s32 $0x88, s3;
	s6 =	simm.s32 @!p1 $0x1082;
	[sflag:s4] =	ssyncset.s32 $0xFFFFF086  }
0x25: {  	[simem:s6], [sflag:s4] =	dma.local [hbm:s3], $0xF7A  }
0x26: {  	[smem:$0x3F98] =	sst s1;
	(tag) =	ssettag s2;
	_ =	strace s9  }
0x27: {  	s1 =	sld [smem:$0x3FA8]  }
0x28: {  	s2 =	sld [smem:$0x3FA9]  }
0x29: {  	s4 =	sld [smem:$0x3FAB]  }
0x2a: {  	p0 =	seq.s32 s5, $0x0;
	s5 =	sld [smem:$0x3FAC]  }
0x2b: {  	s6 =	sld [smem:$0x3FAD]  }
0x2c: {  	s7 =	sld [smem:$0x3FAE]  }
0x2d: {  	s3 =	simm.s32 $0x108;
	s8 =	sld [smem:$0x3FAF]  }
0x2e: {  	s3 =	simm.s32 @!p0 $0x1082;
	s9 =	sld [smem:$0x3FB0]  }
0x2f: {  	lr =	sadd.s32 s0, s3;
	s0 =	sld [smem:$0x3FA7]  }
0x30: {  	s3 =	sld [smem:$0x3FAA]  }
0x31: {  	[smem:$0x3FB3] =	sst s10  }
0x32: {  	s10 =	sld [smem:$0x3FB1];
	_ =	sdelay $0x3  }
0x33: {  	p0 =	seq.s32 s10, $0x1;
	s10 =	sld [smem:$0x3FB3];
	_ =	sdelay $0x3  }
0x34: {  	[smem:$0x3FB3] =	sst s10  }
0x35: {  	s10 =	sld [smem:$0x3FB2];
	_ =	sdelay $0x3  }
0x36: {  	p1 =	seq.s32 s10, $0x1;
	s10 =	sld [smem:$0x3FB3];
	_ =	sdelay $0x3  }
0x37: {  	[smem:$0x3FB3] =	sst s10  }
0x38: {  	s10 =	sld [smem:$0x3FB4]  }
0x39: {  	_ = 	snop;
	(pc) =	sbr.ind lr, $3  }
0x3a: {  	_ = 	snop  }
0x3b: {  	_ = 	snop  }
0x3c: {  	p2 =	seq.s32 s10, $0x1;
	s10 =	sld [smem:$0x3FB3]  }
0x3d: {  	_ =	shalt  }
0x3e: {  	_ =	shalt  }
0x3f: {  	_ =	shalt  }
0x40: {  	_ =	shalt  }
0x41: {  	_ =	shalt  }
0x42: {  	_ =	shalt  }
0x43: {  	_ =	shalt  }
0x44: {  	_ =	shalt  }
0x45: {  	_ =	shalt  }
0x46: {  	_ =	shalt  }
0x47: {  	_ =	shalt  }
0x48: {  	_ =	shalt  }
0x49: {  	_ =	shalt  }
0x4a: {  	_ =	shalt  }
0x4b: {  	_ =	shalt  }
0x4c: {  	_ =	shalt  }
0x4d: {  	_ =	shalt  }
0x4e: {  	_ =	shalt  }
0x4f: {  	_ =	shalt  }
0x50: {  	_ =	shalt  }
0x51: {  	_ =	shalt  }
0x52: {  	_ =	shalt  }
0x53: {  	_ =	shalt  }
0x54: {  	_ =	shalt  }
0x55: {  	_ =	shalt  }
0x56: {  	_ =	shalt  }
0x57: {  	_ =	shalt  }
0x58: {  	_ =	shalt  }
0x59: {  	_ =	shalt  }
0x5a: {  	_ =	shalt  }
0x5b: {  	_ =	shalt  }
0x5c: {  	_ =	shalt  }
0x5d: {  	_ =	shalt  }
0x5e: {  	_ =	shalt  }
0x5f: {  	_ =	shalt  }
0x60: {  	_ =	shalt  }
0x61: {  	_ =	shalt  }
0x62: {  	_ =	shalt  }
0x63: {  	_ =	shalt  }
0x64: {  	_ =	shalt  }
0x65: {  	_ =	shalt  }
0x66: {  	_ =	shalt  }
0x67: {  	_ =	shalt  }
0x68: {  	_ =	shalt  }
0x69: {  	_ =	shalt  }
0x6a: {  	_ =	shalt  }
0x6b: {  	_ =	shalt  }
0x6c: {  	_ =	shalt  }
0x6d: {  	_ =	shalt  }
0x6e: {  	_ =	shalt  }
0x6f: {  	_ =	shalt  }
0x70: {  	_ =	shalt  }
0x71: {  	_ =	shalt  }
0x72: {  	_ =	shalt  }
0x73: {  	_ =	shalt  }
0x74: {  	_ =	shalt  }
0x75: {  	_ =	shalt  }
0x76: {  	_ =	shalt  }
0x77: {  	_ =	shalt  }
0x78: {  	_ =	shalt  }
0x79: {  	_ =	shalt  }
0x7a: {  	_ =	shalt  }
0x7b: {  	_ =	shalt  }
0x7c: {  	_ =	shalt  }
0x7d: {  	_ =	shalt  }
0x7e: {  	_ =	shalt  }
0x7f: {  	_ =	shalt  }
0x80: {  	_ =	shalt  }
0x81: {  	_ =	shalt  }
0x82: {  	_ =	shalt  }
0x83: {  	_ =	shalt  }
0x84: {  	_ =	shalt  }
0x85: {  	_ =	shalt  }
0x86: {  	_ =	shalt  }
0x87: {  	_ =	shalt  }
.Lfunc_end0:
.L_simem_size_0:
called_computation_lowered:
.L_overlay_start_0:
0x88: {  	s2 =	sld [smem:$0x3FD9]  }
0x89: {  	s3 =	sld [smem:$0x3FFE];
	_ =	sdelay $0x1  }
0x8a: {  	s1 =	srdreg.scid  }
0x8b: {  	s0 =	sand.u32 $0x1, s1  }
0x8c: {  	s17 =	sshll.u32 s0, $0xA;
	s2 =	sadd.s32 s3, s2  }
0x8d: {  	s2 =	sadd.s32 s2, s17  }
0x8e: {  	[smem:$0x3FBF] =	sst s2  }
0x8f: {  	_ = 	snop  }
0x90: {  	s2 =	sld [smem:$0x3FD0];
	(tm) =	ssettm $0x1  }
0x91: {  	s18 =	sld [smem:$0x3FFB];
	_ =	sdelay $0x3  }
0x92: {  	_ =	strace s18  }
0x93: {  	s3 =	sld [smem:$0x3FFC];
	_ =	sdelay $0x3  }
0x94: {  	_ =	strace s3  }
0x95: {  	s3 =	sld [smem:$0x3FFD];
	_ =	sdelay $0x3  }
0x96: {  	_ =	strace s3  }
0x97: {  	_ =	strace $0x8FFFFFFF  }
0x98: {  	s19 =	sld [smem:$0x3FDB];
	_ =	sdelay $0x1  }
0x99: {  	s4 =	simm.s32 $_scs_section_size  }
0x9a: {  	s5 =	simm.s32 $_size__tile_overlayer_lowered;
	s6 =	simm.s32 $_tile_overlayer_lowered  }
0x9b: {  	s22 =	simm.s32 $0x1BFF;
	s21 =	sshll.u32 s6, $0x1;
	s3 =	sadd.s32 s4, s19  }
0x9c: {  	s7 =	simm.s32 $0x0;
	s20 =	sshll.u32 s5, $0x1;
	s5 =	sadd.s32 s21, s3  }
0x9d: {  	[timem:s7], [sflag:s22] =	dma.local [hbm:s5], s20  }
0x9e: {  	_ =	swait.ge [sflag:s22], s20  }
0x9f: {  	s4 =	ssub.s32 $0x0, s20;
	[sflag:s22] =	ssyncset.done $0x0  }
0xa0: {  	[sflag:s22] =	ssyncadd.s32 s4;
	_ =	sdelay $0x1  }
0xa1: {  	s23 =	simm.s32 $0x1B8B  }
0xa2: {  	_ =	swait.ge [sflag:s23], $0x1  }
0xa3: {  	[sflag:s23] =	ssyncset.done $0x0  }
0xa4: {  	s25 =	simm.s32 $0x1B8E;
	s24 =	sld [smem:$0x3FFE];
	[sflag:s23] =	ssyncadd.s32 $0xFFFFFFFF  }
0xa5: {  	s26 =	simm.s32 $execute0_lowered;
	[smem:$0x3FD2] =	sst s25  }
0xa6: {  	s5 =	sshll.u32 s26, $0x1;
	_ =	strace $0x80000046;
	[dreg:$0x1] =	wrdreg $0xFFFFFFFF  }
0xa7: {  	s28 =	simm.s32 $_size_execute0_lowered;
	s3 =	sadd.s32 s3, s5;
	[dreg:$0x0] =	wrdreg $0x0  }
0xa8: {  	s5 =	sshll.u32 s28, $0x1;
	[dreg:$0x2] =	wrdreg s3  }
0xa9: {  	[dreg:$0x3] =	wrdreg s5  }
0xaa: {  	[dreg:$0x4] =	wrdreg $0xC0  }
0xab: {  	_ =	task [dreg:s7], $0x5FFFF  }
0xac: {  	[dreg:$0x1] =	wrdreg $0xFFFFFFFF  }
0xad: {  	[dreg:$0x0] =	wrdreg $0x60  }
0xae: {  	[dreg:$0x2] =	wrdreg s2  }
0xaf: {  	[dreg:$0x3] =	wrdreg s24  }
0xb0: {  	[dreg:$0x4] =	wrdreg $0x9  }
0xb1: {  	_ =	task.clear_ibuf [dreg:s7], $0x5FFFF;
	_ =	strace $0x90000046  }
0xb2: {  	s29 =	simm.s32 $0x9;
	_ =	strace $0x80000048  }
0xb3: {  	_ =	swait.ge [sflag:s29], $0x1  }
0xb4: {  	[sflag:s29] =	ssyncadd.s32 $0xFFFFFFFF  }
0xb5: {  	_ =	strace $0x90000048  }
0xb6: {  	_ =	sfence  }
0xb7: {  	s30 =	sld [smem:$0x0];
	_ =	sdelay $0x2  }
0xb8: {  	s31 =	sshll.u32 s1, $0xD;
	s1 =	sshrl.u32 s1, $0x2  }
0xb9: {  	s3 =	sand.u32 $0x4000, s31;
	s1 =	sadd.s32 s1, s30  }
0xba: {  	s0 =	sor.u32 s3, s0;
	s1 =	sshll.u32 s1, $0x11  }
0xbb: {  	s0 =	sor.u32 s1, s0  }
0xbc: {  	s0 =	sadd.s32 $0x8F2B, s0  }
0xbd: {  	[sflag:s0] =	ssyncadd.remote.s32 $0x1  }
0xbe: {  	_ =	sfence.sel $0xFFFF  }
0xbf: {  	[dreg:$0x0] =	wrdreg $0xFFFFFFFF;
	(pc) =	sbr.abs _section_cstart, $3  }
0xc0: {  	[dreg:$0x1] =	wrdreg $0xFFFFFFFF  }
0xc1: {  	_ =	task.clear_ibuf [dreg:s7], $0x2FFFF;
	_ =	strace $0x9FFFFFFF  }
0xc2: {  	(tm) =	ssettm $0x7FFFFFFF  }
0xc3: {  	_ =	shalt  }
tec
execute0_lowered:
.L_overlay_start_1:
0x0: {  	(tag) =	ssettag $0x1  }
0x1: {  	s1 =	stileid.u32  }
0x2: {  	p0 =	sgt.u32 s1, $0x3  }
.Ltmp0:
0x3: {  	_ = 	snop;
	(pc) =	sbr.rel @p0 .LBB2_3-.Ltmp0, $4  }
0x4: {  	s6 =	rddreg [dreg:$0x0]  }
0x5: {  	s3 =	rddreg [dreg:$0x1];
	s2 =	simm.s32 $0x0  }
0x6: {  	[smem:$0x7FF] =	sst s2  }
0x7: {  	s0 =	rddreg [dreg:$0x2];
	_ =	strace $0x80000047  }
0x8: {  	v0 =	vlaneseq.u32  }
0x9: {  	v0 =	vmul.u32 $0x40, v0;
	_ =	sdelay $0x1  }
0xa: {  	v1 =	vor.u32 $0x1, v0  }
0xb: {  	v23 =	vor.u32 $0x16, v0;
	[tilespmem:$0x1FEB0] =	vst v1;
	v1 =	vor.u32 $0x2, v0  }
0xc: {  	v24 =	vor.u32 $0x17, v0;
	v25 =	vor.u32 $0x18, v0;
	[tilespmem:$0x1FEC0] =	vst v1;
	v1 =	vor.u32 $0x3, v0  }
0xd: {  	v26 =	vor.u32 $0x19, v0;
	v27 =	vor.u32 $0x1A, v0;
	[tilespmem:$0x1FED0] =	vst v1;
	v1 =	vor.u32 $0x4, v0  }
0xe: {  	v28 =	vor.u32 $0x1B, v0;
	v29 =	vor.u32 $0x1C, v0;
	[tilespmem:$0x1FEE0] =	vst v1;
	v1 =	vor.u32 $0x5, v0  }
0xf: {  	v30 =	vor.u32 $0x1D, v0;
	v31 =	vor.u32 $0x1E, v0;
	[tilespmem:$0x1FEF0] =	vst v1;
	v1 =	vor.u32 $0x6, v0  }
0x10: {  	v32 =	vor.u32 $0x1F, v0;
	v33 =	vor.u32 $0x20, v0;
	[tilespmem:$0x1FF00] =	vst v1;
	v1 =	vor.u32 $0x7, v0  }
0x11: {  	v34 =	vor.u32 $0x21, v0;
	v35 =	vor.u32 $0x22, v0;
	[tilespmem:$0x1FF10] =	vst v1;
	v1 =	vor.u32 $0x8, v0  }
0x12: {  	v36 =	vor.u32 $0x23, v0;
	v37 =	vor.u32 $0x24, v0;
	[tilespmem:$0x1FF20] =	vst v1;
	v1 =	vor.u32 $0x9, v0  }
0x13: {  	v38 =	vor.u32 $0x25, v0;
	v39 =	vor.u32 $0x26, v0;
	[tilespmem:$0x1FF30] =	vst v1;
	v1 =	vor.u32 $0xA, v0  }
0x14: {  	v40 =	vor.u32 $0x27, v0;
	v41 =	vor.u32 $0x28, v0;
	[tilespmem:$0x1FF40] =	vst v1;
	v1 =	vor.u32 $0xB, v0  }
0x15: {  	v42 =	vor.u32 $0x29, v0;
	v43 =	vor.u32 $0x2A, v0;
	[tilespmem:$0x1FF50] =	vst v1;
	v1 =	vor.u32 $0xC, v0  }
0x16: {  	v44 =	vor.u32 $0x2B, v0;
	v45 =	vor.u32 $0x2C, v0;
	[tilespmem:$0x1FF60] =	vst v1;
	v1 =	vor.u32 $0xD, v0  }
0x17: {  	v46 =	vor.u32 $0x2D, v0;
	v47 =	vor.u32 $0x2E, v0;
	[tilespmem:$0x1FF70] =	vst v1;
	v1 =	vor.u32 $0xE, v0  }
0x18: {  	v48 =	vor.u32 $0x2F, v0;
	v49 =	vor.u32 $0x30, v0;
	[tilespmem:$0x1FF80] =	vst v1;
	v1 =	vor.u32 $0xF, v0  }
0x19: {  	s4 =	srdreg.scid;
	v50 =	vor.u32 $0x31, v0;
	v51 =	vor.u32 $0x32, v0;
	[tilespmem:$0x1FF90] =	vst v1;
	v1 =	vor.u32 $0x10, v0  }
0x1a: {  	s4 =	sand.u32 $0x1, s4;
	v52 =	vor.u32 $0x33, v0;
	v53 =	vor.u32 $0x34, v0;
	[tilespmem:$0x1FFA0] =	vst v1;
	v1 =	vor.u32 $0x11, v0  }
0x1b: {  	s5 =	sshll.u32 s1, $0x8;
	s7 =	sshll.u32 s4, $0x7;
	s31 =	ssub.s32 $0x2, s4;
	v54 =	vor.u32 $0x35, v0;
	v55 =	vor.u32 $0x36, v0;
	[tilespmem:$0x1FFB0] =	vst v1;
	v1 =	vor.u32 $0x12, v0  }
0x1c: {  	s10 =	simm.s32 $0x800;
	s7 =	sor.u32 s7, s5;
	s9 =	sshrl.u32 s31, $0x1;
	v56 =	vor.u32 $0x37, v0;
	v57 =	vor.u32 $0x38, v0;
	[tilespmem:$0x1FFC0] =	vst v1;
	v1 =	vor.u32 $0x13, v0  }
0x1d: {  	v58 =	vor.u32 $0x39, v0;
	v59 =	vor.u32 $0x3A, v0;
	s8 =	sadd.s32 s7, s3;
	s9 =	ssub.s32 s31, s9;
	s6 =	sadd.s32 s6, s7;
	[tilespmem:$0x1FFD0] =	vst v1;
	v1 =	vor.u32 $0x14, v0  }
0x1e: {  	v60 =	vor.u32 $0x3B, v0;
	s3 =	sadd.s32 $0xE00, s8;
	s4 =	sadd.s32 $0x1200, s8;
	s5 =	sadd.s32 $0x1600, s8;
	[tilespmem:$0x1FFE0] =	vst v1;
	v1 =	vor.u32 $0x15, v0  }
0x1f: {  	v61 =	vor.u32 $0x3C, v0;
	v62 =	vor.u32 $0x3D, v0;
	v63 =	vor.u32 $0x3E, v0;
	s7 =	smax.u32 s9, $0x1;
	s8 =	simm.s32 $0x1;
	s9 =	simm.s32 $0x400;
	[tilespmem:$0x1FFF0] =	vst v1  }
.LBB2_2:
0x20: {  	[tilespmem:s2], [sflag:$0x1] =	stream.linear.gather [hbm4b:s6+s2], $0x400, $0x38;
	[tilespmem:$0xC00] =	vst v63  }
0x21: {  	_ =	swait.ge [sflag:s8], $0x400  }
0x22: {  	[sflag:s8] =	ssyncset.done $0x0  }
0x23: {  	[sflag:s8] =	ssyncadd.s32 $0xFFFFFC00  }
0x24: {  	[tilespmem:s9], [sflag:$0x1] =	stream.linear.gather [hbm4b:s3+s2], $0x400, $0x38;
	[tilespmem:$0xC00] =	vst v63  }
0x25: {  	_ =	swait.ge [sflag:s8], $0x400  }
0x26: {  	[sflag:s8] =	ssyncset.done $0x0  }
0x27: {  	[sflag:s8] =	ssyncadd.s32 $0xFFFFFC00  }
0x28: {  	[tilespmem:s10], [sflag:$0x1] =	stream.linear.gather [hbm4b:s4+s2], $0x400, $0x38;
	[tilespmem:$0xC00] =	vst v63  }
0x29: {  	_ =	swait.ge [sflag:s8], $0x400  }
0x2a: {  	v1 =	vld [tilespmem:$0x1FEB0];
	_ =	sdelay $0x1  }
0x2b: {  	v3 =	vld [tilespmem:$0x1FEC0];
	_ =	sdelay $0x1  }
0x2c: {  	[sflag:s8] =	ssyncset.done $0x0  }
0x2d: {  	v5 =	vld [tilespmem:$0x1FED0];
	[sflag:s8] =	ssyncadd.s32 $0xFFFFFC00  }
0x2e: {  	v2 =	vld.idx.msk [tilespmem:v0+s9+$0x0], $0xffff;
	_ =	sdelay $0x1  }
0x2f: {  	v1 =	vld.idx.msk [tilespmem:v1+s9+$0x0], $0xffff  }
0x30: {  	v9 =	vld [tilespmem:$0x1FEE0]  }
0x31: {  	v3 =	vld.idx.msk [tilespmem:v3+s9+$0x0], $0xffff  }
0x32: {  	vm0 =	vgt.f32 v2, $-Inf  }
0x33: {  	v2 =	vnsel vm0, $0xFF800000, v2  }
0x34: {  	v7 =	vimm.s32 $0x0;
	v5 =	vld.idx.msk [tilespmem:v5+s9+$0x0], $0xffff;
	vm0 =	vgt.f32 v1, v2  }
0x35: {  	vm1 =	vmneg vm0;
	v4 =	vsel vm0, v2, v1;
	v1 =	vsel vm0, v1, v2  }
0x36: {  	vm2 =	vlt.f32 v4, $-Inf;
	vm3 =	vgt.f32 v4, $-Inf;
	vm14 =	vgt.f32 v3, v1  }
0x37: {  	v2 =	vsel vm0, $0x1, v7;
	vm13 =	vmor vm3, vm2;
	v6 =	vsel vm14, v1, v3  }
0x38: {  	v9 =	vld.idx.msk [tilespmem:v9+s9+$0x0], $0xffff;
	v1 =	vsel vm14, v3, v1;
	v3 =	vsel vm14, $0x2, v2;
	v2 =	vnsel vm14, $0x2, v2  }
0x39: {  	v4 =	vnsel vm13, $0xFF800000, v4;
	vm0 =	vmand vm13, vm1;
	vm6 =	vgt.f32 v5, v1  }
0x3a: {  	v7 =	vsel vm0, $0x1, v7;
	vm15 =	vgt.f32 v6, v4;
	v16 =	vsel vm6, v1, v5  }
0x3b: {  	v1 =	vsel vm6, v5, v1;
	v5 =	vsel vm6, $0x3, v3;
	v3 =	vnsel vm6, $0x3, v3  }
0x3c: {  	v8 =	vsel vm15, v4, v6;
	v4 =	vsel vm15, v6, v4;
	v14 =	vsel vm15, v2, v7  }
0x3d: {  	v2 =	vsel vm15, v7, v2;
	vm11 =	vgt.f32 v9, v1;
	vm7 =	vgt.f32 v16, v4  }
0x3e: {  	vm4 =	vlt.f32 v8, $-Inf;
	v10 =	vsel vm7, v4, v16;
	v4 =	vsel vm7, v16, v4;
	v16 =	vld [tilespmem:$0x1FEF0]  }
0x3f: {  	vm5 =	vgt.f32 v8, $-Inf;
	v11 =	vsel vm11, v1, v9;
	v1 =	vsel vm11, v9, v1  }
0x40: {  	v12 =	vsel vm11, $0x4, v5;
	v5 =	vnsel vm11, $0x4, v5;
	vm1 =	vmor vm5, vm4  }
0x41: {  	v15 =	vnsel vm1, $0xFF800000, v8;
	v8 =	vsel vm7, v3, v14;
	v3 =	vsel vm7, v14, v3;
	v14 =	vld [tilespmem:$0x1FF00]  }
0x42: {  	v2 =	vnsel vm1, $0x0, v2;
	vm12 =	vgt.f32 v11, v4;
	vm8 =	vgt.f32 v10, v15  }
0x43: {  	v19 =	vsel vm12, v4, v11;
	v4 =	vsel vm12, v11, v4;
	v11 =	vsel vm12, v5, v8  }
0x44: {  	v5 =	vsel vm12, v8, v5;
	v17 =	vsel vm8, v10, v15;
	v7 =	vsel vm8, v15, v10  }
0x45: {  	v18 =	vsel vm8, v3, v2;
	vm9 =	vlt.f32 v7, $-Inf;
	vm10 =	vgt.f32 v7, $-Inf  }
0x46: {  	v2 =	vsel vm8, v2, v3;
	vm13 =	vgt.f32 v19, v17;
	vm0 =	vmor vm10, vm9;
	v9 =	vld.idx.msk [tilespmem:v16+s9+$0x0], $0xffff  }
0x47: {  	v13 =	vsel vm13, v17, v19;
	v6 =	vsel vm13, v19, v17;
	v3 =	vnsel vm0, $0xFF800000, v7  }
0x48: {  	v2 =	vnsel vm0, $0x0, v2;
	v7 =	vsel vm13, v5, v18;
	vm14 =	vgt.f32 v13, v3  }
0x49: {  	v5 =	vsel vm13, v18, v5;
	v8 =	vsel vm14, v13, v3;
	v3 =	vsel vm14, v3, v13;
	v14 =	vld.idx.msk [tilespmem:v14+s9+$0x0], $0xffff  }
0x4a: {  	v10 =	vsel vm14, v5, v2;
	vm6 =	vlt.f32 v3, $-Inf;
	vm7 =	vgt.f32 v3, $-Inf  }
0x4b: {  	v2 =	vsel vm14, v2, v5;
	vm8 =	vmor vm7, vm6;
	vm15 =	vgt.f32 v9, v1  }
0x4c: {  	v3 =	vnsel vm8, $0xFF800000, v3;
	v2 =	vnsel vm8, $0x0, v2;
	v17 =	vsel vm15, v1, v9  }
0x4d: {  	v1 =	vsel vm15, v9, v1;
	v18 =	vsel vm15, $0x5, v12;
	vm9 =	vgt.f32 v17, v4  }
0x4e: {  	v12 =	vnsel vm15, $0x5, v12;
	vm13 =	vgt.f32 v14, v1;
	v5 =	vsel vm9, v4, v17  }
0x4f: {  	v4 =	vsel vm9, v17, v4;
	v17 =	vsel vm13, v1, v14;
	v1 =	vsel vm13, v14, v1  }
0x50: {  	v14 =	vsel vm13, $0x6, v18;
	v9 =	vnsel vm13, $0x6, v18;
	v18 =	vld [tilespmem:$0x1FF10];
	vm10 =	vgt.f32 v5, v6  }
0x51: {  	v15 =	vsel vm9, v12, v11;
	v11 =	vsel vm9, v11, v12;
	v19 =	vsel vm10, v6, v5  }
0x52: {  	vm5 =	vgt.f32 v17, v4;
	v5 =	vsel vm10, v5, v6;
	vm11 =	vgt.f32 v19, v8  }
0x53: {  	v6 =	vsel vm10, v11, v7;
	v7 =	vsel vm10, v7, v11;
	v16 =	vsel vm11, v8, v19  }
0x54: {  	v8 =	vsel vm11, v19, v8;
	v11 =	vsel vm11, v7, v10;
	vm12 =	vgt.f32 v16, v3  }
0x55: {  	v7 =	vsel vm11, v10, v7;
	v10 =	vsel vm12, v16, v3;
	v3 =	vsel vm12, v3, v16  }
0x56: {  	v12 =	vsel vm12, v7, v2;
	v2 =	vsel vm12, v2, v7;
	v7 =	vsel vm5, v4, v17  }
0x57: {  	v4 =	vsel vm5, v17, v4;
	v16 =	vsel vm5, v9, v15;
	v9 =	vsel vm5, v15, v9  }
0x58: {  	vm14 =	vlt.f32 v3, $-Inf;
	vm15 =	vgt.f32 v3, $-Inf;
	vm6 =	vgt.f32 v7, v5;
	v15 =	vld.idx.msk [tilespmem:v18+s9+$0x0], $0xffff  }
0x59: {  	vm4 =	vmor vm15, vm14;
	v13 =	vsel vm6, v5, v7;
	v5 =	vsel vm6, v7, v5  }
0x5a: {  	v7 =	vsel vm6, v9, v6;
	v6 =	vsel vm6, v6, v9;
	vm7 =	vgt.f32 v13, v8  }
0x5b: {  	v3 =	vnsel vm4, $0xFF800000, v3;
	v2 =	vnsel vm4, $0x0, v2;
	v17 =	vsel vm7, v8, v13  }
0x5c: {  	v8 =	vsel vm7, v13, v8;
	v9 =	vsel vm7, v6, v11;
	vm8 =	vgt.f32 v17, v10  }
0x5d: {  	v6 =	vsel vm7, v11, v6;
	v19 =	vsel vm8, v10, v17;
	vm10 =	vgt.f32 v15, v1  }
0x5e: {  	v10 =	vsel vm8, v17, v10;
	v13 =	vsel vm8, v6, v12;
	v17 =	vsel vm10, v1, v15  }
0x5f: {  	v6 =	vsel vm8, v12, v6;
	vm9 =	vgt.f32 v19, v3;
	vm4 =	vgt.f32 v17, v4  }
0x60: {  	v11 =	vsel vm9, v6, v2;
	v2 =	vsel vm9, v2, v6;
	v6 =	vsel vm4, v4, v17  }
0x61: {  	v1 =	vsel vm10, v15, v1;
	vm14 =	vgt.f32 v6, v5  }
0x62: {  	v15 =	vsel vm10, $0x7, v14;
	v14 =	vnsel vm10, $0x7, v14;
	v18 =	vsel vm14, v5, v6  }
0x63: {  	v4 =	vsel vm4, v17, v4;
	v17 =	vsel vm4, v14, v16;
	vm15 =	vgt.f32 v18, v8  }
0x64: {  	v14 =	vsel vm4, v16, v14;
	v16 =	vsel vm15, v8, v18;
	v8 =	vsel vm15, v18, v8;
	v18 =	vld [tilespmem:$0x1FF20];
	_ =	sdelay $0x3  }
0x65: {  	v12 =	vsel vm9, v19, v3;
	v3 =	vsel vm9, v3, v19  }
0x66: {  	vm11 =	vlt.f32 v3, $-Inf;
	vm12 =	vgt.f32 v3, $-Inf  }
0x67: {  	vm13 =	vmor vm12, vm11  }
0x68: {  	v3 =	vnsel vm13, $0xFF800000, v3  }
0x69: {  	v5 =	vsel vm14, v6, v5;
	v6 =	vsel vm14, v14, v7;
	v7 =	vsel vm14, v7, v14;
	v18 =	vld.idx.msk [tilespmem:v18+s9+$0x0], $0xffff  }
0x6a: {  	v2 =	vnsel vm13, $0x0, v2;
	v19 =	vsel vm15, v7, v9;
	vm4 =	vgt.f32 v16, v10  }
0x6b: {  	v7 =	vsel vm15, v9, v7;
	v14 =	vsel vm4, v10, v16;
	v9 =	vsel vm4, v16, v10  }
0x6c: {  	v10 =	vsel vm4, v7, v13;
	v7 =	vsel vm4, v13, v7;
	vm5 =	vgt.f32 v14, v12  }
0x6d: {  	v16 =	vsel vm5, v12, v14;
	v12 =	vsel vm5, v14, v12;
	v13 =	vsel vm5, v7, v11  }
0x6e: {  	v7 =	vsel vm5, v11, v7;
	vm6 =	vgt.f32 v16, v3;
	vm7 =	vgt.f32 v18, v1  }
0x6f: {  	v11 =	vsel vm6, v16, v3;
	v3 =	vsel vm6, v3, v16;
	v16 =	vsel vm7, v1, v18  }
0x70: {  	v14 =	vsel vm6, v7, v2;
	v2 =	vsel vm6, v2, v7;
	vm11 =	vgt.f32 v16, v4  }
0x71: {  	v1 =	vsel vm7, v18, v1;
	v18 =	vsel vm7, $0x8, v15;
	v7 =	vsel vm11, v4, v16  }
0x72: {  	v15 =	vnsel vm7, $0x8, v15;
	v4 =	vsel vm11, v16, v4;
	vm12 =	vgt.f32 v7, v5  }
0x73: {  	v20 =	vsel vm11, v15, v17;
	v15 =	vsel vm11, v17, v15;
	v16 =	vsel vm12, v5, v7  }
0x74: {  	v5 =	vsel vm12, v7, v5;
	v7 =	vsel vm12, v15, v6;
	v6 =	vsel vm12, v6, v15;
	v15 =	vld [tilespmem:$0x1FF30];
	_ =	sdelay $0x5  }
0x75: {  	vm13 =	vgt.f32 v16, v8  }
0x76: {  	vm8 =	vlt.f32 v3, $-Inf;
	vm9 =	vgt.f32 v3, $-Inf;
	v17 =	vsel vm13, v8, v16  }
0x77: {  	vm10 =	vmor vm9, vm8;
	v8 =	vsel vm13, v16, v8;
	vm14 =	vgt.f32 v17, v9;
	v15 =	vld.idx.msk [tilespmem:v15+s9+$0x0], $0xffff  }
0x78: {  	v16 =	vsel vm13, v6, v19;
	v6 =	vsel vm13, v19, v6;
	v19 =	vsel vm14, v9, v17  }
0x79: {  	v9 =	vsel vm14, v17, v9;
	v17 =	vsel vm14, v6, v10;
	vm15 =	vgt.f32 v19, v12  }
0x7a: {  	v6 =	vsel vm14, v10, v6;
	v10 =	vsel vm15, v19, v12;
	v12 =	vsel vm15, v12, v19  }
0x7b: {  	v3 =	vnsel vm10, $0xFF800000, v3;
	v19 =	vsel vm15, v6, v13;
	vm4 =	vgt.f32 v12, v11  }
0x7c: {  	v6 =	vsel vm15, v13, v6;
	v13 =	vsel vm4, v12, v11;
	vm5 =	vgt.f32 v15, v1  }
0x7d: {  	v11 =	vsel vm4, v11, v12;
	v12 =	vsel vm4, v6, v14;
	v21 =	vsel vm5, v1, v15  }
0x7e: {  	v6 =	vsel vm4, v14, v6;
	v14 =	vnsel vm5, $0x9, v18;
	vm7 =	vgt.f32 v21, v4  }
0x7f: {  	v1 =	vsel vm5, v15, v1;
	v15 =	vsel vm7, v14, v20;
	v14 =	vsel vm7, v20, v14;
	v20 =	vld [tilespmem:$0x1FF40]  }
0x80: {  	v2 =	vnsel vm10, $0x0, v2;
	vm6 =	vgt.f32 v11, v3  }
0x81: {  	v2 =	vsel vm6, v6, v2;
	v6 =	vsel vm7, v4, v21  }
0x82: {  	vm8 =	vgt.f32 v6, v5  }
0x83: {  	v3 =	vsel vm6, v11, v3;
	v11 =	vsel vm5, $0x9, v18;
	v18 =	vsel vm8, v5, v6  }
0x84: {  	v5 =	vsel vm8, v6, v5;
	vm9 =	vgt.f32 v18, v8  }
0x85: {  	v6 =	vsel vm8, v14, v7;
	v7 =	vsel vm8, v7, v14;
	v14 =	vsel vm9, v8, v18  }
0x86: {  	v8 =	vsel vm9, v18, v8;
	v18 =	vsel vm9, v7, v16;
	vm10 =	vgt.f32 v14, v9  }
0x87: {  	v7 =	vsel vm9, v16, v7;
	v16 =	vsel vm10, v14, v9;
	v9 =	vsel vm10, v9, v14;
	v20 =	vld.idx.msk [tilespmem:v20+s9+$0x0], $0xffff  }
0x88: {  	v14 =	vsel vm10, v7, v17;
	vm11 =	vgt.f32 v9, v10  }
0x89: {  	v7 =	vsel vm10, v17, v7;
	v17 =	vsel vm11, v9, v10;
	v9 =	vsel vm11, v10, v9  }
0x8a: {  	v4 =	vsel vm7, v21, v4;
	v10 =	vsel vm11, v7, v19;
	vm12 =	vgt.f32 v9, v13  }
0x8b: {  	v7 =	vsel vm11, v19, v7;
	v19 =	vsel vm12, v9, v13;
	v9 =	vsel vm12, v13, v9  }
0x8c: {  	v21 =	vsel vm12, v7, v12;
	vm14 =	vgt.f32 v9, v3;
	vm13 =	vgt.f32 v20, v1  }
0x8d: {  	v7 =	vsel vm12, v12, v7;
	v3 =	vsel vm14, v9, v3;
	v13 =	vsel vm13, v1, v20  }
0x8e: {  	v2 =	vsel vm14, v7, v2;
	v7 =	vsel vm13, $0xA, v11;
	vm15 =	vgt.f32 v13, v4  }
0x8f: {  	v11 =	vnsel vm13, $0xA, v11;
	v9 =	vsel vm15, v4, v13;
	v4 =	vsel vm15, v13, v4  }
0x90: {  	v13 =	vsel vm15, v11, v15;
	v11 =	vsel vm15, v15, v11;
	vm4 =	vgt.f32 v9, v5  }
0x91: {  	v15 =	vsel vm4, v11, v6;
	v6 =	vsel vm4, v6, v11;
	v11 =	vld [tilespmem:$0x1FF50];
	_ =	sdelay $0x4  }
0x92: {  	v12 =	vsel vm4, v5, v9  }
0x93: {  	vm5 =	vgt.f32 v12, v8  }
0x94: {  	v5 =	vsel vm4, v9, v5;
	v9 =	vsel vm5, v8, v12  }
0x95: {  	v1 =	vsel vm13, v20, v1;
	vm6 =	vgt.f32 v9, v16;
	v11 =	vld.idx.msk [tilespmem:v11+s9+$0x0], $0xffff  }
0x96: {  	v8 =	vsel vm5, v12, v8;
	v12 =	vsel vm5, v6, v18;
	v20 =	vsel vm6, v16, v9  }
0x97: {  	v6 =	vsel vm5, v18, v6;
	v9 =	vsel vm6, v9, v16;
	vm7 =	vgt.f32 v20, v17  }
0x98: {  	v16 =	vsel vm6, v6, v14;
	v6 =	vsel vm6, v14, v6;
	v14 =	vsel vm7, v17, v20  }
0x99: {  	v17 =	vsel vm7, v20, v17;
	v18 =	vsel vm7, v6, v10;
	vm8 =	vgt.f32 v14, v19  }
0x9a: {  	v6 =	vsel vm7, v10, v6;
	v10 =	vsel vm8, v14, v19;
	vm9 =	vgt.f32 v11, v1  }
0x9b: {  	v14 =	vsel vm8, v19, v14;
	v19 =	vsel vm8, v6, v21;
	v20 =	vsel vm9, v1, v11  }
0x9c: {  	v6 =	vsel vm8, v21, v6;
	vm10 =	vgt.f32 v14, v3;
	vm11 =	vgt.f32 v20, v4  }
0x9d: {  	v2 =	vsel vm10, v6, v2;
	v6 =	vsel vm11, v4, v20  }
0x9e: {  	v3 =	vsel vm10, v14, v3;
	v1 =	vsel vm9, v11, v1;
	vm12 =	vgt.f32 v6, v5  }
0x9f: {  	v11 =	vsel vm9, $0xB, v7;
	v7 =	vnsel vm9, $0xB, v7;
	v14 =	vsel vm12, v5, v6  }
0xa0: {  	v4 =	vsel vm11, v20, v4;
	v20 =	vsel vm11, v7, v13;
	vm13 =	vgt.f32 v14, v8  }
0xa1: {  	v7 =	vsel vm11, v13, v7;
	v13 =	vsel vm13, v8, v14;
	v8 =	vsel vm13, v14, v8;
	v14 =	vld [tilespmem:$0x1FF60];
	_ =	sdelay $0x5  }
0xa2: {  	v5 =	vsel vm12, v6, v5  }
0xa3: {  	v6 =	vsel vm12, v7, v15;
	v7 =	vsel vm12, v15, v7;
	vm14 =	vgt.f32 v13, v9  }
0xa4: {  	v15 =	vsel vm13, v7, v12;
	v7 =	vsel vm13, v12, v7;
	v12 =	vsel vm14, v9, v13;
	v14 =	vld.idx.msk [tilespmem:v14+s9+$0x0], $0xffff  }
0xa5: {  	v9 =	vsel vm14, v13, v9;
	v13 =	vsel vm14, v7, v16;
	vm15 =	vgt.f32 v12, v17  }
0xa6: {  	v7 =	vsel vm14, v16, v7;
	v16 =	vsel vm15, v12, v17;
	v12 =	vsel vm15, v17, v12  }
0xa7: {  	v17 =	vsel vm15, v7, v18;
	vm4 =	vgt.f32 v12, v10  }
0xa8: {  	v7 =	vsel vm15, v18, v7;
	v18 =	vsel vm4, v12, v10;
	v10 =	vsel vm4, v10, v12  }
0xa9: {  	vm6 =	vgt.f32 v10, v3;
	vm5 =	vgt.f32 v14, v1  }
0xaa: {  	v3 =	vsel vm6, v10, v3;
	v21 =	vsel vm5, v1, v14  }
0xab: {  	v10 =	vsel vm5, $0xC, v11;
	v11 =	vnsel vm5, $0xC, v11;
	vm7 =	vgt.f32 v21, v4  }
0xac: {  	v1 =	vsel vm5, v14, v1;
	v14 =	vsel vm7, v11, v20;
	v11 =	vsel vm7, v20, v11;
	v20 =	vld [tilespmem:$0x1FF70]  }
0xad: {  	v12 =	vsel vm4, v7, v19;
	v7 =	vsel vm4, v19, v7  }
0xae: {  	v2 =	vsel vm6, v7, v2;
	v7 =	vsel vm7, v4, v21  }
0xaf: {  	vm8 =	vgt.f32 v7, v5  }
0xb0: {  	v19 =	vsel vm8, v5, v7  }
0xb1: {  	v5 =	vsel vm8, v7, v5;
	vm9 =	vgt.f32 v19, v8  }
0xb2: {  	v7 =	vsel vm8, v11, v6;
	v6 =	vsel vm8, v6, v11;
	v11 =	vsel vm9, v8, v19  }
0xb3: {  	v8 =	vsel vm9, v19, v8;
	v19 =	vsel vm9, v6, v15;
	vm10 =	vgt.f32 v11, v9  }
0xb4: {  	v6 =	vsel vm9, v15, v6;
	v15 =	vsel vm10, v11, v9;
	v9 =	vsel vm10, v9, v11;
	v20 =	vld.idx.msk [tilespmem:v20+s9+$0x0], $0xffff  }
0xb5: {  	v11 =	vsel vm10, v6, v13;
	vm11 =	vgt.f32 v9, v16  }
0xb6: {  	v6 =	vsel vm10, v13, v6;
	v13 =	vsel vm11, v9, v16;
	v9 =	vsel vm11, v16, v9  }
0xb7: {  	v4 =	vsel vm7, v21, v4;
	v16 =	vsel vm11, v6, v17;
	vm12 =	vgt.f32 v9, v18  }
0xb8: {  	v6 =	vsel vm11, v17, v6;
	v17 =	vsel vm12, v9, v18;
	v9 =	vsel vm12, v18, v9  }
0xb9: {  	v21 =	vsel vm12, v6, v12;
	vm14 =	vgt.f32 v9, v3;
	vm13 =	vgt.f32 v20, v1  }
0xba: {  	v6 =	vsel vm12, v12, v6;
	v3 =	vsel vm14, v9, v3;
	v18 =	vsel vm13, v1, v20  }
0xbb: {  	v2 =	vsel vm14, v6, v2;
	v6 =	vsel vm13, $0xD, v10;
	vm15 =	vgt.f32 v18, v4  }
0xbc: {  	v10 =	vnsel vm13, $0xD, v10;
	v9 =	vsel vm15, v4, v18;
	v4 =	vsel vm15, v18, v4  }
0xbd: {  	v18 =	vsel vm15, v10, v14;
	v10 =	vsel vm15, v14, v10;
	vm4 =	vgt.f32 v9, v5  }
0xbe: {  	v14 =	vsel vm4, v10, v7;
	v7 =	vsel vm4, v7, v10;
	v10 =	vld [tilespmem:$0x1FF80];
	_ =	sdelay $0x3  }
0xbf: {  	v12 =	vsel vm4, v5, v9  }
0xc0: {  	vm5 =	vgt.f32 v12, v8  }
0xc1: {  	v5 =	vsel vm4, v9, v5;
	v9 =	vsel vm5, v8, v12  }
0xc2: {  	v1 =	vsel vm13, v20, v1;
	vm6 =	vgt.f32 v9, v15  }
0xc3: {  	v8 =	vsel vm5, v12, v8;
	v12 =	vsel vm5, v7, v19;
	v20 =	vsel vm6, v15, v9;
	v10 =	vld.idx.msk [tilespmem:v10+s9+$0x0], $0xffff  }
0xc4: {  	v7 =	vsel vm5, v19, v7;
	v9 =	vsel vm6, v9, v15;
	vm7 =	vgt.f32 v20, v13  }
0xc5: {  	v15 =	vsel vm6, v7, v11;
	v7 =	vsel vm6, v11, v7;
	v11 =	vsel vm7, v13, v20  }
0xc6: {  	v13 =	vsel vm7, v20, v13;
	vm8 =	vgt.f32 v11, v17  }
0xc7: {  	v19 =	vsel vm7, v7, v16;
	v7 =	vsel vm7, v16, v7;
	v16 =	vsel vm8, v11, v17  }
0xc8: {  	v11 =	vsel vm8, v17, v11;
	v17 =	vsel vm8, v7, v21;
	vm9 =	vgt.f32 v10, v1  }
0xc9: {  	v7 =	vsel vm8, v21, v7;
	vm10 =	vgt.f32 v11, v3;
	v20 =	vsel vm9, v1, v10  }
0xca: {  	v3 =	vsel vm10, v11, v3;
	v2 =	vsel vm10, v7, v2;
	vm11 =	vgt.f32 v20, v4  }
0xcb: {  	v1 =	vsel vm9, v10, v1;
	v10 =	vsel vm9, $0xE, v6;
	v7 =	vsel vm11, v4, v20  }
0xcc: {  	v6 =	vnsel vm9, $0xE, v6;
	v4 =	vsel vm11, v20, v4;
	vm12 =	vgt.f32 v7, v5  }
0xcd: {  	v20 =	vsel vm11, v6, v18;
	v6 =	vsel vm11, v18, v6;
	v11 =	vsel vm12, v5, v7  }
0xce: {  	v5 =	vsel vm12, v7, v5;
	v7 =	vsel vm12, v6, v14;
	v6 =	vsel vm12, v14, v6;
	v14 =	vld [tilespmem:$0x1FF90];
	_ =	sdelay $0x5  }
0xcf: {  	vm13 =	vgt.f32 v11, v8  }
0xd0: {  	v18 =	vsel vm13, v8, v11  }
0xd1: {  	v8 =	vsel vm13, v11, v8;
	vm14 =	vgt.f32 v18, v9;
	v11 =	vld.idx.msk [tilespmem:v14+s9+$0x0], $0xffff  }
0xd2: {  	v14 =	vsel vm13, v6, v12;
	v6 =	vsel vm13, v12, v6;
	v12 =	vsel vm14, v9, v18  }
0xd3: {  	v9 =	vsel vm14, v18, v9;
	v18 =	vsel vm14, v6, v15;
	vm15 =	vgt.f32 v12, v13  }
0xd4: {  	v6 =	vsel vm14, v15, v6;
	v15 =	vsel vm15, v12, v13;
	v12 =	vsel vm15, v13, v12  }
0xd5: {  	v13 =	vsel vm15, v6, v19;
	v6 =	vsel vm15, v19, v6;
	vm4 =	vgt.f32 v12, v16  }
0xd6: {  	v19 =	vsel vm4, v12, v16;
	v12 =	vsel vm4, v16, v12;
	vm5 =	vgt.f32 v11, v1  }
0xd7: {  	vm6 =	vgt.f32 v12, v3;
	v21 =	vsel vm5, v1, v11;
	v1 =	vsel vm5, v11, v1  }
0xd8: {  	v11 =	vsel vm5, $0xF, v10;
	v10 =	vnsel vm5, $0xF, v10;
	vm7 =	vgt.f32 v21, v4  }
0xd9: {  	v3 =	vsel vm6, v12, v3;
	v12 =	vsel vm7, v10, v20;
	v10 =	vsel vm7, v20, v10;
	v20 =	vld [tilespmem:$0x1FFA0]  }
0xda: {  	v16 =	vsel vm4, v6, v17;
	v6 =	vsel vm4, v17, v6  }
0xdb: {  	v2 =	vsel vm6, v6, v2;
	v6 =	vsel vm7, v4, v21  }
0xdc: {  	vm8 =	vgt.f32 v6, v5  }
0xdd: {  	v17 =	vsel vm8, v5, v6  }
0xde: {  	v5 =	vsel vm8, v6, v5;
	vm9 =	vgt.f32 v17, v8  }
0xdf: {  	v6 =	vsel vm8, v10, v7;
	v7 =	vsel vm8, v7, v10;
	v10 =	vsel vm9, v8, v17  }
0xe0: {  	v8 =	vsel vm9, v17, v8;
	v17 =	vsel vm9, v7, v14;
	vm10 =	vgt.f32 v10, v9  }
0xe1: {  	v7 =	vsel vm9, v14, v7;
	v14 =	vsel vm10, v10, v9;
	v9 =	vsel vm10, v9, v10;
	v20 =	vld.idx.msk [tilespmem:v20+s9+$0x0], $0xffff  }
0xe2: {  	v10 =	vsel vm10, v7, v18;
	vm11 =	vgt.f32 v9, v15  }
0xe3: {  	v7 =	vsel vm10, v18, v7;
	v18 =	vsel vm11, v9, v15;
	v9 =	vsel vm11, v15, v9  }
0xe4: {  	v4 =	vsel vm7, v21, v4;
	v15 =	vsel vm11, v7, v13;
	vm12 =	vgt.f32 v9, v19  }
0xe5: {  	v7 =	vsel vm11, v13, v7;
	v13 =	vsel vm12, v9, v19;
	v9 =	vsel vm12, v19, v9  }
0xe6: {  	v21 =	vsel vm12, v7, v16;
	vm14 =	vgt.f32 v9, v3;
	vm13 =	vgt.f32 v20, v1  }
0xe7: {  	v7 =	vsel vm12, v16, v7;
	v3 =	vsel vm14, v9, v3;
	v19 =	vsel vm13, v1, v20  }
0xe8: {  	v2 =	vsel vm14, v7, v2;
	v7 =	vsel vm13, $0x10, v11;
	vm15 =	vgt.f32 v19, v4  }
0xe9: {  	v11 =	vnsel vm13, $0x10, v11;
	v9 =	vsel vm15, v4, v19;
	v4 =	vsel vm15, v19, v4  }
0xea: {  	v19 =	vsel vm15, v11, v12;
	v11 =	vsel vm15, v12, v11;
	vm4 =	vgt.f32 v9, v5  }
0xeb: {  	v12 =	vsel vm4, v11, v6;
	v6 =	vsel vm4, v6, v11;
	v11 =	vld [tilespmem:$0x1FFB0];
	_ =	sdelay $0x3  }
0xec: {  	v16 =	vsel vm4, v5, v9  }
0xed: {  	vm5 =	vgt.f32 v16, v8  }
0xee: {  	v5 =	vsel vm4, v9, v5;
	v9 =	vsel vm5, v8, v16  }
0xef: {  	v1 =	vsel vm13, v20, v1;
	vm6 =	vgt.f32 v9, v14  }
0xf0: {  	v8 =	vsel vm5, v16, v8;
	v16 =	vsel vm5, v6, v17;
	v20 =	vsel vm6, v14, v9;
	v11 =	vld.idx.msk [tilespmem:v11+s9+$0x0], $0xffff  }
0xf1: {  	v6 =	vsel vm5, v17, v6;
	v9 =	vsel vm6, v9, v14;
	vm7 =	vgt.f32 v20, v18  }
0xf2: {  	v14 =	vsel vm6, v6, v10;
	v6 =	vsel vm6, v10, v6;
	v10 =	vsel vm7, v18, v20  }
0xf3: {  	v17 =	vsel vm7, v20, v18;
	vm8 =	vgt.f32 v10, v13  }
0xf4: {  	v18 =	vsel vm7, v6, v15;
	v6 =	vsel vm7, v15, v6;
	v15 =	vsel vm8, v10, v13  }
0xf5: {  	v10 =	vsel vm8, v13, v10;
	v13 =	vsel vm8, v6, v21;
	vm9 =	vgt.f32 v11, v1  }
0xf6: {  	v6 =	vsel vm8, v21, v6;
	vm10 =	vgt.f32 v10, v3;
	v20 =	vsel vm9, v1, v11  }
0xf7: {  	v3 =	vsel vm10, v10, v3;
	v2 =	vsel vm10, v6, v2;
	vm11 =	vgt.f32 v20, v4  }
0xf8: {  	v1 =	vsel vm9, v11, v1;
	v10 =	vsel vm9, $0x11, v7;
	v6 =	vsel vm11, v4, v20  }
0xf9: {  	v7 =	vnsel vm9, $0x11, v7;
	v4 =	vsel vm11, v20, v4;
	vm12 =	vgt.f32 v6, v5  }
0xfa: {  	v20 =	vsel vm11, v7, v19;
	v7 =	vsel vm11, v19, v7;
	v11 =	vsel vm12, v5, v6  }
0xfb: {  	v5 =	vsel vm12, v6, v5;
	v6 =	vsel vm12, v7, v12;
	v7 =	vsel vm12, v12, v7;
	v12 =	vld [tilespmem:$0x1FFC0];
	_ =	sdelay $0x5  }
0xfc: {  	vm13 =	vgt.f32 v11, v8  }
0xfd: {  	v19 =	vsel vm13, v8, v11  }
0xfe: {  	v8 =	vsel vm13, v11, v8;
	vm14 =	vgt.f32 v19, v9;
	v11 =	vld.idx.msk [tilespmem:v12+s9+$0x0], $0xffff  }
0xff: {  	v12 =	vsel vm13, v7, v16;
	v7 =	vsel vm13, v16, v7;
	v16 =	vsel vm14, v9, v19  }
0x100: {  	v9 =	vsel vm14, v19, v9;
	v19 =	vsel vm14, v7, v14;
	vm15 =	vgt.f32 v16, v17  }
0x101: {  	v7 =	vsel vm14, v14, v7;
	v14 =	vsel vm15, v16, v17;
	v16 =	vsel vm15, v17, v16  }
0x102: {  	v17 =	vsel vm15, v7, v18;
	v7 =	vsel vm15, v18, v7;
	vm4 =	vgt.f32 v16, v15  }
0x103: {  	v18 =	vsel vm4, v16, v15;
	v15 =	vsel vm4, v15, v16;
	vm5 =	vgt.f32 v11, v1  }
0x104: {  	v16 =	vsel vm4, v7, v13;
	v21 =	vsel vm5, v1, v11;
	v1 =	vsel vm5, v11, v1  }
0x105: {  	v11 =	vsel vm5, $0x12, v10;
	v10 =	vnsel vm5, $0x12, v10;
	vm7 =	vgt.f32 v21, v4  }
0x106: {  	v7 =	vsel vm4, v13, v7;
	v13 =	vsel vm7, v10, v20;
	v10 =	vsel vm7, v20, v10;
	v20 =	vld [tilespmem:$0x1FFD0]  }
0x107: {  	vm6 =	vgt.f32 v15, v3  }
0x108: {  	v2 =	vsel vm6, v7, v2;
	v7 =	vsel vm7, v4, v21  }
0x109: {  	vm8 =	vgt.f32 v7, v5  }
0x10a: {  	v3 =	vsel vm6, v15, v3;
	v15 =	vsel vm8, v5, v7  }
0x10b: {  	v5 =	vsel vm8, v7, v5;
	vm9 =	vgt.f32 v15, v8  }
0x10c: {  	v7 =	vsel vm8, v10, v6;
	v6 =	vsel vm8, v6, v10;
	v10 =	vsel vm9, v8, v15  }
0x10d: {  	v8 =	vsel vm9, v15, v8;
	v15 =	vsel vm9, v6, v12;
	vm10 =	vgt.f32 v10, v9  }
0x10e: {  	v6 =	vsel vm9, v12, v6;
	v12 =	vsel vm10, v10, v9;
	v9 =	vsel vm10, v9, v10;
	v20 =	vld.idx.msk [tilespmem:v20+s9+$0x0], $0xffff  }
0x10f: {  	v10 =	vsel vm10, v6, v19;
	vm11 =	vgt.f32 v9, v14  }
0x110: {  	v6 =	vsel vm10, v19, v6;
	v19 =	vsel vm11, v9, v14;
	v9 =	vsel vm11, v14, v9  }
0x111: {  	v4 =	vsel vm7, v21, v4;
	v14 =	vsel vm11, v6, v17;
	vm12 =	vgt.f32 v9, v18  }
0x112: {  	v6 =	vsel vm11, v17, v6;
	v17 =	vsel vm12, v9, v18;
	v9 =	vsel vm12, v18, v9  }
0x113: {  	v21 =	vsel vm12, v6, v16;
	vm14 =	vgt.f32 v9, v3;
	vm13 =	vgt.f32 v20, v1  }
0x114: {  	v6 =	vsel vm12, v16, v6;
	v3 =	vsel vm14, v9, v3;
	v18 =	vsel vm13, v1, v20  }
0x115: {  	v2 =	vsel vm14, v6, v2;
	v6 =	vsel vm13, $0x13, v11;
	vm15 =	vgt.f32 v18, v4  }
0x116: {  	v11 =	vnsel vm13, $0x13, v11;
	v9 =	vsel vm15, v4, v18;
	v4 =	vsel vm15, v18, v4  }
0x117: {  	v18 =	vsel vm15, v11, v13;
	v11 =	vsel vm15, v13, v11;
	vm4 =	vgt.f32 v9, v5  }
0x118: {  	v13 =	vsel vm4, v11, v7;
	v7 =	vsel vm4, v7, v11;
	v11 =	vld [tilespmem:$0x1FFE0];
	_ =	sdelay $0x3  }
0x119: {  	v16 =	vsel vm4, v5, v9  }
0x11a: {  	vm5 =	vgt.f32 v16, v8  }
0x11b: {  	v5 =	vsel vm4, v9, v5;
	v9 =	vsel vm5, v8, v16  }
0x11c: {  	v1 =	vsel vm13, v20, v1;
	vm6 =	vgt.f32 v9, v12  }
0x11d: {  	v8 =	vsel vm5, v16, v8;
	v16 =	vsel vm5, v7, v15;
	v20 =	vsel vm6, v12, v9;
	v11 =	vld.idx.msk [tilespmem:v11+s9+$0x0], $0xffff  }
0x11e: {  	v7 =	vsel vm5, v15, v7;
	v9 =	vsel vm6, v9, v12;
	vm7 =	vgt.f32 v20, v19  }
0x11f: {  	v12 =	vsel vm6, v7, v10;
	v7 =	vsel vm6, v10, v7;
	v10 =	vsel vm7, v19, v20  }
0x120: {  	v15 =	vsel vm7, v20, v19;
	vm8 =	vgt.f32 v10, v17  }
0x121: {  	v19 =	vsel vm7, v7, v14;
	v7 =	vsel vm7, v14, v7;
	v14 =	vsel vm8, v10, v17  }
0x122: {  	v10 =	vsel vm8, v17, v10;
	v17 =	vsel vm8, v7, v21;
	vm9 =	vgt.f32 v11, v1  }
0x123: {  	v7 =	vsel vm8, v21, v7;
	vm10 =	vgt.f32 v10, v3;
	v20 =	vsel vm9, v1, v11  }
0x124: {  	v3 =	vsel vm10, v10, v3;
	v2 =	vsel vm10, v7, v2;
	vm11 =	vgt.f32 v20, v4  }
0x125: {  	v1 =	vsel vm9, v11, v1;
	v10 =	vsel vm9, $0x14, v6;
	v7 =	vsel vm11, v4, v20  }
0x126: {  	v6 =	vnsel vm9, $0x14, v6;
	v4 =	vsel vm11, v20, v4;
	vm12 =	vgt.f32 v7, v5  }
0x127: {  	v20 =	vsel vm11, v6, v18;
	v6 =	vsel vm11, v18, v6;
	v11 =	vsel vm12, v5, v7  }
0x128: {  	v5 =	vsel vm12, v7, v5;
	v7 =	vsel vm12, v6, v13;
	v6 =	vsel vm12, v13, v6;
	v13 =	vld [tilespmem:$0x1FFF0];
	_ =	sdelay $0x5  }
0x129: {  	vm13 =	vgt.f32 v11, v8  }
0x12a: {  	v18 =	vsel vm13, v8, v11  }
0x12b: {  	v8 =	vsel vm13, v11, v8;
	vm14 =	vgt.f32 v18, v9;
	v11 =	vld.idx.msk [tilespmem:v13+s9+$0x0], $0xffff  }
0x12c: {  	v13 =	vsel vm13, v6, v16;
	v6 =	vsel vm13, v16, v6;
	v16 =	vsel vm14, v9, v18  }
0x12d: {  	v9 =	vsel vm14, v18, v9;
	v18 =	vsel vm14, v6, v12;
	vm15 =	vgt.f32 v16, v15  }
0x12e: {  	v6 =	vsel vm14, v12, v6;
	v12 =	vsel vm15, v16, v15;
	v15 =	vsel vm15, v15, v16  }
0x12f: {  	v16 =	vsel vm15, v6, v19;
	vm4 =	vgt.f32 v15, v14  }
0x130: {  	v6 =	vsel vm15, v19, v6;
	v19 =	vsel vm4, v15, v14;
	vm5 =	vgt.f32 v11, v1  }
0x131: {  	v14 =	vsel vm4, v14, v15;
	v15 =	vsel vm4, v6, v17;
	v21 =	vsel vm5, v1, v11  }
0x132: {  	v6 =	vsel vm4, v17, v6;
	vm6 =	vgt.f32 v14, v3;
	vm7 =	vgt.f32 v21, v4  }
0x133: {  	v2 =	vsel vm6, v6, v2;
	v1 =	vsel vm5, v11, v1;
	v6 =	vsel vm7, v4, v21  }
0x134: {  	v11 =	vsel vm5, $0x15, v10;
	v10 =	vnsel vm5, $0x15, v10;
	vm8 =	vgt.f32 v6, v5  }
0x135: {  	v3 =	vsel vm6, v14, v3;
	v14 =	vsel vm7, v10, v20;
	v17 =	vsel vm8, v5, v6  }
0x136: {  	v10 =	vsel vm7, v20, v10;
	v5 =	vsel vm8, v6, v5;
	vm9 =	vgt.f32 v17, v8  }
0x137: {  	v20 =	vld.idx.msk [tilespmem:v23+s9+$0x0], $0xffff;
	v6 =	vsel vm8, v10, v7;
	v7 =	vsel vm8, v7, v10;
	v10 =	vsel vm9, v8, v17  }
0x138: {  	v8 =	vsel vm9, v17, v8;
	v17 =	vsel vm9, v7, v13;
	vm10 =	vgt.f32 v10, v9  }
0x139: {  	v7 =	vsel vm9, v13, v7;
	v13 =	vsel vm10, v10, v9;
	v9 =	vsel vm10, v9, v10  }
0x13a: {  	v10 =	vsel vm10, v7, v18;
	vm11 =	vgt.f32 v9, v12  }
0x13b: {  	v7 =	vsel vm10, v18, v7;
	v18 =	vsel vm11, v9, v12;
	v9 =	vsel vm11, v12, v9  }
0x13c: {  	v4 =	vsel vm7, v21, v4;
	vm13 =	vgt.f32 v20, v1;
	vm12 =	vgt.f32 v9, v19  }
0x13d: {  	v12 =	vsel vm11, v7, v16;
	v7 =	vsel vm11, v16, v7;
	v16 =	vsel vm12, v9, v19  }
0x13e: {  	v9 =	vsel vm12, v19, v9;
	v19 =	vsel vm13, v1, v20;
	v21 =	vsel vm12, v7, v15  }
0x13f: {  	v7 =	vsel vm12, v15, v7;
	vm14 =	vgt.f32 v9, v3;
	vm15 =	vgt.f32 v19, v4  }
0x140: {  	v3 =	vsel vm14, v9, v3;
	v9 =	vsel vm15, v4, v19;
	v2 =	vsel vm14, v7, v2  }
0x141: {  	v7 =	vsel vm13, $0x16, v11;
	v11 =	vnsel vm13, $0x16, v11;
	v4 =	vsel vm15, v19, v4  }
0x142: {  	vm4 =	vgt.f32 v9, v5;
	v19 =	vsel vm15, v11, v14;
	v11 =	vsel vm15, v14, v11  }
0x143: {  	v15 =	vsel vm4, v5, v9;
	v14 =	vsel vm4, v11, v6;
	v6 =	vsel vm4, v6, v11;
	v11 =	vld.idx.msk [tilespmem:v24+s9+$0x0], $0xffff  }
0x144: {  	v1 =	vsel vm13, v20, v1;
	vm5 =	vgt.f32 v15, v8  }
0x145: {  	v5 =	vsel vm4, v9, v5;
	v9 =	vsel vm5, v8, v15;
	v8 =	vsel vm5, v15, v8  }
0x146: {  	v15 =	vsel vm5, v6, v17;
	v6 =	vsel vm5, v17, v6;
	vm6 =	vgt.f32 v9, v13  }
0x147: {  	v20 =	vsel vm6, v13, v9;
	v9 =	vsel vm6, v9, v13;
	v13 =	vsel vm6, v6, v10  }
0x148: {  	v6 =	vsel vm6, v10, v6;
	vm7 =	vgt.f32 v20, v18;
	vm9 =	vgt.f32 v11, v1  }
0x149: {  	v10 =	vsel vm7, v18, v20;
	v17 =	vsel vm7, v20, v18;
	v18 =	vsel vm7, v6, v12  }
0x14a: {  	v6 =	vsel vm7, v12, v6;
	v20 =	vsel vm9, v1, v11;
	vm8 =	vgt.f32 v10, v16  }
0x14b: {  	vm11 =	vgt.f32 v20, v4;
	v12 =	vsel vm8, v10, v16;
	v10 =	vsel vm8, v16, v10  }
0x14c: {  	v16 =	vsel vm8, v6, v21;
	v6 =	vsel vm8, v21, v6;
	vm10 =	vgt.f32 v10, v3  }
0x14d: {  	v1 =	vsel vm9, v11, v1;
	v2 =	vsel vm10, v6, v2;
	v6 =	vsel vm11, v4, v20  }
0x14e: {  	v3 =	vsel vm10, v10, v3;
	v10 =	vsel vm9, $0x17, v7;
	vm12 =	vgt.f32 v6, v5  }
0x14f: {  	v7 =	vnsel vm9, $0x17, v7;
	v4 =	vsel vm11, v20, v4;
	v11 =	vsel vm12, v5, v6  }
0x150: {  	v20 =	vsel vm11, v7, v19;
	v7 =	vsel vm11, v19, v7;
	vm13 =	vgt.f32 v11, v8  }
0x151: {  	v5 =	vsel vm12, v6, v5;
	v6 =	vsel vm12, v7, v14;
	v19 =	vsel vm13, v8, v11  }
0x152: {  	v7 =	vsel vm12, v14, v7;
	v8 =	vsel vm13, v11, v8;
	v11 =	vld.idx.msk [tilespmem:v25+s9+$0x0], $0xffff;
	vm14 =	vgt.f32 v19, v9  }
0x153: {  	v14 =	vsel vm13, v7, v15;
	v7 =	vsel vm13, v15, v7;
	v15 =	vsel vm14, v9, v19  }
0x154: {  	v9 =	vsel vm14, v19, v9;
	v19 =	vsel vm14, v7, v13;
	vm15 =	vgt.f32 v15, v17  }
0x155: {  	v7 =	vsel vm14, v13, v7;
	v13 =	vsel vm15, v15, v17;
	v15 =	vsel vm15, v17, v15  }
0x156: {  	v17 =	vsel vm15, v7, v18;
	vm4 =	vgt.f32 v15, v12  }
0x157: {  	v7 =	vsel vm15, v18, v7;
	vm5 =	vgt.f32 v11, v1;
	v18 =	vsel vm4, v15, v12  }
0x158: {  	v12 =	vsel vm4, v12, v15;
	v15 =	vsel vm4, v7, v16;
	v21 =	vsel vm5, v1, v11  }
0x159: {  	v7 =	vsel vm4, v16, v7;
	vm6 =	vgt.f32 v12, v3;
	vm7 =	vgt.f32 v21, v4  }
0x15a: {  	v1 =	vsel vm5, v11, v1;
	v2 =	vsel vm6, v7, v2;
	v7 =	vsel vm7, v4, v21  }
0x15b: {  	v11 =	vsel vm5, $0x18, v10;
	v10 =	vnsel vm5, $0x18, v10;
	vm8 =	vgt.f32 v7, v5  }
0x15c: {  	v3 =	vsel vm6, v12, v3;
	v12 =	vsel vm7, v10, v20;
	v16 =	vsel vm8, v5, v7  }
0x15d: {  	v10 =	vsel vm7, v20, v10;
	v5 =	vsel vm8, v7, v5;
	vm9 =	vgt.f32 v16, v8  }
0x15e: {  	v20 =	vld.idx.msk [tilespmem:v26+s9+$0x0], $0xffff;
	v7 =	vsel vm8, v10, v6;
	v6 =	vsel vm8, v6, v10;
	v10 =	vsel vm9, v8, v16  }
0x15f: {  	v8 =	vsel vm9, v16, v8;
	v16 =	vsel vm9, v6, v14;
	vm10 =	vgt.f32 v10, v9  }
0x160: {  	v6 =	vsel vm9, v14, v6;
	v14 =	vsel vm10, v10, v9;
	v9 =	vsel vm10, v9, v10  }
0x161: {  	v10 =	vsel vm10, v6, v19;
	vm11 =	vgt.f32 v9, v13  }
0x162: {  	v6 =	vsel vm10, v19, v6;
	v19 =	vsel vm11, v9, v13;
	v9 =	vsel vm11, v13, v9  }
0x163: {  	v4 =	vsel vm7, v21, v4;
	vm13 =	vgt.f32 v20, v1;
	vm12 =	vgt.f32 v9, v18  }
0x164: {  	v13 =	vsel vm11, v6, v17;
	v6 =	vsel vm11, v17, v6;
	v17 =	vsel vm12, v9, v18  }
0x165: {  	v9 =	vsel vm12, v18, v9;
	v18 =	vsel vm13, v1, v20;
	v21 =	vsel vm12, v6, v15  }
0x166: {  	v6 =	vsel vm12, v15, v6;
	vm14 =	vgt.f32 v9, v3;
	vm15 =	vgt.f32 v18, v4  }
0x167: {  	v3 =	vsel vm14, v9, v3;
	v9 =	vsel vm15, v4, v18;
	v2 =	vsel vm14, v6, v2  }
0x168: {  	v6 =	vsel vm13, $0x19, v11;
	v11 =	vnsel vm13, $0x19, v11;
	v4 =	vsel vm15, v18, v4  }
0x169: {  	vm4 =	vgt.f32 v9, v5;
	v18 =	vsel vm15, v11, v12;
	v11 =	vsel vm15, v12, v11  }
0x16a: {  	v15 =	vsel vm4, v5, v9;
	v12 =	vsel vm4, v11, v7;
	v7 =	vsel vm4, v7, v11;
	v11 =	vld.idx.msk [tilespmem:v27+s9+$0x0], $0xffff  }
0x16b: {  	v1 =	vsel vm13, v20, v1;
	vm5 =	vgt.f32 v15, v8  }
0x16c: {  	v5 =	vsel vm4, v9, v5;
	v9 =	vsel vm5, v8, v15;
	v8 =	vsel vm5, v15, v8  }
0x16d: {  	v15 =	vsel vm5, v7, v16;
	v7 =	vsel vm5, v16, v7;
	vm6 =	vgt.f32 v9, v14  }
0x16e: {  	v20 =	vsel vm6, v14, v9;
	v9 =	vsel vm6, v9, v14;
	v14 =	vsel vm6, v7, v10  }
0x16f: {  	v7 =	vsel vm6, v10, v7;
	vm7 =	vgt.f32 v20, v19;
	vm9 =	vgt.f32 v11, v1  }
0x170: {  	v10 =	vsel vm7, v19, v20;
	v16 =	vsel vm7, v20, v19;
	v19 =	vsel vm7, v7, v13  }
0x171: {  	v7 =	vsel vm7, v13, v7;
	v20 =	vsel vm9, v1, v11;
	vm8 =	vgt.f32 v10, v17  }
0x172: {  	vm11 =	vgt.f32 v20, v4;
	v13 =	vsel vm8, v10, v17;
	v10 =	vsel vm8, v17, v10  }
0x173: {  	v17 =	vsel vm8, v7, v21;
	v7 =	vsel vm8, v21, v7;
	vm10 =	vgt.f32 v10, v3  }
0x174: {  	v1 =	vsel vm9, v11, v1;
	v2 =	vsel vm10, v7, v2;
	v7 =	vsel vm11, v4, v20  }
0x175: {  	v3 =	vsel vm10, v10, v3;
	v10 =	vsel vm9, $0x1A, v6;
	vm12 =	vgt.f32 v7, v5  }
0x176: {  	v6 =	vnsel vm9, $0x1A, v6;
	v4 =	vsel vm11, v20, v4;
	v11 =	vsel vm12, v5, v7  }
0x177: {  	v20 =	vsel vm11, v6, v18;
	v6 =	vsel vm11, v18, v6;
	vm13 =	vgt.f32 v11, v8  }
0x178: {  	v5 =	vsel vm12, v7, v5;
	v7 =	vsel vm12, v6, v12;
	v18 =	vsel vm13, v8, v11  }
0x179: {  	v6 =	vsel vm12, v12, v6;
	v8 =	vsel vm13, v11, v8;
	v11 =	vld.idx.msk [tilespmem:v28+s9+$0x0], $0xffff;
	vm14 =	vgt.f32 v18, v9  }
0x17a: {  	v12 =	vsel vm13, v6, v15;
	v6 =	vsel vm13, v15, v6;
	v15 =	vsel vm14, v9, v18  }
0x17b: {  	v9 =	vsel vm14, v18, v9;
	v18 =	vsel vm14, v6, v14;
	vm15 =	vgt.f32 v15, v16  }
0x17c: {  	v6 =	vsel vm14, v14, v6;
	v14 =	vsel vm15, v15, v16;
	v15 =	vsel vm15, v16, v15  }
0x17d: {  	v16 =	vsel vm15, v6, v19;
	vm4 =	vgt.f32 v15, v13  }
0x17e: {  	v6 =	vsel vm15, v19, v6;
	vm5 =	vgt.f32 v11, v1;
	v19 =	vsel vm4, v15, v13  }
0x17f: {  	v13 =	vsel vm4, v13, v15;
	v15 =	vsel vm4, v6, v17;
	v21 =	vsel vm5, v1, v11  }
0x180: {  	v6 =	vsel vm4, v17, v6;
	vm6 =	vgt.f32 v13, v3;
	vm7 =	vgt.f32 v21, v4  }
0x181: {  	v1 =	vsel vm5, v11, v1;
	v2 =	vsel vm6, v6, v2;
	v6 =	vsel vm7, v4, v21  }
0x182: {  	v11 =	vsel vm5, $0x1B, v10;
	v10 =	vnsel vm5, $0x1B, v10;
	vm8 =	vgt.f32 v6, v5  }
0x183: {  	v3 =	vsel vm6, v13, v3;
	v13 =	vsel vm7, v10, v20;
	v17 =	vsel vm8, v5, v6  }
0x184: {  	v10 =	vsel vm7, v20, v10;
	v5 =	vsel vm8, v6, v5;
	vm9 =	vgt.f32 v17, v8  }
0x185: {  	v20 =	vld.idx.msk [tilespmem:v29+s9+$0x0], $0xffff;
	v6 =	vsel vm8, v10, v7;
	v7 =	vsel vm8, v7, v10;
	v10 =	vsel vm9, v8, v17  }
0x186: {  	v8 =	vsel vm9, v17, v8;
	v17 =	vsel vm9, v7, v12;
	vm10 =	vgt.f32 v10, v9  }
0x187: {  	v7 =	vsel vm9, v12, v7;
	v12 =	vsel vm10, v10, v9;
	v9 =	vsel vm10, v9, v10  }
0x188: {  	v10 =	vsel vm10, v7, v18;
	vm11 =	vgt.f32 v9, v14  }
0x189: {  	v7 =	vsel vm10, v18, v7;
	v18 =	vsel vm11, v9, v14;
	v9 =	vsel vm11, v14, v9  }
0x18a: {  	v4 =	vsel vm7, v21, v4;
	vm13 =	vgt.f32 v20, v1;
	vm12 =	vgt.f32 v9, v19  }
0x18b: {  	v14 =	vsel vm11, v7, v16;
	v7 =	vsel vm11, v16, v7;
	v16 =	vsel vm12, v9, v19  }
0x18c: {  	v9 =	vsel vm12, v19, v9;
	v19 =	vsel vm13, v1, v20;
	v21 =	vsel vm12, v7, v15  }
0x18d: {  	v7 =	vsel vm12, v15, v7;
	vm14 =	vgt.f32 v9, v3;
	vm15 =	vgt.f32 v19, v4  }
0x18e: {  	v3 =	vsel vm14, v9, v3;
	v9 =	vsel vm15, v4, v19;
	v2 =	vsel vm14, v7, v2  }
0x18f: {  	v7 =	vsel vm13, $0x1C, v11;
	v11 =	vnsel vm13, $0x1C, v11;
	v4 =	vsel vm15, v19, v4  }
0x190: {  	vm4 =	vgt.f32 v9, v5;
	v19 =	vsel vm15, v11, v13;
	v11 =	vsel vm15, v13, v11  }
0x191: {  	v15 =	vsel vm4, v5, v9;
	v13 =	vsel vm4, v11, v6;
	v6 =	vsel vm4, v6, v11;
	v11 =	vld.idx.msk [tilespmem:v30+s9+$0x0], $0xffff  }
0x192: {  	v1 =	vsel vm13, v20, v1;
	vm5 =	vgt.f32 v15, v8  }
0x193: {  	v5 =	vsel vm4, v9, v5;
	v9 =	vsel vm5, v8, v15;
	v8 =	vsel vm5, v15, v8  }
0x194: {  	v15 =	vsel vm5, v6, v17;
	v6 =	vsel vm5, v17, v6;
	vm6 =	vgt.f32 v9, v12  }
0x195: {  	v20 =	vsel vm6, v12, v9;
	v9 =	vsel vm6, v9, v12;
	v12 =	vsel vm6, v6, v10  }
0x196: {  	v6 =	vsel vm6, v10, v6;
	vm7 =	vgt.f32 v20, v18;
	vm9 =	vgt.f32 v11, v1  }
0x197: {  	v10 =	vsel vm7, v18, v20;
	v17 =	vsel vm7, v20, v18;
	v18 =	vsel vm7, v6, v14  }
0x198: {  	v6 =	vsel vm7, v14, v6;
	v20 =	vsel vm9, v1, v11;
	vm8 =	vgt.f32 v10, v16  }
0x199: {  	vm11 =	vgt.f32 v20, v4;
	v14 =	vsel vm8, v10, v16;
	v10 =	vsel vm8, v16, v10  }
0x19a: {  	v16 =	vsel vm8, v6, v21;
	v6 =	vsel vm8, v21, v6;
	vm10 =	vgt.f32 v10, v3  }
0x19b: {  	v1 =	vsel vm9, v11, v1;
	v2 =	vsel vm10, v6, v2;
	v6 =	vsel vm11, v4, v20  }
0x19c: {  	v3 =	vsel vm10, v10, v3;
	v10 =	vsel vm9, $0x1D, v7;
	vm12 =	vgt.f32 v6, v5  }
0x19d: {  	v7 =	vnsel vm9, $0x1D, v7;
	v4 =	vsel vm11, v20, v4;
	v11 =	vsel vm12, v5, v6  }
0x19e: {  	v20 =	vsel vm11, v7, v19;
	v7 =	vsel vm11, v19, v7;
	vm13 =	vgt.f32 v11, v8  }
0x19f: {  	v5 =	vsel vm12, v6, v5;
	v6 =	vsel vm12, v7, v13;
	v19 =	vsel vm13, v8, v11  }
0x1a0: {  	v7 =	vsel vm12, v13, v7;
	v8 =	vsel vm13, v11, v8;
	v11 =	vld.idx.msk [tilespmem:v31+s9+$0x0], $0xffff;
	vm14 =	vgt.f32 v19, v9  }
0x1a1: {  	v13 =	vsel vm13, v7, v15;
	v7 =	vsel vm13, v15, v7;
	v15 =	vsel vm14, v9, v19  }
0x1a2: {  	v9 =	vsel vm14, v19, v9;
	v19 =	vsel vm14, v7, v12;
	vm15 =	vgt.f32 v15, v17  }
0x1a3: {  	v7 =	vsel vm14, v12, v7;
	v12 =	vsel vm15, v15, v17;
	v15 =	vsel vm15, v17, v15  }
0x1a4: {  	v17 =	vsel vm15, v7, v18;
	vm4 =	vgt.f32 v15, v14  }
0x1a5: {  	v7 =	vsel vm15, v18, v7;
	vm5 =	vgt.f32 v11, v1;
	v18 =	vsel vm4, v15, v14  }
0x1a6: {  	v14 =	vsel vm4, v14, v15;
	v15 =	vsel vm4, v7, v16;
	v21 =	vsel vm5, v1, v11  }
0x1a7: {  	v7 =	vsel vm4, v16, v7;
	vm6 =	vgt.f32 v14, v3;
	vm7 =	vgt.f32 v21, v4  }
0x1a8: {  	v1 =	vsel vm5, v11, v1;
	v2 =	vsel vm6, v7, v2;
	v7 =	vsel vm7, v4, v21  }
0x1a9: {  	v11 =	vsel vm5, $0x1E, v10;
	v10 =	vnsel vm5, $0x1E, v10;
	vm8 =	vgt.f32 v7, v5  }
0x1aa: {  	v3 =	vsel vm6, v14, v3;
	v14 =	vsel vm7, v10, v20;
	v16 =	vsel vm8, v5, v7  }
0x1ab: {  	v10 =	vsel vm7, v20, v10;
	v5 =	vsel vm8, v7, v5;
	vm9 =	vgt.f32 v16, v8  }
0x1ac: {  	v20 =	vld.idx.msk [tilespmem:v32+s9+$0x0], $0xffff;
	v7 =	vsel vm8, v10, v6;
	v6 =	vsel vm8, v6, v10;
	v10 =	vsel vm9, v8, v16  }
0x1ad: {  	v8 =	vsel vm9, v16, v8;
	v16 =	vsel vm9, v6, v13;
	vm10 =	vgt.f32 v10, v9  }
0x1ae: {  	v6 =	vsel vm9, v13, v6;
	v13 =	vsel vm10, v10, v9;
	v9 =	vsel vm10, v9, v10  }
0x1af: {  	v10 =	vsel vm10, v6, v19;
	vm11 =	vgt.f32 v9, v12  }
0x1b0: {  	v6 =	vsel vm10, v19, v6;
	v19 =	vsel vm11, v9, v12;
	v9 =	vsel vm11, v12, v9  }
0x1b1: {  	v4 =	vsel vm7, v21, v4;
	vm13 =	vgt.f32 v20, v1;
	vm12 =	vgt.f32 v9, v18  }
0x1b2: {  	v12 =	vsel vm11, v6, v17;
	v6 =	vsel vm11, v17, v6;
	v17 =	vsel vm12, v9, v18  }
0x1b3: {  	v9 =	vsel vm12, v18, v9;
	v18 =	vsel vm13, v1, v20;
	v21 =	vsel vm12, v6, v15  }
0x1b4: {  	v6 =	vsel vm12, v15, v6;
	vm14 =	vgt.f32 v9, v3;
	vm15 =	vgt.f32 v18, v4  }
0x1b5: {  	v3 =	vsel vm14, v9, v3;
	v9 =	vsel vm15, v4, v18;
	v2 =	vsel vm14, v6, v2  }
0x1b6: {  	v6 =	vsel vm13, $0x1F, v11;
	v11 =	vnsel vm13, $0x1F, v11;
	v4 =	vsel vm15, v18, v4  }
0x1b7: {  	vm4 =	vgt.f32 v9, v5;
	v18 =	vsel vm15, v11, v14;
	v11 =	vsel vm15, v14, v11  }
0x1b8: {  	v15 =	vsel vm4, v5, v9;
	v14 =	vsel vm4, v11, v7;
	v7 =	vsel vm4, v7, v11;
	v11 =	vld.idx.msk [tilespmem:v33+s9+$0x0], $0xffff  }
0x1b9: {  	v1 =	vsel vm13, v20, v1;
	vm5 =	vgt.f32 v15, v8  }
0x1ba: {  	v5 =	vsel vm4, v9, v5;
	v9 =	vsel vm5, v8, v15;
	v8 =	vsel vm5, v15, v8  }
0x1bb: {  	v15 =	vsel vm5, v7, v16;
	v7 =	vsel vm5, v16, v7;
	vm6 =	vgt.f32 v9, v13  }
0x1bc: {  	v20 =	vsel vm6, v13, v9;
	v9 =	vsel vm6, v9, v13;
	v13 =	vsel vm6, v7, v10  }
0x1bd: {  	v7 =	vsel vm6, v10, v7;
	vm7 =	vgt.f32 v20, v19;
	vm9 =	vgt.f32 v11, v1  }
0x1be: {  	v10 =	vsel vm7, v19, v20;
	v16 =	vsel vm7, v20, v19;
	v19 =	vsel vm7, v7, v12  }
0x1bf: {  	v7 =	vsel vm7, v12, v7;
	v20 =	vsel vm9, v1, v11;
	vm8 =	vgt.f32 v10, v17  }
0x1c0: {  	vm11 =	vgt.f32 v20, v4;
	v12 =	vsel vm8, v10, v17;
	v10 =	vsel vm8, v17, v10  }
0x1c1: {  	v17 =	vsel vm8, v7, v21;
	v7 =	vsel vm8, v21, v7;
	vm10 =	vgt.f32 v10, v3  }
0x1c2: {  	v1 =	vsel vm9, v11, v1;
	v2 =	vsel vm10, v7, v2;
	v7 =	vsel vm11, v4, v20  }
0x1c3: {  	v3 =	vsel vm10, v10, v3;
	v10 =	vsel vm9, $0x20, v6;
	vm12 =	vgt.f32 v7, v5  }
0x1c4: {  	v6 =	vnsel vm9, $0x20, v6;
	v4 =	vsel vm11, v20, v4;
	v11 =	vsel vm12, v5, v7  }
0x1c5: {  	v20 =	vsel vm11, v6, v18;
	v6 =	vsel vm11, v18, v6;
	vm13 =	vgt.f32 v11, v8  }
0x1c6: {  	v5 =	vsel vm12, v7, v5;
	v7 =	vsel vm12, v6, v14;
	v18 =	vsel vm13, v8, v11  }
0x1c7: {  	v6 =	vsel vm12, v14, v6;
	v8 =	vsel vm13, v11, v8;
	v11 =	vld.idx.msk [tilespmem:v34+s9+$0x0], $0xffff;
	vm14 =	vgt.f32 v18, v9  }
0x1c8: {  	v14 =	vsel vm13, v6, v15;
	v6 =	vsel vm13, v15, v6;
	v15 =	vsel vm14, v9, v18  }
0x1c9: {  	v9 =	vsel vm14, v18, v9;
	v18 =	vsel vm14, v6, v13;
	vm15 =	vgt.f32 v15, v16  }
0x1ca: {  	v6 =	vsel vm14, v13, v6;
	v13 =	vsel vm15, v15, v16;
	v15 =	vsel vm15, v16, v15  }
0x1cb: {  	v16 =	vsel vm15, v6, v19;
	vm4 =	vgt.f32 v15, v12  }
0x1cc: {  	v6 =	vsel vm15, v19, v6;
	vm5 =	vgt.f32 v11, v1;
	v19 =	vsel vm4, v15, v12  }
0x1cd: {  	v12 =	vsel vm4, v12, v15;
	v15 =	vsel vm4, v6, v17;
	v21 =	vsel vm5, v1, v11  }
0x1ce: {  	v6 =	vsel vm4, v17, v6;
	vm6 =	vgt.f32 v12, v3;
	vm7 =	vgt.f32 v21, v4  }
0x1cf: {  	v1 =	vsel vm5, v11, v1;
	v2 =	vsel vm6, v6, v2;
	v6 =	vsel vm7, v4, v21  }
0x1d0: {  	v11 =	vsel vm5, $0x21, v10;
	v10 =	vnsel vm5, $0x21, v10;
	vm8 =	vgt.f32 v6, v5  }
0x1d1: {  	v3 =	vsel vm6, v12, v3;
	v12 =	vsel vm7, v10, v20;
	v17 =	vsel vm8, v5, v6  }
0x1d2: {  	v10 =	vsel vm7, v20, v10;
	v5 =	vsel vm8, v6, v5;
	vm9 =	vgt.f32 v17, v8  }
0x1d3: {  	v20 =	vld.idx.msk [tilespmem:v35+s9+$0x0], $0xffff;
	v6 =	vsel vm8, v10, v7;
	v7 =	vsel vm8, v7, v10;
	v10 =	vsel vm9, v8, v17  }
0x1d4: {  	v8 =	vsel vm9, v17, v8;
	v17 =	vsel vm9, v7, v14;
	vm10 =	vgt.f32 v10, v9  }
0x1d5: {  	v7 =	vsel vm9, v14, v7;
	v14 =	vsel vm10, v10, v9;
	v9 =	vsel vm10, v9, v10  }
0x1d6: {  	v10 =	vsel vm10, v7, v18;
	vm11 =	vgt.f32 v9, v13  }
0x1d7: {  	v7 =	vsel vm10, v18, v7;
	v18 =	vsel vm11, v9, v13;
	v9 =	vsel vm11, v13, v9  }
0x1d8: {  	v4 =	vsel vm7, v21, v4;
	vm13 =	vgt.f32 v20, v1;
	vm12 =	vgt.f32 v9, v19  }
0x1d9: {  	v13 =	vsel vm11, v7, v16;
	v7 =	vsel vm11, v16, v7;
	v16 =	vsel vm12, v9, v19  }
0x1da: {  	v9 =	vsel vm12, v19, v9;
	v19 =	vsel vm13, v1, v20;
	v21 =	vsel vm12, v7, v15  }
0x1db: {  	v7 =	vsel vm12, v15, v7;
	vm14 =	vgt.f32 v9, v3;
	vm15 =	vgt.f32 v19, v4  }
0x1dc: {  	v3 =	vsel vm14, v9, v3;
	v9 =	vsel vm15, v4, v19;
	v2 =	vsel vm14, v7, v2  }
0x1dd: {  	v7 =	vsel vm13, $0x22, v11;
	v11 =	vnsel vm13, $0x22, v11;
	v4 =	vsel vm15, v19, v4  }
0x1de: {  	vm4 =	vgt.f32 v9, v5;
	v19 =	vsel vm15, v11, v12;
	v11 =	vsel vm15, v12, v11  }
0x1df: {  	v15 =	vsel vm4, v5, v9;
	v12 =	vsel vm4, v11, v6;
	v6 =	vsel vm4, v6, v11;
	v11 =	vld.idx.msk [tilespmem:v36+s9+$0x0], $0xffff  }
0x1e0: {  	v1 =	vsel vm13, v20, v1;
	vm5 =	vgt.f32 v15, v8  }
0x1e1: {  	v5 =	vsel vm4, v9, v5;
	v9 =	vsel vm5, v8, v15;
	v8 =	vsel vm5, v15, v8  }
0x1e2: {  	v15 =	vsel vm5, v6, v17;
	v6 =	vsel vm5, v17, v6;
	vm6 =	vgt.f32 v9, v14  }
0x1e3: {  	v20 =	vsel vm6, v14, v9;
	v9 =	vsel vm6, v9, v14;
	v14 =	vsel vm6, v6, v10  }
0x1e4: {  	v6 =	vsel vm6, v10, v6;
	vm7 =	vgt.f32 v20, v18;
	vm9 =	vgt.f32 v11, v1  }
0x1e5: {  	v10 =	vsel vm7, v18, v20;
	v17 =	vsel vm7, v20, v18;
	v18 =	vsel vm7, v6, v13  }
0x1e6: {  	v6 =	vsel vm7, v13, v6;
	v20 =	vsel vm9, v1, v11;
	vm8 =	vgt.f32 v10, v16  }
0x1e7: {  	vm11 =	vgt.f32 v20, v4;
	v13 =	vsel vm8, v10, v16;
	v10 =	vsel vm8, v16, v10  }
0x1e8: {  	v16 =	vsel vm8, v6, v21;
	v6 =	vsel vm8, v21, v6;
	vm10 =	vgt.f32 v10, v3  }
0x1e9: {  	v1 =	vsel vm9, v11, v1;
	v2 =	vsel vm10, v6, v2;
	v6 =	vsel vm11, v4, v20  }
0x1ea: {  	v3 =	vsel vm10, v10, v3;
	v10 =	vsel vm9, $0x23, v7;
	vm12 =	vgt.f32 v6, v5  }
0x1eb: {  	v7 =	vnsel vm9, $0x23, v7;
	v4 =	vsel vm11, v20, v4;
	v11 =	vsel vm12, v5, v6  }
0x1ec: {  	v20 =	vsel vm11, v7, v19;
	v7 =	vsel vm11, v19, v7;
	vm13 =	vgt.f32 v11, v8  }
0x1ed: {  	v5 =	vsel vm12, v6, v5;
	v6 =	vsel vm12, v7, v12;
	v19 =	vsel vm13, v8, v11  }
0x1ee: {  	v7 =	vsel vm12, v12, v7;
	v8 =	vsel vm13, v11, v8;
	v11 =	vld.idx.msk [tilespmem:v37+s9+$0x0], $0xffff;
	vm14 =	vgt.f32 v19, v9  }
0x1ef: {  	v12 =	vsel vm13, v7, v15;
	v7 =	vsel vm13, v15, v7;
	v15 =	vsel vm14, v9, v19  }
0x1f0: {  	v9 =	vsel vm14, v19, v9;
	v19 =	vsel vm14, v7, v14;
	vm15 =	vgt.f32 v15, v17  }
0x1f1: {  	v7 =	vsel vm14, v14, v7;
	v14 =	vsel vm15, v15, v17;
	v15 =	vsel vm15, v17, v15  }
0x1f2: {  	v17 =	vsel vm15, v7, v18;
	vm4 =	vgt.f32 v15, v13  }
0x1f3: {  	v7 =	vsel vm15, v18, v7;
	vm5 =	vgt.f32 v11, v1;
	v18 =	vsel vm4, v15, v13  }
0x1f4: {  	v13 =	vsel vm4, v13, v15;
	v15 =	vsel vm4, v7, v16;
	v21 =	vsel vm5, v1, v11  }
0x1f5: {  	v7 =	vsel vm4, v16, v7;
	vm6 =	vgt.f32 v13, v3;
	vm7 =	vgt.f32 v21, v4  }
0x1f6: {  	v1 =	vsel vm5, v11, v1;
	v2 =	vsel vm6, v7, v2;
	v7 =	vsel vm7, v4, v21  }
0x1f7: {  	v11 =	vsel vm5, $0x24, v10;
	v10 =	vnsel vm5, $0x24, v10;
	vm8 =	vgt.f32 v7, v5  }
0x1f8: {  	v3 =	vsel vm6, v13, v3;
	v13 =	vsel vm7, v10, v20;
	v16 =	vsel vm8, v5, v7  }
0x1f9: {  	v10 =	vsel vm7, v20, v10;
	v5 =	vsel vm8, v7, v5;
	vm9 =	vgt.f32 v16, v8  }
0x1fa: {  	v20 =	vld.idx.msk [tilespmem:v38+s9+$0x0], $0xffff;
	v7 =	vsel vm8, v10, v6;
	v6 =	vsel vm8, v6, v10;
	v10 =	vsel vm9, v8, v16  }
0x1fb: {  	v8 =	vsel vm9, v16, v8;
	v16 =	vsel vm9, v6, v12;
	vm10 =	vgt.f32 v10, v9  }
0x1fc: {  	v6 =	vsel vm9, v12, v6;
	v12 =	vsel vm10, v10, v9;
	v9 =	vsel vm10, v9, v10  }
0x1fd: {  	v10 =	vsel vm10, v6, v19;
	vm11 =	vgt.f32 v9, v14  }
0x1fe: {  	v6 =	vsel vm10, v19, v6;
	v19 =	vsel vm11, v9, v14;
	v9 =	vsel vm11, v14, v9  }
0x1ff: {  	v4 =	vsel vm7, v21, v4;
	vm13 =	vgt.f32 v20, v1;
	vm12 =	vgt.f32 v9, v18  }
0x200: {  	v14 =	vsel vm11, v6, v17;
	v6 =	vsel vm11, v17, v6;
	v17 =	vsel vm12, v9, v18  }
0x201: {  	v9 =	vsel vm12, v18, v9;
	v18 =	vsel vm13, v1, v20;
	v21 =	vsel vm12, v6, v15  }
0x202: {  	v6 =	vsel vm12, v15, v6;
	vm14 =	vgt.f32 v9, v3;
	vm15 =	vgt.f32 v18, v4  }
0x203: {  	v3 =	vsel vm14, v9, v3;
	v9 =	vsel vm15, v4, v18;
	v2 =	vsel vm14, v6, v2  }
0x204: {  	v6 =	vsel vm13, $0x25, v11;
	v11 =	vnsel vm13, $0x25, v11;
	v4 =	vsel vm15, v18, v4  }
0x205: {  	vm4 =	vgt.f32 v9, v5;
	v18 =	vsel vm15, v11, v13;
	v11 =	vsel vm15, v13, v11  }
0x206: {  	v15 =	vsel vm4, v5, v9;
	v13 =	vsel vm4, v11, v7;
	v7 =	vsel vm4, v7, v11;
	v11 =	vld.idx.msk [tilespmem:v39+s9+$0x0], $0xffff  }
0x207: {  	v1 =	vsel vm13, v20, v1;
	vm5 =	vgt.f32 v15, v8  }
0x208: {  	v5 =	vsel vm4, v9, v5;
	v9 =	vsel vm5, v8, v15;
	v8 =	vsel vm5, v15, v8  }
0x209: {  	v15 =	vsel vm5, v7, v16;
	v7 =	vsel vm5, v16, v7;
	vm6 =	vgt.f32 v9, v12  }
0x20a: {  	v20 =	vsel vm6, v12, v9;
	v9 =	vsel vm6, v9, v12;
	v12 =	vsel vm6, v7, v10  }
0x20b: {  	v7 =	vsel vm6, v10, v7;
	vm7 =	vgt.f32 v20, v19;
	vm9 =	vgt.f32 v11, v1  }
0x20c: {  	v10 =	vsel vm7, v19, v20;
	v16 =	vsel vm7, v20, v19;
	v19 =	vsel vm7, v7, v14  }
0x20d: {  	v7 =	vsel vm7, v14, v7;
	v20 =	vsel vm9, v1, v11;
	vm8 =	vgt.f32 v10, v17  }
0x20e: {  	vm11 =	vgt.f32 v20, v4;
	v14 =	vsel vm8, v10, v17;
	v10 =	vsel vm8, v17, v10  }
0x20f: {  	v17 =	vsel vm8, v7, v21;
	v7 =	vsel vm8, v21, v7;
	vm10 =	vgt.f32 v10, v3  }
0x210: {  	v1 =	vsel vm9, v11, v1;
	v2 =	vsel vm10, v7, v2;
	v7 =	vsel vm11, v4, v20  }
0x211: {  	v3 =	vsel vm10, v10, v3;
	v10 =	vsel vm9, $0x26, v6;
	vm12 =	vgt.f32 v7, v5  }
0x212: {  	v6 =	vnsel vm9, $0x26, v6;
	v4 =	vsel vm11, v20, v4;
	v11 =	vsel vm12, v5, v7  }
0x213: {  	v20 =	vsel vm11, v6, v18;
	v6 =	vsel vm11, v18, v6;
	vm13 =	vgt.f32 v11, v8  }
0x214: {  	v5 =	vsel vm12, v7, v5;
	v7 =	vsel vm12, v6, v13;
	v18 =	vsel vm13, v8, v11  }
0x215: {  	v6 =	vsel vm12, v13, v6;
	v8 =	vsel vm13, v11, v8;
	v11 =	vld.idx.msk [tilespmem:v40+s9+$0x0], $0xffff;
	vm14 =	vgt.f32 v18, v9  }
0x216: {  	v13 =	vsel vm13, v6, v15;
	v6 =	vsel vm13, v15, v6;
	v15 =	vsel vm14, v9, v18  }
0x217: {  	v9 =	vsel vm14, v18, v9;
	v18 =	vsel vm14, v6, v12;
	vm15 =	vgt.f32 v15, v16  }
0x218: {  	v6 =	vsel vm14, v12, v6;
	v12 =	vsel vm15, v15, v16;
	v15 =	vsel vm15, v16, v15  }
0x219: {  	v16 =	vsel vm15, v6, v19;
	vm4 =	vgt.f32 v15, v14  }
0x21a: {  	v6 =	vsel vm15, v19, v6;
	vm5 =	vgt.f32 v11, v1;
	v19 =	vsel vm4, v15, v14  }
0x21b: {  	v14 =	vsel vm4, v14, v15;
	v15 =	vsel vm4, v6, v17;
	v21 =	vsel vm5, v1, v11  }
0x21c: {  	v6 =	vsel vm4, v17, v6;
	vm6 =	vgt.f32 v14, v3;
	vm7 =	vgt.f32 v21, v4  }
0x21d: {  	v1 =	vsel vm5, v11, v1;
	v2 =	vsel vm6, v6, v2;
	v6 =	vsel vm7, v4, v21  }
0x21e: {  	v11 =	vsel vm5, $0x27, v10;
	v10 =	vnsel vm5, $0x27, v10;
	vm8 =	vgt.f32 v6, v5  }
0x21f: {  	v3 =	vsel vm6, v14, v3;
	v14 =	vsel vm7, v10, v20;
	v17 =	vsel vm8, v5, v6  }
0x220: {  	v10 =	vsel vm7, v20, v10;
	v5 =	vsel vm8, v6, v5;
	vm9 =	vgt.f32 v17, v8  }
0x221: {  	v20 =	vld.idx.msk [tilespmem:v41+s9+$0x0], $0xffff;
	v6 =	vsel vm8, v10, v7;
	v7 =	vsel vm8, v7, v10;
	v10 =	vsel vm9, v8, v17  }
0x222: {  	v8 =	vsel vm9, v17, v8;
	v17 =	vsel vm9, v7, v13;
	vm10 =	vgt.f32 v10, v9  }
0x223: {  	v7 =	vsel vm9, v13, v7;
	v13 =	vsel vm10, v10, v9;
	v9 =	vsel vm10, v9, v10  }
0x224: {  	v10 =	vsel vm10, v7, v18;
	vm11 =	vgt.f32 v9, v12  }
0x225: {  	v7 =	vsel vm10, v18, v7;
	v18 =	vsel vm11, v9, v12;
	v9 =	vsel vm11, v12, v9  }
0x226: {  	v4 =	vsel vm7, v21, v4;
	vm13 =	vgt.f32 v20, v1;
	vm12 =	vgt.f32 v9, v19  }
0x227: {  	v12 =	vsel vm11, v7, v16;
	v7 =	vsel vm11, v16, v7;
	v16 =	vsel vm12, v9, v19  }
0x228: {  	v9 =	vsel vm12, v19, v9;
	v19 =	vsel vm13, v1, v20;
	v21 =	vsel vm12, v7, v15  }
0x229: {  	v7 =	vsel vm12, v15, v7;
	vm14 =	vgt.f32 v9, v3;
	vm15 =	vgt.f32 v19, v4  }
0x22a: {  	v3 =	vsel vm14, v9, v3;
	v9 =	vsel vm15, v4, v19;
	v2 =	vsel vm14, v7, v2  }
0x22b: {  	v7 =	vsel vm13, $0x28, v11;
	v11 =	vnsel vm13, $0x28, v11;
	v4 =	vsel vm15, v19, v4  }
0x22c: {  	vm4 =	vgt.f32 v9, v5;
	v19 =	vsel vm15, v11, v14;
	v11 =	vsel vm15, v14, v11  }
0x22d: {  	v15 =	vsel vm4, v5, v9;
	v14 =	vsel vm4, v11, v6;
	v6 =	vsel vm4, v6, v11;
	v11 =	vld.idx.msk [tilespmem:v42+s9+$0x0], $0xffff  }
0x22e: {  	v1 =	vsel vm13, v20, v1;
	vm5 =	vgt.f32 v15, v8  }
0x22f: {  	v5 =	vsel vm4, v9, v5;
	v9 =	vsel vm5, v8, v15;
	v8 =	vsel vm5, v15, v8  }
0x230: {  	v15 =	vsel vm5, v6, v17;
	v6 =	vsel vm5, v17, v6;
	vm6 =	vgt.f32 v9, v13  }
0x231: {  	v20 =	vsel vm6, v13, v9;
	v9 =	vsel vm6, v9, v13;
	v13 =	vsel vm6, v6, v10  }
0x232: {  	v6 =	vsel vm6, v10, v6;
	vm7 =	vgt.f32 v20, v18;
	vm9 =	vgt.f32 v11, v1  }
0x233: {  	v10 =	vsel vm7, v18, v20;
	v17 =	vsel vm7, v20, v18;
	v18 =	vsel vm7, v6, v12  }
0x234: {  	v6 =	vsel vm7, v12, v6;
	v20 =	vsel vm9, v1, v11;
	vm8 =	vgt.f32 v10, v16  }
0x235: {  	vm11 =	vgt.f32 v20, v4;
	v12 =	vsel vm8, v10, v16;
	v10 =	vsel vm8, v16, v10  }
0x236: {  	v16 =	vsel vm8, v6, v21;
	v6 =	vsel vm8, v21, v6;
	vm10 =	vgt.f32 v10, v3  }
0x237: {  	v1 =	vsel vm9, v11, v1;
	v2 =	vsel vm10, v6, v2;
	v6 =	vsel vm11, v4, v20  }
0x238: {  	v3 =	vsel vm10, v10, v3;
	v10 =	vsel vm9, $0x29, v7;
	vm12 =	vgt.f32 v6, v5  }
0x239: {  	v7 =	vnsel vm9, $0x29, v7;
	v4 =	vsel vm11, v20, v4;
	v11 =	vsel vm12, v5, v6  }
0x23a: {  	v20 =	vsel vm11, v7, v19;
	v7 =	vsel vm11, v19, v7;
	vm13 =	vgt.f32 v11, v8  }
0x23b: {  	v5 =	vsel vm12, v6, v5;
	v6 =	vsel vm12, v7, v14;
	v19 =	vsel vm13, v8, v11  }
0x23c: {  	v7 =	vsel vm12, v14, v7;
	v8 =	vsel vm13, v11, v8;
	v11 =	vld.idx.msk [tilespmem:v43+s9+$0x0], $0xffff;
	vm14 =	vgt.f32 v19, v9  }
0x23d: {  	v14 =	vsel vm13, v7, v15;
	v7 =	vsel vm13, v15, v7;
	v15 =	vsel vm14, v9, v19  }
0x23e: {  	v9 =	vsel vm14, v19, v9;
	v19 =	vsel vm14, v7, v13;
	vm15 =	vgt.f32 v15, v17  }
0x23f: {  	v7 =	vsel vm14, v13, v7;
	v13 =	vsel vm15, v15, v17;
	v15 =	vsel vm15, v17, v15  }
0x240: {  	v17 =	vsel vm15, v7, v18;
	vm4 =	vgt.f32 v15, v12  }
0x241: {  	v7 =	vsel vm15, v18, v7;
	vm5 =	vgt.f32 v11, v1;
	v18 =	vsel vm4, v15, v12  }
0x242: {  	v12 =	vsel vm4, v12, v15;
	v15 =	vsel vm4, v7, v16;
	v21 =	vsel vm5, v1, v11  }
0x243: {  	v7 =	vsel vm4, v16, v7;
	vm6 =	vgt.f32 v12, v3;
	vm7 =	vgt.f32 v21, v4  }
0x244: {  	v1 =	vsel vm5, v11, v1;
	v2 =	vsel vm6, v7, v2;
	v7 =	vsel vm7, v4, v21  }
0x245: {  	v11 =	vsel vm5, $0x2A, v10;
	v10 =	vnsel vm5, $0x2A, v10;
	vm8 =	vgt.f32 v7, v5  }
0x246: {  	v3 =	vsel vm6, v12, v3;
	v12 =	vsel vm7, v10, v20;
	v16 =	vsel vm8, v5, v7  }
0x247: {  	v10 =	vsel vm7, v20, v10;
	v5 =	vsel vm8, v7, v5;
	vm9 =	vgt.f32 v16, v8  }
0x248: {  	v20 =	vld.idx.msk [tilespmem:v44+s9+$0x0], $0xffff;
	v7 =	vsel vm8, v10, v6;
	v6 =	vsel vm8, v6, v10;
	v10 =	vsel vm9, v8, v16  }
0x249: {  	v8 =	vsel vm9, v16, v8;
	v16 =	vsel vm9, v6, v14;
	vm10 =	vgt.f32 v10, v9  }
0x24a: {  	v6 =	vsel vm9, v14, v6;
	v14 =	vsel vm10, v10, v9;
	v9 =	vsel vm10, v9, v10  }
0x24b: {  	v10 =	vsel vm10, v6, v19;
	vm11 =	vgt.f32 v9, v13  }
0x24c: {  	v6 =	vsel vm10, v19, v6;
	v19 =	vsel vm11, v9, v13;
	v9 =	vsel vm11, v13, v9  }
0x24d: {  	v4 =	vsel vm7, v21, v4;
	vm13 =	vgt.f32 v20, v1;
	vm12 =	vgt.f32 v9, v18  }
0x24e: {  	v13 =	vsel vm11, v6, v17;
	v6 =	vsel vm11, v17, v6;
	v17 =	vsel vm12, v9, v18  }
0x24f: {  	v9 =	vsel vm12, v18, v9;
	v18 =	vsel vm13, v1, v20;
	v21 =	vsel vm12, v6, v15  }
0x250: {  	v6 =	vsel vm12, v15, v6;
	vm14 =	vgt.f32 v9, v3;
	vm15 =	vgt.f32 v18, v4  }
0x251: {  	v3 =	vsel vm14, v9, v3;
	v9 =	vsel vm15, v4, v18;
	v2 =	vsel vm14, v6, v2  }
0x252: {  	v6 =	vsel vm13, $0x2B, v11;
	v11 =	vnsel vm13, $0x2B, v11;
	v4 =	vsel vm15, v18, v4  }
0x253: {  	vm4 =	vgt.f32 v9, v5;
	v18 =	vsel vm15, v11, v12;
	v11 =	vsel vm15, v12, v11  }
0x254: {  	v15 =	vsel vm4, v5, v9;
	v12 =	vsel vm4, v11, v7;
	v7 =	vsel vm4, v7, v11;
	v11 =	vld.idx.msk [tilespmem:v45+s9+$0x0], $0xffff  }
0x255: {  	v1 =	vsel vm13, v20, v1;
	vm5 =	vgt.f32 v15, v8  }
0x256: {  	v5 =	vsel vm4, v9, v5;
	v9 =	vsel vm5, v8, v15;
	v8 =	vsel vm5, v15, v8  }
0x257: {  	v15 =	vsel vm5, v7, v16;
	v7 =	vsel vm5, v16, v7;
	vm6 =	vgt.f32 v9, v14  }
0x258: {  	v20 =	vsel vm6, v14, v9;
	v9 =	vsel vm6, v9, v14;
	v14 =	vsel vm6, v7, v10  }
0x259: {  	v7 =	vsel vm6, v10, v7;
	vm7 =	vgt.f32 v20, v19;
	vm9 =	vgt.f32 v11, v1  }
0x25a: {  	v10 =	vsel vm7, v19, v20;
	v16 =	vsel vm7, v20, v19;
	v19 =	vsel vm7, v7, v13  }
0x25b: {  	v7 =	vsel vm7, v13, v7;
	v20 =	vsel vm9, v1, v11;
	vm8 =	vgt.f32 v10, v17  }
0x25c: {  	vm11 =	vgt.f32 v20, v4;
	v13 =	vsel vm8, v10, v17;
	v10 =	vsel vm8, v17, v10  }
0x25d: {  	v17 =	vsel vm8, v7, v21;
	v7 =	vsel vm8, v21, v7;
	vm10 =	vgt.f32 v10, v3  }
0x25e: {  	v1 =	vsel vm9, v11, v1;
	v2 =	vsel vm10, v7, v2;
	v7 =	vsel vm11, v4, v20  }
0x25f: {  	v3 =	vsel vm10, v10, v3;
	v10 =	vsel vm9, $0x2C, v6;
	vm12 =	vgt.f32 v7, v5  }
0x260: {  	v6 =	vnsel vm9, $0x2C, v6;
	v4 =	vsel vm11, v20, v4;
	v11 =	vsel vm12, v5, v7  }
0x261: {  	v20 =	vsel vm11, v6, v18;
	v6 =	vsel vm11, v18, v6;
	vm13 =	vgt.f32 v11, v8  }
0x262: {  	v5 =	vsel vm12, v7, v5;
	v7 =	vsel vm12, v6, v12;
	v18 =	vsel vm13, v8, v11  }
0x263: {  	v6 =	vsel vm12, v12, v6;
	v8 =	vsel vm13, v11, v8;
	v11 =	vld.idx.msk [tilespmem:v46+s9+$0x0], $0xffff;
	vm14 =	vgt.f32 v18, v9  }
0x264: {  	v12 =	vsel vm13, v6, v15;
	v6 =	vsel vm13, v15, v6;
	v15 =	vsel vm14, v9, v18  }
0x265: {  	v9 =	vsel vm14, v18, v9;
	v18 =	vsel vm14, v6, v14;
	vm15 =	vgt.f32 v15, v16  }
0x266: {  	v6 =	vsel vm14, v14, v6;
	v14 =	vsel vm15, v15, v16;
	v15 =	vsel vm15, v16, v15  }
0x267: {  	v16 =	vsel vm15, v6, v19;
	vm4 =	vgt.f32 v15, v13  }
0x268: {  	v6 =	vsel vm15, v19, v6;
	vm5 =	vgt.f32 v11, v1;
	v19 =	vsel vm4, v15, v13  }
0x269: {  	v13 =	vsel vm4, v13, v15;
	v15 =	vsel vm4, v6, v17;
	v21 =	vsel vm5, v1, v11  }
0x26a: {  	v6 =	vsel vm4, v17, v6;
	vm6 =	vgt.f32 v13, v3;
	vm7 =	vgt.f32 v21, v4  }
0x26b: {  	v1 =	vsel vm5, v11, v1;
	v2 =	vsel vm6, v6, v2;
	v6 =	vsel vm7, v4, v21  }
0x26c: {  	v11 =	vsel vm5, $0x2D, v10;
	v10 =	vnsel vm5, $0x2D, v10;
	vm8 =	vgt.f32 v6, v5  }
0x26d: {  	v3 =	vsel vm6, v13, v3;
	v13 =	vsel vm7, v10, v20;
	v17 =	vsel vm8, v5, v6  }
0x26e: {  	v10 =	vsel vm7, v20, v10;
	v5 =	vsel vm8, v6, v5;
	vm9 =	vgt.f32 v17, v8  }
0x26f: {  	v20 =	vld.idx.msk [tilespmem:v47+s9+$0x0], $0xffff;
	v6 =	vsel vm8, v10, v7;
	v7 =	vsel vm8, v7, v10;
	v10 =	vsel vm9, v8, v17  }
0x270: {  	v8 =	vsel vm9, v17, v8;
	v17 =	vsel vm9, v7, v12;
	vm10 =	vgt.f32 v10, v9  }
0x271: {  	v7 =	vsel vm9, v12, v7;
	v12 =	vsel vm10, v10, v9;
	v9 =	vsel vm10, v9, v10  }
0x272: {  	v10 =	vsel vm10, v7, v18;
	vm11 =	vgt.f32 v9, v14  }
0x273: {  	v7 =	vsel vm10, v18, v7;
	v18 =	vsel vm11, v9, v14;
	v9 =	vsel vm11, v14, v9  }
0x274: {  	v4 =	vsel vm7, v21, v4;
	vm13 =	vgt.f32 v20, v1;
	vm12 =	vgt.f32 v9, v19  }
0x275: {  	v14 =	vsel vm11, v7, v16;
	v7 =	vsel vm11, v16, v7;
	v16 =	vsel vm12, v9, v19  }
0x276: {  	v9 =	vsel vm12, v19, v9;
	v19 =	vsel vm13, v1, v20;
	v21 =	vsel vm12, v7, v15  }
0x277: {  	v7 =	vsel vm12, v15, v7;
	vm14 =	vgt.f32 v9, v3;
	vm15 =	vgt.f32 v19, v4  }
0x278: {  	v3 =	vsel vm14, v9, v3;
	v9 =	vsel vm15, v4, v19;
	v2 =	vsel vm14, v7, v2  }
0x279: {  	v7 =	vsel vm13, $0x2E, v11;
	v11 =	vnsel vm13, $0x2E, v11;
	v4 =	vsel vm15, v19, v4  }
0x27a: {  	vm4 =	vgt.f32 v9, v5;
	v19 =	vsel vm15, v11, v13;
	v11 =	vsel vm15, v13, v11  }
0x27b: {  	v15 =	vsel vm4, v5, v9;
	v13 =	vsel vm4, v11, v6;
	v6 =	vsel vm4, v6, v11;
	v11 =	vld.idx.msk [tilespmem:v48+s9+$0x0], $0xffff  }
0x27c: {  	v1 =	vsel vm13, v20, v1;
	vm5 =	vgt.f32 v15, v8  }
0x27d: {  	v5 =	vsel vm4, v9, v5;
	v9 =	vsel vm5, v8, v15;
	v8 =	vsel vm5, v15, v8  }
0x27e: {  	v15 =	vsel vm5, v6, v17;
	v6 =	vsel vm5, v17, v6;
	vm6 =	vgt.f32 v9, v12  }
0x27f: {  	v20 =	vsel vm6, v12, v9;
	v9 =	vsel vm6, v9, v12;
	v12 =	vsel vm6, v6, v10  }
0x280: {  	v6 =	vsel vm6, v10, v6;
	vm7 =	vgt.f32 v20, v18;
	vm9 =	vgt.f32 v11, v1  }
0x281: {  	v10 =	vsel vm7, v18, v20;
	v17 =	vsel vm7, v20, v18;
	v18 =	vsel vm7, v6, v14  }
0x282: {  	v6 =	vsel vm7, v14, v6;
	v20 =	vsel vm9, v1, v11;
	vm8 =	vgt.f32 v10, v16  }
0x283: {  	vm11 =	vgt.f32 v20, v4;
	v14 =	vsel vm8, v10, v16;
	v10 =	vsel vm8, v16, v10  }
0x284: {  	v16 =	vsel vm8, v6, v21;
	v6 =	vsel vm8, v21, v6;
	vm10 =	vgt.f32 v10, v3  }
0x285: {  	v1 =	vsel vm9, v11, v1;
	v2 =	vsel vm10, v6, v2;
	v6 =	vsel vm11, v4, v20  }
0x286: {  	v3 =	vsel vm10, v10, v3;
	v10 =	vsel vm9, $0x2F, v7;
	vm12 =	vgt.f32 v6, v5  }
0x287: {  	v7 =	vnsel vm9, $0x2F, v7;
	v4 =	vsel vm11, v20, v4;
	v11 =	vsel vm12, v5, v6  }
0x288: {  	v20 =	vsel vm11, v7, v19;
	v7 =	vsel vm11, v19, v7;
	vm13 =	vgt.f32 v11, v8  }
0x289: {  	v5 =	vsel vm12, v6, v5;
	v6 =	vsel vm12, v7, v13;
	v19 =	vsel vm13, v8, v11  }
0x28a: {  	v7 =	vsel vm12, v13, v7;
	v8 =	vsel vm13, v11, v8;
	v11 =	vld.idx.msk [tilespmem:v49+s9+$0x0], $0xffff;
	vm14 =	vgt.f32 v19, v9  }
0x28b: {  	v13 =	vsel vm13, v7, v15;
	v7 =	vsel vm13, v15, v7;
	v15 =	vsel vm14, v9, v19  }
0x28c: {  	v9 =	vsel vm14, v19, v9;
	v19 =	vsel vm14, v7, v12;
	vm15 =	vgt.f32 v15, v17  }
0x28d: {  	v7 =	vsel vm14, v12, v7;
	v12 =	vsel vm15, v15, v17;
	v15 =	vsel vm15, v17, v15  }
0x28e: {  	v17 =	vsel vm15, v7, v18;
	vm4 =	vgt.f32 v15, v14  }
0x28f: {  	v7 =	vsel vm15, v18, v7;
	vm5 =	vgt.f32 v11, v1;
	v18 =	vsel vm4, v15, v14  }
0x290: {  	v14 =	vsel vm4, v14, v15;
	v15 =	vsel vm4, v7, v16;
	v21 =	vsel vm5, v1, v11  }
0x291: {  	v7 =	vsel vm4, v16, v7;
	vm6 =	vgt.f32 v14, v3;
	vm7 =	vgt.f32 v21, v4  }
0x292: {  	v1 =	vsel vm5, v11, v1;
	v2 =	vsel vm6, v7, v2;
	v7 =	vsel vm7, v4, v21  }
0x293: {  	v11 =	vsel vm5, $0x30, v10;
	v10 =	vnsel vm5, $0x30, v10;
	vm8 =	vgt.f32 v7, v5  }
0x294: {  	v3 =	vsel vm6, v14, v3;
	v14 =	vsel vm7, v10, v20;
	v16 =	vsel vm8, v5, v7  }
0x295: {  	v10 =	vsel vm7, v20, v10;
	v5 =	vsel vm8, v7, v5;
	vm9 =	vgt.f32 v16, v8  }
0x296: {  	v20 =	vld.idx.msk [tilespmem:v50+s9+$0x0], $0xffff;
	v7 =	vsel vm8, v10, v6;
	v6 =	vsel vm8, v6, v10;
	v10 =	vsel vm9, v8, v16  }
0x297: {  	v8 =	vsel vm9, v16, v8;
	v16 =	vsel vm9, v6, v13;
	vm10 =	vgt.f32 v10, v9  }
0x298: {  	v6 =	vsel vm9, v13, v6;
	v13 =	vsel vm10, v10, v9;
	v9 =	vsel vm10, v9, v10  }
0x299: {  	v10 =	vsel vm10, v6, v19;
	vm11 =	vgt.f32 v9, v12  }
0x29a: {  	v6 =	vsel vm10, v19, v6;
	v19 =	vsel vm11, v9, v12;
	v9 =	vsel vm11, v12, v9  }
0x29b: {  	v4 =	vsel vm7, v21, v4;
	vm13 =	vgt.f32 v20, v1;
	vm12 =	vgt.f32 v9, v18  }
0x29c: {  	v12 =	vsel vm11, v6, v17;
	v6 =	vsel vm11, v17, v6;
	v17 =	vsel vm12, v9, v18  }
0x29d: {  	v9 =	vsel vm12, v18, v9;
	v18 =	vsel vm13, v1, v20;
	v21 =	vsel vm12, v6, v15  }
0x29e: {  	v6 =	vsel vm12, v15, v6;
	vm14 =	vgt.f32 v9, v3;
	vm15 =	vgt.f32 v18, v4  }
0x29f: {  	v3 =	vsel vm14, v9, v3;
	v9 =	vsel vm15, v4, v18;
	v2 =	vsel vm14, v6, v2  }
0x2a0: {  	v6 =	vsel vm13, $0x31, v11;
	v11 =	vnsel vm13, $0x31, v11;
	v4 =	vsel vm15, v18, v4  }
0x2a1: {  	vm4 =	vgt.f32 v9, v5;
	v18 =	vsel vm15, v11, v14;
	v11 =	vsel vm15, v14, v11  }
0x2a2: {  	v15 =	vsel vm4, v5, v9;
	v14 =	vsel vm4, v11, v7;
	v7 =	vsel vm4, v7, v11;
	v11 =	vld.idx.msk [tilespmem:v51+s9+$0x0], $0xffff  }
0x2a3: {  	v1 =	vsel vm13, v20, v1;
	vm5 =	vgt.f32 v15, v8  }
0x2a4: {  	v5 =	vsel vm4, v9, v5;
	v9 =	vsel vm5, v8, v15;
	v8 =	vsel vm5, v15, v8  }
0x2a5: {  	v15 =	vsel vm5, v7, v16;
	v7 =	vsel vm5, v16, v7;
	vm6 =	vgt.f32 v9, v13  }
0x2a6: {  	v20 =	vsel vm6, v13, v9;
	v9 =	vsel vm6, v9, v13;
	v13 =	vsel vm6, v7, v10  }
0x2a7: {  	v7 =	vsel vm6, v10, v7;
	vm7 =	vgt.f32 v20, v19;
	vm9 =	vgt.f32 v11, v1  }
0x2a8: {  	v10 =	vsel vm7, v19, v20;
	v16 =	vsel vm7, v20, v19;
	v19 =	vsel vm7, v7, v12  }
0x2a9: {  	v7 =	vsel vm7, v12, v7;
	v20 =	vsel vm9, v1, v11;
	vm8 =	vgt.f32 v10, v17  }
0x2aa: {  	vm11 =	vgt.f32 v20, v4;
	v12 =	vsel vm8, v10, v17;
	v10 =	vsel vm8, v17, v10  }
0x2ab: {  	v17 =	vsel vm8, v7, v21;
	v7 =	vsel vm8, v21, v7;
	vm10 =	vgt.f32 v10, v3  }
0x2ac: {  	v1 =	vsel vm9, v11, v1;
	v2 =	vsel vm10, v7, v2;
	v7 =	vsel vm11, v4, v20  }
0x2ad: {  	v3 =	vsel vm10, v10, v3;
	v10 =	vsel vm9, $0x32, v6;
	vm12 =	vgt.f32 v7, v5  }
0x2ae: {  	v6 =	vnsel vm9, $0x32, v6;
	v4 =	vsel vm11, v20, v4;
	v11 =	vsel vm12, v5, v7  }
0x2af: {  	v20 =	vsel vm11, v6, v18;
	v6 =	vsel vm11, v18, v6;
	vm13 =	vgt.f32 v11, v8  }
0x2b0: {  	v5 =	vsel vm12, v7, v5;
	v7 =	vsel vm12, v6, v14;
	v18 =	vsel vm13, v8, v11  }
0x2b1: {  	v6 =	vsel vm12, v14, v6;
	v8 =	vsel vm13, v11, v8;
	v11 =	vld.idx.msk [tilespmem:v52+s9+$0x0], $0xffff;
	vm14 =	vgt.f32 v18, v9  }
0x2b2: {  	v14 =	vsel vm13, v6, v15;
	v6 =	vsel vm13, v15, v6;
	v15 =	vsel vm14, v9, v18  }
0x2b3: {  	v9 =	vsel vm14, v18, v9;
	v18 =	vsel vm14, v6, v13;
	vm15 =	vgt.f32 v15, v16  }
0x2b4: {  	v6 =	vsel vm14, v13, v6;
	v13 =	vsel vm15, v15, v16;
	v15 =	vsel vm15, v16, v15  }
0x2b5: {  	v16 =	vsel vm15, v6, v19;
	vm4 =	vgt.f32 v15, v12  }
0x2b6: {  	v6 =	vsel vm15, v19, v6;
	vm5 =	vgt.f32 v11, v1;
	v19 =	vsel vm4, v15, v12  }
0x2b7: {  	v12 =	vsel vm4, v12, v15;
	v15 =	vsel vm4, v6, v17;
	v21 =	vsel vm5, v1, v11  }
0x2b8: {  	v6 =	vsel vm4, v17, v6;
	vm6 =	vgt.f32 v12, v3;
	vm7 =	vgt.f32 v21, v4  }
0x2b9: {  	v1 =	vsel vm5, v11, v1;
	v2 =	vsel vm6, v6, v2;
	v6 =	vsel vm7, v4, v21  }
0x2ba: {  	v11 =	vsel vm5, $0x33, v10;
	v10 =	vnsel vm5, $0x33, v10;
	vm8 =	vgt.f32 v6, v5  }
0x2bb: {  	v3 =	vsel vm6, v12, v3;
	v12 =	vsel vm7, v10, v20;
	v17 =	vsel vm8, v5, v6  }
0x2bc: {  	v10 =	vsel vm7, v20, v10;
	v5 =	vsel vm8, v6, v5;
	vm9 =	vgt.f32 v17, v8  }
0x2bd: {  	v20 =	vld.idx.msk [tilespmem:v53+s9+$0x0], $0xffff;
	v6 =	vsel vm8, v10, v7;
	v7 =	vsel vm8, v7, v10;
	v10 =	vsel vm9, v8, v17  }
0x2be: {  	v8 =	vsel vm9, v17, v8;
	v17 =	vsel vm9, v7, v14;
	vm10 =	vgt.f32 v10, v9  }
0x2bf: {  	v7 =	vsel vm9, v14, v7;
	v14 =	vsel vm10, v10, v9;
	v9 =	vsel vm10, v9, v10  }
0x2c0: {  	v10 =	vsel vm10, v7, v18;
	vm11 =	vgt.f32 v9, v13  }
0x2c1: {  	v7 =	vsel vm10, v18, v7;
	v18 =	vsel vm11, v9, v13;
	v9 =	vsel vm11, v13, v9  }
0x2c2: {  	v4 =	vsel vm7, v21, v4;
	vm13 =	vgt.f32 v20, v1;
	vm12 =	vgt.f32 v9, v19  }
0x2c3: {  	v13 =	vsel vm11, v7, v16;
	v7 =	vsel vm11, v16, v7;
	v16 =	vsel vm12, v9, v19  }
0x2c4: {  	v9 =	vsel vm12, v19, v9;
	v19 =	vsel vm13, v1, v20;
	v21 =	vsel vm12, v7, v15  }
0x2c5: {  	v7 =	vsel vm12, v15, v7;
	vm14 =	vgt.f32 v9, v3;
	vm15 =	vgt.f32 v19, v4  }
0x2c6: {  	v3 =	vsel vm14, v9, v3;
	v9 =	vsel vm15, v4, v19;
	v2 =	vsel vm14, v7, v2  }
0x2c7: {  	v7 =	vsel vm13, $0x34, v11;
	v11 =	vnsel vm13, $0x34, v11;
	v4 =	vsel vm15, v19, v4  }
0x2c8: {  	vm4 =	vgt.f32 v9, v5;
	v19 =	vsel vm15, v11, v12;
	v11 =	vsel vm15, v12, v11  }
0x2c9: {  	v15 =	vsel vm4, v5, v9;
	v12 =	vsel vm4, v11, v6;
	v6 =	vsel vm4, v6, v11;
	v11 =	vld.idx.msk [tilespmem:v54+s9+$0x0], $0xffff  }
0x2ca: {  	v1 =	vsel vm13, v20, v1;
	vm5 =	vgt.f32 v15, v8  }
0x2cb: {  	v5 =	vsel vm4, v9, v5;
	v9 =	vsel vm5, v8, v15;
	v8 =	vsel vm5, v15, v8  }
0x2cc: {  	v15 =	vsel vm5, v6, v17;
	v6 =	vsel vm5, v17, v6;
	vm6 =	vgt.f32 v9, v14  }
0x2cd: {  	v20 =	vsel vm6, v14, v9;
	v9 =	vsel vm6, v9, v14;
	v14 =	vsel vm6, v6, v10  }
0x2ce: {  	v6 =	vsel vm6, v10, v6;
	vm7 =	vgt.f32 v20, v18;
	vm9 =	vgt.f32 v11, v1  }
0x2cf: {  	v10 =	vsel vm7, v18, v20;
	v17 =	vsel vm7, v20, v18;
	v18 =	vsel vm7, v6, v13  }
0x2d0: {  	v6 =	vsel vm7, v13, v6;
	v20 =	vsel vm9, v1, v11;
	vm8 =	vgt.f32 v10, v16  }
0x2d1: {  	vm11 =	vgt.f32 v20, v4;
	v13 =	vsel vm8, v10, v16;
	v10 =	vsel vm8, v16, v10  }
0x2d2: {  	v16 =	vsel vm8, v6, v21;
	v6 =	vsel vm8, v21, v6;
	vm10 =	vgt.f32 v10, v3  }
0x2d3: {  	v1 =	vsel vm9, v11, v1;
	v2 =	vsel vm10, v6, v2;
	v6 =	vsel vm11, v4, v20  }
0x2d4: {  	v3 =	vsel vm10, v10, v3;
	v10 =	vsel vm9, $0x35, v7;
	vm12 =	vgt.f32 v6, v5  }
0x2d5: {  	v7 =	vnsel vm9, $0x35, v7;
	v4 =	vsel vm11, v20, v4;
	v11 =	vsel vm12, v5, v6  }
0x2d6: {  	v20 =	vsel vm11, v7, v19;
	v7 =	vsel vm11, v19, v7;
	vm13 =	vgt.f32 v11, v8  }
0x2d7: {  	v5 =	vsel vm12, v6, v5;
	v6 =	vsel vm12, v7, v12;
	v19 =	vsel vm13, v8, v11  }
0x2d8: {  	v7 =	vsel vm12, v12, v7;
	v8 =	vsel vm13, v11, v8;
	v11 =	vld.idx.msk [tilespmem:v55+s9+$0x0], $0xffff;
	vm14 =	vgt.f32 v19, v9  }
0x2d9: {  	v12 =	vsel vm13, v7, v15;
	v7 =	vsel vm13, v15, v7;
	v15 =	vsel vm14, v9, v19  }
0x2da: {  	v9 =	vsel vm14, v19, v9;
	v19 =	vsel vm14, v7, v14;
	vm15 =	vgt.f32 v15, v17  }
0x2db: {  	v7 =	vsel vm14, v14, v7;
	v14 =	vsel vm15, v15, v17;
	v15 =	vsel vm15, v17, v15  }
0x2dc: {  	v17 =	vsel vm15, v7, v18;
	vm4 =	vgt.f32 v15, v13  }
0x2dd: {  	v7 =	vsel vm15, v18, v7;
	vm5 =	vgt.f32 v11, v1;
	v18 =	vsel vm4, v15, v13  }
0x2de: {  	v13 =	vsel vm4, v13, v15;
	v15 =	vsel vm4, v7, v16;
	v21 =	vsel vm5, v1, v11  }
0x2df: {  	v7 =	vsel vm4, v16, v7;
	vm6 =	vgt.f32 v13, v3;
	vm7 =	vgt.f32 v21, v4  }
0x2e0: {  	v1 =	vsel vm5, v11, v1;
	v2 =	vsel vm6, v7, v2;
	v7 =	vsel vm7, v4, v21  }
0x2e1: {  	v11 =	vsel vm5, $0x36, v10;
	v10 =	vnsel vm5, $0x36, v10;
	vm8 =	vgt.f32 v7, v5  }
0x2e2: {  	v3 =	vsel vm6, v13, v3;
	v13 =	vsel vm7, v10, v20;
	v16 =	vsel vm8, v5, v7  }
0x2e3: {  	v10 =	vsel vm7, v20, v10;
	v5 =	vsel vm8, v7, v5;
	vm9 =	vgt.f32 v16, v8  }
0x2e4: {  	v20 =	vld.idx.msk [tilespmem:v56+s9+$0x0], $0xffff;
	v7 =	vsel vm8, v10, v6;
	v6 =	vsel vm8, v6, v10;
	v10 =	vsel vm9, v8, v16  }
0x2e5: {  	v8 =	vsel vm9, v16, v8;
	v16 =	vsel vm9, v6, v12;
	vm10 =	vgt.f32 v10, v9  }
0x2e6: {  	v6 =	vsel vm9, v12, v6;
	v12 =	vsel vm10, v10, v9;
	v9 =	vsel vm10, v9, v10  }
0x2e7: {  	v10 =	vsel vm10, v6, v19;
	vm11 =	vgt.f32 v9, v14  }
0x2e8: {  	v6 =	vsel vm10, v19, v6;
	v19 =	vsel vm11, v9, v14;
	v9 =	vsel vm11, v14, v9  }
0x2e9: {  	v4 =	vsel vm7, v21, v4;
	vm13 =	vgt.f32 v20, v1;
	vm12 =	vgt.f32 v9, v18  }
0x2ea: {  	v14 =	vsel vm11, v6, v17;
	v6 =	vsel vm11, v17, v6;
	v17 =	vsel vm12, v9, v18  }
0x2eb: {  	v9 =	vsel vm12, v18, v9;
	v18 =	vsel vm13, v1, v20;
	v21 =	vsel vm12, v6, v15  }
0x2ec: {  	v6 =	vsel vm12, v15, v6;
	vm14 =	vgt.f32 v9, v3;
	vm15 =	vgt.f32 v18, v4  }
0x2ed: {  	v3 =	vsel vm14, v9, v3;
	v9 =	vsel vm15, v4, v18;
	v2 =	vsel vm14, v6, v2  }
0x2ee: {  	v6 =	vsel vm13, $0x37, v11;
	v11 =	vnsel vm13, $0x37, v11;
	v4 =	vsel vm15, v18, v4  }
0x2ef: {  	vm4 =	vgt.f32 v9, v5;
	v18 =	vsel vm15, v11, v13;
	v11 =	vsel vm15, v13, v11  }
0x2f0: {  	v15 =	vsel vm4, v5, v9;
	v13 =	vsel vm4, v11, v7;
	v7 =	vsel vm4, v7, v11;
	v11 =	vld.idx.msk [tilespmem:v57+s9+$0x0], $0xffff  }
0x2f1: {  	v1 =	vsel vm13, v20, v1;
	vm5 =	vgt.f32 v15, v8  }
0x2f2: {  	v5 =	vsel vm4, v9, v5;
	v9 =	vsel vm5, v8, v15;
	v8 =	vsel vm5, v15, v8  }
0x2f3: {  	v15 =	vsel vm5, v7, v16;
	v7 =	vsel vm5, v16, v7;
	vm6 =	vgt.f32 v9, v12  }
0x2f4: {  	v20 =	vsel vm6, v12, v9;
	v9 =	vsel vm6, v9, v12;
	v12 =	vsel vm6, v7, v10  }
0x2f5: {  	v7 =	vsel vm6, v10, v7;
	vm7 =	vgt.f32 v20, v19;
	vm9 =	vgt.f32 v11, v1  }
0x2f6: {  	v10 =	vsel vm7, v19, v20;
	v16 =	vsel vm7, v20, v19;
	v19 =	vsel vm7, v7, v14  }
0x2f7: {  	v7 =	vsel vm7, v14, v7;
	v20 =	vsel vm9, v1, v11;
	vm8 =	vgt.f32 v10, v17  }
0x2f8: {  	vm11 =	vgt.f32 v20, v4;
	v14 =	vsel vm8, v10, v17;
	v10 =	vsel vm8, v17, v10  }
0x2f9: {  	v17 =	vsel vm8, v7, v21;
	v7 =	vsel vm8, v21, v7;
	vm10 =	vgt.f32 v10, v3  }
0x2fa: {  	v1 =	vsel vm9, v11, v1;
	v2 =	vsel vm10, v7, v2;
	v7 =	vsel vm11, v4, v20  }
0x2fb: {  	v3 =	vsel vm10, v10, v3;
	v10 =	vsel vm9, $0x38, v6;
	vm12 =	vgt.f32 v7, v5  }
0x2fc: {  	v6 =	vnsel vm9, $0x38, v6;
	v4 =	vsel vm11, v20, v4;
	v11 =	vsel vm12, v5, v7  }
0x2fd: {  	v20 =	vsel vm11, v6, v18;
	v6 =	vsel vm11, v18, v6;
	vm13 =	vgt.f32 v11, v8  }
0x2fe: {  	v5 =	vsel vm12, v7, v5;
	v7 =	vsel vm12, v6, v13;
	v18 =	vsel vm13, v8, v11  }
0x2ff: {  	v6 =	vsel vm12, v13, v6;
	v8 =	vsel vm13, v11, v8;
	v11 =	vld.idx.msk [tilespmem:v58+s9+$0x0], $0xffff;
	vm14 =	vgt.f32 v18, v9  }
0x300: {  	v13 =	vsel vm13, v6, v15;
	v6 =	vsel vm13, v15, v6;
	v15 =	vsel vm14, v9, v18  }
0x301: {  	v9 =	vsel vm14, v18, v9;
	v18 =	vsel vm14, v6, v12;
	vm15 =	vgt.f32 v15, v16  }
0x302: {  	v6 =	vsel vm14, v12, v6;
	v12 =	vsel vm15, v15, v16;
	v15 =	vsel vm15, v16, v15  }
0x303: {  	v16 =	vsel vm15, v6, v19;
	vm4 =	vgt.f32 v15, v14  }
0x304: {  	v6 =	vsel vm15, v19, v6;
	vm5 =	vgt.f32 v11, v1;
	v19 =	vsel vm4, v15, v14  }
0x305: {  	v14 =	vsel vm4, v14, v15;
	v15 =	vsel vm4, v6, v17;
	v21 =	vsel vm5, v1, v11  }
0x306: {  	v6 =	vsel vm4, v17, v6;
	vm6 =	vgt.f32 v14, v3;
	vm7 =	vgt.f32 v21, v4  }
0x307: {  	v1 =	vsel vm5, v11, v1;
	v2 =	vsel vm6, v6, v2;
	v6 =	vsel vm7, v4, v21  }
0x308: {  	v11 =	vsel vm5, $0x39, v10;
	v10 =	vnsel vm5, $0x39, v10;
	vm8 =	vgt.f32 v6, v5  }
0x309: {  	v3 =	vsel vm6, v14, v3;
	v14 =	vsel vm7, v10, v20;
	v17 =	vsel vm8, v5, v6  }
0x30a: {  	v10 =	vsel vm7, v20, v10;
	v5 =	vsel vm8, v6, v5;
	vm9 =	vgt.f32 v17, v8  }
0x30b: {  	v20 =	vld.idx.msk [tilespmem:v59+s9+$0x0], $0xffff;
	v6 =	vsel vm8, v10, v7;
	v7 =	vsel vm8, v7, v10;
	v10 =	vsel vm9, v8, v17  }
0x30c: {  	v8 =	vsel vm9, v17, v8;
	v17 =	vsel vm9, v7, v13;
	vm10 =	vgt.f32 v10, v9  }
0x30d: {  	v7 =	vsel vm9, v13, v7;
	v13 =	vsel vm10, v10, v9;
	v9 =	vsel vm10, v9, v10  }
0x30e: {  	v10 =	vsel vm10, v7, v18;
	vm11 =	vgt.f32 v9, v12  }
0x30f: {  	v7 =	vsel vm10, v18, v7;
	v18 =	vsel vm11, v9, v12;
	v9 =	vsel vm11, v12, v9  }
0x310: {  	v4 =	vsel vm7, v21, v4;
	vm13 =	vgt.f32 v20, v1;
	vm12 =	vgt.f32 v9, v19  }
0x311: {  	v12 =	vsel vm11, v7, v16;
	v7 =	vsel vm11, v16, v7;
	v16 =	vsel vm12, v9, v19  }
0x312: {  	v9 =	vsel vm12, v19, v9;
	v19 =	vsel vm13, v1, v20;
	v21 =	vsel vm12, v7, v15  }
0x313: {  	v7 =	vsel vm12, v15, v7;
	vm14 =	vgt.f32 v9, v3;
	vm15 =	vgt.f32 v19, v4  }
0x314: {  	v3 =	vsel vm14, v9, v3;
	v9 =	vsel vm15, v4, v19;
	v2 =	vsel vm14, v7, v2  }
0x315: {  	v7 =	vsel vm13, $0x3A, v11;
	v11 =	vnsel vm13, $0x3A, v11;
	v4 =	vsel vm15, v19, v4  }
0x316: {  	vm4 =	vgt.f32 v9, v5;
	v19 =	vsel vm15, v11, v14;
	v11 =	vsel vm15, v14, v11  }
0x317: {  	v15 =	vsel vm4, v5, v9;
	v14 =	vsel vm4, v11, v6;
	v6 =	vsel vm4, v6, v11;
	v11 =	vld.idx.msk [tilespmem:v60+s9+$0x0], $0xffff  }
0x318: {  	v1 =	vsel vm13, v20, v1;
	vm5 =	vgt.f32 v15, v8  }
0x319: {  	v5 =	vsel vm4, v9, v5;
	v9 =	vsel vm5, v8, v15;
	v8 =	vsel vm5, v15, v8  }
0x31a: {  	v15 =	vsel vm5, v6, v17;
	v6 =	vsel vm5, v17, v6;
	vm6 =	vgt.f32 v9, v13  }
0x31b: {  	v20 =	vsel vm6, v13, v9;
	v9 =	vsel vm6, v9, v13;
	v13 =	vsel vm6, v6, v10  }
0x31c: {  	v6 =	vsel vm6, v10, v6;
	vm7 =	vgt.f32 v20, v18;
	vm9 =	vgt.f32 v11, v1  }
0x31d: {  	v10 =	vsel vm7, v18, v20;
	v17 =	vsel vm7, v20, v18;
	v18 =	vsel vm7, v6, v12  }
0x31e: {  	v6 =	vsel vm7, v12, v6;
	v20 =	vsel vm9, v1, v11;
	vm8 =	vgt.f32 v10, v16  }
0x31f: {  	vm11 =	vgt.f32 v20, v4;
	v12 =	vsel vm8, v10, v16;
	v10 =	vsel vm8, v16, v10  }
0x320: {  	v16 =	vsel vm8, v6, v21;
	v6 =	vsel vm8, v21, v6;
	vm10 =	vgt.f32 v10, v3  }
0x321: {  	v1 =	vsel vm9, v11, v1;
	v2 =	vsel vm10, v6, v2;
	v6 =	vsel vm11, v4, v20  }
0x322: {  	v3 =	vsel vm10, v10, v3;
	v10 =	vsel vm9, $0x3B, v7;
	vm12 =	vgt.f32 v6, v5  }
0x323: {  	v7 =	vnsel vm9, $0x3B, v7;
	v4 =	vsel vm11, v20, v4;
	v11 =	vsel vm12, v5, v6  }
0x324: {  	v20 =	vsel vm11, v7, v19;
	v7 =	vsel vm11, v19, v7;
	vm13 =	vgt.f32 v11, v8  }
0x325: {  	v5 =	vsel vm12, v6, v5;
	v6 =	vsel vm12, v7, v14;
	v19 =	vsel vm13, v8, v11  }
0x326: {  	v7 =	vsel vm12, v14, v7;
	v8 =	vsel vm13, v11, v8;
	v11 =	vld.idx.msk [tilespmem:v61+s9+$0x0], $0xffff;
	vm14 =	vgt.f32 v19, v9  }
0x327: {  	v14 =	vsel vm13, v7, v15;
	v7 =	vsel vm13, v15, v7;
	v15 =	vsel vm14, v9, v19  }
0x328: {  	v9 =	vsel vm14, v19, v9;
	v19 =	vsel vm14, v7, v13;
	vm15 =	vgt.f32 v15, v17  }
0x329: {  	v7 =	vsel vm14, v13, v7;
	v13 =	vsel vm15, v15, v17;
	v15 =	vsel vm15, v17, v15  }
0x32a: {  	v22 =	vor.u32 $0x3F, v0;
	v17 =	vsel vm15, v7, v18;
	vm4 =	vgt.f32 v15, v12  }
0x32b: {  	v7 =	vsel vm15, v18, v7;
	vm5 =	vgt.f32 v11, v1;
	v18 =	vsel vm4, v15, v12  }
0x32c: {  	v12 =	vsel vm4, v12, v15;
	v15 =	vsel vm4, v7, v16;
	v21 =	vsel vm5, v1, v11  }
0x32d: {  	v7 =	vsel vm4, v16, v7;
	vm6 =	vgt.f32 v12, v3;
	vm7 =	vgt.f32 v21, v4  }
0x32e: {  	v1 =	vsel vm5, v11, v1;
	v2 =	vsel vm6, v7, v2;
	v7 =	vsel vm7, v4, v21  }
0x32f: {  	v11 =	vsel vm5, $0x3C, v10;
	v10 =	vnsel vm5, $0x3C, v10;
	vm8 =	vgt.f32 v7, v5  }
0x330: {  	v3 =	vsel vm6, v12, v3;
	v12 =	vsel vm7, v10, v20;
	v16 =	vsel vm8, v5, v7  }
0x331: {  	v10 =	vsel vm7, v20, v10;
	v5 =	vsel vm8, v7, v5;
	vm9 =	vgt.f32 v16, v8  }
0x332: {  	v20 =	vld.idx.msk [tilespmem:v62+s9+$0x0], $0xffff;
	v7 =	vsel vm8, v10, v6;
	v6 =	vsel vm8, v6, v10;
	v10 =	vsel vm9, v8, v16  }
0x333: {  	v8 =	vsel vm9, v16, v8;
	v16 =	vsel vm9, v6, v14;
	vm10 =	vgt.f32 v10, v9  }
0x334: {  	v6 =	vsel vm9, v14, v6;
	v14 =	vsel vm10, v10, v9;
	v9 =	vsel vm10, v9, v10  }
0x335: {  	v4 =	vsel vm7, v21, v4;
	v10 =	vsel vm10, v6, v19;
	vm11 =	vgt.f32 v9, v13  }
0x336: {  	v6 =	vsel vm10, v19, v6;
	v19 =	vsel vm11, v9, v13;
	v9 =	vsel vm11, v13, v9  }
0x337: {  	vm13 =	vgt.f32 v20, v1;
	v13 =	vsel vm11, v6, v17;
	vm12 =	vgt.f32 v9, v18  }
0x338: {  	v6 =	vsel vm11, v17, v6;
	v17 =	vsel vm12, v9, v18;
	v9 =	vsel vm12, v18, v9  }
0x339: {  	v18 =	vsel vm13, v1, v20;
	v21 =	vsel vm12, v6, v15;
	vm14 =	vgt.f32 v9, v3  }
0x33a: {  	v6 =	vsel vm12, v15, v6;
	vm15 =	vgt.f32 v18, v4;
	v3 =	vsel vm14, v9, v3  }
0x33b: {  	v9 =	vsel vm15, v4, v18;
	v2 =	vsel vm14, v6, v2;
	v6 =	vsel vm13, $0x3D, v11  }
0x33c: {  	v11 =	vnsel vm13, $0x3D, v11;
	v4 =	vsel vm15, v18, v4;
	vm6 =	vgt.f32 v9, v5  }
0x33d: {  	v18 =	vsel vm15, v11, v12;
	v11 =	vsel vm15, v12, v11;
	v15 =	vsel vm6, v5, v9  }
0x33e: {  	v12 =	vsel vm6, v11, v7;
	v7 =	vsel vm6, v7, v11;
	v11 =	vld.idx.msk [tilespmem:v63+s9+$0x0], $0xffff;
	vm7 =	vgt.f32 v15, v8  }
0x33f: {  	v1 =	vsel vm13, v20, v1;
	v5 =	vsel vm6, v9, v5;
	v9 =	vsel vm7, v8, v15  }
0x340: {  	v8 =	vsel vm7, v15, v8;
	v15 =	vsel vm7, v7, v16;
	vm8 =	vgt.f32 v9, v14  }
0x341: {  	v7 =	vsel vm7, v16, v7;
	v20 =	vsel vm8, v14, v9;
	v9 =	vsel vm8, v9, v14  }
0x342: {  	v14 =	vsel vm8, v7, v10;
	v7 =	vsel vm8, v10, v7;
	vm9 =	vgt.f32 v20, v19  }
0x343: {  	vm11 =	vgt.f32 v11, v1;
	v10 =	vsel vm9, v19, v20;
	v16 =	vsel vm9, v20, v19  }
0x344: {  	v19 =	vsel vm9, v7, v13;
	v7 =	vsel vm9, v13, v7;
	vm10 =	vgt.f32 v10, v17  }
0x345: {  	v20 =	vsel vm11, v1, v11;
	v13 =	vsel vm10, v10, v17;
	v10 =	vsel vm10, v17, v10  }
0x346: {  	v1 =	vsel vm11, v11, v1;
	vm13 =	vgt.f32 v20, v4;
	vm12 =	vgt.f32 v10, v3  }
0x347: {  	v17 =	vsel vm10, v7, v21;
	v7 =	vsel vm10, v21, v7;
	v3 =	vsel vm12, v10, v3  }
0x348: {  	v10 =	vsel vm13, v4, v20;
	v2 =	vsel vm12, v7, v2;
	v7 =	vnsel vm11, $0x3E, v6  }
0x349: {  	v4 =	vsel vm13, v20, v4;
	v6 =	vsel vm11, $0x3E, v6;
	vm14 =	vgt.f32 v10, v5  }
0x34a: {  	v20 =	vsel vm13, v7, v18;
	v7 =	vsel vm13, v18, v7;
	v18 =	vld.idx.msk [tilespmem:v22+s9+$0x0], $0xffff;
	v21 =	vsel vm14, v5, v10  }
0x34b: {  	v5 =	vsel vm14, v10, v5;
	v10 =	vsel vm14, v7, v12;
	vm15 =	vgt.f32 v21, v8  }
0x34c: {  	v7 =	vsel vm14, v12, v7;
	v12 =	vsel vm15, v8, v21;
	v8 =	vsel vm15, v21, v8  }
0x34d: {  	v21 =	vsel vm15, v7, v15;
	v7 =	vsel vm15, v15, v7;
	vm4 =	vgt.f32 v12, v9  }
0x34e: {  	v15 =	vsel vm4, v12, v9;
	v9 =	vsel vm4, v9, v12;
	v12 =	vsel vm4, v7, v14  }
0x34f: {  	v7 =	vsel vm4, v14, v7;
	vm6 =	vgt.f32 v18, v1;
	vm5 =	vgt.f32 v9, v16  }
0x350: {  	v1 =	vsel vm6, v1, v18;
	v18 =	vadd.s32 v0, v6;
	v11 =	vsel vm5, v9, v16  }
0x351: {  	v9 =	vsel vm5, v16, v9;
	v14 =	vsel vm5, v7, v19;
	v7 =	vsel vm5, v19, v7  }
0x352: {  	vm8 =	vgt.f32 v1, v4;
	v19 =	vnsel vm6, $0x3F, v6;
	vm7 =	vgt.f32 v9, v13  }
0x353: {  	v1 =	vsel vm8, v4, v1;
	v6 =	vsel vm8, v19, v20;
	v4 =	vsel vm6, v22, v18  }
0x354: {  	v16 =	vsel vm7, v9, v13;
	v9 =	vsel vm7, v13, v9;
	v13 =	vsel vm8, v20, v19  }
0x355: {  	v18 =	vsel vm7, v7, v17;
	vm9 =	vgt.f32 v1, v5;
	v6 =	vadd.s32 v0, v6  }
0x356: {  	v7 =	vsel vm7, v17, v7;
	v1 =	vsel vm9, v5, v1;
	v19 =	vsel vm9, v13, v10  }
0x357: {  	v10 =	vsel vm9, v10, v13;
	vm10 =	vgt.f32 v1, v8;
	v5 =	vadd.s32 v0, v19  }
0x358: {  	vm11 =	vgt.f32 v9, v3;
	v1 =	vsel vm10, v8, v1;
	v17 =	vsel vm10, v10, v21  }
0x359: {  	v10 =	vsel vm10, v21, v10;
	vm12 =	vgt.f32 v1, v15;
	v13 =	vld.idx.msk [tilespmem:v4+s2+$0x0], $0xffff;
	v8 =	vadd.s32 v0, v17  }
0x35a: {  	v3 =	vsel vm11, v9, v3;
	v1 =	vsel vm12, v15, v1;
	v19 =	vsel vm12, v10, v12;
	v15 =	vld.idx.msk [tilespmem:v6+s2+$0x0], $0xffff  }
0x35b: {  	v10 =	vsel vm12, v12, v10;
	vm13 =	vgt.f32 v1, v11;
	v9 =	vadd.s32 v0, v19  }
0x35c: {  	v2 =	vsel vm11, v7, v2;
	v1 =	vsel vm13, v11, v1;
	v17 =	vsel vm13, v10, v14;
	v11 =	vld.idx.msk [tilespmem:v5+s2+$0x0], $0xffff  }
0x35d: {  	v10 =	vsel vm13, v14, v10;
	vm14 =	vgt.f32 v1, v16;
	v7 =	vadd.s32 v0, v17  }
0x35e: {  	v1 =	vsel vm14, v16, v1;
	v19 =	vsel vm14, v10, v18;
	v10 =	vsel vm14, v18, v10;
	v14 =	vld.idx.msk [tilespmem:v8+s2+$0x0], $0xffff  }
0x35f: {  	vm15 =	vgt.f32 v1, v3;
	v1 =	vadd.s32 v0, v19;
	v3 =	vadd.f32 v15, v13  }
0x360: {  	v2 =	vsel vm15, v10, v2;
	v10 =	vld.idx.msk [tilespmem:v9+s2+$0x0], $0xffff  }
0x361: {  	v2 =	vadd.s32 v0, v2;
	v3 =	vadd.f32 v11, v3  }
0x362: {  	v12 =	vld.idx.msk [tilespmem:v7+s2+$0x0], $0xffff  }
0x363: {  	v3 =	vadd.f32 v14, v3  }
0x364: {  	v16 =	vld.idx.msk [tilespmem:v1+s2+$0x0], $0xffff  }
0x365: {  	v3 =	vadd.f32 v10, v3  }
0x366: {  	v17 =	vld.idx.msk [tilespmem:v2+s2+$0x0], $0xffff  }
0x367: {  	v3 =	vadd.f32 v12, v3;
	_ =	sdelay $0x1  }
0x368: {  	v3 =	vadd.f32 v16, v3;
	_ =	sdelay $0x1  }
0x369: {  	v3 =	vadd.f32 v17, v3;
	_ =	sdelay $0x1  }
0x36a: {  	v3 =	vadd.f32 $9.999999680e-21, v3;
	_ =	sdelay $0x1  }
0x36b: {  	(erf) = vrcp.f32 v3;
	_ =	sdelay $0x8  }
0x36c: {  	v3 =	vpop (erf)  }
0x36d: {  	v13 =	vmul.f32 v3, v13  }
0x36e: {  	v15 =	vmul.f32 v3, v15  }
0x36f: {  	[tilespmem:v4+s10+$0x0] =	vst.idx.msk $0xffff, v13;
	v13 =	vmul.f32 v3, v11  }
0x370: {  	v14 =	vmul.f32 v3, v14;
	[tilespmem:v6+s10+$0x0] =	vst.idx.msk $0xffff, v15  }
0x371: {  	v15 =	vmul.f32 v3, v10;
	[tilespmem:v5+s10+$0x0] =	vst.idx.msk $0xffff, v13  }
0x372: {  	v18 =	vmul.f32 v3, v12;
	[tilespmem:v8+s10+$0x0] =	vst.idx.msk $0xffff, v14  }
0x373: {  	v19 =	vmul.f32 v3, v16;
	[tilespmem:v9+s10+$0x0] =	vst.idx.msk $0xffff, v15  }
0x374: {  	v3 =	vmul.f32 v3, v17;
	[tilespmem:v7+s10+$0x0] =	vst.idx.msk $0xffff, v18  }
0x375: {  	p0 =	sne.s32 s7, $0x1;
	[tilespmem:v1+s10+$0x0] =	vst.idx.msk $0xffff, v19  }
.Ltmp1:
0x376: {  	[tilespmem:v2+s10+$0x0] =	vst.idx.msk $0xffff, v3;
	(pc) =	sbr.rel @p0 .LBB2_2-.Ltmp1, $4  }
0x377: {  	[hbm4b:s5+s2] =	stream.linear.scatter [tilespmem:s10], [sflag:$0x1], $0x400, $0x38;
	[tilespmem:$0xC00] =	vst v63  }
0x378: {  	_ =	swait.ge [sflag:s8], $0x400  }
0x379: {  	[sflag:s8] =	ssyncset.done $0x0  }
0x37a: {  	s7 =	sadd.s32 $0xFFFFFFFF, s7;
	[sflag:s8] =	ssyncadd.s32 $0xFFFFFC00  }
.LBB2_3:
0x37b: {  	_ =	sfence.sel $0x180000  }
0x37c: {  	[bflag:$0x0] =	sbarrier.arrive $0xFFFF  }
0x37d: {  	p0 =	sne.s32 s1, $0x0;
	_ =	strace $0x90000047  }
0x37e: {  	s0 =	sadd.s32 @!p0 $0x100000, s0;
	[bflag:$0x2] =	sbarrier.arrive $0xFFFF  }
0x37f: {  	[sflag:s0] =	ssyncadd.tile.s32 @!p0 $0x1;
	_ =	shalt  }
.Lfunc_end2:
_tile_overlayer_lowered:
.L_overlay_start_2:
0x380: {  	(tag) =	ssettag $0x2  }
0x381: {  	s0 =	rddreg [dreg:$0x0];
	s2 =	stileid.u32  }
0x382: {  	s1 =	rddreg [dreg:$0x1];
	p0 =	sne.s32 s2, $0x0  }
0x383: {  	s3 =	rddreg [dreg:$0x2];
	[bflag:$0x3] =	sbarrier.arrive $0xFFFF;
	s2 =	simm.s32 @!p0 $0x1C01  }
0x384: {  	[timem:s3], [sflag:s2] =	dma.local @!p0 [hbm:s0], s1  }
0x385: {  	s0 =	simm.s32 @!p0 $0x1  }
0x386: {  	_ =	swait.ge @!p0 [sflag:s0], s1  }
0x387: {  	s1 =	ssub.s32 @!p0 $0x0, s1;
	[sflag:s0] =	ssyncset.done @!p0 $0x0  }
0x388: {  	[sflag:s0] =	ssyncadd.s32 @!p0 s1  }
0x389: {  	[bflag:$0x3] =	sbarrier.arrive $0xFFFF  }
0x38a: {  	_ =	shalt  }

</sc_bundles>
